<compile_context>
chip_gen: v7x
topology: tpu7x:2x2x1
jax: 0.10.2.dev20260603
libtpu: 0.0.44.dev20260713+nightly
codegen_flags: <defaults>
</compile_context>

<pallas_src>
import dataclasses
import functools

import jax
import jax.numpy as jnp
from jax import lax
from jax.experimental import pallas as pl
from jax.experimental.pallas import tpu as pltpu
from jax.experimental.pallas import tpu_sc as plsc

DIM = 128
EPS = 1e-07
B = 16384
NNEG = 5
ND = NNEG + 1
NC, NS, L = 2, 16, 16
NW = NC * NS
PER_W = B // NW
CHUNK = 32
NBUF = 4
NCHUNK = PER_W // CHUNK
NSL = DIM // L


def _sc_body(pos_u_hbm, pos_v_hbm, neg_hbm, u_w_hbm, v_w_hbm, out_hbm,
             idx_u, idx_v, idx_n5, out_full,
             rows_u0, rows_v0, rows_n0,
             rows_u1, rows_v1, rows_n1,
             rows_u2, rows_v2, rows_n2,
             rows_u3, rows_v3, rows_n3,
             sem_g0, sem_g1, sem_g2, sem_g3, sem_i):
    wid = lax.axis_index("s") * NC + lax.axis_index("c")
    base = wid * PER_W
    ncopy = pltpu.make_async_copy(neg_hbm.at[:, pl.ds(base, PER_W)], idx_n5,
                                  sem_i)
    ncopy.start()
    pltpu.sync_copy(pos_u_hbm.at[pl.ds(base, PER_W)], idx_u)
    pltpu.sync_copy(pos_v_hbm.at[pl.ds(base, PER_W)], idx_v)

    bufs = ((rows_u0, rows_v0, rows_n0, sem_g0),
            (rows_u1, rows_v1, rows_n1, sem_g1),
            (rows_u2, rows_v2, rows_n2, sem_g2),
            (rows_u3, rows_v3, rows_n3, sem_g3))

    def fire_uv(c, b):
        ru, rv, _, sg = bufs[b]
        off = c * CHUNK
        pltpu.async_copy(u_w_hbm.at[idx_u.at[pl.ds(off, CHUNK)]], ru, sg)
        pltpu.async_copy(v_w_hbm.at[idx_v.at[pl.ds(off, CHUNK)]], rv, sg)

    def fire_n(c, b):
        _, _, rn, sg = bufs[b]
        off = c * CHUNK
        for k in range(NNEG):
            pltpu.async_copy(v_w_hbm.at[idx_n5.at[k, pl.ds(off, CHUNK)]],
                             rn.at[k], sg)

    def fire(c, b):
        fire_uv(c, b)
        fire_n(c, b)

    def wait_gathers(b):
        ru, rv, rn, sg = bufs[b]
        pltpu.make_async_copy(u_w_hbm.at[idx_u.at[pl.ds(0, CHUNK)]], ru, sg).wait()
        pltpu.make_async_copy(v_w_hbm.at[idx_v.at[pl.ds(0, CHUNK)]], rv, sg).wait()
        for k in range(NNEG):
            pltpu.make_async_copy(v_w_hbm.at[idx_n5.at[k, pl.ds(0, CHUNK)]],
                                  rn.at[k], sg).wait()

    def compute(c, b):
        ru, rv, rn, _ = bufs[b]
        coff = c * CHUNK

        lane = lax.iota(jnp.int32, L)

        @plsc.parallel_loop(0, CHUNK // L, unroll=2)
        def _grp(g):
            def body(j, carry):
                i = g * L + j
                sel = lane == j
                us = [ru[i, pl.ds(s * L, L)] for s in range(NSL)]
                acc = us[0] * rv[i, pl.ds(0, L)]
                for s in range(1, NSL):
                    acc += us[s] * rv[i, pl.ds(s * L, L)]
                outs = [jnp.where(sel, jnp.sum(acc), carry[0])]
                for k in range(NNEG):
                    acc = us[0] * rn[k, i, pl.ds(0, L)]
                    for s in range(1, NSL):
                        acc += us[s] * rn[k, i, pl.ds(s * L, L)]
                    outs.append(jnp.where(sel, jnp.sum(acc), carry[1 + k]))
                return tuple(outs)

            zero = jnp.zeros((L,), jnp.float32)
            dots = lax.fori_loop(0, L, body, (zero,) * ND)
            for d in range(ND):
                out_full[d, pl.ds(coff + g * L, L)] = dots[d]

    for b in range(NBUF):
        fire_uv(b, b)
    ncopy.wait()
    for b in range(NBUF):
        fire_n(b, b)

    @pl.loop(0, NCHUNK // NBUF)
    def _round(t):
        c0 = t * NBUF
        for j in range(NBUF):
            c = c0 + j
            wait_gathers(j)
            compute(c, j)

            @pl.when(c + NBUF < NCHUNK)
            def _():
                fire(c + NBUF, j)

    pltpu.sync_copy(out_full, out_hbm.at[:, pl.ds(base, PER_W)])


_sc_cp = pltpu.CompilerParams()
if "needs_layout_passes" in pltpu.CompilerParams.__dataclass_fields__:
    _sc_cp = dataclasses.replace(_sc_cp, needs_layout_passes=False)

_sc_dots = pl.kernel(
    _sc_body,
    out_type=jax.ShapeDtypeStruct((ND, B), jnp.float32),
    mesh=plsc.VectorSubcoreMesh(core_axis_name="c", subcore_axis_name="s"),
    compiler_params=_sc_cp,
    scratch_types=(
        [
            pltpu.VMEM((PER_W,), jnp.int32),
            pltpu.VMEM((PER_W,), jnp.int32),
            pltpu.VMEM((NNEG, PER_W), jnp.int32),
            pltpu.VMEM((ND, PER_W), jnp.float32),
        ]
        + [
            pltpu.VMEM((CHUNK, DIM), jnp.float32),
            pltpu.VMEM((CHUNK, DIM), jnp.float32),
            pltpu.VMEM((NNEG, CHUNK, DIM), jnp.float32),
        ] * NBUF
        + [pltpu.SemaphoreType.DMA] * (NBUF + 1)
    ),
)


def _tc_finish_body(x_ref, o_ref):
    x = x_ref[...]
    x = jnp.clip(x, EPS, 1.0 - EPS)
    lp = -jnp.log(x[0:1, :])
    ln = -jnp.log(1.0 - x[1:ND, :])
    o_ref[0, 0] = (jnp.sum(lp) + jnp.sum(ln)) / B


_tc_finish = pl.pallas_call(
    _tc_finish_body,
    out_shape=jax.ShapeDtypeStruct((1, 1), jnp.float32),
    out_specs=pl.BlockSpec(memory_space=pltpu.SMEM),
)


@jax.jit
def kernel(pos_u, pos_v, neg_v, u_weight, v_weight):
    pos_u = pos_u.astype(jnp.int32)
    pos_v = pos_v.astype(jnp.int32)
    neg_t = jnp.transpose(neg_v.astype(jnp.int32))
    dots = _sc_dots(pos_u, pos_v, neg_t, u_weight, v_weight)
    return _tc_finish(dots)[0, 0]

# --- scband reference (transcript-rebuilt; emitter-appended) ---
"""Pipeline reference for scband-logit-sgnsmodel-42039139893978 (READ-ONLY COPY).

The authoritative reference and input builder live on the scoring server;
editing this copy changes nothing except your own understanding.
"""

import jax, jax.numpy as jnp
import numpy as np

VOCAB = 100000
DIM = 128
EPS = 1e-07


def setup_inputs(seed: int = 0) -> dict:
    key = jax.random.key(seed)
    k1, k2, k3, k4, k5 = jax.random.split(key, 5)
    B = 16384
    NNEG = 5
    initrange = 1.0 / np.sqrt(DIM)
    pos_u = jax.random.randint(k1, (B,), 0, VOCAB, dtype=jnp.int64 if jax.config.jax_enable_x64 else jnp.int32)
    pos_v = jax.random.randint(k2, (B,), 0, VOCAB, dtype=jnp.int64 if jax.config.jax_enable_x64 else jnp.int32)
    neg_v = jax.random.randint(k3, (B, NNEG), 0, VOCAB, dtype=jnp.int64 if jax.config.jax_enable_x64 else jnp.int32)
    u_weight = jax.random.uniform(k4, (VOCAB, DIM), dtype=jnp.float32, minval=-initrange, maxval=initrange)
    v_weight = jax.random.uniform(k5, (VOCAB, DIM), dtype=jnp.float32, minval=-initrange, maxval=initrange)
    return {"pos_u": pos_u, "pos_v": pos_v, "neg_v": neg_v, "u_weight": u_weight, "v_weight": v_weight}


def reference(pos_u, pos_v, neg_v, u_weight, v_weight):
    # gather embeddings (SparseCore-style gathers)
    emb_u = jnp.take(u_weight, pos_u, axis=0)          # [B, D]
    emb_v = jnp.take(v_weight, pos_v, axis=0)          # [B, D]
    emb_neg_v = jnp.take(v_weight, neg_v, axis=0)      # [B, N, D]

    score = jnp.sum(emb_u * emb_v, axis=1)             # [B]
    score = jnp.clip(score, EPS, 1.0 - EPS)
    score = -jnp.log(score)

    neg_score = jnp.einsum('bnd,bd->bn', emb_neg_v, emb_u)  # [B, N]
    neg_score = jnp.clip(neg_score, EPS, 1.0 - EPS)
    neg_score = -jnp.sum(jnp.log(1.0 - neg_score), axis=1)  # [B]

    return jnp.mean(score + neg_score)

if __name__ == "__main__":
    import jax
    _d = setup_inputs()
    print(jax.jit(kernel)(*tuple(_d.values())))

</pallas_src>

<mosaic_0001>
#map = affine_map<(d0, d1) -> (0)>
#map1 = affine_map<(d0, d1) -> (0, 0)>
module attributes {stable_mosaic.version = 14 : i64} {
  func.func @_sc_body(%arg0: i32, %arg1: i32, %arg2: memref<16384xi32, #tpu.memory_space<hbm>>, %arg3: memref<16384xi32, #tpu.memory_space<hbm>>, %arg4: memref<5x16384xi32, #tpu.memory_space<hbm>>, %arg5: memref<100000x128xf32, #tpu.memory_space<hbm>>, %arg6: memref<100000x128xf32, #tpu.memory_space<hbm>>, %arg7: memref<6x16384xf32, #tpu.memory_space<hbm>>, %arg8: memref<512xi32, #tpu.memory_space<vmem>>, %arg9: memref<512xi32, #tpu.memory_space<vmem>>, %arg10: memref<5x512xi32, #tpu.memory_space<vmem>>, %arg11: memref<6x512xf32, #tpu.memory_space<vmem>>, %arg12: memref<32x128xf32, #tpu.memory_space<vmem>>, %arg13: memref<32x128xf32, #tpu.memory_space<vmem>>, %arg14: memref<5x32x128xf32, #tpu.memory_space<vmem>>, %arg15: memref<32x128xf32, #tpu.memory_space<vmem>>, %arg16: memref<32x128xf32, #tpu.memory_space<vmem>>, %arg17: memref<5x32x128xf32, #tpu.memory_space<vmem>>, %arg18: memref<32x128xf32, #tpu.memory_space<vmem>>, %arg19: memref<32x128xf32, #tpu.memory_space<vmem>>, %arg20: memref<5x32x128xf32, #tpu.memory_space<vmem>>, %arg21: memref<32x128xf32, #tpu.memory_space<vmem>>, %arg22: memref<32x128xf32, #tpu.memory_space<vmem>>, %arg23: memref<5x32x128xf32, #tpu.memory_space<vmem>>, %arg24: memref<!tpu.dma_semaphore, #tpu.memory_space<semaphore_mem>>, %arg25: memref<!tpu.dma_semaphore, #tpu.memory_space<semaphore_mem>>, %arg26: memref<!tpu.dma_semaphore, #tpu.memory_space<semaphore_mem>>, %arg27: memref<!tpu.dma_semaphore, #tpu.memory_space<semaphore_mem>>, %arg28: memref<!tpu.dma_semaphore, #tpu.memory_space<semaphore_mem>>) attributes {dimension_semantics = [#tpu.dimension_semantics<core_parallel>, #tpu.dimension_semantics<subcore_parallel>], iteration_bounds = array<i64: 2, 16>, scalar_prefetch = 0 : i64, scratch_operands = 21 : i64, tpu.core_type = #tpu.core_type<sc_vector_subcore>, window_params = [{transform_indices = #map}, {transform_indices = #map}, {transform_indices = #map1}, {transform_indices = #map1}, {transform_indices = #map1}, {transform_indices = #map1}]} {
    %mul3A = arith.constant 2 : i32
    %mul3A_0 = arith.muli %arg1, %mul3A : i32
    %add3A = arith.addi %mul3A_0, %arg0 : i32
    %mul3A_1 = arith.constant 512 : i32
    %mul3A_2 = arith.muli %add3A, %mul3A_1 : i32
    %dma_start3A = arith.constant 0 : i32
    %dma_start3A_3 = tpu.memref_slice %arg4[%dma_start3A, %mul3A_2] : memref<5x16384xi32, #tpu.memory_space<hbm>> -> memref<5x512xi32, #tpu.memory_space<hbm>>
    %dma_start3A_4 = arith.constant 0 : i32
    %dma_start3A_5 = tpu.memref_slice %arg4[%dma_start3A_4, %mul3A_2] : memref<5x16384xi32, #tpu.memory_space<hbm>> -> memref<5x512xi32, #tpu.memory_space<hbm>>
    tpu.enqueue_dma source(%dma_start3A_5 : memref<5x512xi32, #tpu.memory_space<hbm>>) target(%arg10 : memref<5x512xi32, #tpu.memory_space<vmem>>) target_semaphore(%arg28 : memref<!tpu.dma_semaphore, #tpu.memory_space<semaphore_mem>>)
    "tpu.region"() ({
      %run_scoped3A = tpu.sem_alloc : memref<!tpu.dma_semaphore, #tpu.memory_space<semaphore_mem>>
      %dma_start3A_293 = tpu.memref_slice %arg2[%mul3A_2] : memref<16384xi32, #tpu.memory_space<hbm>> -> memref<512xi32, #tpu.memory_space<hbm>>
      %dma_start3A_294 = tpu.memref_slice %arg2[%mul3A_2] : memref<16384xi32, #tpu.memory_space<hbm>> -> memref<512xi32, #tpu.memory_space<hbm>>
      tpu.enqueue_dma source(%dma_start3A_294 : memref<512xi32, #tpu.memory_space<hbm>>) target(%arg8 : memref<512xi32, #tpu.memory_space<vmem>>) target_semaphore(%run_scoped3A : memref<!tpu.dma_semaphore, #tpu.memory_space<semaphore_mem>>)
      %dma_wait3A_295 = tpu.memref_slice %arg2[%mul3A_2] : memref<16384xi32, #tpu.memory_space<hbm>> -> memref<512xi32, #tpu.memory_space<hbm>>
      %dma_wait3A_296 = tpu.memref_slice %arg2[%mul3A_2] : memref<16384xi32, #tpu.memory_space<hbm>> -> memref<512xi32, #tpu.memory_space<hbm>>
      tpu.wait_dma2 semaphore(%run_scoped3A : memref<!tpu.dma_semaphore, #tpu.memory_space<semaphore_mem>>) src(%dma_wait3A_296 : memref<512xi32, #tpu.memory_space<hbm>>) dst(%arg8 : memref<512xi32, #tpu.memory_space<vmem>>)
      tpu.yield
    }) : () -> ()
    "tpu.region"() ({
      %run_scoped3A = tpu.sem_alloc : memref<!tpu.dma_semaphore, #tpu.memory_space<semaphore_mem>>
      %dma_start3A_293 = tpu.memref_slice %arg3[%mul3A_2] : memref<16384xi32, #tpu.memory_space<hbm>> -> memref<512xi32, #tpu.memory_space<hbm>>
      %dma_start3A_294 = tpu.memref_slice %arg3[%mul3A_2] : memref<16384xi32, #tpu.memory_space<hbm>> -> memref<512xi32, #tpu.memory_space<hbm>>
      tpu.enqueue_dma source(%dma_start3A_294 : memref<512xi32, #tpu.memory_space<hbm>>) target(%arg9 : memref<512xi32, #tpu.memory_space<vmem>>) target_semaphore(%run_scoped3A : memref<!tpu.dma_semaphore, #tpu.memory_space<semaphore_mem>>)
      %dma_wait3A_295 = tpu.memref_slice %arg3[%mul3A_2] : memref<16384xi32, #tpu.memory_space<hbm>> -> memref<512xi32, #tpu.memory_space<hbm>>
      %dma_wait3A_296 = tpu.memref_slice %arg3[%mul3A_2] : memref<16384xi32, #tpu.memory_space<hbm>> -> memref<512xi32, #tpu.memory_space<hbm>>
      tpu.wait_dma2 semaphore(%run_scoped3A : memref<!tpu.dma_semaphore, #tpu.memory_space<semaphore_mem>>) src(%dma_wait3A_296 : memref<512xi32, #tpu.memory_space<hbm>>) dst(%arg9 : memref<512xi32, #tpu.memory_space<vmem>>)
      tpu.yield
    }) : () -> ()
    %dma_start3A_6 = arith.constant 0 : i32
    %dma_start3A_7 = tpu.memref_slice %arg8[%dma_start3A_6] : memref<512xi32, #tpu.memory_space<vmem>> -> memref<32xi32, #tpu.memory_space<vmem>>
    %dma_start3A_8 = arith.constant 0 : i32
    %dma_start3A_9 = arith.constant 0 : i32
    %dma_start3A_10 = tpu.memref_slice %arg5[%dma_start3A_8, %dma_start3A_9] : memref<100000x128xf32, #tpu.memory_space<hbm>> -> memref<100000x128xf32, #tpu.memory_space<hbm>>
    tpu.enqueue_indirect_dma source(%dma_start3A_10 : memref<100000x128xf32, #tpu.memory_space<hbm>>) target(%arg12 : memref<32x128xf32, #tpu.memory_space<vmem>>) offsets(%dma_start3A_7 : memref<32xi32, #tpu.memory_space<vmem>>) semaphore(%arg24 : memref<!tpu.dma_semaphore, #tpu.memory_space<semaphore_mem>>)
    %dma_start3A_11 = arith.constant 0 : i32
    %dma_start3A_12 = tpu.memref_slice %arg9[%dma_start3A_11] : memref<512xi32, #tpu.memory_space<vmem>> -> memref<32xi32, #tpu.memory_space<vmem>>
    %dma_start3A_13 = arith.constant 0 : i32
    %dma_start3A_14 = arith.constant 0 : i32
    %dma_start3A_15 = tpu.memref_slice %arg6[%dma_start3A_13, %dma_start3A_14] : memref<100000x128xf32, #tpu.memory_space<hbm>> -> memref<100000x128xf32, #tpu.memory_space<hbm>>
    tpu.enqueue_indirect_dma source(%dma_start3A_15 : memref<100000x128xf32, #tpu.memory_space<hbm>>) target(%arg13 : memref<32x128xf32, #tpu.memory_space<vmem>>) offsets(%dma_start3A_12 : memref<32xi32, #tpu.memory_space<vmem>>) semaphore(%arg24 : memref<!tpu.dma_semaphore, #tpu.memory_space<semaphore_mem>>)
    %dma_start3A_16 = arith.constant 32 : i32
    %dma_start3A_17 = tpu.memref_slice %arg8[%dma_start3A_16] : memref<512xi32, #tpu.memory_space<vmem>> -> memref<32xi32, #tpu.memory_space<vmem>>
    %dma_start3A_18 = arith.constant 0 : i32
    %dma_start3A_19 = arith.constant 0 : i32
    %dma_start3A_20 = tpu.memref_slice %arg5[%dma_start3A_18, %dma_start3A_19] : memref<100000x128xf32, #tpu.memory_space<hbm>> -> memref<100000x128xf32, #tpu.memory_space<hbm>>
    tpu.enqueue_indirect_dma source(%dma_start3A_20 : memref<100000x128xf32, #tpu.memory_space<hbm>>) target(%arg15 : memref<32x128xf32, #tpu.memory_space<vmem>>) offsets(%dma_start3A_17 : memref<32xi32, #tpu.memory_space<vmem>>) semaphore(%arg25 : memref<!tpu.dma_semaphore, #tpu.memory_space<semaphore_mem>>)
    %dma_start3A_21 = arith.constant 32 : i32
    %dma_start3A_22 = tpu.memref_slice %arg9[%dma_start3A_21] : memref<512xi32, #tpu.memory_space<vmem>> -> memref<32xi32, #tpu.memory_space<vmem>>
    %dma_start3A_23 = arith.constant 0 : i32
    %dma_start3A_24 = arith.constant 0 : i32
    %dma_start3A_25 = tpu.memref_slice %arg6[%dma_start3A_23, %dma_start3A_24] : memref<100000x128xf32, #tpu.memory_space<hbm>> -> memref<100000x128xf32, #tpu.memory_space<hbm>>
    tpu.enqueue_indirect_dma source(%dma_start3A_25 : memref<100000x128xf32, #tpu.memory_space<hbm>>) target(%arg16 : memref<32x128xf32, #tpu.memory_space<vmem>>) offsets(%dma_start3A_22 : memref<32xi32, #tpu.memory_space<vmem>>) semaphore(%arg25 : memref<!tpu.dma_semaphore, #tpu.memory_space<semaphore_mem>>)
    %dma_start3A_26 = arith.constant 64 : i32
    %dma_start3A_27 = tpu.memref_slice %arg8[%dma_start3A_26] : memref<512xi32, #tpu.memory_space<vmem>> -> memref<32xi32, #tpu.memory_space<vmem>>
    %dma_start3A_28 = arith.constant 0 : i32
    %dma_start3A_29 = arith.constant 0 : i32
    %dma_start3A_30 = tpu.memref_slice %arg5[%dma_start3A_28, %dma_start3A_29] : memref<100000x128xf32, #tpu.memory_space<hbm>> -> memref<100000x128xf32, #tpu.memory_space<hbm>>
    tpu.enqueue_indirect_dma source(%dma_start3A_30 : memref<100000x128xf32, #tpu.memory_space<hbm>>) target(%arg18 : memref<32x128xf32, #tpu.memory_space<vmem>>) offsets(%dma_start3A_27 : memref<32xi32, #tpu.memory_space<vmem>>) semaphore(%arg26 : memref<!tpu.dma_semaphore, #tpu.memory_space<semaphore_mem>>)
    %dma_start3A_31 = arith.constant 64 : i32
    %dma_start3A_32 = tpu.memref_slice %arg9[%dma_start3A_31] : memref<512xi32, #tpu.memory_space<vmem>> -> memref<32xi32, #tpu.memory_space<vmem>>
    %dma_start3A_33 = arith.constant 0 : i32
    %dma_start3A_34 = arith.constant 0 : i32
    %dma_start3A_35 = tpu.memref_slice %arg6[%dma_start3A_33, %dma_start3A_34] : memref<100000x128xf32, #tpu.memory_space<hbm>> -> memref<100000x128xf32, #tpu.memory_space<hbm>>
    tpu.enqueue_indirect_dma source(%dma_start3A_35 : memref<100000x128xf32, #tpu.memory_space<hbm>>) target(%arg19 : memref<32x128xf32, #tpu.memory_space<vmem>>) offsets(%dma_start3A_32 : memref<32xi32, #tpu.memory_space<vmem>>) semaphore(%arg26 : memref<!tpu.dma_semaphore, #tpu.memory_space<semaphore_mem>>)
    %dma_start3A_36 = arith.constant 96 : i32
    %dma_start3A_37 = tpu.memref_slice %arg8[%dma_start3A_36] : memref<512xi32, #tpu.memory_space<vmem>> -> memref<32xi32, #tpu.memory_space<vmem>>
    %dma_start3A_38 = arith.constant 0 : i32
    %dma_start3A_39 = arith.constant 0 : i32
    %dma_start3A_40 = tpu.memref_slice %arg5[%dma_start3A_38, %dma_start3A_39] : memref<100000x128xf32, #tpu.memory_space<hbm>> -> memref<100000x128xf32, #tpu.memory_space<hbm>>
    tpu.enqueue_indirect_dma source(%dma_start3A_40 : memref<100000x128xf32, #tpu.memory_space<hbm>>) target(%arg21 : memref<32x128xf32, #tpu.memory_space<vmem>>) offsets(%dma_start3A_37 : memref<32xi32, #tpu.memory_space<vmem>>) semaphore(%arg27 : memref<!tpu.dma_semaphore, #tpu.memory_space<semaphore_mem>>)
    %dma_start3A_41 = arith.constant 96 : i32
    %dma_start3A_42 = tpu.memref_slice %arg9[%dma_start3A_41] : memref<512xi32, #tpu.memory_space<vmem>> -> memref<32xi32, #tpu.memory_space<vmem>>
    %dma_start3A_43 = arith.constant 0 : i32
    %dma_start3A_44 = arith.constant 0 : i32
    %dma_start3A_45 = tpu.memref_slice %arg6[%dma_start3A_43, %dma_start3A_44] : memref<100000x128xf32, #tpu.memory_space<hbm>> -> memref<100000x128xf32, #tpu.memory_space<hbm>>
    tpu.enqueue_indirect_dma source(%dma_start3A_45 : memref<100000x128xf32, #tpu.memory_space<hbm>>) target(%arg22 : memref<32x128xf32, #tpu.memory_space<vmem>>) offsets(%dma_start3A_42 : memref<32xi32, #tpu.memory_space<vmem>>) semaphore(%arg27 : memref<!tpu.dma_semaphore, #tpu.memory_space<semaphore_mem>>)
    %dma_wait3A = arith.constant 0 : i32
    %dma_wait3A_46 = tpu.memref_slice %arg4[%dma_wait3A, %mul3A_2] : memref<5x16384xi32, #tpu.memory_space<hbm>> -> memref<5x512xi32, #tpu.memory_space<hbm>>
    %dma_wait3A_47 = arith.constant 0 : i32
    %dma_wait3A_48 = tpu.memref_slice %arg4[%dma_wait3A_47, %mul3A_2] : memref<5x16384xi32, #tpu.memory_space<hbm>> -> memref<5x512xi32, #tpu.memory_space<hbm>>
    tpu.wait_dma2 semaphore(%arg28 : memref<!tpu.dma_semaphore, #tpu.memory_space<semaphore_mem>>) src(%dma_wait3A_48 : memref<5x512xi32, #tpu.memory_space<hbm>>) dst(%arg10 : memref<5x512xi32, #tpu.memory_space<vmem>>)
    %dma_start3A_49 = arith.constant 0 : i32
    %dma_start3A_50 = arith.constant 0 : i32
    %dma_start3A_51 = arith.constant 0 : i32
    %dma_start3A_52 = arith.constant 0 : i32
    %dma_start3A_53 = tpu.memref_slice %arg14[%dma_start3A_50, %dma_start3A_51, %dma_start3A_52] : memref<5x32x128xf32, #tpu.memory_space<vmem>> -> memref<1x32x128xf32, #tpu.memory_space<vmem>>
    %dma_start3A_54 = tpu.memref_squeeze %dma_start3A_53 : memref<1x32x128xf32, #tpu.memory_space<vmem>> -> memref<32x128xf32, #tpu.memory_space<vmem>>
    %dma_start3A_55 = arith.constant 0 : i32
    %dma_start3A_56 = tpu.memref_slice %arg10[%dma_start3A_49, %dma_start3A_55] : memref<5x512xi32, #tpu.memory_space<vmem>> -> memref<1x32xi32, #tpu.memory_space<vmem>>
    %dma_start3A_57 = tpu.memref_squeeze %dma_start3A_56 : memref<1x32xi32, #tpu.memory_space<vmem>> -> memref<32xi32, #tpu.memory_space<vmem>>
    %dma_start3A_58 = arith.constant 0 : i32
    %dma_start3A_59 = arith.constant 0 : i32
    %dma_start3A_60 = tpu.memref_slice %arg6[%dma_start3A_58, %dma_start3A_59] : memref<100000x128xf32, #tpu.memory_space<hbm>> -> memref<100000x128xf32, #tpu.memory_space<hbm>>
    tpu.enqueue_indirect_dma source(%dma_start3A_60 : memref<100000x128xf32, #tpu.memory_space<hbm>>) target(%dma_start3A_54 : memref<32x128xf32, #tpu.memory_space<vmem>>) offsets(%dma_start3A_57 : memref<32xi32, #tpu.memory_space<vmem>>) semaphore(%arg24 : memref<!tpu.dma_semaphore, #tpu.memory_space<semaphore_mem>>)
    %dma_start3A_61 = arith.constant 1 : i32
    %dma_start3A_62 = arith.constant 1 : i32
    %dma_start3A_63 = arith.constant 0 : i32
    %dma_start3A_64 = arith.constant 0 : i32
    %dma_start3A_65 = tpu.memref_slice %arg14[%dma_start3A_62, %dma_start3A_63, %dma_start3A_64] : memref<5x32x128xf32, #tpu.memory_space<vmem>> -> memref<1x32x128xf32, #tpu.memory_space<vmem>>
    %dma_start3A_66 = tpu.memref_squeeze %dma_start3A_65 : memref<1x32x128xf32, #tpu.memory_space<vmem>> -> memref<32x128xf32, #tpu.memory_space<vmem>>
    %dma_start3A_67 = arith.constant 0 : i32
    %dma_start3A_68 = tpu.memref_slice %arg10[%dma_start3A_61, %dma_start3A_67] : memref<5x512xi32, #tpu.memory_space<vmem>> -> memref<1x32xi32, #tpu.memory_space<vmem>>
    %dma_start3A_69 = tpu.memref_squeeze %dma_start3A_68 : memref<1x32xi32, #tpu.memory_space<vmem>> -> memref<32xi32, #tpu.memory_space<vmem>>
    %dma_start3A_70 = arith.constant 0 : i32
    %dma_start3A_71 = arith.constant 0 : i32
    %dma_start3A_72 = tpu.memref_slice %arg6[%dma_start3A_70, %dma_start3A_71] : memref<100000x128xf32, #tpu.memory_space<hbm>> -> memref<100000x128xf32, #tpu.memory_space<hbm>>
    tpu.enqueue_indirect_dma source(%dma_start3A_72 : memref<100000x128xf32, #tpu.memory_space<hbm>>) target(%dma_start3A_66 : memref<32x128xf32, #tpu.memory_space<vmem>>) offsets(%dma_start3A_69 : memref<32xi32, #tpu.memory_space<vmem>>) semaphore(%arg24 : memref<!tpu.dma_semaphore, #tpu.memory_space<semaphore_mem>>)
    %dma_start3A_73 = arith.constant 2 : i32
    %dma_start3A_74 = arith.constant 2 : i32
    %dma_start3A_75 = arith.constant 0 : i32
    %dma_start3A_76 = arith.constant 0 : i32
    %dma_start3A_77 = tpu.memref_slice %arg14[%dma_start3A_74, %dma_start3A_75, %dma_start3A_76] : memref<5x32x128xf32, #tpu.memory_space<vmem>> -> memref<1x32x128xf32, #tpu.memory_space<vmem>>
    %dma_start3A_78 = tpu.memref_squeeze %dma_start3A_77 : memref<1x32x128xf32, #tpu.memory_space<vmem>> -> memref<32x128xf32, #tpu.memory_space<vmem>>
    %dma_start3A_79 = arith.constant 0 : i32
    %dma_start3A_80 = tpu.memref_slice %arg10[%dma_start3A_73, %dma_start3A_79] : memref<5x512xi32, #tpu.memory_space<vmem>> -> memref<1x32xi32, #tpu.memory_space<vmem>>
    %dma_start3A_81 = tpu.memref_squeeze %dma_start3A_80 : memref<1x32xi32, #tpu.memory_space<vmem>> -> memref<32xi32, #tpu.memory_space<vmem>>
    %dma_start3A_82 = arith.constant 0 : i32
    %dma_start3A_83 = arith.constant 0 : i32
    %dma_start3A_84 = tpu.memref_slice %arg6[%dma_start3A_82, %dma_start3A_83] : memref<100000x128xf32, #tpu.memory_space<hbm>> -> memref<100000x128xf32, #tpu.memory_space<hbm>>
    tpu.enqueue_indirect_dma source(%dma_start3A_84 : memref<100000x128xf32, #tpu.memory_space<hbm>>) target(%dma_start3A_78 : memref<32x128xf32, #tpu.memory_space<vmem>>) offsets(%dma_start3A_81 : memref<32xi32, #tpu.memory_space<vmem>>) semaphore(%arg24 : memref<!tpu.dma_semaphore, #tpu.memory_space<semaphore_mem>>)
    %dma_start3A_85 = arith.constant 3 : i32
    %dma_start3A_86 = arith.constant 3 : i32
    %dma_start3A_87 = arith.constant 0 : i32
    %dma_start3A_88 = arith.constant 0 : i32
    %dma_start3A_89 = tpu.memref_slice %arg14[%dma_start3A_86, %dma_start3A_87, %dma_start3A_88] : memref<5x32x128xf32, #tpu.memory_space<vmem>> -> memref<1x32x128xf32, #tpu.memory_space<vmem>>
    %dma_start3A_90 = tpu.memref_squeeze %dma_start3A_89 : memref<1x32x128xf32, #tpu.memory_space<vmem>> -> memref<32x128xf32, #tpu.memory_space<vmem>>
    %dma_start3A_91 = arith.constant 0 : i32
    %dma_start3A_92 = tpu.memref_slice %arg10[%dma_start3A_85, %dma_start3A_91] : memref<5x512xi32, #tpu.memory_space<vmem>> -> memref<1x32xi32, #tpu.memory_space<vmem>>
    %dma_start3A_93 = tpu.memref_squeeze %dma_start3A_92 : memref<1x32xi32, #tpu.memory_space<vmem>> -> memref<32xi32, #tpu.memory_space<vmem>>
    %dma_start3A_94 = arith.constant 0 : i32
    %dma_start3A_95 = arith.constant 0 : i32
    %dma_start3A_96 = tpu.memref_slice %arg6[%dma_start3A_94, %dma_start3A_95] : memref<100000x128xf32, #tpu.memory_space<hbm>> -> memref<100000x128xf32, #tpu.memory_space<hbm>>
    tpu.enqueue_indirect_dma source(%dma_start3A_96 : memref<100000x128xf32, #tpu.memory_space<hbm>>) target(%dma_start3A_90 : memref<32x128xf32, #tpu.memory_space<vmem>>) offsets(%dma_start3A_93 : memref<32xi32, #tpu.memory_space<vmem>>) semaphore(%arg24 : memref<!tpu.dma_semaphore, #tpu.memory_space<semaphore_mem>>)
    %dma_start3A_97 = arith.constant 4 : i32
    %dma_start3A_98 = arith.constant 4 : i32
    %dma_start3A_99 = arith.constant 0 : i32
    %dma_start3A_100 = arith.constant 0 : i32
    %dma_start3A_101 = tpu.memref_slice %arg14[%dma_start3A_98, %dma_start3A_99, %dma_start3A_100] : memref<5x32x128xf32, #tpu.memory_space<vmem>> -> memref<1x32x128xf32, #tpu.memory_space<vmem>>
    %dma_start3A_102 = tpu.memref_squeeze %dma_start3A_101 : memref<1x32x128xf32, #tpu.memory_space<vmem>> -> memref<32x128xf32, #tpu.memory_space<vmem>>
    %dma_start3A_103 = arith.constant 0 : i32
    %dma_start3A_104 = tpu.memref_slice %arg10[%dma_start3A_97, %dma_start3A_103] : memref<5x512xi32, #tpu.memory_space<vmem>> -> memref<1x32xi32, #tpu.memory_space<vmem>>
    %dma_start3A_105 = tpu.memref_squeeze %dma_start3A_104 : memref<1x32xi32, #tpu.memory_space<vmem>> -> memref<32xi32, #tpu.memory_space<vmem>>
    %dma_start3A_106 = arith.constant 0 : i32
    %dma_start3A_107 = arith.constant 0 : i32
    %dma_start3A_108 = tpu.memref_slice %arg6[%dma_start3A_106, %dma_start3A_107] : memref<100000x128xf32, #tpu.memory_space<hbm>> -> memref<100000x128xf32, #tpu.memory_space<hbm>>
    tpu.enqueue_indirect_dma source(%dma_start3A_108 : memref<100000x128xf32, #tpu.memory_space<hbm>>) target(%dma_start3A_102 : memref<32x128xf32, #tpu.memory_space<vmem>>) offsets(%dma_start3A_105 : memref<32xi32, #tpu.memory_space<vmem>>) semaphore(%arg24 : memref<!tpu.dma_semaphore, #tpu.memory_space<semaphore_mem>>)
    %dma_start3A_109 = arith.constant 0 : i32
    %dma_start3A_110 = arith.constant 0 : i32
    %dma_start3A_111 = arith.constant 0 : i32
    %dma_start3A_112 = arith.constant 0 : i32
    %dma_start3A_113 = tpu.memref_slice %arg17[%dma_start3A_110, %dma_start3A_111, %dma_start3A_112] : memref<5x32x128xf32, #tpu.memory_space<vmem>> -> memref<1x32x128xf32, #tpu.memory_space<vmem>>
    %dma_start3A_114 = tpu.memref_squeeze %dma_start3A_113 : memref<1x32x128xf32, #tpu.memory_space<vmem>> -> memref<32x128xf32, #tpu.memory_space<vmem>>
    %dma_start3A_115 = arith.constant 32 : i32
    %dma_start3A_116 = tpu.memref_slice %arg10[%dma_start3A_109, %dma_start3A_115] : memref<5x512xi32, #tpu.memory_space<vmem>> -> memref<1x32xi32, #tpu.memory_space<vmem>>
    %dma_start3A_117 = tpu.memref_squeeze %dma_start3A_116 : memref<1x32xi32, #tpu.memory_space<vmem>> -> memref<32xi32, #tpu.memory_space<vmem>>
    %dma_start3A_118 = arith.constant 0 : i32
    %dma_start3A_119 = arith.constant 0 : i32
    %dma_start3A_120 = tpu.memref_slice %arg6[%dma_start3A_118, %dma_start3A_119] : memref<100000x128xf32, #tpu.memory_space<hbm>> -> memref<100000x128xf32, #tpu.memory_space<hbm>>
    tpu.enqueue_indirect_dma source(%dma_start3A_120 : memref<100000x128xf32, #tpu.memory_space<hbm>>) target(%dma_start3A_114 : memref<32x128xf32, #tpu.memory_space<vmem>>) offsets(%dma_start3A_117 : memref<32xi32, #tpu.memory_space<vmem>>) semaphore(%arg25 : memref<!tpu.dma_semaphore, #tpu.memory_space<semaphore_mem>>)
    %dma_start3A_121 = arith.constant 1 : i32
    %dma_start3A_122 = arith.constant 1 : i32
    %dma_start3A_123 = arith.constant 0 : i32
    %dma_start3A_124 = arith.constant 0 : i32
    %dma_start3A_125 = tpu.memref_slice %arg17[%dma_start3A_122, %dma_start3A_123, %dma_start3A_124] : memref<5x32x128xf32, #tpu.memory_space<vmem>> -> memref<1x32x128xf32, #tpu.memory_space<vmem>>
    %dma_start3A_126 = tpu.memref_squeeze %dma_start3A_125 : memref<1x32x128xf32, #tpu.memory_space<vmem>> -> memref<32x128xf32, #tpu.memory_space<vmem>>
    %dma_start3A_127 = arith.constant 32 : i32
    %dma_start3A_128 = tpu.memref_slice %arg10[%dma_start3A_121, %dma_start3A_127] : memref<5x512xi32, #tpu.memory_space<vmem>> -> memref<1x32xi32, #tpu.memory_space<vmem>>
    %dma_start3A_129 = tpu.memref_squeeze %dma_start3A_128 : memref<1x32xi32, #tpu.memory_space<vmem>> -> memref<32xi32, #tpu.memory_space<vmem>>
    %dma_start3A_130 = arith.constant 0 : i32
    %dma_start3A_131 = arith.constant 0 : i32
    %dma_start3A_132 = tpu.memref_slice %arg6[%dma_start3A_130, %dma_start3A_131] : memref<100000x128xf32, #tpu.memory_space<hbm>> -> memref<100000x128xf32, #tpu.memory_space<hbm>>
    tpu.enqueue_indirect_dma source(%dma_start3A_132 : memref<100000x128xf32, #tpu.memory_space<hbm>>) target(%dma_start3A_126 : memref<32x128xf32, #tpu.memory_space<vmem>>) offsets(%dma_start3A_129 : memref<32xi32, #tpu.memory_space<vmem>>) semaphore(%arg25 : memref<!tpu.dma_semaphore, #tpu.memory_space<semaphore_mem>>)
    %dma_start3A_133 = arith.constant 2 : i32
    %dma_start3A_134 = arith.constant 2 : i32
    %dma_start3A_135 = arith.constant 0 : i32
    %dma_start3A_136 = arith.constant 0 : i32
    %dma_start3A_137 = tpu.memref_slice %arg17[%dma_start3A_134, %dma_start3A_135, %dma_start3A_136] : memref<5x32x128xf32, #tpu.memory_space<vmem>> -> memref<1x32x128xf32, #tpu.memory_space<vmem>>
    %dma_start3A_138 = tpu.memref_squeeze %dma_start3A_137 : memref<1x32x128xf32, #tpu.memory_space<vmem>> -> memref<32x128xf32, #tpu.memory_space<vmem>>
    %dma_start3A_139 = arith.constant 32 : i32
    %dma_start3A_140 = tpu.memref_slice %arg10[%dma_start3A_133, %dma_start3A_139] : memref<5x512xi32, #tpu.memory_space<vmem>> -> memref<1x32xi32, #tpu.memory_space<vmem>>
    %dma_start3A_141 = tpu.memref_squeeze %dma_start3A_140 : memref<1x32xi32, #tpu.memory_space<vmem>> -> memref<32xi32, #tpu.memory_space<vmem>>
    %dma_start3A_142 = arith.constant 0 : i32
    %dma_start3A_143 = arith.constant 0 : i32
    %dma_start3A_144 = tpu.memref_slice %arg6[%dma_start3A_142, %dma_start3A_143] : memref<100000x128xf32, #tpu.memory_space<hbm>> -> memref<100000x128xf32, #tpu.memory_space<hbm>>
    tpu.enqueue_indirect_dma source(%dma_start3A_144 : memref<100000x128xf32, #tpu.memory_space<hbm>>) target(%dma_start3A_138 : memref<32x128xf32, #tpu.memory_space<vmem>>) offsets(%dma_start3A_141 : memref<32xi32, #tpu.memory_space<vmem>>) semaphore(%arg25 : memref<!tpu.dma_semaphore, #tpu.memory_space<semaphore_mem>>)
    %dma_start3A_145 = arith.constant 3 : i32
    %dma_start3A_146 = arith.constant 3 : i32
    %dma_start3A_147 = arith.constant 0 : i32
    %dma_start3A_148 = arith.constant 0 : i32
    %dma_start3A_149 = tpu.memref_slice %arg17[%dma_start3A_146, %dma_start3A_147, %dma_start3A_148] : memref<5x32x128xf32, #tpu.memory_space<vmem>> -> memref<1x32x128xf32, #tpu.memory_space<vmem>>
    %dma_start3A_150 = tpu.memref_squeeze %dma_start3A_149 : memref<1x32x128xf32, #tpu.memory_space<vmem>> -> memref<32x128xf32, #tpu.memory_space<vmem>>
    %dma_start3A_151 = arith.constant 32 : i32
    %dma_start3A_152 = tpu.memref_slice %arg10[%dma_start3A_145, %dma_start3A_151] : memref<5x512xi32, #tpu.memory_space<vmem>> -> memref<1x32xi32, #tpu.memory_space<vmem>>
    %dma_start3A_153 = tpu.memref_squeeze %dma_start3A_152 : memref<1x32xi32, #tpu.memory_space<vmem>> -> memref<32xi32, #tpu.memory_space<vmem>>
    %dma_start3A_154 = arith.constant 0 : i32
    %dma_start3A_155 = arith.constant 0 : i32
    %dma_start3A_156 = tpu.memref_slice %arg6[%dma_start3A_154, %dma_start3A_155] : memref<100000x128xf32, #tpu.memory_space<hbm>> -> memref<100000x128xf32, #tpu.memory_space<hbm>>
    tpu.enqueue_indirect_dma source(%dma_start3A_156 : memref<100000x128xf32, #tpu.memory_space<hbm>>) target(%dma_start3A_150 : memref<32x128xf32, #tpu.memory_space<vmem>>) offsets(%dma_start3A_153 : memref<32xi32, #tpu.memory_space<vmem>>) semaphore(%arg25 : memref<!tpu.dma_semaphore, #tpu.memory_space<semaphore_mem>>)
    %dma_start3A_157 = arith.constant 4 : i32
    %dma_start3A_158 = arith.constant 4 : i32
    %dma_start3A_159 = arith.constant 0 : i32
    %dma_start3A_160 = arith.constant 0 : i32
    %dma_start3A_161 = tpu.memref_slice %arg17[%dma_start3A_158, %dma_start3A_159, %dma_start3A_160] : memref<5x32x128xf32, #tpu.memory_space<vmem>> -> memref<1x32x128xf32, #tpu.memory_space<vmem>>
    %dma_start3A_162 = tpu.memref_squeeze %dma_start3A_161 : memref<1x32x128xf32, #tpu.memory_space<vmem>> -> memref<32x128xf32, #tpu.memory_space<vmem>>
    %dma_start3A_163 = arith.constant 32 : i32
    %dma_start3A_164 = tpu.memref_slice %arg10[%dma_start3A_157, %dma_start3A_163] : memref<5x512xi32, #tpu.memory_space<vmem>> -> memref<1x32xi32, #tpu.memory_space<vmem>>
    %dma_start3A_165 = tpu.memref_squeeze %dma_start3A_164 : memref<1x32xi32, #tpu.memory_space<vmem>> -> memref<32xi32, #tpu.memory_space<vmem>>
    %dma_start3A_166 = arith.constant 0 : i32
    %dma_start3A_167 = arith.constant 0 : i32
    %dma_start3A_168 = tpu.memref_slice %arg6[%dma_start3A_166, %dma_start3A_167] : memref<100000x128xf32, #tpu.memory_space<hbm>> -> memref<100000x128xf32, #tpu.memory_space<hbm>>
    tpu.enqueue_indirect_dma source(%dma_start3A_168 : memref<100000x128xf32, #tpu.memory_space<hbm>>) target(%dma_start3A_162 : memref<32x128xf32, #tpu.memory_space<vmem>>) offsets(%dma_start3A_165 : memref<32xi32, #tpu.memory_space<vmem>>) semaphore(%arg25 : memref<!tpu.dma_semaphore, #tpu.memory_space<semaphore_mem>>)
    %dma_start3A_169 = arith.constant 0 : i32
    %dma_start3A_170 = arith.constant 0 : i32
    %dma_start3A_171 = arith.constant 0 : i32
    %dma_start3A_172 = arith.constant 0 : i32
    %dma_start3A_173 = tpu.memref_slice %arg20[%dma_start3A_170, %dma_start3A_171, %dma_start3A_172] : memref<5x32x128xf32, #tpu.memory_space<vmem>> -> memref<1x32x128xf32, #tpu.memory_space<vmem>>
    %dma_start3A_174 = tpu.memref_squeeze %dma_start3A_173 : memref<1x32x128xf32, #tpu.memory_space<vmem>> -> memref<32x128xf32, #tpu.memory_space<vmem>>
    %dma_start3A_175 = arith.constant 64 : i32
    %dma_start3A_176 = tpu.memref_slice %arg10[%dma_start3A_169, %dma_start3A_175] : memref<5x512xi32, #tpu.memory_space<vmem>> -> memref<1x32xi32, #tpu.memory_space<vmem>>
    %dma_start3A_177 = tpu.memref_squeeze %dma_start3A_176 : memref<1x32xi32, #tpu.memory_space<vmem>> -> memref<32xi32, #tpu.memory_space<vmem>>
    %dma_start3A_178 = arith.constant 0 : i32
    %dma_start3A_179 = arith.constant 0 : i32
    %dma_start3A_180 = tpu.memref_slice %arg6[%dma_start3A_178, %dma_start3A_179] : memref<100000x128xf32, #tpu.memory_space<hbm>> -> memref<100000x128xf32, #tpu.memory_space<hbm>>
    tpu.enqueue_indirect_dma source(%dma_start3A_180 : memref<100000x128xf32, #tpu.memory_space<hbm>>) target(%dma_start3A_174 : memref<32x128xf32, #tpu.memory_space<vmem>>) offsets(%dma_start3A_177 : memref<32xi32, #tpu.memory_space<vmem>>) semaphore(%arg26 : memref<!tpu.dma_semaphore, #tpu.memory_space<semaphore_mem>>)
    %dma_start3A_181 = arith.constant 1 : i32
    %dma_start3A_182 = arith.constant 1 : i32
    %dma_start3A_183 = arith.constant 0 : i32
    %dma_start3A_184 = arith.constant 0 : i32
    %dma_start3A_185 = tpu.memref_slice %arg20[%dma_start3A_182, %dma_start3A_183, %dma_start3A_184] : memref<5x32x128xf32, #tpu.memory_space<vmem>> -> memref<1x32x128xf32, #tpu.memory_space<vmem>>
    %dma_start3A_186 = tpu.memref_squeeze %dma_start3A_185 : memref<1x32x128xf32, #tpu.memory_space<vmem>> -> memref<32x128xf32, #tpu.memory_space<vmem>>
    %dma_start3A_187 = arith.constant 64 : i32
    %dma_start3A_188 = tpu.memref_slice %arg10[%dma_start3A_181, %dma_start3A_187] : memref<5x512xi32, #tpu.memory_space<vmem>> -> memref<1x32xi32, #tpu.memory_space<vmem>>
    %dma_start3A_189 = tpu.memref_squeeze %dma_start3A_188 : memref<1x32xi32, #tpu.memory_space<vmem>> -> memref<32xi32, #tpu.memory_space<vmem>>
    %dma_start3A_190 = arith.constant 0 : i32
    %dma_start3A_191 = arith.constant 0 : i32
    %dma_start3A_192 = tpu.memref_slice %arg6[%dma_start3A_190, %dma_start3A_191] : memref<100000x128xf32, #tpu.memory_space<hbm>> -> memref<100000x128xf32, #tpu.memory_space<hbm>>
    tpu.enqueue_indirect_dma source(%dma_start3A_192 : memref<100000x128xf32, #tpu.memory_space<hbm>>) target(%dma_start3A_186 : memref<32x128xf32, #tpu.memory_space<vmem>>) offsets(%dma_start3A_189 : memref<32xi32, #tpu.memory_space<vmem>>) semaphore(%arg26 : memref<!tpu.dma_semaphore, #tpu.memory_space<semaphore_mem>>)
    %dma_start3A_193 = arith.constant 2 : i32
    %dma_start3A_194 = arith.constant 2 : i32
    %dma_start3A_195 = arith.constant 0 : i32
    %dma_start3A_196 = arith.constant 0 : i32
    %dma_start3A_197 = tpu.memref_slice %arg20[%dma_start3A_194, %dma_start3A_195, %dma_start3A_196] : memref<5x32x128xf32, #tpu.memory_space<vmem>> -> memref<1x32x128xf32, #tpu.memory_space<vmem>>
    %dma_start3A_198 = tpu.memref_squeeze %dma_start3A_197 : memref<1x32x128xf32, #tpu.memory_space<vmem>> -> memref<32x128xf32, #tpu.memory_space<vmem>>
    %dma_start3A_199 = arith.constant 64 : i32
    %dma_start3A_200 = tpu.memref_slice %arg10[%dma_start3A_193, %dma_start3A_199] : memref<5x512xi32, #tpu.memory_space<vmem>> -> memref<1x32xi32, #tpu.memory_space<vmem>>
    %dma_start3A_201 = tpu.memref_squeeze %dma_start3A_200 : memref<1x32xi32, #tpu.memory_space<vmem>> -> memref<32xi32, #tpu.memory_space<vmem>>
    %dma_start3A_202 = arith.constant 0 : i32
    %dma_start3A_203 = arith.constant 0 : i32
    %dma_start3A_204 = tpu.memref_slice %arg6[%dma_start3A_202, %dma_start3A_203] : memref<100000x128xf32, #tpu.memory_space<hbm>> -> memref<100000x128xf32, #tpu.memory_space<hbm>>
    tpu.enqueue_indirect_dma source(%dma_start3A_204 : memref<100000x128xf32, #tpu.memory_space<hbm>>) target(%dma_start3A_198 : memref<32x128xf32, #tpu.memory_space<vmem>>) offsets(%dma_start3A_201 : memref<32xi32, #tpu.memory_space<vmem>>) semaphore(%arg26 : memref<!tpu.dma_semaphore, #tpu.memory_space<semaphore_mem>>)
    %dma_start3A_205 = arith.constant 3 : i32
    %dma_start3A_206 = arith.constant 3 : i32
    %dma_start3A_207 = arith.constant 0 : i32
    %dma_start3A_208 = arith.constant 0 : i32
    %dma_start3A_209 = tpu.memref_slice %arg20[%dma_start3A_206, %dma_start3A_207, %dma_start3A_208] : memref<5x32x128xf32, #tpu.memory_space<vmem>> -> memref<1x32x128xf32, #tpu.memory_space<vmem>>
    %dma_start3A_210 = tpu.memref_squeeze %dma_start3A_209 : memref<1x32x128xf32, #tpu.memory_space<vmem>> -> memref<32x128xf32, #tpu.memory_space<vmem>>
    %dma_start3A_211 = arith.constant 64 : i32
    %dma_start3A_212 = tpu.memref_slice %arg10[%dma_start3A_205, %dma_start3A_211] : memref<5x512xi32, #tpu.memory_space<vmem>> -> memref<1x32xi32, #tpu.memory_space<vmem>>
    %dma_start3A_213 = tpu.memref_squeeze %dma_start3A_212 : memref<1x32xi32, #tpu.memory_space<vmem>> -> memref<32xi32, #tpu.memory_space<vmem>>
    %dma_start3A_214 = arith.constant 0 : i32
    %dma_start3A_215 = arith.constant 0 : i32
    %dma_start3A_216 = tpu.memref_slice %arg6[%dma_start3A_214, %dma_start3A_215] : memref<100000x128xf32, #tpu.memory_space<hbm>> -> memref<100000x128xf32, #tpu.memory_space<hbm>>
    tpu.enqueue_indirect_dma source(%dma_start3A_216 : memref<100000x128xf32, #tpu.memory_space<hbm>>) target(%dma_start3A_210 : memref<32x128xf32, #tpu.memory_space<vmem>>) offsets(%dma_start3A_213 : memref<32xi32, #tpu.memory_space<vmem>>) semaphore(%arg26 : memref<!tpu.dma_semaphore, #tpu.memory_space<semaphore_mem>>)
    %dma_start3A_217 = arith.constant 4 : i32
    %dma_start3A_218 = arith.constant 4 : i32
    %dma_start3A_219 = arith.constant 0 : i32
    %dma_start3A_220 = arith.constant 0 : i32
    %dma_start3A_221 = tpu.memref_slice %arg20[%dma_start3A_218, %dma_start3A_219, %dma_start3A_220] : memref<5x32x128xf32, #tpu.memory_space<vmem>> -> memref<1x32x128xf32, #tpu.memory_space<vmem>>
    %dma_start3A_222 = tpu.memref_squeeze %dma_start3A_221 : memref<1x32x128xf32, #tpu.memory_space<vmem>> -> memref<32x128xf32, #tpu.memory_space<vmem>>
    %dma_start3A_223 = arith.constant 64 : i32
    %dma_start3A_224 = tpu.memref_slice %arg10[%dma_start3A_217, %dma_start3A_223] : memref<5x512xi32, #tpu.memory_space<vmem>> -> memref<1x32xi32, #tpu.memory_space<vmem>>
    %dma_start3A_225 = tpu.memref_squeeze %dma_start3A_224 : memref<1x32xi32, #tpu.memory_space<vmem>> -> memref<32xi32, #tpu.memory_space<vmem>>
    %dma_start3A_226 = arith.constant 0 : i32
    %dma_start3A_227 = arith.constant 0 : i32
    %dma_start3A_228 = tpu.memref_slice %arg6[%dma_start3A_226, %dma_start3A_227] : memref<100000x128xf32, #tpu.memory_space<hbm>> -> memref<100000x128xf32, #tpu.memory_space<hbm>>
    tpu.enqueue_indirect_dma source(%dma_start3A_228 : memref<100000x128xf32, #tpu.memory_space<hbm>>) target(%dma_start3A_222 : memref<32x128xf32, #tpu.memory_space<vmem>>) offsets(%dma_start3A_225 : memref<32xi32, #tpu.memory_space<vmem>>) semaphore(%arg26 : memref<!tpu.dma_semaphore, #tpu.memory_space<semaphore_mem>>)
    %dma_start3A_229 = arith.constant 0 : i32
    %dma_start3A_230 = arith.constant 0 : i32
    %dma_start3A_231 = arith.constant 0 : i32
    %dma_start3A_232 = arith.constant 0 : i32
    %dma_start3A_233 = tpu.memref_slice %arg23[%dma_start3A_230, %dma_start3A_231, %dma_start3A_232] : memref<5x32x128xf32, #tpu.memory_space<vmem>> -> memref<1x32x128xf32, #tpu.memory_space<vmem>>
    %dma_start3A_234 = tpu.memref_squeeze %dma_start3A_233 : memref<1x32x128xf32, #tpu.memory_space<vmem>> -> memref<32x128xf32, #tpu.memory_space<vmem>>
    %dma_start3A_235 = arith.constant 96 : i32
    %dma_start3A_236 = tpu.memref_slice %arg10[%dma_start3A_229, %dma_start3A_235] : memref<5x512xi32, #tpu.memory_space<vmem>> -> memref<1x32xi32, #tpu.memory_space<vmem>>
    %dma_start3A_237 = tpu.memref_squeeze %dma_start3A_236 : memref<1x32xi32, #tpu.memory_space<vmem>> -> memref<32xi32, #tpu.memory_space<vmem>>
    %dma_start3A_238 = arith.constant 0 : i32
    %dma_start3A_239 = arith.constant 0 : i32
    %dma_start3A_240 = tpu.memref_slice %arg6[%dma_start3A_238, %dma_start3A_239] : memref<100000x128xf32, #tpu.memory_space<hbm>> -> memref<100000x128xf32, #tpu.memory_space<hbm>>
    tpu.enqueue_indirect_dma source(%dma_start3A_240 : memref<100000x128xf32, #tpu.memory_space<hbm>>) target(%dma_start3A_234 : memref<32x128xf32, #tpu.memory_space<vmem>>) offsets(%dma_start3A_237 : memref<32xi32, #tpu.memory_space<vmem>>) semaphore(%arg27 : memref<!tpu.dma_semaphore, #tpu.memory_space<semaphore_mem>>)
    %dma_start3A_241 = arith.constant 1 : i32
    %dma_start3A_242 = arith.constant 1 : i32
    %dma_start3A_243 = arith.constant 0 : i32
    %dma_start3A_244 = arith.constant 0 : i32
    %dma_start3A_245 = tpu.memref_slice %arg23[%dma_start3A_242, %dma_start3A_243, %dma_start3A_244] : memref<5x32x128xf32, #tpu.memory_space<vmem>> -> memref<1x32x128xf32, #tpu.memory_space<vmem>>
    %dma_start3A_246 = tpu.memref_squeeze %dma_start3A_245 : memref<1x32x128xf32, #tpu.memory_space<vmem>> -> memref<32x128xf32, #tpu.memory_space<vmem>>
    %dma_start3A_247 = arith.constant 96 : i32
    %dma_start3A_248 = tpu.memref_slice %arg10[%dma_start3A_241, %dma_start3A_247] : memref<5x512xi32, #tpu.memory_space<vmem>> -> memref<1x32xi32, #tpu.memory_space<vmem>>
    %dma_start3A_249 = tpu.memref_squeeze %dma_start3A_248 : memref<1x32xi32, #tpu.memory_space<vmem>> -> memref<32xi32, #tpu.memory_space<vmem>>
    %dma_start3A_250 = arith.constant 0 : i32
    %dma_start3A_251 = arith.constant 0 : i32
    %dma_start3A_252 = tpu.memref_slice %arg6[%dma_start3A_250, %dma_start3A_251] : memref<100000x128xf32, #tpu.memory_space<hbm>> -> memref<100000x128xf32, #tpu.memory_space<hbm>>
    tpu.enqueue_indirect_dma source(%dma_start3A_252 : memref<100000x128xf32, #tpu.memory_space<hbm>>) target(%dma_start3A_246 : memref<32x128xf32, #tpu.memory_space<vmem>>) offsets(%dma_start3A_249 : memref<32xi32, #tpu.memory_space<vmem>>) semaphore(%arg27 : memref<!tpu.dma_semaphore, #tpu.memory_space<semaphore_mem>>)
    %dma_start3A_253 = arith.constant 2 : i32
    %dma_start3A_254 = arith.constant 2 : i32
    %dma_start3A_255 = arith.constant 0 : i32
    %dma_start3A_256 = arith.constant 0 : i32
    %dma_start3A_257 = tpu.memref_slice %arg23[%dma_start3A_254, %dma_start3A_255, %dma_start3A_256] : memref<5x32x128xf32, #tpu.memory_space<vmem>> -> memref<1x32x128xf32, #tpu.memory_space<vmem>>
    %dma_start3A_258 = tpu.memref_squeeze %dma_start3A_257 : memref<1x32x128xf32, #tpu.memory_space<vmem>> -> memref<32x128xf32, #tpu.memory_space<vmem>>
    %dma_start3A_259 = arith.constant 96 : i32
    %dma_start3A_260 = tpu.memref_slice %arg10[%dma_start3A_253, %dma_start3A_259] : memref<5x512xi32, #tpu.memory_space<vmem>> -> memref<1x32xi32, #tpu.memory_space<vmem>>
    %dma_start3A_261 = tpu.memref_squeeze %dma_start3A_260 : memref<1x32xi32, #tpu.memory_space<vmem>> -> memref<32xi32, #tpu.memory_space<vmem>>
    %dma_start3A_262 = arith.constant 0 : i32
    %dma_start3A_263 = arith.constant 0 : i32
    %dma_start3A_264 = tpu.memref_slice %arg6[%dma_start3A_262, %dma_start3A_263] : memref<100000x128xf32, #tpu.memory_space<hbm>> -> memref<100000x128xf32, #tpu.memory_space<hbm>>
    tpu.enqueue_indirect_dma source(%dma_start3A_264 : memref<100000x128xf32, #tpu.memory_space<hbm>>) target(%dma_start3A_258 : memref<32x128xf32, #tpu.memory_space<vmem>>) offsets(%dma_start3A_261 : memref<32xi32, #tpu.memory_space<vmem>>) semaphore(%arg27 : memref<!tpu.dma_semaphore, #tpu.memory_space<semaphore_mem>>)
    %dma_start3A_265 = arith.constant 3 : i32
    %dma_start3A_266 = arith.constant 3 : i32
    %dma_start3A_267 = arith.constant 0 : i32
    %dma_start3A_268 = arith.constant 0 : i32
    %dma_start3A_269 = tpu.memref_slice %arg23[%dma_start3A_266, %dma_start3A_267, %dma_start3A_268] : memref<5x32x128xf32, #tpu.memory_space<vmem>> -> memref<1x32x128xf32, #tpu.memory_space<vmem>>
    %dma_start3A_270 = tpu.memref_squeeze %dma_start3A_269 : memref<1x32x128xf32, #tpu.memory_space<vmem>> -> memref<32x128xf32, #tpu.memory_space<vmem>>
    %dma_start3A_271 = arith.constant 96 : i32
    %dma_start3A_272 = tpu.memref_slice %arg10[%dma_start3A_265, %dma_start3A_271] : memref<5x512xi32, #tpu.memory_space<vmem>> -> memref<1x32xi32, #tpu.memory_space<vmem>>
    %dma_start3A_273 = tpu.memref_squeeze %dma_start3A_272 : memref<1x32xi32, #tpu.memory_space<vmem>> -> memref<32xi32, #tpu.memory_space<vmem>>
    %dma_start3A_274 = arith.constant 0 : i32
    %dma_start3A_275 = arith.constant 0 : i32
    %dma_start3A_276 = tpu.memref_slice %arg6[%dma_start3A_274, %dma_start3A_275] : memref<100000x128xf32, #tpu.memory_space<hbm>> -> memref<100000x128xf32, #tpu.memory_space<hbm>>
    tpu.enqueue_indirect_dma source(%dma_start3A_276 : memref<100000x128xf32, #tpu.memory_space<hbm>>) target(%dma_start3A_270 : memref<32x128xf32, #tpu.memory_space<vmem>>) offsets(%dma_start3A_273 : memref<32xi32, #tpu.memory_space<vmem>>) semaphore(%arg27 : memref<!tpu.dma_semaphore, #tpu.memory_space<semaphore_mem>>)
    %dma_start3A_277 = arith.constant 4 : i32
    %dma_start3A_278 = arith.constant 4 : i32
    %dma_start3A_279 = arith.constant 0 : i32
    %dma_start3A_280 = arith.constant 0 : i32
    %dma_start3A_281 = tpu.memref_slice %arg23[%dma_start3A_278, %dma_start3A_279, %dma_start3A_280] : memref<5x32x128xf32, #tpu.memory_space<vmem>> -> memref<1x32x128xf32, #tpu.memory_space<vmem>>
    %dma_start3A_282 = tpu.memref_squeeze %dma_start3A_281 : memref<1x32x128xf32, #tpu.memory_space<vmem>> -> memref<32x128xf32, #tpu.memory_space<vmem>>
    %dma_start3A_283 = arith.constant 96 : i32
    %dma_start3A_284 = tpu.memref_slice %arg10[%dma_start3A_277, %dma_start3A_283] : memref<5x512xi32, #tpu.memory_space<vmem>> -> memref<1x32xi32, #tpu.memory_space<vmem>>
    %dma_start3A_285 = tpu.memref_squeeze %dma_start3A_284 : memref<1x32xi32, #tpu.memory_space<vmem>> -> memref<32xi32, #tpu.memory_space<vmem>>
    %dma_start3A_286 = arith.constant 0 : i32
    %dma_start3A_287 = arith.constant 0 : i32
    %dma_start3A_288 = tpu.memref_slice %arg6[%dma_start3A_286, %dma_start3A_287] : memref<100000x128xf32, #tpu.memory_space<hbm>> -> memref<100000x128xf32, #tpu.memory_space<hbm>>
    tpu.enqueue_indirect_dma source(%dma_start3A_288 : memref<100000x128xf32, #tpu.memory_space<hbm>>) target(%dma_start3A_282 : memref<32x128xf32, #tpu.memory_space<vmem>>) offsets(%dma_start3A_285 : memref<32xi32, #tpu.memory_space<vmem>>) semaphore(%arg27 : memref<!tpu.dma_semaphore, #tpu.memory_space<semaphore_mem>>)
    %scan3A = arith.constant 0 : i32
    %scan3A_289 = arith.constant 4 : i32
    %scan3A_290 = arith.addi %scan3A, %scan3A_289 : i32
    %scan3A_291 = arith.constant 1 : i32
    scf.for %scan3A_293 = %scan3A to %scan3A_290 step %scan3A_291  : i32 {
      %mul3A_294 = arith.constant 1 : i32
      %mul3A_295 = arith.muli %scan3A_293, %mul3A_294 : i32
      %add3A_296 = arith.constant 0 : i32
      %add3A_297 = arith.addi %add3A_296, %mul3A_295 : i32
      %mul3A_298 = arith.constant 4 : i32
      %mul3A_299 = arith.muli %add3A_297, %mul3A_298 : i32
      %add3A_300 = arith.constant 0 : i32
      %add3A_301 = arith.addi %mul3A_299, %add3A_300 : i32
      %dma_wait3A_302 = arith.constant 0 : i32
      %dma_wait3A_303 = tpu.memref_slice %arg8[%dma_wait3A_302] : memref<512xi32, #tpu.memory_space<vmem>> -> memref<32xi32, #tpu.memory_space<vmem>>
      %dma_wait3A_304 = arith.constant 0 : i32
      %dma_wait3A_305 = arith.constant 0 : i32
      %dma_wait3A_306 = tpu.memref_slice %arg5[%dma_wait3A_304, %dma_wait3A_305] : memref<100000x128xf32, #tpu.memory_space<hbm>> -> memref<100000x128xf32, #tpu.memory_space<hbm>>
      tpu.wait_indirect_dma semaphore(%arg24 : memref<!tpu.dma_semaphore, #tpu.memory_space<semaphore_mem>>) src(%dma_wait3A_306 : memref<100000x128xf32, #tpu.memory_space<hbm>>) dst(%arg12 : memref<32x128xf32, #tpu.memory_space<vmem>>)
      %dma_wait3A_307 = arith.constant 0 : i32
      %dma_wait3A_308 = tpu.memref_slice %arg9[%dma_wait3A_307] : memref<512xi32, #tpu.memory_space<vmem>> -> memref<32xi32, #tpu.memory_space<vmem>>
      %dma_wait3A_309 = arith.constant 0 : i32
      %dma_wait3A_310 = arith.constant 0 : i32
      %dma_wait3A_311 = tpu.memref_slice %arg6[%dma_wait3A_309, %dma_wait3A_310] : memref<100000x128xf32, #tpu.memory_space<hbm>> -> memref<100000x128xf32, #tpu.memory_space<hbm>>
      tpu.wait_indirect_dma semaphore(%arg24 : memref<!tpu.dma_semaphore, #tpu.memory_space<semaphore_mem>>) src(%dma_wait3A_311 : memref<100000x128xf32, #tpu.memory_space<hbm>>) dst(%arg13 : memref<32x128xf32, #tpu.memory_space<vmem>>)
      %dma_wait3A_312 = arith.constant 0 : i32
      %dma_wait3A_313 = arith.constant 0 : i32
      %dma_wait3A_314 = arith.constant 0 : i32
      %dma_wait3A_315 = arith.constant 0 : i32
      %dma_wait3A_316 = tpu.memref_slice %arg14[%dma_wait3A_313, %dma_wait3A_314, %dma_wait3A_315] : memref<5x32x128xf32, #tpu.memory_space<vmem>> -> memref<1x32x128xf32, #tpu.memory_space<vmem>>
      %dma_wait3A_317 = tpu.memref_squeeze %dma_wait3A_316 : memref<1x32x128xf32, #tpu.memory_space<vmem>> -> memref<32x128xf32, #tpu.memory_space<vmem>>
      %dma_wait3A_318 = arith.constant 0 : i32
      %dma_wait3A_319 = tpu.memref_slice %arg10[%dma_wait3A_312, %dma_wait3A_318] : memref<5x512xi32, #tpu.memory_space<vmem>> -> memref<1x32xi32, #tpu.memory_space<vmem>>
      %dma_wait3A_320 = tpu.memref_squeeze %dma_wait3A_319 : memref<1x32xi32, #tpu.memory_space<vmem>> -> memref<32xi32, #tpu.memory_space<vmem>>
      %dma_wait3A_321 = arith.constant 0 : i32
      %dma_wait3A_322 = arith.constant 0 : i32
      %dma_wait3A_323 = tpu.memref_slice %arg6[%dma_wait3A_321, %dma_wait3A_322] : memref<100000x128xf32, #tpu.memory_space<hbm>> -> memref<100000x128xf32, #tpu.memory_space<hbm>>
      tpu.wait_indirect_dma semaphore(%arg24 : memref<!tpu.dma_semaphore, #tpu.memory_space<semaphore_mem>>) src(%dma_wait3A_323 : memref<100000x128xf32, #tpu.memory_space<hbm>>) dst(%dma_wait3A_317 : memref<32x128xf32, #tpu.memory_space<vmem>>)
      %dma_wait3A_324 = arith.constant 1 : i32
      %dma_wait3A_325 = arith.constant 1 : i32
      %dma_wait3A_326 = arith.constant 0 : i32
      %dma_wait3A_327 = arith.constant 0 : i32
      %dma_wait3A_328 = tpu.memref_slice %arg14[%dma_wait3A_325, %dma_wait3A_326, %dma_wait3A_327] : memref<5x32x128xf32, #tpu.memory_space<vmem>> -> memref<1x32x128xf32, #tpu.memory_space<vmem>>
      %dma_wait3A_329 = tpu.memref_squeeze %dma_wait3A_328 : memref<1x32x128xf32, #tpu.memory_space<vmem>> -> memref<32x128xf32, #tpu.memory_space<vmem>>
      %dma_wait3A_330 = arith.constant 0 : i32
      %dma_wait3A_331 = tpu.memref_slice %arg10[%dma_wait3A_324, %dma_wait3A_330] : memref<5x512xi32, #tpu.memory_space<vmem>> -> memref<1x32xi32, #tpu.memory_space<vmem>>
      %dma_wait3A_332 = tpu.memref_squeeze %dma_wait3A_331 : memref<1x32xi32, #tpu.memory_space<vmem>> -> memref<32xi32, #tpu.memory_space<vmem>>
      %dma_wait3A_333 = arith.constant 0 : i32
      %dma_wait3A_334 = arith.constant 0 : i32
      %dma_wait3A_335 = tpu.memref_slice %arg6[%dma_wait3A_333, %dma_wait3A_334] : memref<100000x128xf32, #tpu.memory_space<hbm>> -> memref<100000x128xf32, #tpu.memory_space<hbm>>
      tpu.wait_indirect_dma semaphore(%arg24 : memref<!tpu.dma_semaphore, #tpu.memory_space<semaphore_mem>>) src(%dma_wait3A_335 : memref<100000x128xf32, #tpu.memory_space<hbm>>) dst(%dma_wait3A_329 : memref<32x128xf32, #tpu.memory_space<vmem>>)
      %dma_wait3A_336 = arith.constant 2 : i32
      %dma_wait3A_337 = arith.constant 2 : i32
      %dma_wait3A_338 = arith.constant 0 : i32
      %dma_wait3A_339 = arith.constant 0 : i32
      %dma_wait3A_340 = tpu.memref_slice %arg14[%dma_wait3A_337, %dma_wait3A_338, %dma_wait3A_339] : memref<5x32x128xf32, #tpu.memory_space<vmem>> -> memref<1x32x128xf32, #tpu.memory_space<vmem>>
      %dma_wait3A_341 = tpu.memref_squeeze %dma_wait3A_340 : memref<1x32x128xf32, #tpu.memory_space<vmem>> -> memref<32x128xf32, #tpu.memory_space<vmem>>
      %dma_wait3A_342 = arith.constant 0 : i32
      %dma_wait3A_343 = tpu.memref_slice %arg10[%dma_wait3A_336, %dma_wait3A_342] : memref<5x512xi32, #tpu.memory_space<vmem>> -> memref<1x32xi32, #tpu.memory_space<vmem>>
      %dma_wait3A_344 = tpu.memref_squeeze %dma_wait3A_343 : memref<1x32xi32, #tpu.memory_space<vmem>> -> memref<32xi32, #tpu.memory_space<vmem>>
      %dma_wait3A_345 = arith.constant 0 : i32
      %dma_wait3A_346 = arith.constant 0 : i32
      %dma_wait3A_347 = tpu.memref_slice %arg6[%dma_wait3A_345, %dma_wait3A_346] : memref<100000x128xf32, #tpu.memory_space<hbm>> -> memref<100000x128xf32, #tpu.memory_space<hbm>>
      tpu.wait_indirect_dma semaphore(%arg24 : memref<!tpu.dma_semaphore, #tpu.memory_space<semaphore_mem>>) src(%dma_wait3A_347 : memref<100000x128xf32, #tpu.memory_space<hbm>>) dst(%dma_wait3A_341 : memref<32x128xf32, #tpu.memory_space<vmem>>)
      %dma_wait3A_348 = arith.constant 3 : i32
      %dma_wait3A_349 = arith.constant 3 : i32
      %dma_wait3A_350 = arith.constant 0 : i32
      %dma_wait3A_351 = arith.constant 0 : i32
      %dma_wait3A_352 = tpu.memref_slice %arg14[%dma_wait3A_349, %dma_wait3A_350, %dma_wait3A_351] : memref<5x32x128xf32, #tpu.memory_space<vmem>> -> memref<1x32x128xf32, #tpu.memory_space<vmem>>
      %dma_wait3A_353 = tpu.memref_squeeze %dma_wait3A_352 : memref<1x32x128xf32, #tpu.memory_space<vmem>> -> memref<32x128xf32, #tpu.memory_space<vmem>>
      %dma_wait3A_354 = arith.constant 0 : i32
      %dma_wait3A_355 = tpu.memref_slice %arg10[%dma_wait3A_348, %dma_wait3A_354] : memref<5x512xi32, #tpu.memory_space<vmem>> -> memref<1x32xi32, #tpu.memory_space<vmem>>
      %dma_wait3A_356 = tpu.memref_squeeze %dma_wait3A_355 : memref<1x32xi32, #tpu.memory_space<vmem>> -> memref<32xi32, #tpu.memory_space<vmem>>
      %dma_wait3A_357 = arith.constant 0 : i32
      %dma_wait3A_358 = arith.constant 0 : i32
      %dma_wait3A_359 = tpu.memref_slice %arg6[%dma_wait3A_357, %dma_wait3A_358] : memref<100000x128xf32, #tpu.memory_space<hbm>> -> memref<100000x128xf32, #tpu.memory_space<hbm>>
      tpu.wait_indirect_dma semaphore(%arg24 : memref<!tpu.dma_semaphore, #tpu.memory_space<semaphore_mem>>) src(%dma_wait3A_359 : memref<100000x128xf32, #tpu.memory_space<hbm>>) dst(%dma_wait3A_353 : memref<32x128xf32, #tpu.memory_space<vmem>>)
      %dma_wait3A_360 = arith.constant 4 : i32
      %dma_wait3A_361 = arith.constant 4 : i32
      %dma_wait3A_362 = arith.constant 0 : i32
      %dma_wait3A_363 = arith.constant 0 : i32
      %dma_wait3A_364 = tpu.memref_slice %arg14[%dma_wait3A_361, %dma_wait3A_362, %dma_wait3A_363] : memref<5x32x128xf32, #tpu.memory_space<vmem>> -> memref<1x32x128xf32, #tpu.memory_space<vmem>>
      %dma_wait3A_365 = tpu.memref_squeeze %dma_wait3A_364 : memref<1x32x128xf32, #tpu.memory_space<vmem>> -> memref<32x128xf32, #tpu.memory_space<vmem>>
      %dma_wait3A_366 = arith.constant 0 : i32
      %dma_wait3A_367 = tpu.memref_slice %arg10[%dma_wait3A_360, %dma_wait3A_366] : memref<5x512xi32, #tpu.memory_space<vmem>> -> memref<1x32xi32, #tpu.memory_space<vmem>>
      %dma_wait3A_368 = tpu.memref_squeeze %dma_wait3A_367 : memref<1x32xi32, #tpu.memory_space<vmem>> -> memref<32xi32, #tpu.memory_space<vmem>>
      %dma_wait3A_369 = arith.constant 0 : i32
      %dma_wait3A_370 = arith.constant 0 : i32
      %dma_wait3A_371 = tpu.memref_slice %arg6[%dma_wait3A_369, %dma_wait3A_370] : memref<100000x128xf32, #tpu.memory_space<hbm>> -> memref<100000x128xf32, #tpu.memory_space<hbm>>
      tpu.wait_indirect_dma semaphore(%arg24 : memref<!tpu.dma_semaphore, #tpu.memory_space<semaphore_mem>>) src(%dma_wait3A_371 : memref<100000x128xf32, #tpu.memory_space<hbm>>) dst(%dma_wait3A_365 : memref<32x128xf32, #tpu.memory_space<vmem>>)
      %mul3A_372 = arith.constant 32 : i32
      %mul3A_373 = arith.muli %add3A_301, %mul3A_372 : i32
      %iota3A = tpu.iota {dimensions = array<i32: 0>} : vector<16xi32>
      %parallel_loop3A = arith.constant 0 : i32
      %parallel_loop3A_374 = arith.constant 2 : i32
      %parallel_loop3A_375 = arith.constant 1 : i32
      scf.for %parallel_loop3A_635 = %parallel_loop3A to %parallel_loop3A_374 step %parallel_loop3A_375  : i32 {
        %parallel_loop3A_636 = arith.constant 0.000000e+00 : f32
        %parallel_loop3A_637 = vector.broadcast %parallel_loop3A_636 : f32 to vector<16xf32>
        %parallel_loop3A_638 = arith.constant 0 : i32
        %parallel_loop3A_639 = arith.constant 16 : i32
        %parallel_loop3A_640 = arith.addi %parallel_loop3A_638, %parallel_loop3A_639 : i32
        %parallel_loop3A_641 = arith.constant 1 : i32
        %parallel_loop3A_642:6 = scf.for %scan3A_686 = %parallel_loop3A_638 to %parallel_loop3A_640 step %parallel_loop3A_641 iter_args(%scan3A_687 = %parallel_loop3A_637, %scan3A_688 = %parallel_loop3A_637, %scan3A_689 = %parallel_loop3A_637, %scan3A_690 = %parallel_loop3A_637, %scan3A_691 = %parallel_loop3A_637, %scan3A_692 = %parallel_loop3A_637) -> (vector<16xf32>, vector<16xf32>, vector<16xf32>, vector<16xf32>, vector<16xf32>, vector<16xf32>)  : i32 {
          %parallel_loop3A_693 = arith.constant 16 : i32
          %parallel_loop3A_694 = arith.muli %parallel_loop3A_635, %parallel_loop3A_693 : i32
          %parallel_loop3A_695 = arith.addi %parallel_loop3A_694, %scan3A_686 : i32
          %parallel_loop3A_696 = vector.broadcast %scan3A_686 : i32 to vector<16xi32>
          %parallel_loop3A_697 = arith.cmpi eq, %iota3A, %parallel_loop3A_696 : vector<16xi32>
          %parallel_loop3A_698 = arith.index_cast %parallel_loop3A_695 : i32 to index
          %parallel_loop3A_699 = arith.constant 0 : index
          %parallel_loop3A_700 = tpu.vector_load %arg12[%parallel_loop3A_698, %parallel_loop3A_699] {strides = array<i32>} : memref<32x128xf32, #tpu.memory_space<vmem>>, vector<16xf32>,
          %parallel_loop3A_701 = arith.index_cast %parallel_loop3A_695 : i32 to index
          %parallel_loop3A_702 = arith.constant 16 : index
          %parallel_loop3A_703 = tpu.vector_load %arg12[%parallel_loop3A_701, %parallel_loop3A_702] {strides = array<i32>} : memref<32x128xf32, #tpu.memory_space<vmem>>, vector<16xf32>,
          %parallel_loop3A_704 = arith.index_cast %parallel_loop3A_695 : i32 to index
          %parallel_loop3A_705 = arith.constant 32 : index
          %parallel_loop3A_706 = tpu.vector_load %arg12[%parallel_loop3A_704, %parallel_loop3A_705] {strides = array<i32>} : memref<32x128xf32, #tpu.memory_space<vmem>>, vector<16xf32>,
          %parallel_loop3A_707 = arith.index_cast %parallel_loop3A_695 : i32 to index
          %parallel_loop3A_708 = arith.constant 48 : index
          %parallel_loop3A_709 = tpu.vector_load %arg12[%parallel_loop3A_707, %parallel_loop3A_708] {strides = array<i32>} : memref<32x128xf32, #tpu.memory_space<vmem>>, vector<16xf32>,
          %parallel_loop3A_710 = arith.index_cast %parallel_loop3A_695 : i32 to index
          %parallel_loop3A_711 = arith.constant 64 : index
          %parallel_loop3A_712 = tpu.vector_load %arg12[%parallel_loop3A_710, %parallel_loop3A_711] {strides = array<i32>} : memref<32x128xf32, #tpu.memory_space<vmem>>, vector<16xf32>,
          %parallel_loop3A_713 = arith.index_cast %parallel_loop3A_695 : i32 to index
          %parallel_loop3A_714 = arith.constant 80 : index
          %parallel_loop3A_715 = tpu.vector_load %arg12[%parallel_loop3A_713, %parallel_loop3A_714] {strides = array<i32>} : memref<32x128xf32, #tpu.memory_space<vmem>>, vector<16xf32>,
          %parallel_loop3A_716 = arith.index_cast %parallel_loop3A_695 : i32 to index
          %parallel_loop3A_717 = arith.constant 96 : index
          %parallel_loop3A_718 = tpu.vector_load %arg12[%parallel_loop3A_716, %parallel_loop3A_717] {strides = array<i32>} : memref<32x128xf32, #tpu.memory_space<vmem>>, vector<16xf32>,
          %parallel_loop3A_719 = arith.index_cast %parallel_loop3A_695 : i32 to index
          %parallel_loop3A_720 = arith.constant 112 : index
          %parallel_loop3A_721 = tpu.vector_load %arg12[%parallel_loop3A_719, %parallel_loop3A_720] {strides = array<i32>} : memref<32x128xf32, #tpu.memory_space<vmem>>, vector<16xf32>,
          %parallel_loop3A_722 = arith.index_cast %parallel_loop3A_695 : i32 to index
          %parallel_loop3A_723 = arith.constant 0 : index
          %parallel_loop3A_724 = tpu.vector_load %arg13[%parallel_loop3A_722, %parallel_loop3A_723] {strides = array<i32>} : memref<32x128xf32, #tpu.memory_space<vmem>>, vector<16xf32>,
          %parallel_loop3A_725 = arith.mulf %parallel_loop3A_700, %parallel_loop3A_724 : vector<16xf32>
          %parallel_loop3A_726 = arith.index_cast %parallel_loop3A_695 : i32 to index
          %parallel_loop3A_727 = arith.constant 16 : index
          %parallel_loop3A_728 = tpu.vector_load %arg13[%parallel_loop3A_726, %parallel_loop3A_727] {strides = array<i32>} : memref<32x128xf32, #tpu.memory_space<vmem>>, vector<16xf32>,
          %parallel_loop3A_729 = arith.mulf %parallel_loop3A_703, %parallel_loop3A_728 : vector<16xf32>
          %parallel_loop3A_730 = arith.addf %parallel_loop3A_725, %parallel_loop3A_729 : vector<16xf32>
          %parallel_loop3A_731 = arith.index_cast %parallel_loop3A_695 : i32 to index
          %parallel_loop3A_732 = arith.constant 32 : index
          %parallel_loop3A_733 = tpu.vector_load %arg13[%parallel_loop3A_731, %parallel_loop3A_732] {strides = array<i32>} : memref<32x128xf32, #tpu.memory_space<vmem>>, vector<16xf32>,
          %parallel_loop3A_734 = arith.mulf %parallel_loop3A_706, %parallel_loop3A_733 : vector<16xf32>
          %parallel_loop3A_735 = arith.addf %parallel_loop3A_730, %parallel_loop3A_734 : vector<16xf32>
          %parallel_loop3A_736 = arith.index_cast %parallel_loop3A_695 : i32 to index
          %parallel_loop3A_737 = arith.constant 48 : index
          %parallel_loop3A_738 = tpu.vector_load %arg13[%parallel_loop3A_736, %parallel_loop3A_737] {strides = array<i32>} : memref<32x128xf32, #tpu.memory_space<vmem>>, vector<16xf32>,
          %parallel_loop3A_739 = arith.mulf %parallel_loop3A_709, %parallel_loop3A_738 : vector<16xf32>
          %parallel_loop3A_740 = arith.addf %parallel_loop3A_735, %parallel_loop3A_739 : vector<16xf32>
          %parallel_loop3A_741 = arith.index_cast %parallel_loop3A_695 : i32 to index
          %parallel_loop3A_742 = arith.constant 64 : index
          %parallel_loop3A_743 = tpu.vector_load %arg13[%parallel_loop3A_741, %parallel_loop3A_742] {strides = array<i32>} : memref<32x128xf32, #tpu.memory_space<vmem>>, vector<16xf32>,
          %parallel_loop3A_744 = arith.mulf %parallel_loop3A_712, %parallel_loop3A_743 : vector<16xf32>
          %parallel_loop3A_745 = arith.addf %parallel_loop3A_740, %parallel_loop3A_744 : vector<16xf32>
          %parallel_loop3A_746 = arith.index_cast %parallel_loop3A_695 : i32 to index
          %parallel_loop3A_747 = arith.constant 80 : index
          %parallel_loop3A_748 = tpu.vector_load %arg13[%parallel_loop3A_746, %parallel_loop3A_747] {strides = array<i32>} : memref<32x128xf32, #tpu.memory_space<vmem>>, vector<16xf32>,
          %parallel_loop3A_749 = arith.mulf %parallel_loop3A_715, %parallel_loop3A_748 : vector<16xf32>
          %parallel_loop3A_750 = arith.addf %parallel_loop3A_745, %parallel_loop3A_749 : vector<16xf32>
          %parallel_loop3A_751 = arith.index_cast %parallel_loop3A_695 : i32 to index
          %parallel_loop3A_752 = arith.constant 96 : index
          %parallel_loop3A_753 = tpu.vector_load %arg13[%parallel_loop3A_751, %parallel_loop3A_752] {strides = array<i32>} : memref<32x128xf32, #tpu.memory_space<vmem>>, vector<16xf32>,
          %parallel_loop3A_754 = arith.mulf %parallel_loop3A_718, %parallel_loop3A_753 : vector<16xf32>
          %parallel_loop3A_755 = arith.addf %parallel_loop3A_750, %parallel_loop3A_754 : vector<16xf32>
          %parallel_loop3A_756 = arith.index_cast %parallel_loop3A_695 : i32 to index
          %parallel_loop3A_757 = arith.constant 112 : index
          %parallel_loop3A_758 = tpu.vector_load %arg13[%parallel_loop3A_756, %parallel_loop3A_757] {strides = array<i32>} : memref<32x128xf32, #tpu.memory_space<vmem>>, vector<16xf32>,
          %parallel_loop3A_759 = arith.mulf %parallel_loop3A_721, %parallel_loop3A_758 : vector<16xf32>
          %parallel_loop3A_760 = arith.addf %parallel_loop3A_755, %parallel_loop3A_759 : vector<16xf32>
          %parallel_loop3A_761 = arith.constant true
          %parallel_loop3A_762 = vector.broadcast %parallel_loop3A_761 : i1 to vector<16xi1>
          %parallel_loop3A_763 = tpu.scan <sum>, %parallel_loop3A_760 masked %parallel_loop3A_762 : vector<16xf32>, vector<16xi1> -> vector<16xf32>
          %parallel_loop3A_764 = vector.extract %parallel_loop3A_763[15] : f32 from vector<16xf32>
          %parallel_loop3A_765 = vector.broadcast %parallel_loop3A_764 : f32 to vector<16xf32>
          %parallel_loop3A_766 = arith.select %parallel_loop3A_697, %parallel_loop3A_765, %scan3A_687 : vector<16xi1>, vector<16xf32>
          %parallel_loop3A_767 = arith.constant 0 : i32
          %parallel_loop3A_768 = arith.index_cast %parallel_loop3A_767 : i32 to index
          %parallel_loop3A_769 = arith.index_cast %parallel_loop3A_695 : i32 to index
          %parallel_loop3A_770 = arith.constant 0 : index
          %parallel_loop3A_771 = tpu.vector_load %arg14[%parallel_loop3A_768, %parallel_loop3A_769, %parallel_loop3A_770] {strides = array<i32>} : memref<5x32x128xf32, #tpu.memory_space<vmem>>, vector<16xf32>,
          %parallel_loop3A_772 = arith.mulf %parallel_loop3A_700, %parallel_loop3A_771 : vector<16xf32>
          %parallel_loop3A_773 = arith.constant 0 : i32
          %parallel_loop3A_774 = arith.index_cast %parallel_loop3A_773 : i32 to index
          %parallel_loop3A_775 = arith.index_cast %parallel_loop3A_695 : i32 to index
          %parallel_loop3A_776 = arith.constant 16 : index
          %parallel_loop3A_777 = tpu.vector_load %arg14[%parallel_loop3A_774, %parallel_loop3A_775, %parallel_loop3A_776] {strides = array<i32>} : memref<5x32x128xf32, #tpu.memory_space<vmem>>, vector<16xf32>,
          %parallel_loop3A_778 = arith.mulf %parallel_loop3A_703, %parallel_loop3A_777 : vector<16xf32>
          %parallel_loop3A_779 = arith.addf %parallel_loop3A_772, %parallel_loop3A_778 : vector<16xf32>
          %parallel_loop3A_780 = arith.constant 0 : i32
          %parallel_loop3A_781 = arith.index_cast %parallel_loop3A_780 : i32 to index
          %parallel_loop3A_782 = arith.index_cast %parallel_loop3A_695 : i32 to index
          %parallel_loop3A_783 = arith.constant 32 : index
          %parallel_loop3A_784 = tpu.vector_load %arg14[%parallel_loop3A_781, %parallel_loop3A_782, %parallel_loop3A_783] {strides = array<i32>} : memref<5x32x128xf32, #tpu.memory_space<vmem>>, vector<16xf32>,
          %parallel_loop3A_785 = arith.mulf %parallel_loop3A_706, %parallel_loop3A_784 : vector<16xf32>
          %parallel_loop3A_786 = arith.addf %parallel_loop3A_779, %parallel_loop3A_785 : vector<16xf32>
          %parallel_loop3A_787 = arith.constant 0 : i32
          %parallel_loop3A_788 = arith.index_cast %parallel_loop3A_787 : i32 to index
          %parallel_loop3A_789 = arith.index_cast %parallel_loop3A_695 : i32 to index
          %parallel_loop3A_790 = arith.constant 48 : index
          %parallel_loop3A_791 = tpu.vector_load %arg14[%parallel_loop3A_788, %parallel_loop3A_789, %parallel_loop3A_790] {strides = array<i32>} : memref<5x32x128xf32, #tpu.memory_space<vmem>>, vector<16xf32>,
          %parallel_loop3A_792 = arith.mulf %parallel_loop3A_709, %parallel_loop3A_791 : vector<16xf32>
          %parallel_loop3A_793 = arith.addf %parallel_loop3A_786, %parallel_loop3A_792 : vector<16xf32>
          %parallel_loop3A_794 = arith.constant 0 : i32
          %parallel_loop3A_795 = arith.index_cast %parallel_loop3A_794 : i32 to index
          %parallel_loop3A_796 = arith.index_cast %parallel_loop3A_695 : i32 to index
          %parallel_loop3A_797 = arith.constant 64 : index
          %parallel_loop3A_798 = tpu.vector_load %arg14[%parallel_loop3A_795, %parallel_loop3A_796, %parallel_loop3A_797] {strides = array<i32>} : memref<5x32x128xf32, #tpu.memory_space<vmem>>, vector<16xf32>,
          %parallel_loop3A_799 = arith.mulf %parallel_loop3A_712, %parallel_loop3A_798 : vector<16xf32>
          %parallel_loop3A_800 = arith.addf %parallel_loop3A_793, %parallel_loop3A_799 : vector<16xf32>
          %parallel_loop3A_801 = arith.constant 0 : i32
          %parallel_loop3A_802 = arith.index_cast %parallel_loop3A_801 : i32 to index
          %parallel_loop3A_803 = arith.index_cast %parallel_loop3A_695 : i32 to index
          %parallel_loop3A_804 = arith.constant 80 : index
          %parallel_loop3A_805 = tpu.vector_load %arg14[%parallel_loop3A_802, %parallel_loop3A_803, %parallel_loop3A_804] {strides = array<i32>} : memref<5x32x128xf32, #tpu.memory_space<vmem>>, vector<16xf32>,
          %parallel_loop3A_806 = arith.mulf %parallel_loop3A_715, %parallel_loop3A_805 : vector<16xf32>
          %parallel_loop3A_807 = arith.addf %parallel_loop3A_800, %parallel_loop3A_806 : vector<16xf32>
          %parallel_loop3A_808 = arith.constant 0 : i32
          %parallel_loop3A_809 = arith.index_cast %parallel_loop3A_808 : i32 to index
          %parallel_loop3A_810 = arith.index_cast %parallel_loop3A_695 : i32 to index
          %parallel_loop3A_811 = arith.constant 96 : index
          %parallel_loop3A_812 = tpu.vector_load %arg14[%parallel_loop3A_809, %parallel_loop3A_810, %parallel_loop3A_811] {strides = array<i32>} : memref<5x32x128xf32, #tpu.memory_space<vmem>>, vector<16xf32>,
          %parallel_loop3A_813 = arith.mulf %parallel_loop3A_718, %parallel_loop3A_812 : vector<16xf32>
          %parallel_loop3A_814 = arith.addf %parallel_loop3A_807, %parallel_loop3A_813 : vector<16xf32>
          %parallel_loop3A_815 = arith.constant 0 : i32
          %parallel_loop3A_816 = arith.index_cast %parallel_loop3A_815 : i32 to index
          %parallel_loop3A_817 = arith.index_cast %parallel_loop3A_695 : i32 to index
          %parallel_loop3A_818 = arith.constant 112 : index
          %parallel_loop3A_819 = tpu.vector_load %arg14[%parallel_loop3A_816, %parallel_loop3A_817, %parallel_loop3A_818] {strides = array<i32>} : memref<5x32x128xf32, #tpu.memory_space<vmem>>, vector<16xf32>,
          %parallel_loop3A_820 = arith.mulf %parallel_loop3A_721, %parallel_loop3A_819 : vector<16xf32>
          %parallel_loop3A_821 = arith.addf %parallel_loop3A_814, %parallel_loop3A_820 : vector<16xf32>
          %parallel_loop3A_822 = arith.constant true
          %parallel_loop3A_823 = vector.broadcast %parallel_loop3A_822 : i1 to vector<16xi1>
          %parallel_loop3A_824 = tpu.scan <sum>, %parallel_loop3A_821 masked %parallel_loop3A_823 : vector<16xf32>, vector<16xi1> -> vector<16xf32>
          %parallel_loop3A_825 = vector.extract %parallel_loop3A_824[15] : f32 from vector<16xf32>
          %parallel_loop3A_826 = vector.broadcast %parallel_loop3A_825 : f32 to vector<16xf32>
          %parallel_loop3A_827 = arith.select %parallel_loop3A_697, %parallel_loop3A_826, %scan3A_688 : vector<16xi1>, vector<16xf32>
          %parallel_loop3A_828 = arith.constant 1 : i32
          %parallel_loop3A_829 = arith.index_cast %parallel_loop3A_828 : i32 to index
          %parallel_loop3A_830 = arith.index_cast %parallel_loop3A_695 : i32 to index
          %parallel_loop3A_831 = arith.constant 0 : index
          %parallel_loop3A_832 = tpu.vector_load %arg14[%parallel_loop3A_829, %parallel_loop3A_830, %parallel_loop3A_831] {strides = array<i32>} : memref<5x32x128xf32, #tpu.memory_space<vmem>>, vector<16xf32>,
          %parallel_loop3A_833 = arith.mulf %parallel_loop3A_700, %parallel_loop3A_832 : vector<16xf32>
          %parallel_loop3A_834 = arith.constant 1 : i32
          %parallel_loop3A_835 = arith.index_cast %parallel_loop3A_834 : i32 to index
          %parallel_loop3A_836 = arith.index_cast %parallel_loop3A_695 : i32 to index
          %parallel_loop3A_837 = arith.constant 16 : index
          %parallel_loop3A_838 = tpu.vector_load %arg14[%parallel_loop3A_835, %parallel_loop3A_836, %parallel_loop3A_837] {strides = array<i32>} : memref<5x32x128xf32, #tpu.memory_space<vmem>>, vector<16xf32>,
          %parallel_loop3A_839 = arith.mulf %parallel_loop3A_703, %parallel_loop3A_838 : vector<16xf32>
          %parallel_loop3A_840 = arith.addf %parallel_loop3A_833, %parallel_loop3A_839 : vector<16xf32>
          %parallel_loop3A_841 = arith.constant 1 : i32
          %parallel_loop3A_842 = arith.index_cast %parallel_loop3A_841 : i32 to index
          %parallel_loop3A_843 = arith.index_cast %parallel_loop3A_695 : i32 to index
          %parallel_loop3A_844 = arith.constant 32 : index
          %parallel_loop3A_845 = tpu.vector_load %arg14[%parallel_loop3A_842, %parallel_loop3A_843, %parallel_loop3A_844] {strides = array<i32>} : memref<5x32x128xf32, #tpu.memory_space<vmem>>, vector<16xf32>,
          %parallel_loop3A_846 = arith.mulf %parallel_loop3A_706, %parallel_loop3A_845 : vector<16xf32>
          %parallel_loop3A_847 = arith.addf %parallel_loop3A_840, %parallel_loop3A_846 : vector<16xf32>
          %parallel_loop3A_848 = arith.constant 1 : i32
          %parallel_loop3A_849 = arith.index_cast %parallel_loop3A_848 : i32 to index
          %parallel_loop3A_850 = arith.index_cast %parallel_loop3A_695 : i32 to index
          %parallel_loop3A_851 = arith.constant 48 : index
          %parallel_loop3A_852 = tpu.vector_load %arg14[%parallel_loop3A_849, %parallel_loop3A_850, %parallel_loop3A_851] {strides = array<i32>} : memref<5x32x128xf32, #tpu.memory_space<vmem>>, vector<16xf32>,
          %parallel_loop3A_853 = arith.mulf %parallel_loop3A_709, %parallel_loop3A_852 : vector<16xf32>
          %parallel_loop3A_854 = arith.addf %parallel_loop3A_847, %parallel_loop3A_853 : vector<16xf32>
          %parallel_loop3A_855 = arith.constant 1 : i32
          %parallel_loop3A_856 = arith.index_cast %parallel_loop3A_855 : i32 to index
          %parallel_loop3A_857 = arith.index_cast %parallel_loop3A_695 : i32 to index
          %parallel_loop3A_858 = arith.constant 64 : index
          %parallel_loop3A_859 = tpu.vector_load %arg14[%parallel_loop3A_856, %parallel_loop3A_857, %parallel_loop3A_858] {strides = array<i32>} : memref<5x32x128xf32, #tpu.memory_space<vmem>>, vector<16xf32>,
          %parallel_loop3A_860 = arith.mulf %parallel_loop3A_712, %parallel_loop3A_859 : vector<16xf32>
          %parallel_loop3A_861 = arith.addf %parallel_loop3A_854, %parallel_loop3A_860 : vector<16xf32>
          %parallel_loop3A_862 = arith.constant 1 : i32
          %parallel_loop3A_863 = arith.index_cast %parallel_loop3A_862 : i32 to index
          %parallel_loop3A_864 = arith.index_cast %parallel_loop3A_695 : i32 to index
          %parallel_loop3A_865 = arith.constant 80 : index
          %parallel_loop3A_866 = tpu.vector_load %arg14[%parallel_loop3A_863, %parallel_loop3A_864, %parallel_loop3A_865] {strides = array<i32>} : memref<5x32x128xf32, #tpu.memory_space<vmem>>, vector<16xf32>,
          %parallel_loop3A_867 = arith.mulf %parallel_loop3A_715, %parallel_loop3A_866 : vector<16xf32>
          %parallel_loop3A_868 = arith.addf %parallel_loop3A_861, %parallel_loop3A_867 : vector<16xf32>
          %parallel_loop3A_869 = arith.constant 1 : i32
          %parallel_loop3A_870 = arith.index_cast %parallel_loop3A_869 : i32 to index
          %parallel_loop3A_871 = arith.index_cast %parallel_loop3A_695 : i32 to index
          %parallel_loop3A_872 = arith.constant 96 : index
          %parallel_loop3A_873 = tpu.vector_load %arg14[%parallel_loop3A_870, %parallel_loop3A_871, %parallel_loop3A_872] {strides = array<i32>} : memref<5x32x128xf32, #tpu.memory_space<vmem>>, vector<16xf32>,
          %parallel_loop3A_874 = arith.mulf %parallel_loop3A_718, %parallel_loop3A_873 : vector<16xf32>
          %parallel_loop3A_875 = arith.addf %parallel_loop3A_868, %parallel_loop3A_874 : vector<16xf32>
          %parallel_loop3A_876 = arith.constant 1 : i32
          %parallel_loop3A_877 = arith.index_cast %parallel_loop3A_876 : i32 to index
          %parallel_loop3A_878 = arith.index_cast %parallel_loop3A_695 : i32 to index
          %parallel_loop3A_879 = arith.constant 112 : index
          %parallel_loop3A_880 = tpu.vector_load %arg14[%parallel_loop3A_877, %parallel_loop3A_878, %parallel_loop3A_879] {strides = array<i32>} : memref<5x32x128xf32, #tpu.memory_space<vmem>>, vector<16xf32>,
          %parallel_loop3A_881 = arith.mulf %parallel_loop3A_721, %parallel_loop3A_880 : vector<16xf32>
          %parallel_loop3A_882 = arith.addf %parallel_loop3A_875, %parallel_loop3A_881 : vector<16xf32>
          %parallel_loop3A_883 = arith.constant true
          %parallel_loop3A_884 = vector.broadcast %parallel_loop3A_883 : i1 to vector<16xi1>
          %parallel_loop3A_885 = tpu.scan <sum>, %parallel_loop3A_882 masked %parallel_loop3A_884 : vector<16xf32>, vector<16xi1> -> vector<16xf32>
          %parallel_loop3A_886 = vector.extract %parallel_loop3A_885[15] : f32 from vector<16xf32>
          %parallel_loop3A_887 = vector.broadcast %parallel_loop3A_886 : f32 to vector<16xf32>
          %parallel_loop3A_888 = arith.select %parallel_loop3A_697, %parallel_loop3A_887, %scan3A_689 : vector<16xi1>, vector<16xf32>
          %parallel_loop3A_889 = arith.constant 2 : i32
          %parallel_loop3A_890 = arith.index_cast %parallel_loop3A_889 : i32 to index
          %parallel_loop3A_891 = arith.index_cast %parallel_loop3A_695 : i32 to index
          %parallel_loop3A_892 = arith.constant 0 : index
          %parallel_loop3A_893 = tpu.vector_load %arg14[%parallel_loop3A_890, %parallel_loop3A_891, %parallel_loop3A_892] {strides = array<i32>} : memref<5x32x128xf32, #tpu.memory_space<vmem>>, vector<16xf32>,
          %parallel_loop3A_894 = arith.mulf %parallel_loop3A_700, %parallel_loop3A_893 : vector<16xf32>
          %parallel_loop3A_895 = arith.constant 2 : i32
          %parallel_loop3A_896 = arith.index_cast %parallel_loop3A_895 : i32 to index
          %parallel_loop3A_897 = arith.index_cast %parallel_loop3A_695 : i32 to index
          %parallel_loop3A_898 = arith.constant 16 : index
          %parallel_loop3A_899 = tpu.vector_load %arg14[%parallel_loop3A_896, %parallel_loop3A_897, %parallel_loop3A_898] {strides = array<i32>} : memref<5x32x128xf32, #tpu.memory_space<vmem>>, vector<16xf32>,
          %parallel_loop3A_900 = arith.mulf %parallel_loop3A_703, %parallel_loop3A_899 : vector<16xf32>
          %parallel_loop3A_901 = arith.addf %parallel_loop3A_894, %parallel_loop3A_900 : vector<16xf32>
          %parallel_loop3A_902 = arith.constant 2 : i32
          %parallel_loop3A_903 = arith.index_cast %parallel_loop3A_902 : i32 to index
          %parallel_loop3A_904 = arith.index_cast %parallel_loop3A_695 : i32 to index
          %parallel_loop3A_905 = arith.constant 32 : index
          %parallel_loop3A_906 = tpu.vector_load %arg14[%parallel_loop3A_903, %parallel_loop3A_904, %parallel_loop3A_905] {strides = array<i32>} : memref<5x32x128xf32, #tpu.memory_space<vmem>>, vector<16xf32>,
          %parallel_loop3A_907 = arith.mulf %parallel_loop3A_706, %parallel_loop3A_906 : vector<16xf32>
          %parallel_loop3A_908 = arith.addf %parallel_loop3A_901, %parallel_loop3A_907 : vector<16xf32>
          %parallel_loop3A_909 = arith.constant 2 : i32
          %parallel_loop3A_910 = arith.index_cast %parallel_loop3A_909 : i32 to index
          %parallel_loop3A_911 = arith.index_cast %parallel_loop3A_695 : i32 to index
          %parallel_loop3A_912 = arith.constant 48 : index
          %parallel_loop3A_913 = tpu.vector_load %arg14[%parallel_loop3A_910, %parallel_loop3A_911, %parallel_loop3A_912] {strides = array<i32>} : memref<5x32x128xf32, #tpu.memory_space<vmem>>, vector<16xf32>,
          %parallel_loop3A_914 = arith.mulf %parallel_loop3A_709, %parallel_loop3A_913 : vector<16xf32>
          %parallel_loop3A_915 = arith.addf %parallel_loop3A_908, %parallel_loop3A_914 : vector<16xf32>
          %parallel_loop3A_916 = arith.constant 2 : i32
          %parallel_loop3A_917 = arith.index_cast %parallel_loop3A_916 : i32 to index
          %parallel_loop3A_918 = arith.index_cast %parallel_loop3A_695 : i32 to index
          %parallel_loop3A_919 = arith.constant 64 : index
          %parallel_loop3A_920 = tpu.vector_load %arg14[%parallel_loop3A_917, %parallel_loop3A_918, %parallel_loop3A_919] {strides = array<i32>} : memref<5x32x128xf32, #tpu.memory_space<vmem>>, vector<16xf32>,
          %parallel_loop3A_921 = arith.mulf %parallel_loop3A_712, %parallel_loop3A_920 : vector<16xf32>
          %parallel_loop3A_922 = arith.addf %parallel_loop3A_915, %parallel_loop3A_921 : vector<16xf32>
          %parallel_loop3A_923 = arith.constant 2 : i32
          %parallel_loop3A_924 = arith.index_cast %parallel_loop3A_923 : i32 to index
          %parallel_loop3A_925 = arith.index_cast %parallel_loop3A_695 : i32 to index
          %parallel_loop3A_926 = arith.constant 80 : index
          %parallel_loop3A_927 = tpu.vector_load %arg14[%parallel_loop3A_924, %parallel_loop3A_925, %parallel_loop3A_926] {strides = array<i32>} : memref<5x32x128xf32, #tpu.memory_space<vmem>>, vector<16xf32>,
          %parallel_loop3A_928 = arith.mulf %parallel_loop3A_715, %parallel_loop3A_927 : vector<16xf32>
          %parallel_loop3A_929 = arith.addf %parallel_loop3A_922, %parallel_loop3A_928 : vector<16xf32>
          %parallel_loop3A_930 = arith.constant 2 : i32
          %parallel_loop3A_931 = arith.index_cast %parallel_loop3A_930 : i32 to index
          %parallel_loop3A_932 = arith.index_cast %parallel_loop3A_695 : i32 to index
          %parallel_loop3A_933 = arith.constant 96 : index
          %parallel_loop3A_934 = tpu.vector_load %arg14[%parallel_loop3A_931, %parallel_loop3A_932, %parallel_loop3A_933] {strides = array<i32>} : memref<5x32x128xf32, #tpu.memory_space<vmem>>, vector<16xf32>,
          %parallel_loop3A_935 = arith.mulf %parallel_loop3A_718, %parallel_loop3A_934 : vector<16xf32>
          %parallel_loop3A_936 = arith.addf %parallel_loop3A_929, %parallel_loop3A_935 : vector<16xf32>
          %parallel_loop3A_937 = arith.constant 2 : i32
          %parallel_loop3A_938 = arith.index_cast %parallel_loop3A_937 : i32 to index
          %parallel_loop3A_939 = arith.index_cast %parallel_loop3A_695 : i32 to index
          %parallel_loop3A_940 = arith.constant 112 : index
          %parallel_loop3A_941 = tpu.vector_load %arg14[%parallel_loop3A_938, %parallel_loop3A_939, %parallel_loop3A_940] {strides = array<i32>} : memref<5x32x128xf32, #tpu.memory_space<vmem>>, vector<16xf32>,
          %parallel_loop3A_942 = arith.mulf %parallel_loop3A_721, %parallel_loop3A_941 : vector<16xf32>
          %parallel_loop3A_943 = arith.addf %parallel_loop3A_936, %parallel_loop3A_942 : vector<16xf32>
          %parallel_loop3A_944 = arith.constant true
          %parallel_loop3A_945 = vector.broadcast %parallel_loop3A_944 : i1 to vector<16xi1>
          %parallel_loop3A_946 = tpu.scan <sum>, %parallel_loop3A_943 masked %parallel_loop3A_945 : vector<16xf32>, vector<16xi1> -> vector<16xf32>
          %parallel_loop3A_947 = vector.extract %parallel_loop3A_946[15] : f32 from vector<16xf32>
          %parallel_loop3A_948 = vector.broadcast %parallel_loop3A_947 : f32 to vector<16xf32>
          %parallel_loop3A_949 = arith.select %parallel_loop3A_697, %parallel_loop3A_948, %scan3A_690 : vector<16xi1>, vector<16xf32>
          %parallel_loop3A_950 = arith.constant 3 : i32
          %parallel_loop3A_951 = arith.index_cast %parallel_loop3A_950 : i32 to index
          %parallel_loop3A_952 = arith.index_cast %parallel_loop3A_695 : i32 to index
          %parallel_loop3A_953 = arith.constant 0 : index
          %parallel_loop3A_954 = tpu.vector_load %arg14[%parallel_loop3A_951, %parallel_loop3A_952, %parallel_loop3A_953] {strides = array<i32>} : memref<5x32x128xf32, #tpu.memory_space<vmem>>, vector<16xf32>,
          %parallel_loop3A_955 = arith.mulf %parallel_loop3A_700, %parallel_loop3A_954 : vector<16xf32>
          %parallel_loop3A_956 = arith.constant 3 : i32
          %parallel_loop3A_957 = arith.index_cast %parallel_loop3A_956 : i32 to index
          %parallel_loop3A_958 = arith.index_cast %parallel_loop3A_695 : i32 to index
          %parallel_loop3A_959 = arith.constant 16 : index
          %parallel_loop3A_960 = tpu.vector_load %arg14[%parallel_loop3A_957, %parallel_loop3A_958, %parallel_loop3A_959] {strides = array<i32>} : memref<5x32x128xf32, #tpu.memory_space<vmem>>, vector<16xf32>,
          %parallel_loop3A_961 = arith.mulf %parallel_loop3A_703, %parallel_loop3A_960 : vector<16xf32>
          %parallel_loop3A_962 = arith.addf %parallel_loop3A_955, %parallel_loop3A_961 : vector<16xf32>
          %parallel_loop3A_963 = arith.constant 3 : i32
          %parallel_loop3A_964 = arith.index_cast %parallel_loop3A_963 : i32 to index
          %parallel_loop3A_965 = arith.index_cast %parallel_loop3A_695 : i32 to index
          %parallel_loop3A_966 = arith.constant 32 : index
          %parallel_loop3A_967 = tpu.vector_load %arg14[%parallel_loop3A_964, %parallel_loop3A_965, %parallel_loop3A_966] {strides = array<i32>} : memref<5x32x128xf32, #tpu.memory_space<vmem>>, vector<16xf32>,
          %parallel_loop3A_968 = arith.mulf %parallel_loop3A_706, %parallel_loop3A_967 : vector<16xf32>
          %parallel_loop3A_969 = arith.addf %parallel_loop3A_962, %parallel_loop3A_968 : vector<16xf32>
          %parallel_loop3A_970 = arith.constant 3 : i32
          %parallel_loop3A_971 = arith.index_cast %parallel_loop3A_970 : i32 to index
          %parallel_loop3A_972 = arith.index_cast %parallel_loop3A_695 : i32 to index
          %parallel_loop3A_973 = arith.constant 48 : index
          %parallel_loop3A_974 = tpu.vector_load %arg14[%parallel_loop3A_971, %parallel_loop3A_972, %parallel_loop3A_973] {strides = array<i32>} : memref<5x32x128xf32, #tpu.memory_space<vmem>>, vector<16xf32>,
          %parallel_loop3A_975 = arith.mulf %parallel_loop3A_709, %parallel_loop3A_974 : vector<16xf32>
          %parallel_loop3A_976 = arith.addf %parallel_loop3A_969, %parallel_loop3A_975 : vector<16xf32>
          %parallel_loop3A_977 = arith.constant 3 : i32
          %parallel_loop3A_978 = arith.index_cast %parallel_loop3A_977 : i32 to index
          %parallel_loop3A_979 = arith.index_cast %parallel_loop3A_695 : i32 to index
          %parallel_loop3A_980 = arith.constant 64 : index
          %parallel_loop3A_981 = tpu.vector_load %arg14[%parallel_loop3A_978, %parallel_loop3A_979, %parallel_loop3A_980] {strides = array<i32>} : memref<5x32x128xf32, #tpu.memory_space<vmem>>, vector<16xf32>,
          %parallel_loop3A_982 = arith.mulf %parallel_loop3A_712, %parallel_loop3A_981 : vector<16xf32>
          %parallel_loop3A_983 = arith.addf %parallel_loop3A_976, %parallel_loop3A_982 : vector<16xf32>
          %parallel_loop3A_984 = arith.constant 3 : i32
          %parallel_loop3A_985 = arith.index_cast %parallel_loop3A_984 : i32 to index
          %parallel_loop3A_986 = arith.index_cast %parallel_loop3A_695 : i32 to index
          %parallel_loop3A_987 = arith.constant 80 : index
          %parallel_loop3A_988 = tpu.vector_load %arg14[%parallel_loop3A_985, %parallel_loop3A_986, %parallel_loop3A_987] {strides = array<i32>} : memref<5x32x128xf32, #tpu.memory_space<vmem>>, vector<16xf32>,
          %parallel_loop3A_989 = arith.mulf %parallel_loop3A_715, %parallel_loop3A_988 : vector<16xf32>
          %parallel_loop3A_990 = arith.addf %parallel_loop3A_983, %parallel_loop3A_989 : vector<16xf32>
          %parallel_loop3A_991 = arith.constant 3 : i32
          %parallel_loop3A_992 = arith.index_cast %parallel_loop3A_991 : i32 to index
          %parallel_loop3A_993 = arith.index_cast %parallel_loop3A_695 : i32 to index
          %parallel_loop3A_994 = arith.constant 96 : index
          %parallel_loop3A_995 = tpu.vector_load %arg14[%parallel_loop3A_992, %parallel_loop3A_993, %parallel_loop3A_994] {strides = array<i32>} : memref<5x32x128xf32, #tpu.memory_space<vmem>>, vector<16xf32>,
          %parallel_loop3A_996 = arith.mulf %parallel_loop3A_718, %parallel_loop3A_995 : vector<16xf32>
          %parallel_loop3A_997 = arith.addf %parallel_loop3A_990, %parallel_loop3A_996 : vector<16xf32>
          %parallel_loop3A_998 = arith.constant 3 : i32
          %parallel_loop3A_999 = arith.index_cast %parallel_loop3A_998 : i32 to index
          %parallel_loop3A_1000 = arith.index_cast %parallel_loop3A_695 : i32 to index
          %parallel_loop3A_1001 = arith.constant 112 : index
          %parallel_loop3A_1002 = tpu.vector_load %arg14[%parallel_loop3A_999, %parallel_loop3A_1000, %parallel_loop3A_1001] {strides = array<i32>} : memref<5x32x128xf32, #tpu.memory_space<vmem>>, vector<16xf32>,
          %parallel_loop3A_1003 = arith.mulf %parallel_loop3A_721, %parallel_loop3A_1002 : vector<16xf32>
          %parallel_loop3A_1004 = arith.addf %parallel_loop3A_997, %parallel_loop3A_1003 : vector<16xf32>
          %parallel_loop3A_1005 = arith.constant true
          %parallel_loop3A_1006 = vector.broadcast %parallel_loop3A_1005 : i1 to vector<16xi1>
          %parallel_loop3A_1007 = tpu.scan <sum>, %parallel_loop3A_1004 masked %parallel_loop3A_1006 : vector<16xf32>, vector<16xi1> -> vector<16xf32>
          %parallel_loop3A_1008 = vector.extract %parallel_loop3A_1007[15] : f32 from vector<16xf32>
          %parallel_loop3A_1009 = vector.broadcast %parallel_loop3A_1008 : f32 to vector<16xf32>
          %parallel_loop3A_1010 = arith.select %parallel_loop3A_697, %parallel_loop3A_1009, %scan3A_691 : vector<16xi1>, vector<16xf32>
          %parallel_loop3A_1011 = arith.constant 4 : i32
          %parallel_loop3A_1012 = arith.index_cast %parallel_loop3A_1011 : i32 to index
          %parallel_loop3A_1013 = arith.index_cast %parallel_loop3A_695 : i32 to index
          %parallel_loop3A_1014 = arith.constant 0 : index
          %parallel_loop3A_1015 = tpu.vector_load %arg14[%parallel_loop3A_1012, %parallel_loop3A_1013, %parallel_loop3A_1014] {strides = array<i32>} : memref<5x32x128xf32, #tpu.memory_space<vmem>>, vector<16xf32>,
          %parallel_loop3A_1016 = arith.mulf %parallel_loop3A_700, %parallel_loop3A_1015 : vector<16xf32>
          %parallel_loop3A_1017 = arith.constant 4 : i32
          %parallel_loop3A_1018 = arith.index_cast %parallel_loop3A_1017 : i32 to index
          %parallel_loop3A_1019 = arith.index_cast %parallel_loop3A_695 : i32 to index
          %parallel_loop3A_1020 = arith.constant 16 : index
          %parallel_loop3A_1021 = tpu.vector_load %arg14[%parallel_loop3A_1018, %parallel_loop3A_1019, %parallel_loop3A_1020] {strides = array<i32>} : memref<5x32x128xf32, #tpu.memory_space<vmem>>, vector<16xf32>,
          %parallel_loop3A_1022 = arith.mulf %parallel_loop3A_703, %parallel_loop3A_1021 : vector<16xf32>
          %parallel_loop3A_1023 = arith.addf %parallel_loop3A_1016, %parallel_loop3A_1022 : vector<16xf32>
          %parallel_loop3A_1024 = arith.constant 4 : i32
          %parallel_loop3A_1025 = arith.index_cast %parallel_loop3A_1024 : i32 to index
          %parallel_loop3A_1026 = arith.index_cast %parallel_loop3A_695 : i32 to index
          %parallel_loop3A_1027 = arith.constant 32 : index
          %parallel_loop3A_1028 = tpu.vector_load %arg14[%parallel_loop3A_1025, %parallel_loop3A_1026, %parallel_loop3A_1027] {strides = array<i32>} : memref<5x32x128xf32, #tpu.memory_space<vmem>>, vector<16xf32>,
          %parallel_loop3A_1029 = arith.mulf %parallel_loop3A_706, %parallel_loop3A_1028 : vector<16xf32>
          %parallel_loop3A_1030 = arith.addf %parallel_loop3A_1023, %parallel_loop3A_1029 : vector<16xf32>
          %parallel_loop3A_1031 = arith.constant 4 : i32
          %parallel_loop3A_1032 = arith.index_cast %parallel_loop3A_1031 : i32 to index
          %parallel_loop3A_1033 = arith.index_cast %parallel_loop3A_695 : i32 to index
          %parallel_loop3A_1034 = arith.constant 48 : index
          %parallel_loop3A_1035 = tpu.vector_load %arg14[%parallel_loop3A_1032, %parallel_loop3A_1033, %parallel_loop3A_1034] {strides = array<i32>} : memref<5x32x128xf32, #tpu.memory_space<vmem>>, vector<16xf32>,
          %parallel_loop3A_1036 = arith.mulf %parallel_loop3A_709, %parallel_loop3A_1035 : vector<16xf32>
          %parallel_loop3A_1037 = arith.addf %parallel_loop3A_1030, %parallel_loop3A_1036 : vector<16xf32>
          %parallel_loop3A_1038 = arith.constant 4 : i32
          %parallel_loop3A_1039 = arith.index_cast %parallel_loop3A_1038 : i32 to index
          %parallel_loop3A_1040 = arith.index_cast %parallel_loop3A_695 : i32 to index
          %parallel_loop3A_1041 = arith.constant 64 : index
          %parallel_loop3A_1042 = tpu.vector_load %arg14[%parallel_loop3A_1039, %parallel_loop3A_1040, %parallel_loop3A_1041] {strides = array<i32>} : memref<5x32x128xf32, #tpu.memory_space<vmem>>, vector<16xf32>,
          %parallel_loop3A_1043 = arith.mulf %parallel_loop3A_712, %parallel_loop3A_1042 : vector<16xf32>
          %parallel_loop3A_1044 = arith.addf %parallel_loop3A_1037, %parallel_loop3A_1043 : vector<16xf32>
          %parallel_loop3A_1045 = arith.constant 4 : i32
          %parallel_loop3A_1046 = arith.index_cast %parallel_loop3A_1045 : i32 to index
          %parallel_loop3A_1047 = arith.index_cast %parallel_loop3A_695 : i32 to index
          %parallel_loop3A_1048 = arith.constant 80 : index
          %parallel_loop3A_1049 = tpu.vector_load %arg14[%parallel_loop3A_1046, %parallel_loop3A_1047, %parallel_loop3A_1048] {strides = array<i32>} : memref<5x32x128xf32, #tpu.memory_space<vmem>>, vector<16xf32>,
          %parallel_loop3A_1050 = arith.mulf %parallel_loop3A_715, %parallel_loop3A_1049 : vector<16xf32>
          %parallel_loop3A_1051 = arith.addf %parallel_loop3A_1044, %parallel_loop3A_1050 : vector<16xf32>
          %parallel_loop3A_1052 = arith.constant 4 : i32
          %parallel_loop3A_1053 = arith.index_cast %parallel_loop3A_1052 : i32 to index
          %parallel_loop3A_1054 = arith.index_cast %parallel_loop3A_695 : i32 to index
          %parallel_loop3A_1055 = arith.constant 96 : index
          %parallel_loop3A_1056 = tpu.vector_load %arg14[%parallel_loop3A_1053, %parallel_loop3A_1054, %parallel_loop3A_1055] {strides = array<i32>} : memref<5x32x128xf32, #tpu.memory_space<vmem>>, vector<16xf32>,
          %parallel_loop3A_1057 = arith.mulf %parallel_loop3A_718, %parallel_loop3A_1056 : vector<16xf32>
          %parallel_loop3A_1058 = arith.addf %parallel_loop3A_1051, %parallel_loop3A_1057 : vector<16xf32>
          %parallel_loop3A_1059 = arith.constant 4 : i32
          %parallel_loop3A_1060 = arith.index_cast %parallel_loop3A_1059 : i32 to index
          %parallel_loop3A_1061 = arith.index_cast %parallel_loop3A_695 : i32 to index
          %parallel_loop3A_1062 = arith.constant 112 : index
          %parallel_loop3A_1063 = tpu.vector_load %arg14[%parallel_loop3A_1060, %parallel_loop3A_1061, %parallel_loop3A_1062] {strides = array<i32>} : memref<5x32x128xf32, #tpu.memory_space<vmem>>, vector<16xf32>,
          %parallel_loop3A_1064 = arith.mulf %parallel_loop3A_721, %parallel_loop3A_1063 : vector<16xf32>
          %parallel_loop3A_1065 = arith.addf %parallel_loop3A_1058, %parallel_loop3A_1064 : vector<16xf32>
          %parallel_loop3A_1066 = arith.constant true
          %parallel_loop3A_1067 = vector.broadcast %parallel_loop3A_1066 : i1 to vector<16xi1>
          %parallel_loop3A_1068 = tpu.scan <sum>, %parallel_loop3A_1065 masked %parallel_loop3A_1067 : vector<16xf32>, vector<16xi1> -> vector<16xf32>
          %parallel_loop3A_1069 = vector.extract %parallel_loop3A_1068[15] : f32 from vector<16xf32>
          %parallel_loop3A_1070 = vector.broadcast %parallel_loop3A_1069 : f32 to vector<16xf32>
          %parallel_loop3A_1071 = arith.select %parallel_loop3A_697, %parallel_loop3A_1070, %scan3A_692 : vector<16xi1>, vector<16xf32>
          scf.yield %parallel_loop3A_766, %parallel_loop3A_827, %parallel_loop3A_888, %parallel_loop3A_949, %parallel_loop3A_1010, %parallel_loop3A_1071 : vector<16xf32>, vector<16xf32>, vector<16xf32>, vector<16xf32>, vector<16xf32>, vector<16xf32>
        }
        %parallel_loop3A_643 = arith.constant 16 : i32
        %parallel_loop3A_644 = arith.constant 16 : i32
        %parallel_loop3A_645 = arith.muli %parallel_loop3A_635, %parallel_loop3A_644 : i32
        %parallel_loop3A_646 = arith.addi %mul3A_373, %parallel_loop3A_645 : i32
        %parallel_loop3A_647 = arith.constant 0 : i32
        %parallel_loop3A_648 = arith.index_cast %parallel_loop3A_647 : i32 to index
        %parallel_loop3A_649 = arith.index_cast %parallel_loop3A_646 : i32 to index
        %parallel_loop3A_650 = tpu.vector_load %arg11[%parallel_loop3A_648, %parallel_loop3A_649] {strides = array<i32>} : memref<6x512xf32, #tpu.memory_space<vmem>>, vector<16xf32>,
        tpu.vector_store %arg11[%parallel_loop3A_648, %parallel_loop3A_649], %parallel_loop3A_642#0 {strides = array<i32>} : memref<6x512xf32, #tpu.memory_space<vmem>>, vector<16xf32>,
        %parallel_loop3A_651 = arith.constant 16 : i32
        %parallel_loop3A_652 = arith.muli %parallel_loop3A_635, %parallel_loop3A_651 : i32
        %parallel_loop3A_653 = arith.addi %mul3A_373, %parallel_loop3A_652 : i32
        %parallel_loop3A_654 = arith.constant 1 : i32
        %parallel_loop3A_655 = arith.index_cast %parallel_loop3A_654 : i32 to index
        %parallel_loop3A_656 = arith.index_cast %parallel_loop3A_653 : i32 to index
        %parallel_loop3A_657 = tpu.vector_load %arg11[%parallel_loop3A_655, %parallel_loop3A_656] {strides = array<i32>} : memref<6x512xf32, #tpu.memory_space<vmem>>, vector<16xf32>,
        tpu.vector_store %arg11[%parallel_loop3A_655, %parallel_loop3A_656], %parallel_loop3A_642#1 {strides = array<i32>} : memref<6x512xf32, #tpu.memory_space<vmem>>, vector<16xf32>,
        %parallel_loop3A_658 = arith.constant 16 : i32
        %parallel_loop3A_659 = arith.muli %parallel_loop3A_635, %parallel_loop3A_658 : i32
        %parallel_loop3A_660 = arith.addi %mul3A_373, %parallel_loop3A_659 : i32
        %parallel_loop3A_661 = arith.constant 2 : i32
        %parallel_loop3A_662 = arith.index_cast %parallel_loop3A_661 : i32 to index
        %parallel_loop3A_663 = arith.index_cast %parallel_loop3A_660 : i32 to index
        %parallel_loop3A_664 = tpu.vector_load %arg11[%parallel_loop3A_662, %parallel_loop3A_663] {strides = array<i32>} : memref<6x512xf32, #tpu.memory_space<vmem>>, vector<16xf32>,
        tpu.vector_store %arg11[%parallel_loop3A_662, %parallel_loop3A_663], %parallel_loop3A_642#2 {strides = array<i32>} : memref<6x512xf32, #tpu.memory_space<vmem>>, vector<16xf32>,
        %parallel_loop3A_665 = arith.constant 16 : i32
        %parallel_loop3A_666 = arith.muli %parallel_loop3A_635, %parallel_loop3A_665 : i32
        %parallel_loop3A_667 = arith.addi %mul3A_373, %parallel_loop3A_666 : i32
        %parallel_loop3A_668 = arith.constant 3 : i32
        %parallel_loop3A_669 = arith.index_cast %parallel_loop3A_668 : i32 to index
        %parallel_loop3A_670 = arith.index_cast %parallel_loop3A_667 : i32 to index
        %parallel_loop3A_671 = tpu.vector_load %arg11[%parallel_loop3A_669, %parallel_loop3A_670] {strides = array<i32>} : memref<6x512xf32, #tpu.memory_space<vmem>>, vector<16xf32>,
        tpu.vector_store %arg11[%parallel_loop3A_669, %parallel_loop3A_670], %parallel_loop3A_642#3 {strides = array<i32>} : memref<6x512xf32, #tpu.memory_space<vmem>>, vector<16xf32>,
        %parallel_loop3A_672 = arith.constant 16 : i32
        %parallel_loop3A_673 = arith.muli %parallel_loop3A_635, %parallel_loop3A_672 : i32
        %parallel_loop3A_674 = arith.addi %mul3A_373, %parallel_loop3A_673 : i32
        %parallel_loop3A_675 = arith.constant 4 : i32
        %parallel_loop3A_676 = arith.index_cast %parallel_loop3A_675 : i32 to index
        %parallel_loop3A_677 = arith.index_cast %parallel_loop3A_674 : i32 to index
        %parallel_loop3A_678 = tpu.vector_load %arg11[%parallel_loop3A_676, %parallel_loop3A_677] {strides = array<i32>} : memref<6x512xf32, #tpu.memory_space<vmem>>, vector<16xf32>,
        tpu.vector_store %arg11[%parallel_loop3A_676, %parallel_loop3A_677], %parallel_loop3A_642#4 {strides = array<i32>} : memref<6x512xf32, #tpu.memory_space<vmem>>, vector<16xf32>,
        %parallel_loop3A_679 = arith.constant 16 : i32
        %parallel_loop3A_680 = arith.muli %parallel_loop3A_635, %parallel_loop3A_679 : i32
        %parallel_loop3A_681 = arith.addi %mul3A_373, %parallel_loop3A_680 : i32
        %parallel_loop3A_682 = arith.constant 5 : i32
        %parallel_loop3A_683 = arith.index_cast %parallel_loop3A_682 : i32 to index
        %parallel_loop3A_684 = arith.index_cast %parallel_loop3A_681 : i32 to index
        %parallel_loop3A_685 = tpu.vector_load %arg11[%parallel_loop3A_683, %parallel_loop3A_684] {strides = array<i32>} : memref<6x512xf32, #tpu.memory_space<vmem>>, vector<16xf32>,
        tpu.vector_store %arg11[%parallel_loop3A_683, %parallel_loop3A_684], %parallel_loop3A_642#5 {strides = array<i32>} : memref<6x512xf32, #tpu.memory_space<vmem>>, vector<16xf32>,
      } {sc.loop_unroll_factor = 2 : i64, sc.parallel_access}
      %add3A_376 = arith.constant 4 : i32
      %add3A_377 = arith.addi %add3A_301, %add3A_376 : i32
      %lt3A = arith.constant 16 : i32
      %lt3A_378 = arith.cmpi slt, %add3A_377, %lt3A : i32
      %convert_element_type3A = arith.extui %lt3A_378 : i1 to i32
      %cond3A = arith.constant 0 : i32
      %cond3A_379 = arith.cmpi ne, %convert_element_type3A, %cond3A : i32
      scf.if %cond3A_379 {
        %add3A_635 = arith.constant 4 : i32
        %add3A_636 = arith.addi %add3A_301, %add3A_635 : i32
        %mul3A_637 = arith.constant 32 : i32
        %mul3A_638 = arith.muli %add3A_636, %mul3A_637 : i32
        %dma_start3A_639 = tpu.memref_slice %arg8[%mul3A_638] : memref<512xi32, #tpu.memory_space<vmem>> -> memref<32xi32, #tpu.memory_space<vmem>>
        %dma_start3A_640 = arith.constant 0 : i32
        %dma_start3A_641 = arith.constant 0 : i32
        %dma_start3A_642 = tpu.memref_slice %arg5[%dma_start3A_640, %dma_start3A_641] : memref<100000x128xf32, #tpu.memory_space<hbm>> -> memref<100000x128xf32, #tpu.memory_space<hbm>>
        tpu.enqueue_indirect_dma source(%dma_start3A_642 : memref<100000x128xf32, #tpu.memory_space<hbm>>) target(%arg12 : memref<32x128xf32, #tpu.memory_space<vmem>>) offsets(%dma_start3A_639 : memref<32xi32, #tpu.memory_space<vmem>>) semaphore(%arg24 : memref<!tpu.dma_semaphore, #tpu.memory_space<semaphore_mem>>)
        %dma_start3A_643 = tpu.memref_slice %arg9[%mul3A_638] : memref<512xi32, #tpu.memory_space<vmem>> -> memref<32xi32, #tpu.memory_space<vmem>>
        %dma_start3A_644 = arith.constant 0 : i32
        %dma_start3A_645 = arith.constant 0 : i32
        %dma_start3A_646 = tpu.memref_slice %arg6[%dma_start3A_644, %dma_start3A_645] : memref<100000x128xf32, #tpu.memory_space<hbm>> -> memref<100000x128xf32, #tpu.memory_space<hbm>>
        tpu.enqueue_indirect_dma source(%dma_start3A_646 : memref<100000x128xf32, #tpu.memory_space<hbm>>) target(%arg13 : memref<32x128xf32, #tpu.memory_space<vmem>>) offsets(%dma_start3A_643 : memref<32xi32, #tpu.memory_space<vmem>>) semaphore(%arg24 : memref<!tpu.dma_semaphore, #tpu.memory_space<semaphore_mem>>)
        %mul3A_647 = arith.constant 32 : i32
        %mul3A_648 = arith.muli %add3A_636, %mul3A_647 : i32
        %dma_start3A_649 = arith.constant 0 : i32
        %dma_start3A_650 = arith.constant 0 : i32
        %dma_start3A_651 = arith.constant 0 : i32
        %dma_start3A_652 = arith.constant 0 : i32
        %dma_start3A_653 = tpu.memref_slice %arg14[%dma_start3A_650, %dma_start3A_651, %dma_start3A_652] : memref<5x32x128xf32, #tpu.memory_space<vmem>> -> memref<1x32x128xf32, #tpu.memory_space<vmem>>
        %dma_start3A_654 = tpu.memref_squeeze %dma_start3A_653 : memref<1x32x128xf32, #tpu.memory_space<vmem>> -> memref<32x128xf32, #tpu.memory_space<vmem>>
        %dma_start3A_655 = tpu.memref_slice %arg10[%dma_start3A_649, %mul3A_648] : memref<5x512xi32, #tpu.memory_space<vmem>> -> memref<1x32xi32, #tpu.memory_space<vmem>>
        %dma_start3A_656 = tpu.memref_squeeze %dma_start3A_655 : memref<1x32xi32, #tpu.memory_space<vmem>> -> memref<32xi32, #tpu.memory_space<vmem>>
        %dma_start3A_657 = arith.constant 0 : i32
        %dma_start3A_658 = arith.constant 0 : i32
        %dma_start3A_659 = tpu.memref_slice %arg6[%dma_start3A_657, %dma_start3A_658] : memref<100000x128xf32, #tpu.memory_space<hbm>> -> memref<100000x128xf32, #tpu.memory_space<hbm>>
        tpu.enqueue_indirect_dma source(%dma_start3A_659 : memref<100000x128xf32, #tpu.memory_space<hbm>>) target(%dma_start3A_654 : memref<32x128xf32, #tpu.memory_space<vmem>>) offsets(%dma_start3A_656 : memref<32xi32, #tpu.memory_space<vmem>>) semaphore(%arg24 : memref<!tpu.dma_semaphore, #tpu.memory_space<semaphore_mem>>)
        %dma_start3A_660 = arith.constant 1 : i32
        %dma_start3A_661 = arith.constant 1 : i32
        %dma_start3A_662 = arith.constant 0 : i32
        %dma_start3A_663 = arith.constant 0 : i32
        %dma_start3A_664 = tpu.memref_slice %arg14[%dma_start3A_661, %dma_start3A_662, %dma_start3A_663] : memref<5x32x128xf32, #tpu.memory_space<vmem>> -> memref<1x32x128xf32, #tpu.memory_space<vmem>>
        %dma_start3A_665 = tpu.memref_squeeze %dma_start3A_664 : memref<1x32x128xf32, #tpu.memory_space<vmem>> -> memref<32x128xf32, #tpu.memory_space<vmem>>
        %dma_start3A_666 = tpu.memref_slice %arg10[%dma_start3A_660, %mul3A_648] : memref<5x512xi32, #tpu.memory_space<vmem>> -> memref<1x32xi32, #tpu.memory_space<vmem>>
        %dma_start3A_667 = tpu.memref_squeeze %dma_start3A_666 : memref<1x32xi32, #tpu.memory_space<vmem>> -> memref<32xi32, #tpu.memory_space<vmem>>
        %dma_start3A_668 = arith.constant 0 : i32
        %dma_start3A_669 = arith.constant 0 : i32
        %dma_start3A_670 = tpu.memref_slice %arg6[%dma_start3A_668, %dma_start3A_669] : memref<100000x128xf32, #tpu.memory_space<hbm>> -> memref<100000x128xf32, #tpu.memory_space<hbm>>
        tpu.enqueue_indirect_dma source(%dma_start3A_670 : memref<100000x128xf32, #tpu.memory_space<hbm>>) target(%dma_start3A_665 : memref<32x128xf32, #tpu.memory_space<vmem>>) offsets(%dma_start3A_667 : memref<32xi32, #tpu.memory_space<vmem>>) semaphore(%arg24 : memref<!tpu.dma_semaphore, #tpu.memory_space<semaphore_mem>>)
        %dma_start3A_671 = arith.constant 2 : i32
        %dma_start3A_672 = arith.constant 2 : i32
        %dma_start3A_673 = arith.constant 0 : i32
        %dma_start3A_674 = arith.constant 0 : i32
        %dma_start3A_675 = tpu.memref_slice %arg14[%dma_start3A_672, %dma_start3A_673, %dma_start3A_674] : memref<5x32x128xf32, #tpu.memory_space<vmem>> -> memref<1x32x128xf32, #tpu.memory_space<vmem>>
        %dma_start3A_676 = tpu.memref_squeeze %dma_start3A_675 : memref<1x32x128xf32, #tpu.memory_space<vmem>> -> memref<32x128xf32, #tpu.memory_space<vmem>>
        %dma_start3A_677 = tpu.memref_slice %arg10[%dma_start3A_671, %mul3A_648] : memref<5x512xi32, #tpu.memory_space<vmem>> -> memref<1x32xi32, #tpu.memory_space<vmem>>
        %dma_start3A_678 = tpu.memref_squeeze %dma_start3A_677 : memref<1x32xi32, #tpu.memory_space<vmem>> -> memref<32xi32, #tpu.memory_space<vmem>>
        %dma_start3A_679 = arith.constant 0 : i32
        %dma_start3A_680 = arith.constant 0 : i32
        %dma_start3A_681 = tpu.memref_slice %arg6[%dma_start3A_679, %dma_start3A_680] : memref<100000x128xf32, #tpu.memory_space<hbm>> -> memref<100000x128xf32, #tpu.memory_space<hbm>>
        tpu.enqueue_indirect_dma source(%dma_start3A_681 : memref<100000x128xf32, #tpu.memory_space<hbm>>) target(%dma_start3A_676 : memref<32x128xf32, #tpu.memory_space<vmem>>) offsets(%dma_start3A_678 : memref<32xi32, #tpu.memory_space<vmem>>) semaphore(%arg24 : memref<!tpu.dma_semaphore, #tpu.memory_space<semaphore_mem>>)
        %dma_start3A_682 = arith.constant 3 : i32
        %dma_start3A_683 = arith.constant 3 : i32
        %dma_start3A_684 = arith.constant 0 : i32
        %dma_start3A_685 = arith.constant 0 : i32
        %dma_start3A_686 = tpu.memref_slice %arg14[%dma_start3A_683, %dma_start3A_684, %dma_start3A_685] : memref<5x32x128xf32, #tpu.memory_space<vmem>> -> memref<1x32x128xf32, #tpu.memory_space<vmem>>
        %dma_start3A_687 = tpu.memref_squeeze %dma_start3A_686 : memref<1x32x128xf32, #tpu.memory_space<vmem>> -> memref<32x128xf32, #tpu.memory_space<vmem>>
        %dma_start3A_688 = tpu.memref_slice %arg10[%dma_start3A_682, %mul3A_648] : memref<5x512xi32, #tpu.memory_space<vmem>> -> memref<1x32xi32, #tpu.memory_space<vmem>>
        %dma_start3A_689 = tpu.memref_squeeze %dma_start3A_688 : memref<1x32xi32, #tpu.memory_space<vmem>> -> memref<32xi32, #tpu.memory_space<vmem>>
        %dma_start3A_690 = arith.constant 0 : i32
        %dma_start3A_691 = arith.constant 0 : i32
        %dma_start3A_692 = tpu.memref_slice %arg6[%dma_start3A_690, %dma_start3A_691] : memref<100000x128xf32, #tpu.memory_space<hbm>> -> memref<100000x128xf32, #tpu.memory_space<hbm>>
        tpu.enqueue_indirect_dma source(%dma_start3A_692 : memref<100000x128xf32, #tpu.memory_space<hbm>>) target(%dma_start3A_687 : memref<32x128xf32, #tpu.memory_space<vmem>>) offsets(%dma_start3A_689 : memref<32xi32, #tpu.memory_space<vmem>>) semaphore(%arg24 : memref<!tpu.dma_semaphore, #tpu.memory_space<semaphore_mem>>)
        %dma_start3A_693 = arith.constant 4 : i32
        %dma_start3A_694 = arith.constant 4 : i32
        %dma_start3A_695 = arith.constant 0 : i32
        %dma_start3A_696 = arith.constant 0 : i32
        %dma_start3A_697 = tpu.memref_slice %arg14[%dma_start3A_694, %dma_start3A_695, %dma_start3A_696] : memref<5x32x128xf32, #tpu.memory_space<vmem>> -> memref<1x32x128xf32, #tpu.memory_space<vmem>>
        %dma_start3A_698 = tpu.memref_squeeze %dma_start3A_697 : memref<1x32x128xf32, #tpu.memory_space<vmem>> -> memref<32x128xf32, #tpu.memory_space<vmem>>
        %dma_start3A_699 = tpu.memref_slice %arg10[%dma_start3A_693, %mul3A_648] : memref<5x512xi32, #tpu.memory_space<vmem>> -> memref<1x32xi32, #tpu.memory_space<vmem>>
        %dma_start3A_700 = tpu.memref_squeeze %dma_start3A_699 : memref<1x32xi32, #tpu.memory_space<vmem>> -> memref<32xi32, #tpu.memory_space<vmem>>
        %dma_start3A_701 = arith.constant 0 : i32
        %dma_start3A_702 = arith.constant 0 : i32
        %dma_start3A_703 = tpu.memref_slice %arg6[%dma_start3A_701, %dma_start3A_702] : memref<100000x128xf32, #tpu.memory_space<hbm>> -> memref<100000x128xf32, #tpu.memory_space<hbm>>
        tpu.enqueue_indirect_dma source(%dma_start3A_703 : memref<100000x128xf32, #tpu.memory_space<hbm>>) target(%dma_start3A_698 : memref<32x128xf32, #tpu.memory_space<vmem>>) offsets(%dma_start3A_700 : memref<32xi32, #tpu.memory_space<vmem>>) semaphore(%arg24 : memref<!tpu.dma_semaphore, #tpu.memory_space<semaphore_mem>>)
      } else {
      }
      %add3A_380 = arith.constant 1 : i32
      %add3A_381 = arith.addi %mul3A_299, %add3A_380 : i32
      %dma_wait3A_382 = arith.constant 0 : i32
      %dma_wait3A_383 = tpu.memref_slice %arg8[%dma_wait3A_382] : memref<512xi32, #tpu.memory_space<vmem>> -> memref<32xi32, #tpu.memory_space<vmem>>
      %dma_wait3A_384 = arith.constant 0 : i32
      %dma_wait3A_385 = arith.constant 0 : i32
      %dma_wait3A_386 = tpu.memref_slice %arg5[%dma_wait3A_384, %dma_wait3A_385] : memref<100000x128xf32, #tpu.memory_space<hbm>> -> memref<100000x128xf32, #tpu.memory_space<hbm>>
      tpu.wait_indirect_dma semaphore(%arg25 : memref<!tpu.dma_semaphore, #tpu.memory_space<semaphore_mem>>) src(%dma_wait3A_386 : memref<100000x128xf32, #tpu.memory_space<hbm>>) dst(%arg15 : memref<32x128xf32, #tpu.memory_space<vmem>>)
      %dma_wait3A_387 = arith.constant 0 : i32
      %dma_wait3A_388 = tpu.memref_slice %arg9[%dma_wait3A_387] : memref<512xi32, #tpu.memory_space<vmem>> -> memref<32xi32, #tpu.memory_space<vmem>>
      %dma_wait3A_389 = arith.constant 0 : i32
      %dma_wait3A_390 = arith.constant 0 : i32
      %dma_wait3A_391 = tpu.memref_slice %arg6[%dma_wait3A_389, %dma_wait3A_390] : memref<100000x128xf32, #tpu.memory_space<hbm>> -> memref<100000x128xf32, #tpu.memory_space<hbm>>
      tpu.wait_indirect_dma semaphore(%arg25 : memref<!tpu.dma_semaphore, #tpu.memory_space<semaphore_mem>>) src(%dma_wait3A_391 : memref<100000x128xf32, #tpu.memory_space<hbm>>) dst(%arg16 : memref<32x128xf32, #tpu.memory_space<vmem>>)
      %dma_wait3A_392 = arith.constant 0 : i32
      %dma_wait3A_393 = arith.constant 0 : i32
      %dma_wait3A_394 = arith.constant 0 : i32
      %dma_wait3A_395 = arith.constant 0 : i32
      %dma_wait3A_396 = tpu.memref_slice %arg17[%dma_wait3A_393, %dma_wait3A_394, %dma_wait3A_395] : memref<5x32x128xf32, #tpu.memory_space<vmem>> -> memref<1x32x128xf32, #tpu.memory_space<vmem>>
      %dma_wait3A_397 = tpu.memref_squeeze %dma_wait3A_396 : memref<1x32x128xf32, #tpu.memory_space<vmem>> -> memref<32x128xf32, #tpu.memory_space<vmem>>
      %dma_wait3A_398 = arith.constant 0 : i32
      %dma_wait3A_399 = tpu.memref_slice %arg10[%dma_wait3A_392, %dma_wait3A_398] : memref<5x512xi32, #tpu.memory_space<vmem>> -> memref<1x32xi32, #tpu.memory_space<vmem>>
      %dma_wait3A_400 = tpu.memref_squeeze %dma_wait3A_399 : memref<1x32xi32, #tpu.memory_space<vmem>> -> memref<32xi32, #tpu.memory_space<vmem>>
      %dma_wait3A_401 = arith.constant 0 : i32
      %dma_wait3A_402 = arith.constant 0 : i32
      %dma_wait3A_403 = tpu.memref_slice %arg6[%dma_wait3A_401, %dma_wait3A_402] : memref<100000x128xf32, #tpu.memory_space<hbm>> -> memref<100000x128xf32, #tpu.memory_space<hbm>>
      tpu.wait_indirect_dma semaphore(%arg25 : memref<!tpu.dma_semaphore, #tpu.memory_space<semaphore_mem>>) src(%dma_wait3A_403 : memref<100000x128xf32, #tpu.memory_space<hbm>>) dst(%dma_wait3A_397 : memref<32x128xf32, #tpu.memory_space<vmem>>)
      %dma_wait3A_404 = arith.constant 1 : i32
      %dma_wait3A_405 = arith.constant 1 : i32
      %dma_wait3A_406 = arith.constant 0 : i32
      %dma_wait3A_407 = arith.constant 0 : i32
      %dma_wait3A_408 = tpu.memref_slice %arg17[%dma_wait3A_405, %dma_wait3A_406, %dma_wait3A_407] : memref<5x32x128xf32, #tpu.memory_space<vmem>> -> memref<1x32x128xf32, #tpu.memory_space<vmem>>
      %dma_wait3A_409 = tpu.memref_squeeze %dma_wait3A_408 : memref<1x32x128xf32, #tpu.memory_space<vmem>> -> memref<32x128xf32, #tpu.memory_space<vmem>>
      %dma_wait3A_410 = arith.constant 0 : i32
      %dma_wait3A_411 = tpu.memref_slice %arg10[%dma_wait3A_404, %dma_wait3A_410] : memref<5x512xi32, #tpu.memory_space<vmem>> -> memref<1x32xi32, #tpu.memory_space<vmem>>
      %dma_wait3A_412 = tpu.memref_squeeze %dma_wait3A_411 : memref<1x32xi32, #tpu.memory_space<vmem>> -> memref<32xi32, #tpu.memory_space<vmem>>
      %dma_wait3A_413 = arith.constant 0 : i32
      %dma_wait3A_414 = arith.constant 0 : i32
      %dma_wait3A_415 = tpu.memref_slice %arg6[%dma_wait3A_413, %dma_wait3A_414] : memref<100000x128xf32, #tpu.memory_space<hbm>> -> memref<100000x128xf32, #tpu.memory_space<hbm>>
      tpu.wait_indirect_dma semaphore(%arg25 : memref<!tpu.dma_semaphore, #tpu.memory_space<semaphore_mem>>) src(%dma_wait3A_415 : memref<100000x128xf32, #tpu.memory_space<hbm>>) dst(%dma_wait3A_409 : memref<32x128xf32, #tpu.memory_space<vmem>>)
      %dma_wait3A_416 = arith.constant 2 : i32
      %dma_wait3A_417 = arith.constant 2 : i32
      %dma_wait3A_418 = arith.constant 0 : i32
      %dma_wait3A_419 = arith.constant 0 : i32
      %dma_wait3A_420 = tpu.memref_slice %arg17[%dma_wait3A_417, %dma_wait3A_418, %dma_wait3A_419] : memref<5x32x128xf32, #tpu.memory_space<vmem>> -> memref<1x32x128xf32, #tpu.memory_space<vmem>>
      %dma_wait3A_421 = tpu.memref_squeeze %dma_wait3A_420 : memref<1x32x128xf32, #tpu.memory_space<vmem>> -> memref<32x128xf32, #tpu.memory_space<vmem>>
      %dma_wait3A_422 = arith.constant 0 : i32
      %dma_wait3A_423 = tpu.memref_slice %arg10[%dma_wait3A_416, %dma_wait3A_422] : memref<5x512xi32, #tpu.memory_space<vmem>> -> memref<1x32xi32, #tpu.memory_space<vmem>>
      %dma_wait3A_424 = tpu.memref_squeeze %dma_wait3A_423 : memref<1x32xi32, #tpu.memory_space<vmem>> -> memref<32xi32, #tpu.memory_space<vmem>>
      %dma_wait3A_425 = arith.constant 0 : i32
      %dma_wait3A_426 = arith.constant 0 : i32
      %dma_wait3A_427 = tpu.memref_slice %arg6[%dma_wait3A_425, %dma_wait3A_426] : memref<100000x128xf32, #tpu.memory_space<hbm>> -> memref<100000x128xf32, #tpu.memory_space<hbm>>
      tpu.wait_indirect_dma semaphore(%arg25 : memref<!tpu.dma_semaphore, #tpu.memory_space<semaphore_mem>>) src(%dma_wait3A_427 : memref<100000x128xf32, #tpu.memory_space<hbm>>) dst(%dma_wait3A_421 : memref<32x128xf32, #tpu.memory_space<vmem>>)
      %dma_wait3A_428 = arith.constant 3 : i32
      %dma_wait3A_429 = arith.constant 3 : i32
      %dma_wait3A_430 = arith.constant 0 : i32
      %dma_wait3A_431 = arith.constant 0 : i32
      %dma_wait3A_432 = tpu.memref_slice %arg17[%dma_wait3A_429, %dma_wait3A_430, %dma_wait3A_431] : memref<5x32x128xf32, #tpu.memory_space<vmem>> -> memref<1x32x128xf32, #tpu.memory_space<vmem>>
      %dma_wait3A_433 = tpu.memref_squeeze %dma_wait3A_432 : memref<1x32x128xf32, #tpu.memory_space<vmem>> -> memref<32x128xf32, #tpu.memory_space<vmem>>
      %dma_wait3A_434 = arith.constant 0 : i32
      %dma_wait3A_435 = tpu.memref_slice %arg10[%dma_wait3A_428, %dma_wait3A_434] : memref<5x512xi32, #tpu.memory_space<vmem>> -> memref<1x32xi32, #tpu.memory_space<vmem>>
      %dma_wait3A_436 = tpu.memref_squeeze %dma_wait3A_435 : memref<1x32xi32, #tpu.memory_space<vmem>> -> memref<32xi32, #tpu.memory_space<vmem>>
      %dma_wait3A_437 = arith.constant 0 : i32
      %dma_wait3A_438 = arith.constant 0 : i32
      %dma_wait3A_439 = tpu.memref_slice %arg6[%dma_wait3A_437, %dma_wait3A_438] : memref<100000x128xf32, #tpu.memory_space<hbm>> -> memref<100000x128xf32, #tpu.memory_space<hbm>>
      tpu.wait_indirect_dma semaphore(%arg25 : memref<!tpu.dma_semaphore, #tpu.memory_space<semaphore_mem>>) src(%dma_wait3A_439 : memref<100000x128xf32, #tpu.memory_space<hbm>>) dst(%dma_wait3A_433 : memref<32x128xf32, #tpu.memory_space<vmem>>)
      %dma_wait3A_440 = arith.constant 4 : i32
      %dma_wait3A_441 = arith.constant 4 : i32
      %dma_wait3A_442 = arith.constant 0 : i32
      %dma_wait3A_443 = arith.constant 0 : i32
      %dma_wait3A_444 = tpu.memref_slice %arg17[%dma_wait3A_441, %dma_wait3A_442, %dma_wait3A_443] : memref<5x32x128xf32, #tpu.memory_space<vmem>> -> memref<1x32x128xf32, #tpu.memory_space<vmem>>
      %dma_wait3A_445 = tpu.memref_squeeze %dma_wait3A_444 : memref<1x32x128xf32, #tpu.memory_space<vmem>> -> memref<32x128xf32, #tpu.memory_space<vmem>>
      %dma_wait3A_446 = arith.constant 0 : i32
      %dma_wait3A_447 = tpu.memref_slice %arg10[%dma_wait3A_440, %dma_wait3A_446] : memref<5x512xi32, #tpu.memory_space<vmem>> -> memref<1x32xi32, #tpu.memory_space<vmem>>
      %dma_wait3A_448 = tpu.memref_squeeze %dma_wait3A_447 : memref<1x32xi32, #tpu.memory_space<vmem>> -> memref<32xi32, #tpu.memory_space<vmem>>
      %dma_wait3A_449 = arith.constant 0 : i32
      %dma_wait3A_450 = arith.constant 0 : i32
      %dma_wait3A_451 = tpu.memref_slice %arg6[%dma_wait3A_449, %dma_wait3A_450] : memref<100000x128xf32, #tpu.memory_space<hbm>> -> memref<100000x128xf32, #tpu.memory_space<hbm>>
      tpu.wait_indirect_dma semaphore(%arg25 : memref<!tpu.dma_semaphore, #tpu.memory_space<semaphore_mem>>) src(%dma_wait3A_451 : memref<100000x128xf32, #tpu.memory_space<hbm>>) dst(%dma_wait3A_445 : memref<32x128xf32, #tpu.memory_space<vmem>>)
      %mul3A_452 = arith.constant 32 : i32
      %mul3A_453 = arith.muli %add3A_381, %mul3A_452 : i32
      %iota3A_454 = tpu.iota {dimensions = array<i32: 0>} : vector<16xi32>
      %parallel_loop3A_455 = arith.constant 0 : i32
      %parallel_loop3A_456 = arith.constant 2 : i32
      %parallel_loop3A_457 = arith.constant 1 : i32
      scf.for %parallel_loop3A_635 = %parallel_loop3A_455 to %parallel_loop3A_456 step %parallel_loop3A_457  : i32 {
        %parallel_loop3A_636 = arith.constant 0.000000e+00 : f32
        %parallel_loop3A_637 = vector.broadcast %parallel_loop3A_636 : f32 to vector<16xf32>
        %parallel_loop3A_638 = arith.constant 0 : i32
        %parallel_loop3A_639 = arith.constant 16 : i32
        %parallel_loop3A_640 = arith.addi %parallel_loop3A_638, %parallel_loop3A_639 : i32
        %parallel_loop3A_641 = arith.constant 1 : i32
        %parallel_loop3A_642:6 = scf.for %scan3A_686 = %parallel_loop3A_638 to %parallel_loop3A_640 step %parallel_loop3A_641 iter_args(%scan3A_687 = %parallel_loop3A_637, %scan3A_688 = %parallel_loop3A_637, %scan3A_689 = %parallel_loop3A_637, %scan3A_690 = %parallel_loop3A_637, %scan3A_691 = %parallel_loop3A_637, %scan3A_692 = %parallel_loop3A_637) -> (vector<16xf32>, vector<16xf32>, vector<16xf32>, vector<16xf32>, vector<16xf32>, vector<16xf32>)  : i32 {
          %parallel_loop3A_693 = arith.constant 16 : i32
          %parallel_loop3A_694 = arith.muli %parallel_loop3A_635, %parallel_loop3A_693 : i32
          %parallel_loop3A_695 = arith.addi %parallel_loop3A_694, %scan3A_686 : i32
          %parallel_loop3A_696 = vector.broadcast %scan3A_686 : i32 to vector<16xi32>
          %parallel_loop3A_697 = arith.cmpi eq, %iota3A_454, %parallel_loop3A_696 : vector<16xi32>
          %parallel_loop3A_698 = arith.index_cast %parallel_loop3A_695 : i32 to index
          %parallel_loop3A_699 = arith.constant 0 : index
          %parallel_loop3A_700 = tpu.vector_load %arg15[%parallel_loop3A_698, %parallel_loop3A_699] {strides = array<i32>} : memref<32x128xf32, #tpu.memory_space<vmem>>, vector<16xf32>,
          %parallel_loop3A_701 = arith.index_cast %parallel_loop3A_695 : i32 to index
          %parallel_loop3A_702 = arith.constant 16 : index
          %parallel_loop3A_703 = tpu.vector_load %arg15[%parallel_loop3A_701, %parallel_loop3A_702] {strides = array<i32>} : memref<32x128xf32, #tpu.memory_space<vmem>>, vector<16xf32>,
          %parallel_loop3A_704 = arith.index_cast %parallel_loop3A_695 : i32 to index
          %parallel_loop3A_705 = arith.constant 32 : index
          %parallel_loop3A_706 = tpu.vector_load %arg15[%parallel_loop3A_704, %parallel_loop3A_705] {strides = array<i32>} : memref<32x128xf32, #tpu.memory_space<vmem>>, vector<16xf32>,
          %parallel_loop3A_707 = arith.index_cast %parallel_loop3A_695 : i32 to index
          %parallel_loop3A_708 = arith.constant 48 : index
          %parallel_loop3A_709 = tpu.vector_load %arg15[%parallel_loop3A_707, %parallel_loop3A_708] {strides = array<i32>} : memref<32x128xf32, #tpu.memory_space<vmem>>, vector<16xf32>,
          %parallel_loop3A_710 = arith.index_cast %parallel_loop3A_695 : i32 to index
          %parallel_loop3A_711 = arith.constant 64 : index
          %parallel_loop3A_712 = tpu.vector_load %arg15[%parallel_loop3A_710, %parallel_loop3A_711] {strides = array<i32>} : memref<32x128xf32, #tpu.memory_space<vmem>>, vector<16xf32>,
          %parallel_loop3A_713 = arith.index_cast %parallel_loop3A_695 : i32 to index
          %parallel_loop3A_714 = arith.constant 80 : index
          %parallel_loop3A_715 = tpu.vector_load %arg15[%parallel_loop3A_713, %parallel_loop3A_714] {strides = array<i32>} : memref<32x128xf32, #tpu.memory_space<vmem>>, vector<16xf32>,
          %parallel_loop3A_716 = arith.index_cast %parallel_loop3A_695 : i32 to index
          %parallel_loop3A_717 = arith.constant 96 : index
          %parallel_loop3A_718 = tpu.vector_load %arg15[%parallel_loop3A_716, %parallel_loop3A_717] {strides = array<i32>} : memref<32x128xf32, #tpu.memory_space<vmem>>, vector<16xf32>,
          %parallel_loop3A_719 = arith.index_cast %parallel_loop3A_695 : i32 to index
          %parallel_loop3A_720 = arith.constant 112 : index
          %parallel_loop3A_721 = tpu.vector_load %arg15[%parallel_loop3A_719, %parallel_loop3A_720] {strides = array<i32>} : memref<32x128xf32, #tpu.memory_space<vmem>>, vector<16xf32>,
          %parallel_loop3A_722 = arith.index_cast %parallel_loop3A_695 : i32 to index
          %parallel_loop3A_723 = arith.constant 0 : index
          %parallel_loop3A_724 = tpu.vector_load %arg16[%parallel_loop3A_722, %parallel_loop3A_723] {strides = array<i32>} : memref<32x128xf32, #tpu.memory_space<vmem>>, vector<16xf32>,
          %parallel_loop3A_725 = arith.mulf %parallel_loop3A_700, %parallel_loop3A_724 : vector<16xf32>
          %parallel_loop3A_726 = arith.index_cast %parallel_loop3A_695 : i32 to index
          %parallel_loop3A_727 = arith.constant 16 : index
          %parallel_loop3A_728 = tpu.vector_load %arg16[%parallel_loop3A_726, %parallel_loop3A_727] {strides = array<i32>} : memref<32x128xf32, #tpu.memory_space<vmem>>, vector<16xf32>,
          %parallel_loop3A_729 = arith.mulf %parallel_loop3A_703, %parallel_loop3A_728 : vector<16xf32>
          %parallel_loop3A_730 = arith.addf %parallel_loop3A_725, %parallel_loop3A_729 : vector<16xf32>
          %parallel_loop3A_731 = arith.index_cast %parallel_loop3A_695 : i32 to index
          %parallel_loop3A_732 = arith.constant 32 : index
          %parallel_loop3A_733 = tpu.vector_load %arg16[%parallel_loop3A_731, %parallel_loop3A_732] {strides = array<i32>} : memref<32x128xf32, #tpu.memory_space<vmem>>, vector<16xf32>,
          %parallel_loop3A_734 = arith.mulf %parallel_loop3A_706, %parallel_loop3A_733 : vector<16xf32>
          %parallel_loop3A_735 = arith.addf %parallel_loop3A_730, %parallel_loop3A_734 : vector<16xf32>
          %parallel_loop3A_736 = arith.index_cast %parallel_loop3A_695 : i32 to index
          %parallel_loop3A_737 = arith.constant 48 : index
          %parallel_loop3A_738 = tpu.vector_load %arg16[%parallel_loop3A_736, %parallel_loop3A_737] {strides = array<i32>} : memref<32x128xf32, #tpu.memory_space<vmem>>, vector<16xf32>,
          %parallel_loop3A_739 = arith.mulf %parallel_loop3A_709, %parallel_loop3A_738 : vector<16xf32>
          %parallel_loop3A_740 = arith.addf %parallel_loop3A_735, %parallel_loop3A_739 : vector<16xf32>
          %parallel_loop3A_741 = arith.index_cast %parallel_loop3A_695 : i32 to index
          %parallel_loop3A_742 = arith.constant 64 : index
          %parallel_loop3A_743 = tpu.vector_load %arg16[%parallel_loop3A_741, %parallel_loop3A_742] {strides = array<i32>} : memref<32x128xf32, #tpu.memory_space<vmem>>, vector<16xf32>,
          %parallel_loop3A_744 = arith.mulf %parallel_loop3A_712, %parallel_loop3A_743 : vector<16xf32>
          %parallel_loop3A_745 = arith.addf %parallel_loop3A_740, %parallel_loop3A_744 : vector<16xf32>
          %parallel_loop3A_746 = arith.index_cast %parallel_loop3A_695 : i32 to index
          %parallel_loop3A_747 = arith.constant 80 : index
          %parallel_loop3A_748 = tpu.vector_load %arg16[%parallel_loop3A_746, %parallel_loop3A_747] {strides = array<i32>} : memref<32x128xf32, #tpu.memory_space<vmem>>, vector<16xf32>,
          %parallel_loop3A_749 = arith.mulf %parallel_loop3A_715, %parallel_loop3A_748 : vector<16xf32>
          %parallel_loop3A_750 = arith.addf %parallel_loop3A_745, %parallel_loop3A_749 : vector<16xf32>
          %parallel_loop3A_751 = arith.index_cast %parallel_loop3A_695 : i32 to index
          %parallel_loop3A_752 = arith.constant 96 : index
          %parallel_loop3A_753 = tpu.vector_load %arg16[%parallel_loop3A_751, %parallel_loop3A_752] {strides = array<i32>} : memref<32x128xf32, #tpu.memory_space<vmem>>, vector<16xf32>,
          %parallel_loop3A_754 = arith.mulf %parallel_loop3A_718, %parallel_loop3A_753 : vector<16xf32>
          %parallel_loop3A_755 = arith.addf %parallel_loop3A_750, %parallel_loop3A_754 : vector<16xf32>
          %parallel_loop3A_756 = arith.index_cast %parallel_loop3A_695 : i32 to index
          %parallel_loop3A_757 = arith.constant 112 : index
          %parallel_loop3A_758 = tpu.vector_load %arg16[%parallel_loop3A_756, %parallel_loop3A_757] {strides = array<i32>} : memref<32x128xf32, #tpu.memory_space<vmem>>, vector<16xf32>,
          %parallel_loop3A_759 = arith.mulf %parallel_loop3A_721, %parallel_loop3A_758 : vector<16xf32>
          %parallel_loop3A_760 = arith.addf %parallel_loop3A_755, %parallel_loop3A_759 : vector<16xf32>
          %parallel_loop3A_761 = arith.constant true
          %parallel_loop3A_762 = vector.broadcast %parallel_loop3A_761 : i1 to vector<16xi1>
          %parallel_loop3A_763 = tpu.scan <sum>, %parallel_loop3A_760 masked %parallel_loop3A_762 : vector<16xf32>, vector<16xi1> -> vector<16xf32>
          %parallel_loop3A_764 = vector.extract %parallel_loop3A_763[15] : f32 from vector<16xf32>
          %parallel_loop3A_765 = vector.broadcast %parallel_loop3A_764 : f32 to vector<16xf32>
          %parallel_loop3A_766 = arith.select %parallel_loop3A_697, %parallel_loop3A_765, %scan3A_687 : vector<16xi1>, vector<16xf32>
          %parallel_loop3A_767 = arith.constant 0 : i32
          %parallel_loop3A_768 = arith.index_cast %parallel_loop3A_767 : i32 to index
          %parallel_loop3A_769 = arith.index_cast %parallel_loop3A_695 : i32 to index
          %parallel_loop3A_770 = arith.constant 0 : index
          %parallel_loop3A_771 = tpu.vector_load %arg17[%parallel_loop3A_768, %parallel_loop3A_769, %parallel_loop3A_770] {strides = array<i32>} : memref<5x32x128xf32, #tpu.memory_space<vmem>>, vector<16xf32>,
          %parallel_loop3A_772 = arith.mulf %parallel_loop3A_700, %parallel_loop3A_771 : vector<16xf32>
          %parallel_loop3A_773 = arith.constant 0 : i32
          %parallel_loop3A_774 = arith.index_cast %parallel_loop3A_773 : i32 to index
          %parallel_loop3A_775 = arith.index_cast %parallel_loop3A_695 : i32 to index
          %parallel_loop3A_776 = arith.constant 16 : index
          %parallel_loop3A_777 = tpu.vector_load %arg17[%parallel_loop3A_774, %parallel_loop3A_775, %parallel_loop3A_776] {strides = array<i32>} : memref<5x32x128xf32, #tpu.memory_space<vmem>>, vector<16xf32>,
          %parallel_loop3A_778 = arith.mulf %parallel_loop3A_703, %parallel_loop3A_777 : vector<16xf32>
          %parallel_loop3A_779 = arith.addf %parallel_loop3A_772, %parallel_loop3A_778 : vector<16xf32>
          %parallel_loop3A_780 = arith.constant 0 : i32
          %parallel_loop3A_781 = arith.index_cast %parallel_loop3A_780 : i32 to index
          %parallel_loop3A_782 = arith.index_cast %parallel_loop3A_695 : i32 to index
          %parallel_loop3A_783 = arith.constant 32 : index
          %parallel_loop3A_784 = tpu.vector_load %arg17[%parallel_loop3A_781, %parallel_loop3A_782, %parallel_loop3A_783] {strides = array<i32>} : memref<5x32x128xf32, #tpu.memory_space<vmem>>, vector<16xf32>,
          %parallel_loop3A_785 = arith.mulf %parallel_loop3A_706, %parallel_loop3A_784 : vector<16xf32>
          %parallel_loop3A_786 = arith.addf %parallel_loop3A_779, %parallel_loop3A_785 : vector<16xf32>
          %parallel_loop3A_787 = arith.constant 0 : i32
          %parallel_loop3A_788 = arith.index_cast %parallel_loop3A_787 : i32 to index
          %parallel_loop3A_789 = arith.index_cast %parallel_loop3A_695 : i32 to index
          %parallel_loop3A_790 = arith.constant 48 : index
          %parallel_loop3A_791 = tpu.vector_load %arg17[%parallel_loop3A_788, %parallel_loop3A_789, %parallel_loop3A_790] {strides = array<i32>} : memref<5x32x128xf32, #tpu.memory_space<vmem>>, vector<16xf32>,
          %parallel_loop3A_792 = arith.mulf %parallel_loop3A_709, %parallel_loop3A_791 : vector<16xf32>
          %parallel_loop3A_793 = arith.addf %parallel_loop3A_786, %parallel_loop3A_792 : vector<16xf32>
          %parallel_loop3A_794 = arith.constant 0 : i32
          %parallel_loop3A_795 = arith.index_cast %parallel_loop3A_794 : i32 to index
          %parallel_loop3A_796 = arith.index_cast %parallel_loop3A_695 : i32 to index
          %parallel_loop3A_797 = arith.constant 64 : index
          %parallel_loop3A_798 = tpu.vector_load %arg17[%parallel_loop3A_795, %parallel_loop3A_796, %parallel_loop3A_797] {strides = array<i32>} : memref<5x32x128xf32, #tpu.memory_space<vmem>>, vector<16xf32>,
          %parallel_loop3A_799 = arith.mulf %parallel_loop3A_712, %parallel_loop3A_798 : vector<16xf32>
          %parallel_loop3A_800 = arith.addf %parallel_loop3A_793, %parallel_loop3A_799 : vector<16xf32>
          %parallel_loop3A_801 = arith.constant 0 : i32
          %parallel_loop3A_802 = arith.index_cast %parallel_loop3A_801 : i32 to index
          %parallel_loop3A_803 = arith.index_cast %parallel_loop3A_695 : i32 to index
          %parallel_loop3A_804 = arith.constant 80 : index
          %parallel_loop3A_805 = tpu.vector_load %arg17[%parallel_loop3A_802, %parallel_loop3A_803, %parallel_loop3A_804] {strides = array<i32>} : memref<5x32x128xf32, #tpu.memory_space<vmem>>, vector<16xf32>,
          %parallel_loop3A_806 = arith.mulf %parallel_loop3A_715, %parallel_loop3A_805 : vector<16xf32>
          %parallel_loop3A_807 = arith.addf %parallel_loop3A_800, %parallel_loop3A_806 : vector<16xf32>
          %parallel_loop3A_808 = arith.constant 0 : i32
          %parallel_loop3A_809 = arith.index_cast %parallel_loop3A_808 : i32 to index
          %parallel_loop3A_810 = arith.index_cast %parallel_loop3A_695 : i32 to index
          %parallel_loop3A_811 = arith.constant 96 : index
          %parallel_loop3A_812 = tpu.vector_load %arg17[%parallel_loop3A_809, %parallel_loop3A_810, %parallel_loop3A_811] {strides = array<i32>} : memref<5x32x128xf32, #tpu.memory_space<vmem>>, vector<16xf32>,
          %parallel_loop3A_813 = arith.mulf %parallel_loop3A_718, %parallel_loop3A_812 : vector<16xf32>
          %parallel_loop3A_814 = arith.addf %parallel_loop3A_807, %parallel_loop3A_813 : vector<16xf32>
          %parallel_loop3A_815 = arith.constant 0 : i32
          %parallel_loop3A_816 = arith.index_cast %parallel_loop3A_815 : i32 to index
          %parallel_loop3A_817 = arith.index_cast %parallel_loop3A_695 : i32 to index
          %parallel_loop3A_818 = arith.constant 112 : index
          %parallel_loop3A_819 = tpu.vector_load %arg17[%parallel_loop3A_816, %parallel_loop3A_817, %parallel_loop3A_818] {strides = array<i32>} : memref<5x32x128xf32, #tpu.memory_space<vmem>>, vector<16xf32>,
          %parallel_loop3A_820 = arith.mulf %parallel_loop3A_721, %parallel_loop3A_819 : vector<16xf32>
          %parallel_loop3A_821 = arith.addf %parallel_loop3A_814, %parallel_loop3A_820 : vector<16xf32>
          %parallel_loop3A_822 = arith.constant true
          %parallel_loop3A_823 = vector.broadcast %parallel_loop3A_822 : i1 to vector<16xi1>
          %parallel_loop3A_824 = tpu.scan <sum>, %parallel_loop3A_821 masked %parallel_loop3A_823 : vector<16xf32>, vector<16xi1> -> vector<16xf32>
          %parallel_loop3A_825 = vector.extract %parallel_loop3A_824[15] : f32 from vector<16xf32>
          %parallel_loop3A_826 = vector.broadcast %parallel_loop3A_825 : f32 to vector<16xf32>
          %parallel_loop3A_827 = arith.select %parallel_loop3A_697, %parallel_loop3A_826, %scan3A_688 : vector<16xi1>, vector<16xf32>
          %parallel_loop3A_828 = arith.constant 1 : i32
          %parallel_loop3A_829 = arith.index_cast %parallel_loop3A_828 : i32 to index
          %parallel_loop3A_830 = arith.index_cast %parallel_loop3A_695 : i32 to index
          %parallel_loop3A_831 = arith.constant 0 : index
          %parallel_loop3A_832 = tpu.vector_load %arg17[%parallel_loop3A_829, %parallel_loop3A_830, %parallel_loop3A_831] {strides = array<i32>} : memref<5x32x128xf32, #tpu.memory_space<vmem>>, vector<16xf32>,
          %parallel_loop3A_833 = arith.mulf %parallel_loop3A_700, %parallel_loop3A_832 : vector<16xf32>
          %parallel_loop3A_834 = arith.constant 1 : i32
          %parallel_loop3A_835 = arith.index_cast %parallel_loop3A_834 : i32 to index
          %parallel_loop3A_836 = arith.index_cast %parallel_loop3A_695 : i32 to index
          %parallel_loop3A_837 = arith.constant 16 : index
          %parallel_loop3A_838 = tpu.vector_load %arg17[%parallel_loop3A_835, %parallel_loop3A_836, %parallel_loop3A_837] {strides = array<i32>} : memref<5x32x128xf32, #tpu.memory_space<vmem>>, vector<16xf32>,
          %parallel_loop3A_839 = arith.mulf %parallel_loop3A_703, %parallel_loop3A_838 : vector<16xf32>
          %parallel_loop3A_840 = arith.addf %parallel_loop3A_833, %parallel_loop3A_839 : vector<16xf32>
          %parallel_loop3A_841 = arith.constant 1 : i32
          %parallel_loop3A_842 = arith.index_cast %parallel_loop3A_841 : i32 to index
          %parallel_loop3A_843 = arith.index_cast %parallel_loop3A_695 : i32 to index
          %parallel_loop3A_844 = arith.constant 32 : index
          %parallel_loop3A_845 = tpu.vector_load %arg17[%parallel_loop3A_842, %parallel_loop3A_843, %parallel_loop3A_844] {strides = array<i32>} : memref<5x32x128xf32, #tpu.memory_space<vmem>>, vector<16xf32>,
          %parallel_loop3A_846 = arith.mulf %parallel_loop3A_706, %parallel_loop3A_845 : vector<16xf32>
          %parallel_loop3A_847 = arith.addf %parallel_loop3A_840, %parallel_loop3A_846 : vector<16xf32>
          %parallel_loop3A_848 = arith.constant 1 : i32
          %parallel_loop3A_849 = arith.index_cast %parallel_loop3A_848 : i32 to index
          %parallel_loop3A_850 = arith.index_cast %parallel_loop3A_695 : i32 to index
          %parallel_loop3A_851 = arith.constant 48 : index
          %parallel_loop3A_852 = tpu.vector_load %arg17[%parallel_loop3A_849, %parallel_loop3A_850, %parallel_loop3A_851] {strides = array<i32>} : memref<5x32x128xf32, #tpu.memory_space<vmem>>, vector<16xf32>,
          %parallel_loop3A_853 = arith.mulf %parallel_loop3A_709, %parallel_loop3A_852 : vector<16xf32>
          %parallel_loop3A_854 = arith.addf %parallel_loop3A_847, %parallel_loop3A_853 : vector<16xf32>
          %parallel_loop3A_855 = arith.constant 1 : i32
          %parallel_loop3A_856 = arith.index_cast %parallel_loop3A_855 : i32 to index
          %parallel_loop3A_857 = arith.index_cast %parallel_loop3A_695 : i32 to index
          %parallel_loop3A_858 = arith.constant 64 : index
          %parallel_loop3A_859 = tpu.vector_load %arg17[%parallel_loop3A_856, %parallel_loop3A_857, %parallel_loop3A_858] {strides = array<i32>} : memref<5x32x128xf32, #tpu.memory_space<vmem>>, vector<16xf32>,
          %parallel_loop3A_860 = arith.mulf %parallel_loop3A_712, %parallel_loop3A_859 : vector<16xf32>
          %parallel_loop3A_861 = arith.addf %parallel_loop3A_854, %parallel_loop3A_860 : vector<16xf32>
          %parallel_loop3A_862 = arith.constant 1 : i32
          %parallel_loop3A_863 = arith.index_cast %parallel_loop3A_862 : i32 to index
          %parallel_loop3A_864 = arith.index_cast %parallel_loop3A_695 : i32 to index
          %parallel_loop3A_865 = arith.constant 80 : index
          %parallel_loop3A_866 = tpu.vector_load %arg17[%parallel_loop3A_863, %parallel_loop3A_864, %parallel_loop3A_865] {strides = array<i32>} : memref<5x32x128xf32, #tpu.memory_space<vmem>>, vector<16xf32>,
          %parallel_loop3A_867 = arith.mulf %parallel_loop3A_715, %parallel_loop3A_866 : vector<16xf32>
          %parallel_loop3A_868 = arith.addf %parallel_loop3A_861, %parallel_loop3A_867 : vector<16xf32>
          %parallel_loop3A_869 = arith.constant 1 : i32
          %parallel_loop3A_870 = arith.index_cast %parallel_loop3A_869 : i32 to index
          %parallel_loop3A_871 = arith.index_cast %parallel_loop3A_695 : i32 to index
          %parallel_loop3A_872 = arith.constant 96 : index
          %parallel_loop3A_873 = tpu.vector_load %arg17[%parallel_loop3A_870, %parallel_loop3A_871, %parallel_loop3A_872] {strides = array<i32>} : memref<5x32x128xf32, #tpu.memory_space<vmem>>, vector<16xf32>,
          %parallel_loop3A_874 = arith.mulf %parallel_loop3A_718, %parallel_loop3A_873 : vector<16xf32>
          %parallel_loop3A_875 = arith.addf %parallel_loop3A_868, %parallel_loop3A_874 : vector<16xf32>
          %parallel_loop3A_876 = arith.constant 1 : i32
          %parallel_loop3A_877 = arith.index_cast %parallel_loop3A_876 : i32 to index
          %parallel_loop3A_878 = arith.index_cast %parallel_loop3A_695 : i32 to index
          %parallel_loop3A_879 = arith.constant 112 : index
          %parallel_loop3A_880 = tpu.vector_load %arg17[%parallel_loop3A_877, %parallel_loop3A_878, %parallel_loop3A_879] {strides = array<i32>} : memref<5x32x128xf32, #tpu.memory_space<vmem>>, vector<16xf32>,
          %parallel_loop3A_881 = arith.mulf %parallel_loop3A_721, %parallel_loop3A_880 : vector<16xf32>
          %parallel_loop3A_882 = arith.addf %parallel_loop3A_875, %parallel_loop3A_881 : vector<16xf32>
          %parallel_loop3A_883 = arith.constant true
          %parallel_loop3A_884 = vector.broadcast %parallel_loop3A_883 : i1 to vector<16xi1>
          %parallel_loop3A_885 = tpu.scan <sum>, %parallel_loop3A_882 masked %parallel_loop3A_884 : vector<16xf32>, vector<16xi1> -> vector<16xf32>
          %parallel_loop3A_886 = vector.extract %parallel_loop3A_885[15] : f32 from vector<16xf32>
          %parallel_loop3A_887 = vector.broadcast %parallel_loop3A_886 : f32 to vector<16xf32>
          %parallel_loop3A_888 = arith.select %parallel_loop3A_697, %parallel_loop3A_887, %scan3A_689 : vector<16xi1>, vector<16xf32>
          %parallel_loop3A_889 = arith.constant 2 : i32
          %parallel_loop3A_890 = arith.index_cast %parallel_loop3A_889 : i32 to index
          %parallel_loop3A_891 = arith.index_cast %parallel_loop3A_695 : i32 to index
          %parallel_loop3A_892 = arith.constant 0 : index
          %parallel_loop3A_893 = tpu.vector_load %arg17[%parallel_loop3A_890, %parallel_loop3A_891, %parallel_loop3A_892] {strides = array<i32>} : memref<5x32x128xf32, #tpu.memory_space<vmem>>, vector<16xf32>,
          %parallel_loop3A_894 = arith.mulf %parallel_loop3A_700, %parallel_loop3A_893 : vector<16xf32>
          %parallel_loop3A_895 = arith.constant 2 : i32
          %parallel_loop3A_896 = arith.index_cast %parallel_loop3A_895 : i32 to index
          %parallel_loop3A_897 = arith.index_cast %parallel_loop3A_695 : i32 to index
          %parallel_loop3A_898 = arith.constant 16 : index
          %parallel_loop3A_899 = tpu.vector_load %arg17[%parallel_loop3A_896, %parallel_loop3A_897, %parallel_loop3A_898] {strides = array<i32>} : memref<5x32x128xf32, #tpu.memory_space<vmem>>, vector<16xf32>,
          %parallel_loop3A_900 = arith.mulf %parallel_loop3A_703, %parallel_loop3A_899 : vector<16xf32>
          %parallel_loop3A_901 = arith.addf %parallel_loop3A_894, %parallel_loop3A_900 : vector<16xf32>
          %parallel_loop3A_902 = arith.constant 2 : i32
          %parallel_loop3A_903 = arith.index_cast %parallel_loop3A_902 : i32 to index
          %parallel_loop3A_904 = arith.index_cast %parallel_loop3A_695 : i32 to index
          %parallel_loop3A_905 = arith.constant 32 : index
          %parallel_loop3A_906 = tpu.vector_load %arg17[%parallel_loop3A_903, %parallel_loop3A_904, %parallel_loop3A_905] {strides = array<i32>} : memref<5x32x128xf32, #tpu.memory_space<vmem>>, vector<16xf32>,
          %parallel_loop3A_907 = arith.mulf %parallel_loop3A_706, %parallel_loop3A_906 : vector<16xf32>
          %parallel_loop3A_908 = arith.addf %parallel_loop3A_901, %parallel_loop3A_907 : vector<16xf32>
          %parallel_loop3A_909 = arith.constant 2 : i32
          %parallel_loop3A_910 = arith.index_cast %parallel_loop3A_909 : i32 to index
          %parallel_loop3A_911 = arith.index_cast %parallel_loop3A_695 : i32 to index
          %parallel_loop3A_912 = arith.constant 48 : index
          %parallel_loop3A_913 = tpu.vector_load %arg17[%parallel_loop3A_910, %parallel_loop3A_911, %parallel_loop3A_912] {strides = array<i32>} : memref<5x32x128xf32, #tpu.memory_space<vmem>>, vector<16xf32>,
          %parallel_loop3A_914 = arith.mulf %parallel_loop3A_709, %parallel_loop3A_913 : vector<16xf32>
          %parallel_loop3A_915 = arith.addf %parallel_loop3A_908, %parallel_loop3A_914 : vector<16xf32>
          %parallel_loop3A_916 = arith.constant 2 : i32
          %parallel_loop3A_917 = arith.index_cast %parallel_loop3A_916 : i32 to index
          %parallel_loop3A_918 = arith.index_cast %parallel_loop3A_695 : i32 to index
          %parallel_loop3A_919 = arith.constant 64 : index
          %parallel_loop3A_920 = tpu.vector_load %arg17[%parallel_loop3A_917, %parallel_loop3A_918, %parallel_loop3A_919] {strides = array<i32>} : memref<5x32x128xf32, #tpu.memory_space<vmem>>, vector<16xf32>,
          %parallel_loop3A_921 = arith.mulf %parallel_loop3A_712, %parallel_loop3A_920 : vector<16xf32>
          %parallel_loop3A_922 = arith.addf %parallel_loop3A_915, %parallel_loop3A_921 : vector<16xf32>
          %parallel_loop3A_923 = arith.constant 2 : i32
          %parallel_loop3A_924 = arith.index_cast %parallel_loop3A_923 : i32 to index
          %parallel_loop3A_925 = arith.index_cast %parallel_loop3A_695 : i32 to index
          %parallel_loop3A_926 = arith.constant 80 : index
          %parallel_loop3A_927 = tpu.vector_load %arg17[%parallel_loop3A_924, %parallel_loop3A_925, %parallel_loop3A_926] {strides = array<i32>} : memref<5x32x128xf32, #tpu.memory_space<vmem>>, vector<16xf32>,
          %parallel_loop3A_928 = arith.mulf %parallel_loop3A_715, %parallel_loop3A_927 : vector<16xf32>
          %parallel_loop3A_929 = arith.addf %parallel_loop3A_922, %parallel_loop3A_928 : vector<16xf32>
          %parallel_loop3A_930 = arith.constant 2 : i32
          %parallel_loop3A_931 = arith.index_cast %parallel_loop3A_930 : i32 to index
          %parallel_loop3A_932 = arith.index_cast %parallel_loop3A_695 : i32 to index
          %parallel_loop3A_933 = arith.constant 96 : index
          %parallel_loop3A_934 = tpu.vector_load %arg17[%parallel_loop3A_931, %parallel_loop3A_932, %parallel_loop3A_933] {strides = array<i32>} : memref<5x32x128xf32, #tpu.memory_space<vmem>>, vector<16xf32>,
          %parallel_loop3A_935 = arith.mulf %parallel_loop3A_718, %parallel_loop3A_934 : vector<16xf32>
          %parallel_loop3A_936 = arith.addf %parallel_loop3A_929, %parallel_loop3A_935 : vector<16xf32>
          %parallel_loop3A_937 = arith.constant 2 : i32
          %parallel_loop3A_938 = arith.index_cast %parallel_loop3A_937 : i32 to index
          %parallel_loop3A_939 = arith.index_cast %parallel_loop3A_695 : i32 to index
          %parallel_loop3A_940 = arith.constant 112 : index
          %parallel_loop3A_941 = tpu.vector_load %arg17[%parallel_loop3A_938, %parallel_loop3A_939, %parallel_loop3A_940] {strides = array<i32>} : memref<5x32x128xf32, #tpu.memory_space<vmem>>, vector<16xf32>,
          %parallel_loop3A_942 = arith.mulf %parallel_loop3A_721, %parallel_loop3A_941 : vector<16xf32>
          %parallel_loop3A_943 = arith.addf %parallel_loop3A_936, %parallel_loop3A_942 : vector<16xf32>
          %parallel_loop3A_944 = arith.constant true
          %parallel_loop3A_945 = vector.broadcast %parallel_loop3A_944 : i1 to vector<16xi1>
          %parallel_loop3A_946 = tpu.scan <sum>, %parallel_loop3A_943 masked %parallel_loop3A_945 : vector<16xf32>, vector<16xi1> -> vector<16xf32>
          %parallel_loop3A_947 = vector.extract %parallel_loop3A_946[15] : f32 from vector<16xf32>
          %parallel_loop3A_948 = vector.broadcast %parallel_loop3A_947 : f32 to vector<16xf32>
          %parallel_loop3A_949 = arith.select %parallel_loop3A_697, %parallel_loop3A_948, %scan3A_690 : vector<16xi1>, vector<16xf32>
          %parallel_loop3A_950 = arith.constant 3 : i32
          %parallel_loop3A_951 = arith.index_cast %parallel_loop3A_950 : i32 to index
          %parallel_loop3A_952 = arith.index_cast %parallel_loop3A_695 : i32 to index
          %parallel_loop3A_953 = arith.constant 0 : index
          %parallel_loop3A_954 = tpu.vector_load %arg17[%parallel_loop3A_951, %parallel_loop3A_952, %parallel_loop3A_953] {strides = array<i32>} : memref<5x32x128xf32, #tpu.memory_space<vmem>>, vector<16xf32>,
          %parallel_loop3A_955 = arith.mulf %parallel_loop3A_700, %parallel_loop3A_954 : vector<16xf32>
          %parallel_loop3A_956 = arith.constant 3 : i32
          %parallel_loop3A_957 = arith.index_cast %parallel_loop3A_956 : i32 to index
          %parallel_loop3A_958 = arith.index_cast %parallel_loop3A_695 : i32 to index
          %parallel_loop3A_959 = arith.constant 16 : index
          %parallel_loop3A_960 = tpu.vector_load %arg17[%parallel_loop3A_957, %parallel_loop3A_958, %parallel_loop3A_959] {strides = array<i32>} : memref<5x32x128xf32, #tpu.memory_space<vmem>>, vector<16xf32>,
          %parallel_loop3A_961 = arith.mulf %parallel_loop3A_703, %parallel_loop3A_960 : vector<16xf32>
          %parallel_loop3A_962 = arith.addf %parallel_loop3A_955, %parallel_loop3A_961 : vector<16xf32>
          %parallel_loop3A_963 = arith.constant 3 : i32
          %parallel_loop3A_964 = arith.index_cast %parallel_loop3A_963 : i32 to index
          %parallel_loop3A_965 = arith.index_cast %parallel_loop3A_695 : i32 to index
          %parallel_loop3A_966 = arith.constant 32 : index
          %parallel_loop3A_967 = tpu.vector_load %arg17[%parallel_loop3A_964, %parallel_loop3A_965, %parallel_loop3A_966] {strides = array<i32>} : memref<5x32x128xf32, #tpu.memory_space<vmem>>, vector<16xf32>,
          %parallel_loop3A_968 = arith.mulf %parallel_loop3A_706, %parallel_loop3A_967 : vector<16xf32>
          %parallel_loop3A_969 = arith.addf %parallel_loop3A_962, %parallel_loop3A_968 : vector<16xf32>
          %parallel_loop3A_970 = arith.constant 3 : i32
          %parallel_loop3A_971 = arith.index_cast %parallel_loop3A_970 : i32 to index
          %parallel_loop3A_972 = arith.index_cast %parallel_loop3A_695 : i32 to index
          %parallel_loop3A_973 = arith.constant 48 : index
          %parallel_loop3A_974 = tpu.vector_load %arg17[%parallel_loop3A_971, %parallel_loop3A_972, %parallel_loop3A_973] {strides = array<i32>} : memref<5x32x128xf32, #tpu.memory_space<vmem>>, vector<16xf32>,
          %parallel_loop3A_975 = arith.mulf %parallel_loop3A_709, %parallel_loop3A_974 : vector<16xf32>
          %parallel_loop3A_976 = arith.addf %parallel_loop3A_969, %parallel_loop3A_975 : vector<16xf32>
          %parallel_loop3A_977 = arith.constant 3 : i32
          %parallel_loop3A_978 = arith.index_cast %parallel_loop3A_977 : i32 to index
          %parallel_loop3A_979 = arith.index_cast %parallel_loop3A_695 : i32 to index
          %parallel_loop3A_980 = arith.constant 64 : index
          %parallel_loop3A_981 = tpu.vector_load %arg17[%parallel_loop3A_978, %parallel_loop3A_979, %parallel_loop3A_980] {strides = array<i32>} : memref<5x32x128xf32, #tpu.memory_space<vmem>>, vector<16xf32>,
          %parallel_loop3A_982 = arith.mulf %parallel_loop3A_712, %parallel_loop3A_981 : vector<16xf32>
          %parallel_loop3A_983 = arith.addf %parallel_loop3A_976, %parallel_loop3A_982 : vector<16xf32>
          %parallel_loop3A_984 = arith.constant 3 : i32
          %parallel_loop3A_985 = arith.index_cast %parallel_loop3A_984 : i32 to index
          %parallel_loop3A_986 = arith.index_cast %parallel_loop3A_695 : i32 to index
          %parallel_loop3A_987 = arith.constant 80 : index
          %parallel_loop3A_988 = tpu.vector_load %arg17[%parallel_loop3A_985, %parallel_loop3A_986, %parallel_loop3A_987] {strides = array<i32>} : memref<5x32x128xf32, #tpu.memory_space<vmem>>, vector<16xf32>,
          %parallel_loop3A_989 = arith.mulf %parallel_loop3A_715, %parallel_loop3A_988 : vector<16xf32>
          %parallel_loop3A_990 = arith.addf %parallel_loop3A_983, %parallel_loop3A_989 : vector<16xf32>
          %parallel_loop3A_991 = arith.constant 3 : i32
          %parallel_loop3A_992 = arith.index_cast %parallel_loop3A_991 : i32 to index
          %parallel_loop3A_993 = arith.index_cast %parallel_loop3A_695 : i32 to index
          %parallel_loop3A_994 = arith.constant 96 : index
          %parallel_loop3A_995 = tpu.vector_load %arg17[%parallel_loop3A_992, %parallel_loop3A_993, %parallel_loop3A_994] {strides = array<i32>} : memref<5x32x128xf32, #tpu.memory_space<vmem>>, vector<16xf32>,
          %parallel_loop3A_996 = arith.mulf %parallel_loop3A_718, %parallel_loop3A_995 : vector<16xf32>
          %parallel_loop3A_997 = arith.addf %parallel_loop3A_990, %parallel_loop3A_996 : vector<16xf32>
          %parallel_loop3A_998 = arith.constant 3 : i32
          %parallel_loop3A_999 = arith.index_cast %parallel_loop3A_998 : i32 to index
          %parallel_loop3A_1000 = arith.index_cast %parallel_loop3A_695 : i32 to index
          %parallel_loop3A_1001 = arith.constant 112 : index
          %parallel_loop3A_1002 = tpu.vector_load %arg17[%parallel_loop3A_999, %parallel_loop3A_1000, %parallel_loop3A_1001] {strides = array<i32>} : memref<5x32x128xf32, #tpu.memory_space<vmem>>, vector<16xf32>,
          %parallel_loop3A_1003 = arith.mulf %parallel_loop3A_721, %parallel_loop3A_1002 : vector<16xf32>
          %parallel_loop3A_1004 = arith.addf %parallel_loop3A_997, %parallel_loop3A_1003 : vector<16xf32>
          %parallel_loop3A_1005 = arith.constant true
          %parallel_loop3A_1006 = vector.broadcast %parallel_loop3A_1005 : i1 to vector<16xi1>
          %parallel_loop3A_1007 = tpu.scan <sum>, %parallel_loop3A_1004 masked %parallel_loop3A_1006 : vector<16xf32>, vector<16xi1> -> vector<16xf32>
          %parallel_loop3A_1008 = vector.extract %parallel_loop3A_1007[15] : f32 from vector<16xf32>
          %parallel_loop3A_1009 = vector.broadcast %parallel_loop3A_1008 : f32 to vector<16xf32>
          %parallel_loop3A_1010 = arith.select %parallel_loop3A_697, %parallel_loop3A_1009, %scan3A_691 : vector<16xi1>, vector<16xf32>
          %parallel_loop3A_1011 = arith.constant 4 : i32
          %parallel_loop3A_1012 = arith.index_cast %parallel_loop3A_1011 : i32 to index
          %parallel_loop3A_1013 = arith.index_cast %parallel_loop3A_695 : i32 to index
          %parallel_loop3A_1014 = arith.constant 0 : index
          %parallel_loop3A_1015 = tpu.vector_load %arg17[%parallel_loop3A_1012, %parallel_loop3A_1013, %parallel_loop3A_1014] {strides = array<i32>} : memref<5x32x128xf32, #tpu.memory_space<vmem>>, vector<16xf32>,
          %parallel_loop3A_1016 = arith.mulf %parallel_loop3A_700, %parallel_loop3A_1015 : vector<16xf32>
          %parallel_loop3A_1017 = arith.constant 4 : i32
          %parallel_loop3A_1018 = arith.index_cast %parallel_loop3A_1017 : i32 to index
          %parallel_loop3A_1019 = arith.index_cast %parallel_loop3A_695 : i32 to index
          %parallel_loop3A_1020 = arith.constant 16 : index
          %parallel_loop3A_1021 = tpu.vector_load %arg17[%parallel_loop3A_1018, %parallel_loop3A_1019, %parallel_loop3A_1020] {strides = array<i32>} : memref<5x32x128xf32, #tpu.memory_space<vmem>>, vector<16xf32>,
          %parallel_loop3A_1022 = arith.mulf %parallel_loop3A_703, %parallel_loop3A_1021 : vector<16xf32>
          %parallel_loop3A_1023 = arith.addf %parallel_loop3A_1016, %parallel_loop3A_1022 : vector<16xf32>
          %parallel_loop3A_1024 = arith.constant 4 : i32
          %parallel_loop3A_1025 = arith.index_cast %parallel_loop3A_1024 : i32 to index
          %parallel_loop3A_1026 = arith.index_cast %parallel_loop3A_695 : i32 to index
          %parallel_loop3A_1027 = arith.constant 32 : index
          %parallel_loop3A_1028 = tpu.vector_load %arg17[%parallel_loop3A_1025, %parallel_loop3A_1026, %parallel_loop3A_1027] {strides = array<i32>} : memref<5x32x128xf32, #tpu.memory_space<vmem>>, vector<16xf32>,
          %parallel_loop3A_1029 = arith.mulf %parallel_loop3A_706, %parallel_loop3A_1028 : vector<16xf32>
          %parallel_loop3A_1030 = arith.addf %parallel_loop3A_1023, %parallel_loop3A_1029 : vector<16xf32>
          %parallel_loop3A_1031 = arith.constant 4 : i32
          %parallel_loop3A_1032 = arith.index_cast %parallel_loop3A_1031 : i32 to index
          %parallel_loop3A_1033 = arith.index_cast %parallel_loop3A_695 : i32 to index
          %parallel_loop3A_1034 = arith.constant 48 : index
          %parallel_loop3A_1035 = tpu.vector_load %arg17[%parallel_loop3A_1032, %parallel_loop3A_1033, %parallel_loop3A_1034] {strides = array<i32>} : memref<5x32x128xf32, #tpu.memory_space<vmem>>, vector<16xf32>,
          %parallel_loop3A_1036 = arith.mulf %parallel_loop3A_709, %parallel_loop3A_1035 : vector<16xf32>
          %parallel_loop3A_1037 = arith.addf %parallel_loop3A_1030, %parallel_loop3A_1036 : vector<16xf32>
          %parallel_loop3A_1038 = arith.constant 4 : i32
          %parallel_loop3A_1039 = arith.index_cast %parallel_loop3A_1038 : i32 to index
          %parallel_loop3A_1040 = arith.index_cast %parallel_loop3A_695 : i32 to index
          %parallel_loop3A_1041 = arith.constant 64 : index
          %parallel_loop3A_1042 = tpu.vector_load %arg17[%parallel_loop3A_1039, %parallel_loop3A_1040, %parallel_loop3A_1041] {strides = array<i32>} : memref<5x32x128xf32, #tpu.memory_space<vmem>>, vector<16xf32>,
          %parallel_loop3A_1043 = arith.mulf %parallel_loop3A_712, %parallel_loop3A_1042 : vector<16xf32>
          %parallel_loop3A_1044 = arith.addf %parallel_loop3A_1037, %parallel_loop3A_1043 : vector<16xf32>
          %parallel_loop3A_1045 = arith.constant 4 : i32
          %parallel_loop3A_1046 = arith.index_cast %parallel_loop3A_1045 : i32 to index
          %parallel_loop3A_1047 = arith.index_cast %parallel_loop3A_695 : i32 to index
          %parallel_loop3A_1048 = arith.constant 80 : index
          %parallel_loop3A_1049 = tpu.vector_load %arg17[%parallel_loop3A_1046, %parallel_loop3A_1047, %parallel_loop3A_1048] {strides = array<i32>} : memref<5x32x128xf32, #tpu.memory_space<vmem>>, vector<16xf32>,
          %parallel_loop3A_1050 = arith.mulf %parallel_loop3A_715, %parallel_loop3A_1049 : vector<16xf32>
          %parallel_loop3A_1051 = arith.addf %parallel_loop3A_1044, %parallel_loop3A_1050 : vector<16xf32>
          %parallel_loop3A_1052 = arith.constant 4 : i32
          %parallel_loop3A_1053 = arith.index_cast %parallel_loop3A_1052 : i32 to index
          %parallel_loop3A_1054 = arith.index_cast %parallel_loop3A_695 : i32 to index
          %parallel_loop3A_1055 = arith.constant 96 : index
          %parallel_loop3A_1056 = tpu.vector_load %arg17[%parallel_loop3A_1053, %parallel_loop3A_1054, %parallel_loop3A_1055] {strides = array<i32>} : memref<5x32x128xf32, #tpu.memory_space<vmem>>, vector<16xf32>,
          %parallel_loop3A_1057 = arith.mulf %parallel_loop3A_718, %parallel_loop3A_1056 : vector<16xf32>
          %parallel_loop3A_1058 = arith.addf %parallel_loop3A_1051, %parallel_loop3A_1057 : vector<16xf32>
          %parallel_loop3A_1059 = arith.constant 4 : i32
          %parallel_loop3A_1060 = arith.index_cast %parallel_loop3A_1059 : i32 to index
          %parallel_loop3A_1061 = arith.index_cast %parallel_loop3A_695 : i32 to index
          %parallel_loop3A_1062 = arith.constant 112 : index
          %parallel_loop3A_1063 = tpu.vector_load %arg17[%parallel_loop3A_1060, %parallel_loop3A_1061, %parallel_loop3A_1062] {strides = array<i32>} : memref<5x32x128xf32, #tpu.memory_space<vmem>>, vector<16xf32>,
          %parallel_loop3A_1064 = arith.mulf %parallel_loop3A_721, %parallel_loop3A_1063 : vector<16xf32>
          %parallel_loop3A_1065 = arith.addf %parallel_loop3A_1058, %parallel_loop3A_1064 : vector<16xf32>
          %parallel_loop3A_1066 = arith.constant true
          %parallel_loop3A_1067 = vector.broadcast %parallel_loop3A_1066 : i1 to vector<16xi1>
          %parallel_loop3A_1068 = tpu.scan <sum>, %parallel_loop3A_1065 masked %parallel_loop3A_1067 : vector<16xf32>, vector<16xi1> -> vector<16xf32>
          %parallel_loop3A_1069 = vector.extract %parallel_loop3A_1068[15] : f32 from vector<16xf32>
          %parallel_loop3A_1070 = vector.broadcast %parallel_loop3A_1069 : f32 to vector<16xf32>
          %parallel_loop3A_1071 = arith.select %parallel_loop3A_697, %parallel_loop3A_1070, %scan3A_692 : vector<16xi1>, vector<16xf32>
          scf.yield %parallel_loop3A_766, %parallel_loop3A_827, %parallel_loop3A_888, %parallel_loop3A_949, %parallel_loop3A_1010, %parallel_loop3A_1071 : vector<16xf32>, vector<16xf32>, vector<16xf32>, vector<16xf32>, vector<16xf32>, vector<16xf32>
        }
        %parallel_loop3A_643 = arith.constant 16 : i32
        %parallel_loop3A_644 = arith.constant 16 : i32
        %parallel_loop3A_645 = arith.muli %parallel_loop3A_635, %parallel_loop3A_644 : i32
        %parallel_loop3A_646 = arith.addi %mul3A_453, %parallel_loop3A_645 : i32
        %parallel_loop3A_647 = arith.constant 0 : i32
        %parallel_loop3A_648 = arith.index_cast %parallel_loop3A_647 : i32 to index
        %parallel_loop3A_649 = arith.index_cast %parallel_loop3A_646 : i32 to index
        %parallel_loop3A_650 = tpu.vector_load %arg11[%parallel_loop3A_648, %parallel_loop3A_649] {strides = array<i32>} : memref<6x512xf32, #tpu.memory_space<vmem>>, vector<16xf32>,
        tpu.vector_store %arg11[%parallel_loop3A_648, %parallel_loop3A_649], %parallel_loop3A_642#0 {strides = array<i32>} : memref<6x512xf32, #tpu.memory_space<vmem>>, vector<16xf32>,
        %parallel_loop3A_651 = arith.constant 16 : i32
        %parallel_loop3A_652 = arith.muli %parallel_loop3A_635, %parallel_loop3A_651 : i32
        %parallel_loop3A_653 = arith.addi %mul3A_453, %parallel_loop3A_652 : i32
        %parallel_loop3A_654 = arith.constant 1 : i32
        %parallel_loop3A_655 = arith.index_cast %parallel_loop3A_654 : i32 to index
        %parallel_loop3A_656 = arith.index_cast %parallel_loop3A_653 : i32 to index
        %parallel_loop3A_657 = tpu.vector_load %arg11[%parallel_loop3A_655, %parallel_loop3A_656] {strides = array<i32>} : memref<6x512xf32, #tpu.memory_space<vmem>>, vector<16xf32>,
        tpu.vector_store %arg11[%parallel_loop3A_655, %parallel_loop3A_656], %parallel_loop3A_642#1 {strides = array<i32>} : memref<6x512xf32, #tpu.memory_space<vmem>>, vector<16xf32>,
        %parallel_loop3A_658 = arith.constant 16 : i32
        %parallel_loop3A_659 = arith.muli %parallel_loop3A_635, %parallel_loop3A_658 : i32
        %parallel_loop3A_660 = arith.addi %mul3A_453, %parallel_loop3A_659 : i32
        %parallel_loop3A_661 = arith.constant 2 : i32
        %parallel_loop3A_662 = arith.index_cast %parallel_loop3A_661 : i32 to index
        %parallel_loop3A_663 = arith.index_cast %parallel_loop3A_660 : i32 to index
        %parallel_loop3A_664 = tpu.vector_load %arg11[%parallel_loop3A_662, %parallel_loop3A_663] {strides = array<i32>} : memref<6x512xf32, #tpu.memory_space<vmem>>, vector<16xf32>,
        tpu.vector_store %arg11[%parallel_loop3A_662, %parallel_loop3A_663], %parallel_loop3A_642#2 {strides = array<i32>} : memref<6x512xf32, #tpu.memory_space<vmem>>, vector<16xf32>,
        %parallel_loop3A_665 = arith.constant 16 : i32
        %parallel_loop3A_666 = arith.muli %parallel_loop3A_635, %parallel_loop3A_665 : i32
        %parallel_loop3A_667 = arith.addi %mul3A_453, %parallel_loop3A_666 : i32
        %parallel_loop3A_668 = arith.constant 3 : i32
        %parallel_loop3A_669 = arith.index_cast %parallel_loop3A_668 : i32 to index
        %parallel_loop3A_670 = arith.index_cast %parallel_loop3A_667 : i32 to index
        %parallel_loop3A_671 = tpu.vector_load %arg11[%parallel_loop3A_669, %parallel_loop3A_670] {strides = array<i32>} : memref<6x512xf32, #tpu.memory_space<vmem>>, vector<16xf32>,
        tpu.vector_store %arg11[%parallel_loop3A_669, %parallel_loop3A_670], %parallel_loop3A_642#3 {strides = array<i32>} : memref<6x512xf32, #tpu.memory_space<vmem>>, vector<16xf32>,
        %parallel_loop3A_672 = arith.constant 16 : i32
        %parallel_loop3A_673 = arith.muli %parallel_loop3A_635, %parallel_loop3A_672 : i32
        %parallel_loop3A_674 = arith.addi %mul3A_453, %parallel_loop3A_673 : i32
        %parallel_loop3A_675 = arith.constant 4 : i32
        %parallel_loop3A_676 = arith.index_cast %parallel_loop3A_675 : i32 to index
        %parallel_loop3A_677 = arith.index_cast %parallel_loop3A_674 : i32 to index
        %parallel_loop3A_678 = tpu.vector_load %arg11[%parallel_loop3A_676, %parallel_loop3A_677] {strides = array<i32>} : memref<6x512xf32, #tpu.memory_space<vmem>>, vector<16xf32>,
        tpu.vector_store %arg11[%parallel_loop3A_676, %parallel_loop3A_677], %parallel_loop3A_642#4 {strides = array<i32>} : memref<6x512xf32, #tpu.memory_space<vmem>>, vector<16xf32>,
        %parallel_loop3A_679 = arith.constant 16 : i32
        %parallel_loop3A_680 = arith.muli %parallel_loop3A_635, %parallel_loop3A_679 : i32
        %parallel_loop3A_681 = arith.addi %mul3A_453, %parallel_loop3A_680 : i32
        %parallel_loop3A_682 = arith.constant 5 : i32
        %parallel_loop3A_683 = arith.index_cast %parallel_loop3A_682 : i32 to index
        %parallel_loop3A_684 = arith.index_cast %parallel_loop3A_681 : i32 to index
        %parallel_loop3A_685 = tpu.vector_load %arg11[%parallel_loop3A_683, %parallel_loop3A_684] {strides = array<i32>} : memref<6x512xf32, #tpu.memory_space<vmem>>, vector<16xf32>,
        tpu.vector_store %arg11[%parallel_loop3A_683, %parallel_loop3A_684], %parallel_loop3A_642#5 {strides = array<i32>} : memref<6x512xf32, #tpu.memory_space<vmem>>, vector<16xf32>,
      } {sc.loop_unroll_factor = 2 : i64, sc.parallel_access}
      %add3A_458 = arith.constant 4 : i32
      %add3A_459 = arith.addi %add3A_381, %add3A_458 : i32
      %lt3A_460 = arith.constant 16 : i32
      %lt3A_461 = arith.cmpi slt, %add3A_459, %lt3A_460 : i32
      %convert_element_type3A_462 = arith.extui %lt3A_461 : i1 to i32
      %cond3A_463 = arith.constant 0 : i32
      %cond3A_464 = arith.cmpi ne, %convert_element_type3A_462, %cond3A_463 : i32
      scf.if %cond3A_464 {
        %add3A_635 = arith.constant 4 : i32
        %add3A_636 = arith.addi %add3A_381, %add3A_635 : i32
        %mul3A_637 = arith.constant 32 : i32
        %mul3A_638 = arith.muli %add3A_636, %mul3A_637 : i32
        %dma_start3A_639 = tpu.memref_slice %arg8[%mul3A_638] : memref<512xi32, #tpu.memory_space<vmem>> -> memref<32xi32, #tpu.memory_space<vmem>>
        %dma_start3A_640 = arith.constant 0 : i32
        %dma_start3A_641 = arith.constant 0 : i32
        %dma_start3A_642 = tpu.memref_slice %arg5[%dma_start3A_640, %dma_start3A_641] : memref<100000x128xf32, #tpu.memory_space<hbm>> -> memref<100000x128xf32, #tpu.memory_space<hbm>>
        tpu.enqueue_indirect_dma source(%dma_start3A_642 : memref<100000x128xf32, #tpu.memory_space<hbm>>) target(%arg15 : memref<32x128xf32, #tpu.memory_space<vmem>>) offsets(%dma_start3A_639 : memref<32xi32, #tpu.memory_space<vmem>>) semaphore(%arg25 : memref<!tpu.dma_semaphore, #tpu.memory_space<semaphore_mem>>)
        %dma_start3A_643 = tpu.memref_slice %arg9[%mul3A_638] : memref<512xi32, #tpu.memory_space<vmem>> -> memref<32xi32, #tpu.memory_space<vmem>>
        %dma_start3A_644 = arith.constant 0 : i32
        %dma_start3A_645 = arith.constant 0 : i32
        %dma_start3A_646 = tpu.memref_slice %arg6[%dma_start3A_644, %dma_start3A_645] : memref<100000x128xf32, #tpu.memory_space<hbm>> -> memref<100000x128xf32, #tpu.memory_space<hbm>>
        tpu.enqueue_indirect_dma source(%dma_start3A_646 : memref<100000x128xf32, #tpu.memory_space<hbm>>) target(%arg16 : memref<32x128xf32, #tpu.memory_space<vmem>>) offsets(%dma_start3A_643 : memref<32xi32, #tpu.memory_space<vmem>>) semaphore(%arg25 : memref<!tpu.dma_semaphore, #tpu.memory_space<semaphore_mem>>)
        %mul3A_647 = arith.constant 32 : i32
        %mul3A_648 = arith.muli %add3A_636, %mul3A_647 : i32
        %dma_start3A_649 = arith.constant 0 : i32
        %dma_start3A_650 = arith.constant 0 : i32
        %dma_start3A_651 = arith.constant 0 : i32
        %dma_start3A_652 = arith.constant 0 : i32
        %dma_start3A_653 = tpu.memref_slice %arg17[%dma_start3A_650, %dma_start3A_651, %dma_start3A_652] : memref<5x32x128xf32, #tpu.memory_space<vmem>> -> memref<1x32x128xf32, #tpu.memory_space<vmem>>
        %dma_start3A_654 = tpu.memref_squeeze %dma_start3A_653 : memref<1x32x128xf32, #tpu.memory_space<vmem>> -> memref<32x128xf32, #tpu.memory_space<vmem>>
        %dma_start3A_655 = tpu.memref_slice %arg10[%dma_start3A_649, %mul3A_648] : memref<5x512xi32, #tpu.memory_space<vmem>> -> memref<1x32xi32, #tpu.memory_space<vmem>>
        %dma_start3A_656 = tpu.memref_squeeze %dma_start3A_655 : memref<1x32xi32, #tpu.memory_space<vmem>> -> memref<32xi32, #tpu.memory_space<vmem>>
        %dma_start3A_657 = arith.constant 0 : i32
        %dma_start3A_658 = arith.constant 0 : i32
        %dma_start3A_659 = tpu.memref_slice %arg6[%dma_start3A_657, %dma_start3A_658] : memref<100000x128xf32, #tpu.memory_space<hbm>> -> memref<100000x128xf32, #tpu.memory_space<hbm>>
        tpu.enqueue_indirect_dma source(%dma_start3A_659 : memref<100000x128xf32, #tpu.memory_space<hbm>>) target(%dma_start3A_654 : memref<32x128xf32, #tpu.memory_space<vmem>>) offsets(%dma_start3A_656 : memref<32xi32, #tpu.memory_space<vmem>>) semaphore(%arg25 : memref<!tpu.dma_semaphore, #tpu.memory_space<semaphore_mem>>)
        %dma_start3A_660 = arith.constant 1 : i32
        %dma_start3A_661 = arith.constant 1 : i32
        %dma_start3A_662 = arith.constant 0 : i32
        %dma_start3A_663 = arith.constant 0 : i32
        %dma_start3A_664 = tpu.memref_slice %arg17[%dma_start3A_661, %dma_start3A_662, %dma_start3A_663] : memref<5x32x128xf32, #tpu.memory_space<vmem>> -> memref<1x32x128xf32, #tpu.memory_space<vmem>>
        %dma_start3A_665 = tpu.memref_squeeze %dma_start3A_664 : memref<1x32x128xf32, #tpu.memory_space<vmem>> -> memref<32x128xf32, #tpu.memory_space<vmem>>
        %dma_start3A_666 = tpu.memref_slice %arg10[%dma_start3A_660, %mul3A_648] : memref<5x512xi32, #tpu.memory_space<vmem>> -> memref<1x32xi32, #tpu.memory_space<vmem>>
        %dma_start3A_667 = tpu.memref_squeeze %dma_start3A_666 : memref<1x32xi32, #tpu.memory_space<vmem>> -> memref<32xi32, #tpu.memory_space<vmem>>
        %dma_start3A_668 = arith.constant 0 : i32
        %dma_start3A_669 = arith.constant 0 : i32
        %dma_start3A_670 = tpu.memref_slice %arg6[%dma_start3A_668, %dma_start3A_669] : memref<100000x128xf32, #tpu.memory_space<hbm>> -> memref<100000x128xf32, #tpu.memory_space<hbm>>
        tpu.enqueue_indirect_dma source(%dma_start3A_670 : memref<100000x128xf32, #tpu.memory_space<hbm>>) target(%dma_start3A_665 : memref<32x128xf32, #tpu.memory_space<vmem>>) offsets(%dma_start3A_667 : memref<32xi32, #tpu.memory_space<vmem>>) semaphore(%arg25 : memref<!tpu.dma_semaphore, #tpu.memory_space<semaphore_mem>>)
        %dma_start3A_671 = arith.constant 2 : i32
        %dma_start3A_672 = arith.constant 2 : i32
        %dma_start3A_673 = arith.constant 0 : i32
        %dma_start3A_674 = arith.constant 0 : i32
        %dma_start3A_675 = tpu.memref_slice %arg17[%dma_start3A_672, %dma_start3A_673, %dma_start3A_674] : memref<5x32x128xf32, #tpu.memory_space<vmem>> -> memref<1x32x128xf32, #tpu.memory_space<vmem>>
        %dma_start3A_676 = tpu.memref_squeeze %dma_start3A_675 : memref<1x32x128xf32, #tpu.memory_space<vmem>> -> memref<32x128xf32, #tpu.memory_space<vmem>>
        %dma_start3A_677 = tpu.memref_slice %arg10[%dma_start3A_671, %mul3A_648] : memref<5x512xi32, #tpu.memory_space<vmem>> -> memref<1x32xi32, #tpu.memory_space<vmem>>
        %dma_start3A_678 = tpu.memref_squeeze %dma_start3A_677 : memref<1x32xi32, #tpu.memory_space<vmem>> -> memref<32xi32, #tpu.memory_space<vmem>>
        %dma_start3A_679 = arith.constant 0 : i32
        %dma_start3A_680 = arith.constant 0 : i32
        %dma_start3A_681 = tpu.memref_slice %arg6[%dma_start3A_679, %dma_start3A_680] : memref<100000x128xf32, #tpu.memory_space<hbm>> -> memref<100000x128xf32, #tpu.memory_space<hbm>>
        tpu.enqueue_indirect_dma source(%dma_start3A_681 : memref<100000x128xf32, #tpu.memory_space<hbm>>) target(%dma_start3A_676 : memref<32x128xf32, #tpu.memory_space<vmem>>) offsets(%dma_start3A_678 : memref<32xi32, #tpu.memory_space<vmem>>) semaphore(%arg25 : memref<!tpu.dma_semaphore, #tpu.memory_space<semaphore_mem>>)
        %dma_start3A_682 = arith.constant 3 : i32
        %dma_start3A_683 = arith.constant 3 : i32
        %dma_start3A_684 = arith.constant 0 : i32
        %dma_start3A_685 = arith.constant 0 : i32
        %dma_start3A_686 = tpu.memref_slice %arg17[%dma_start3A_683, %dma_start3A_684, %dma_start3A_685] : memref<5x32x128xf32, #tpu.memory_space<vmem>> -> memref<1x32x128xf32, #tpu.memory_space<vmem>>
        %dma_start3A_687 = tpu.memref_squeeze %dma_start3A_686 : memref<1x32x128xf32, #tpu.memory_space<vmem>> -> memref<32x128xf32, #tpu.memory_space<vmem>>
        %dma_start3A_688 = tpu.memref_slice %arg10[%dma_start3A_682, %mul3A_648] : memref<5x512xi32, #tpu.memory_space<vmem>> -> memref<1x32xi32, #tpu.memory_space<vmem>>
        %dma_start3A_689 = tpu.memref_squeeze %dma_start3A_688 : memref<1x32xi32, #tpu.memory_space<vmem>> -> memref<32xi32, #tpu.memory_space<vmem>>
        %dma_start3A_690 = arith.constant 0 : i32
        %dma_start3A_691 = arith.constant 0 : i32
        %dma_start3A_692 = tpu.memref_slice %arg6[%dma_start3A_690, %dma_start3A_691] : memref<100000x128xf32, #tpu.memory_space<hbm>> -> memref<100000x128xf32, #tpu.memory_space<hbm>>
        tpu.enqueue_indirect_dma source(%dma_start3A_692 : memref<100000x128xf32, #tpu.memory_space<hbm>>) target(%dma_start3A_687 : memref<32x128xf32, #tpu.memory_space<vmem>>) offsets(%dma_start3A_689 : memref<32xi32, #tpu.memory_space<vmem>>) semaphore(%arg25 : memref<!tpu.dma_semaphore, #tpu.memory_space<semaphore_mem>>)
        %dma_start3A_693 = arith.constant 4 : i32
        %dma_start3A_694 = arith.constant 4 : i32
        %dma_start3A_695 = arith.constant 0 : i32
        %dma_start3A_696 = arith.constant 0 : i32
        %dma_start3A_697 = tpu.memref_slice %arg17[%dma_start3A_694, %dma_start3A_695, %dma_start3A_696] : memref<5x32x128xf32, #tpu.memory_space<vmem>> -> memref<1x32x128xf32, #tpu.memory_space<vmem>>
        %dma_start3A_698 = tpu.memref_squeeze %dma_start3A_697 : memref<1x32x128xf32, #tpu.memory_space<vmem>> -> memref<32x128xf32, #tpu.memory_space<vmem>>
        %dma_start3A_699 = tpu.memref_slice %arg10[%dma_start3A_693, %mul3A_648] : memref<5x512xi32, #tpu.memory_space<vmem>> -> memref<1x32xi32, #tpu.memory_space<vmem>>
        %dma_start3A_700 = tpu.memref_squeeze %dma_start3A_699 : memref<1x32xi32, #tpu.memory_space<vmem>> -> memref<32xi32, #tpu.memory_space<vmem>>
        %dma_start3A_701 = arith.constant 0 : i32
        %dma_start3A_702 = arith.constant 0 : i32
        %dma_start3A_703 = tpu.memref_slice %arg6[%dma_start3A_701, %dma_start3A_702] : memref<100000x128xf32, #tpu.memory_space<hbm>> -> memref<100000x128xf32, #tpu.memory_space<hbm>>
        tpu.enqueue_indirect_dma source(%dma_start3A_703 : memref<100000x128xf32, #tpu.memory_space<hbm>>) target(%dma_start3A_698 : memref<32x128xf32, #tpu.memory_space<vmem>>) offsets(%dma_start3A_700 : memref<32xi32, #tpu.memory_space<vmem>>) semaphore(%arg25 : memref<!tpu.dma_semaphore, #tpu.memory_space<semaphore_mem>>)
      } else {
      }
      %add3A_465 = arith.constant 2 : i32
      %add3A_466 = arith.addi %mul3A_299, %add3A_465 : i32
      %dma_wait3A_467 = arith.constant 0 : i32
      %dma_wait3A_468 = tpu.memref_slice %arg8[%dma_wait3A_467] : memref<512xi32, #tpu.memory_space<vmem>> -> memref<32xi32, #tpu.memory_space<vmem>>
      %dma_wait3A_469 = arith.constant 0 : i32
      %dma_wait3A_470 = arith.constant 0 : i32
      %dma_wait3A_471 = tpu.memref_slice %arg5[%dma_wait3A_469, %dma_wait3A_470] : memref<100000x128xf32, #tpu.memory_space<hbm>> -> memref<100000x128xf32, #tpu.memory_space<hbm>>
      tpu.wait_indirect_dma semaphore(%arg26 : memref<!tpu.dma_semaphore, #tpu.memory_space<semaphore_mem>>) src(%dma_wait3A_471 : memref<100000x128xf32, #tpu.memory_space<hbm>>) dst(%arg18 : memref<32x128xf32, #tpu.memory_space<vmem>>)
      %dma_wait3A_472 = arith.constant 0 : i32
      %dma_wait3A_473 = tpu.memref_slice %arg9[%dma_wait3A_472] : memref<512xi32, #tpu.memory_space<vmem>> -> memref<32xi32, #tpu.memory_space<vmem>>
      %dma_wait3A_474 = arith.constant 0 : i32
      %dma_wait3A_475 = arith.constant 0 : i32
      %dma_wait3A_476 = tpu.memref_slice %arg6[%dma_wait3A_474, %dma_wait3A_475] : memref<100000x128xf32, #tpu.memory_space<hbm>> -> memref<100000x128xf32, #tpu.memory_space<hbm>>
      tpu.wait_indirect_dma semaphore(%arg26 : memref<!tpu.dma_semaphore, #tpu.memory_space<semaphore_mem>>) src(%dma_wait3A_476 : memref<100000x128xf32, #tpu.memory_space<hbm>>) dst(%arg19 : memref<32x128xf32, #tpu.memory_space<vmem>>)
      %dma_wait3A_477 = arith.constant 0 : i32
      %dma_wait3A_478 = arith.constant 0 : i32
      %dma_wait3A_479 = arith.constant 0 : i32
      %dma_wait3A_480 = arith.constant 0 : i32
      %dma_wait3A_481 = tpu.memref_slice %arg20[%dma_wait3A_478, %dma_wait3A_479, %dma_wait3A_480] : memref<5x32x128xf32, #tpu.memory_space<vmem>> -> memref<1x32x128xf32, #tpu.memory_space<vmem>>
      %dma_wait3A_482 = tpu.memref_squeeze %dma_wait3A_481 : memref<1x32x128xf32, #tpu.memory_space<vmem>> -> memref<32x128xf32, #tpu.memory_space<vmem>>
      %dma_wait3A_483 = arith.constant 0 : i32
      %dma_wait3A_484 = tpu.memref_slice %arg10[%dma_wait3A_477, %dma_wait3A_483] : memref<5x512xi32, #tpu.memory_space<vmem>> -> memref<1x32xi32, #tpu.memory_space<vmem>>
      %dma_wait3A_485 = tpu.memref_squeeze %dma_wait3A_484 : memref<1x32xi32, #tpu.memory_space<vmem>> -> memref<32xi32, #tpu.memory_space<vmem>>
      %dma_wait3A_486 = arith.constant 0 : i32
      %dma_wait3A_487 = arith.constant 0 : i32
      %dma_wait3A_488 = tpu.memref_slice %arg6[%dma_wait3A_486, %dma_wait3A_487] : memref<100000x128xf32, #tpu.memory_space<hbm>> -> memref<100000x128xf32, #tpu.memory_space<hbm>>
      tpu.wait_indirect_dma semaphore(%arg26 : memref<!tpu.dma_semaphore, #tpu.memory_space<semaphore_mem>>) src(%dma_wait3A_488 : memref<100000x128xf32, #tpu.memory_space<hbm>>) dst(%dma_wait3A_482 : memref<32x128xf32, #tpu.memory_space<vmem>>)
      %dma_wait3A_489 = arith.constant 1 : i32
      %dma_wait3A_490 = arith.constant 1 : i32
      %dma_wait3A_491 = arith.constant 0 : i32
      %dma_wait3A_492 = arith.constant 0 : i32
      %dma_wait3A_493 = tpu.memref_slice %arg20[%dma_wait3A_490, %dma_wait3A_491, %dma_wait3A_492] : memref<5x32x128xf32, #tpu.memory_space<vmem>> -> memref<1x32x128xf32, #tpu.memory_space<vmem>>
      %dma_wait3A_494 = tpu.memref_squeeze %dma_wait3A_493 : memref<1x32x128xf32, #tpu.memory_space<vmem>> -> memref<32x128xf32, #tpu.memory_space<vmem>>
      %dma_wait3A_495 = arith.constant 0 : i32
      %dma_wait3A_496 = tpu.memref_slice %arg10[%dma_wait3A_489, %dma_wait3A_495] : memref<5x512xi32, #tpu.memory_space<vmem>> -> memref<1x32xi32, #tpu.memory_space<vmem>>
      %dma_wait3A_497 = tpu.memref_squeeze %dma_wait3A_496 : memref<1x32xi32, #tpu.memory_space<vmem>> -> memref<32xi32, #tpu.memory_space<vmem>>
      %dma_wait3A_498 = arith.constant 0 : i32
      %dma_wait3A_499 = arith.constant 0 : i32
      %dma_wait3A_500 = tpu.memref_slice %arg6[%dma_wait3A_498, %dma_wait3A_499] : memref<100000x128xf32, #tpu.memory_space<hbm>> -> memref<100000x128xf32, #tpu.memory_space<hbm>>
      tpu.wait_indirect_dma semaphore(%arg26 : memref<!tpu.dma_semaphore, #tpu.memory_space<semaphore_mem>>) src(%dma_wait3A_500 : memref<100000x128xf32, #tpu.memory_space<hbm>>) dst(%dma_wait3A_494 : memref<32x128xf32, #tpu.memory_space<vmem>>)
      %dma_wait3A_501 = arith.constant 2 : i32
      %dma_wait3A_502 = arith.constant 2 : i32
      %dma_wait3A_503 = arith.constant 0 : i32
      %dma_wait3A_504 = arith.constant 0 : i32
      %dma_wait3A_505 = tpu.memref_slice %arg20[%dma_wait3A_502, %dma_wait3A_503, %dma_wait3A_504] : memref<5x32x128xf32, #tpu.memory_space<vmem>> -> memref<1x32x128xf32, #tpu.memory_space<vmem>>
      %dma_wait3A_506 = tpu.memref_squeeze %dma_wait3A_505 : memref<1x32x128xf32, #tpu.memory_space<vmem>> -> memref<32x128xf32, #tpu.memory_space<vmem>>
      %dma_wait3A_507 = arith.constant 0 : i32
      %dma_wait3A_508 = tpu.memref_slice %arg10[%dma_wait3A_501, %dma_wait3A_507] : memref<5x512xi32, #tpu.memory_space<vmem>> -> memref<1x32xi32, #tpu.memory_space<vmem>>
      %dma_wait3A_509 = tpu.memref_squeeze %dma_wait3A_508 : memref<1x32xi32, #tpu.memory_space<vmem>> -> memref<32xi32, #tpu.memory_space<vmem>>
      %dma_wait3A_510 = arith.constant 0 : i32
      %dma_wait3A_511 = arith.constant 0 : i32
      %dma_wait3A_512 = tpu.memref_slice %arg6[%dma_wait3A_510, %dma_wait3A_511] : memref<100000x128xf32, #tpu.memory_space<hbm>> -> memref<100000x128xf32, #tpu.memory_space<hbm>>
      tpu.wait_indirect_dma semaphore(%arg26 : memref<!tpu.dma_semaphore, #tpu.memory_space<semaphore_mem>>) src(%dma_wait3A_512 : memref<100000x128xf32, #tpu.memory_space<hbm>>) dst(%dma_wait3A_506 : memref<32x128xf32, #tpu.memory_space<vmem>>)
      %dma_wait3A_513 = arith.constant 3 : i32
      %dma_wait3A_514 = arith.constant 3 : i32
      %dma_wait3A_515 = arith.constant 0 : i32
      %dma_wait3A_516 = arith.constant 0 : i32
      %dma_wait3A_517 = tpu.memref_slice %arg20[%dma_wait3A_514, %dma_wait3A_515, %dma_wait3A_516] : memref<5x32x128xf32, #tpu.memory_space<vmem>> -> memref<1x32x128xf32, #tpu.memory_space<vmem>>
      %dma_wait3A_518 = tpu.memref_squeeze %dma_wait3A_517 : memref<1x32x128xf32, #tpu.memory_space<vmem>> -> memref<32x128xf32, #tpu.memory_space<vmem>>
      %dma_wait3A_519 = arith.constant 0 : i32
      %dma_wait3A_520 = tpu.memref_slice %arg10[%dma_wait3A_513, %dma_wait3A_519] : memref<5x512xi32, #tpu.memory_space<vmem>> -> memref<1x32xi32, #tpu.memory_space<vmem>>
      %dma_wait3A_521 = tpu.memref_squeeze %dma_wait3A_520 : memref<1x32xi32, #tpu.memory_space<vmem>> -> memref<32xi32, #tpu.memory_space<vmem>>
      %dma_wait3A_522 = arith.constant 0 : i32
      %dma_wait3A_523 = arith.constant 0 : i32
      %dma_wait3A_524 = tpu.memref_slice %arg6[%dma_wait3A_522, %dma_wait3A_523] : memref<100000x128xf32, #tpu.memory_space<hbm>> -> memref<100000x128xf32, #tpu.memory_space<hbm>>
      tpu.wait_indirect_dma semaphore(%arg26 : memref<!tpu.dma_semaphore, #tpu.memory_space<semaphore_mem>>) src(%dma_wait3A_524 : memref<100000x128xf32, #tpu.memory_space<hbm>>) dst(%dma_wait3A_518 : memref<32x128xf32, #tpu.memory_space<vmem>>)
      %dma_wait3A_525 = arith.constant 4 : i32
      %dma_wait3A_526 = arith.constant 4 : i32
      %dma_wait3A_527 = arith.constant 0 : i32
      %dma_wait3A_528 = arith.constant 0 : i32
      %dma_wait3A_529 = tpu.memref_slice %arg20[%dma_wait3A_526, %dma_wait3A_527, %dma_wait3A_528] : memref<5x32x128xf32, #tpu.memory_space<vmem>> -> memref<1x32x128xf32, #tpu.memory_space<vmem>>
      %dma_wait3A_530 = tpu.memref_squeeze %dma_wait3A_529 : memref<1x32x128xf32, #tpu.memory_space<vmem>> -> memref<32x128xf32, #tpu.memory_space<vmem>>
      %dma_wait3A_531 = arith.constant 0 : i32
      %dma_wait3A_532 = tpu.memref_slice %arg10[%dma_wait3A_525, %dma_wait3A_531] : memref<5x512xi32, #tpu.memory_space<vmem>> -> memref<1x32xi32, #tpu.memory_space<vmem>>
      %dma_wait3A_533 = tpu.memref_squeeze %dma_wait3A_532 : memref<1x32xi32, #tpu.memory_space<vmem>> -> memref<32xi32, #tpu.memory_space<vmem>>
      %dma_wait3A_534 = arith.constant 0 : i32
      %dma_wait3A_535 = arith.constant 0 : i32
      %dma_wait3A_536 = tpu.memref_slice %arg6[%dma_wait3A_534, %dma_wait3A_535] : memref<100000x128xf32, #tpu.memory_space<hbm>> -> memref<100000x128xf32, #tpu.memory_space<hbm>>
      tpu.wait_indirect_dma semaphore(%arg26 : memref<!tpu.dma_semaphore, #tpu.memory_space<semaphore_mem>>) src(%dma_wait3A_536 : memref<100000x128xf32, #tpu.memory_space<hbm>>) dst(%dma_wait3A_530 : memref<32x128xf32, #tpu.memory_space<vmem>>)
      %mul3A_537 = arith.constant 32 : i32
      %mul3A_538 = arith.muli %add3A_466, %mul3A_537 : i32
      %iota3A_539 = tpu.iota {dimensions = array<i32: 0>} : vector<16xi32>
      %parallel_loop3A_540 = arith.constant 0 : i32
      %parallel_loop3A_541 = arith.constant 2 : i32
      %parallel_loop3A_542 = arith.constant 1 : i32
      scf.for %parallel_loop3A_635 = %parallel_loop3A_540 to %parallel_loop3A_541 step %parallel_loop3A_542  : i32 {
        %parallel_loop3A_636 = arith.constant 0.000000e+00 : f32
        %parallel_loop3A_637 = vector.broadcast %parallel_loop3A_636 : f32 to vector<16xf32>
        %parallel_loop3A_638 = arith.constant 0 : i32
        %parallel_loop3A_639 = arith.constant 16 : i32
        %parallel_loop3A_640 = arith.addi %parallel_loop3A_638, %parallel_loop3A_639 : i32
        %parallel_loop3A_641 = arith.constant 1 : i32
        %parallel_loop3A_642:6 = scf.for %scan3A_686 = %parallel_loop3A_638 to %parallel_loop3A_640 step %parallel_loop3A_641 iter_args(%scan3A_687 = %parallel_loop3A_637, %scan3A_688 = %parallel_loop3A_637, %scan3A_689 = %parallel_loop3A_637, %scan3A_690 = %parallel_loop3A_637, %scan3A_691 = %parallel_loop3A_637, %scan3A_692 = %parallel_loop3A_637) -> (vector<16xf32>, vector<16xf32>, vector<16xf32>, vector<16xf32>, vector<16xf32>, vector<16xf32>)  : i32 {
          %parallel_loop3A_693 = arith.constant 16 : i32
          %parallel_loop3A_694 = arith.muli %parallel_loop3A_635, %parallel_loop3A_693 : i32
          %parallel_loop3A_695 = arith.addi %parallel_loop3A_694, %scan3A_686 : i32
          %parallel_loop3A_696 = vector.broadcast %scan3A_686 : i32 to vector<16xi32>
          %parallel_loop3A_697 = arith.cmpi eq, %iota3A_539, %parallel_loop3A_696 : vector<16xi32>
          %parallel_loop3A_698 = arith.index_cast %parallel_loop3A_695 : i32 to index
          %parallel_loop3A_699 = arith.constant 0 : index
          %parallel_loop3A_700 = tpu.vector_load %arg18[%parallel_loop3A_698, %parallel_loop3A_699] {strides = array<i32>} : memref<32x128xf32, #tpu.memory_space<vmem>>, vector<16xf32>,
          %parallel_loop3A_701 = arith.index_cast %parallel_loop3A_695 : i32 to index
          %parallel_loop3A_702 = arith.constant 16 : index
          %parallel_loop3A_703 = tpu.vector_load %arg18[%parallel_loop3A_701, %parallel_loop3A_702] {strides = array<i32>} : memref<32x128xf32, #tpu.memory_space<vmem>>, vector<16xf32>,
          %parallel_loop3A_704 = arith.index_cast %parallel_loop3A_695 : i32 to index
          %parallel_loop3A_705 = arith.constant 32 : index
          %parallel_loop3A_706 = tpu.vector_load %arg18[%parallel_loop3A_704, %parallel_loop3A_705] {strides = array<i32>} : memref<32x128xf32, #tpu.memory_space<vmem>>, vector<16xf32>,
          %parallel_loop3A_707 = arith.index_cast %parallel_loop3A_695 : i32 to index
          %parallel_loop3A_708 = arith.constant 48 : index
          %parallel_loop3A_709 = tpu.vector_load %arg18[%parallel_loop3A_707, %parallel_loop3A_708] {strides = array<i32>} : memref<32x128xf32, #tpu.memory_space<vmem>>, vector<16xf32>,
          %parallel_loop3A_710 = arith.index_cast %parallel_loop3A_695 : i32 to index
          %parallel_loop3A_711 = arith.constant 64 : index
          %parallel_loop3A_712 = tpu.vector_load %arg18[%parallel_loop3A_710, %parallel_loop3A_711] {strides = array<i32>} : memref<32x128xf32, #tpu.memory_space<vmem>>, vector<16xf32>,
          %parallel_loop3A_713 = arith.index_cast %parallel_loop3A_695 : i32 to index
          %parallel_loop3A_714 = arith.constant 80 : index
          %parallel_loop3A_715 = tpu.vector_load %arg18[%parallel_loop3A_713, %parallel_loop3A_714] {strides = array<i32>} : memref<32x128xf32, #tpu.memory_space<vmem>>, vector<16xf32>,
          %parallel_loop3A_716 = arith.index_cast %parallel_loop3A_695 : i32 to index
          %parallel_loop3A_717 = arith.constant 96 : index
          %parallel_loop3A_718 = tpu.vector_load %arg18[%parallel_loop3A_716, %parallel_loop3A_717] {strides = array<i32>} : memref<32x128xf32, #tpu.memory_space<vmem>>, vector<16xf32>,
          %parallel_loop3A_719 = arith.index_cast %parallel_loop3A_695 : i32 to index
          %parallel_loop3A_720 = arith.constant 112 : index
          %parallel_loop3A_721 = tpu.vector_load %arg18[%parallel_loop3A_719, %parallel_loop3A_720] {strides = array<i32>} : memref<32x128xf32, #tpu.memory_space<vmem>>, vector<16xf32>,
          %parallel_loop3A_722 = arith.index_cast %parallel_loop3A_695 : i32 to index
          %parallel_loop3A_723 = arith.constant 0 : index
          %parallel_loop3A_724 = tpu.vector_load %arg19[%parallel_loop3A_722, %parallel_loop3A_723] {strides = array<i32>} : memref<32x128xf32, #tpu.memory_space<vmem>>, vector<16xf32>,
          %parallel_loop3A_725 = arith.mulf %parallel_loop3A_700, %parallel_loop3A_724 : vector<16xf32>
          %parallel_loop3A_726 = arith.index_cast %parallel_loop3A_695 : i32 to index
          %parallel_loop3A_727 = arith.constant 16 : index
          %parallel_loop3A_728 = tpu.vector_load %arg19[%parallel_loop3A_726, %parallel_loop3A_727] {strides = array<i32>} : memref<32x128xf32, #tpu.memory_space<vmem>>, vector<16xf32>,
          %parallel_loop3A_729 = arith.mulf %parallel_loop3A_703, %parallel_loop3A_728 : vector<16xf32>
          %parallel_loop3A_730 = arith.addf %parallel_loop3A_725, %parallel_loop3A_729 : vector<16xf32>
          %parallel_loop3A_731 = arith.index_cast %parallel_loop3A_695 : i32 to index
          %parallel_loop3A_732 = arith.constant 32 : index
          %parallel_loop3A_733 = tpu.vector_load %arg19[%parallel_loop3A_731, %parallel_loop3A_732] {strides = array<i32>} : memref<32x128xf32, #tpu.memory_space<vmem>>, vector<16xf32>,
          %parallel_loop3A_734 = arith.mulf %parallel_loop3A_706, %parallel_loop3A_733 : vector<16xf32>
          %parallel_loop3A_735 = arith.addf %parallel_loop3A_730, %parallel_loop3A_734 : vector<16xf32>
          %parallel_loop3A_736 = arith.index_cast %parallel_loop3A_695 : i32 to index
          %parallel_loop3A_737 = arith.constant 48 : index
          %parallel_loop3A_738 = tpu.vector_load %arg19[%parallel_loop3A_736, %parallel_loop3A_737] {strides = array<i32>} : memref<32x128xf32, #tpu.memory_space<vmem>>, vector<16xf32>,
          %parallel_loop3A_739 = arith.mulf %parallel_loop3A_709, %parallel_loop3A_738 : vector<16xf32>
          %parallel_loop3A_740 = arith.addf %parallel_loop3A_735, %parallel_loop3A_739 : vector<16xf32>
          %parallel_loop3A_741 = arith.index_cast %parallel_loop3A_695 : i32 to index
          %parallel_loop3A_742 = arith.constant 64 : index
          %parallel_loop3A_743 = tpu.vector_load %arg19[%parallel_loop3A_741, %parallel_loop3A_742] {strides = array<i32>} : memref<32x128xf32, #tpu.memory_space<vmem>>, vector<16xf32>,
          %parallel_loop3A_744 = arith.mulf %parallel_loop3A_712, %parallel_loop3A_743 : vector<16xf32>
          %parallel_loop3A_745 = arith.addf %parallel_loop3A_740, %parallel_loop3A_744 : vector<16xf32>
          %parallel_loop3A_746 = arith.index_cast %parallel_loop3A_695 : i32 to index
          %parallel_loop3A_747 = arith.constant 80 : index
          %parallel_loop3A_748 = tpu.vector_load %arg19[%parallel_loop3A_746, %parallel_loop3A_747] {strides = array<i32>} : memref<32x128xf32, #tpu.memory_space<vmem>>, vector<16xf32>,
          %parallel_loop3A_749 = arith.mulf %parallel_loop3A_715, %parallel_loop3A_748 : vector<16xf32>
          %parallel_loop3A_750 = arith.addf %parallel_loop3A_745, %parallel_loop3A_749 : vector<16xf32>
          %parallel_loop3A_751 = arith.index_cast %parallel_loop3A_695 : i32 to index
          %parallel_loop3A_752 = arith.constant 96 : index
          %parallel_loop3A_753 = tpu.vector_load %arg19[%parallel_loop3A_751, %parallel_loop3A_752] {strides = array<i32>} : memref<32x128xf32, #tpu.memory_space<vmem>>, vector<16xf32>,
          %parallel_loop3A_754 = arith.mulf %parallel_loop3A_718, %parallel_loop3A_753 : vector<16xf32>
          %parallel_loop3A_755 = arith.addf %parallel_loop3A_750, %parallel_loop3A_754 : vector<16xf32>
          %parallel_loop3A_756 = arith.index_cast %parallel_loop3A_695 : i32 to index
          %parallel_loop3A_757 = arith.constant 112 : index
          %parallel_loop3A_758 = tpu.vector_load %arg19[%parallel_loop3A_756, %parallel_loop3A_757] {strides = array<i32>} : memref<32x128xf32, #tpu.memory_space<vmem>>, vector<16xf32>,
          %parallel_loop3A_759 = arith.mulf %parallel_loop3A_721, %parallel_loop3A_758 : vector<16xf32>
          %parallel_loop3A_760 = arith.addf %parallel_loop3A_755, %parallel_loop3A_759 : vector<16xf32>
          %parallel_loop3A_761 = arith.constant true
          %parallel_loop3A_762 = vector.broadcast %parallel_loop3A_761 : i1 to vector<16xi1>
          %parallel_loop3A_763 = tpu.scan <sum>, %parallel_loop3A_760 masked %parallel_loop3A_762 : vector<16xf32>, vector<16xi1> -> vector<16xf32>
          %parallel_loop3A_764 = vector.extract %parallel_loop3A_763[15] : f32 from vector<16xf32>
          %parallel_loop3A_765 = vector.broadcast %parallel_loop3A_764 : f32 to vector<16xf32>
          %parallel_loop3A_766 = arith.select %parallel_loop3A_697, %parallel_loop3A_765, %scan3A_687 : vector<16xi1>, vector<16xf32>
          %parallel_loop3A_767 = arith.constant 0 : i32
          %parallel_loop3A_768 = arith.index_cast %parallel_loop3A_767 : i32 to index
          %parallel_loop3A_769 = arith.index_cast %parallel_loop3A_695 : i32 to index
          %parallel_loop3A_770 = arith.constant 0 : index
          %parallel_loop3A_771 = tpu.vector_load %arg20[%parallel_loop3A_768, %parallel_loop3A_769, %parallel_loop3A_770] {strides = array<i32>} : memref<5x32x128xf32, #tpu.memory_space<vmem>>, vector<16xf32>,
          %parallel_loop3A_772 = arith.mulf %parallel_loop3A_700, %parallel_loop3A_771 : vector<16xf32>
          %parallel_loop3A_773 = arith.constant 0 : i32
          %parallel_loop3A_774 = arith.index_cast %parallel_loop3A_773 : i32 to index
          %parallel_loop3A_775 = arith.index_cast %parallel_loop3A_695 : i32 to index
          %parallel_loop3A_776 = arith.constant 16 : index
          %parallel_loop3A_777 = tpu.vector_load %arg20[%parallel_loop3A_774, %parallel_loop3A_775, %parallel_loop3A_776] {strides = array<i32>} : memref<5x32x128xf32, #tpu.memory_space<vmem>>, vector<16xf32>,
          %parallel_loop3A_778 = arith.mulf %parallel_loop3A_703, %parallel_loop3A_777 : vector<16xf32>
          %parallel_loop3A_779 = arith.addf %parallel_loop3A_772, %parallel_loop3A_778 : vector<16xf32>
          %parallel_loop3A_780 = arith.constant 0 : i32
          %parallel_loop3A_781 = arith.index_cast %parallel_loop3A_780 : i32 to index
          %parallel_loop3A_782 = arith.index_cast %parallel_loop3A_695 : i32 to index
          %parallel_loop3A_783 = arith.constant 32 : index
          %parallel_loop3A_784 = tpu.vector_load %arg20[%parallel_loop3A_781, %parallel_loop3A_782, %parallel_loop3A_783] {strides = array<i32>} : memref<5x32x128xf32, #tpu.memory_space<vmem>>, vector<16xf32>,
          %parallel_loop3A_785 = arith.mulf %parallel_loop3A_706, %parallel_loop3A_784 : vector<16xf32>
          %parallel_loop3A_786 = arith.addf %parallel_loop3A_779, %parallel_loop3A_785 : vector<16xf32>
          %parallel_loop3A_787 = arith.constant 0 : i32
          %parallel_loop3A_788 = arith.index_cast %parallel_loop3A_787 : i32 to index
          %parallel_loop3A_789 = arith.index_cast %parallel_loop3A_695 : i32 to index
          %parallel_loop3A_790 = arith.constant 48 : index
          %parallel_loop3A_791 = tpu.vector_load %arg20[%parallel_loop3A_788, %parallel_loop3A_789, %parallel_loop3A_790] {strides = array<i32>} : memref<5x32x128xf32, #tpu.memory_space<vmem>>, vector<16xf32>,
          %parallel_loop3A_792 = arith.mulf %parallel_loop3A_709, %parallel_loop3A_791 : vector<16xf32>
          %parallel_loop3A_793 = arith.addf %parallel_loop3A_786, %parallel_loop3A_792 : vector<16xf32>
          %parallel_loop3A_794 = arith.constant 0 : i32
          %parallel_loop3A_795 = arith.index_cast %parallel_loop3A_794 : i32 to index
          %parallel_loop3A_796 = arith.index_cast %parallel_loop3A_695 : i32 to index
          %parallel_loop3A_797 = arith.constant 64 : index
          %parallel_loop3A_798 = tpu.vector_load %arg20[%parallel_loop3A_795, %parallel_loop3A_796, %parallel_loop3A_797] {strides = array<i32>} : memref<5x32x128xf32, #tpu.memory_space<vmem>>, vector<16xf32>,
          %parallel_loop3A_799 = arith.mulf %parallel_loop3A_712, %parallel_loop3A_798 : vector<16xf32>
          %parallel_loop3A_800 = arith.addf %parallel_loop3A_793, %parallel_loop3A_799 : vector<16xf32>
          %parallel_loop3A_801 = arith.constant 0 : i32
          %parallel_loop3A_802 = arith.index_cast %parallel_loop3A_801 : i32 to index
          %parallel_loop3A_803 = arith.index_cast %parallel_loop3A_695 : i32 to index
          %parallel_loop3A_804 = arith.constant 80 : index
          %parallel_loop3A_805 = tpu.vector_load %arg20[%parallel_loop3A_802, %parallel_loop3A_803, %parallel_loop3A_804] {strides = array<i32>} : memref<5x32x128xf32, #tpu.memory_space<vmem>>, vector<16xf32>,
          %parallel_loop3A_806 = arith.mulf %parallel_loop3A_715, %parallel_loop3A_805 : vector<16xf32>
          %parallel_loop3A_807 = arith.addf %parallel_loop3A_800, %parallel_loop3A_806 : vector<16xf32>
          %parallel_loop3A_808 = arith.constant 0 : i32
          %parallel_loop3A_809 = arith.index_cast %parallel_loop3A_808 : i32 to index
          %parallel_loop3A_810 = arith.index_cast %parallel_loop3A_695 : i32 to index
          %parallel_loop3A_811 = arith.constant 96 : index
          %parallel_loop3A_812 = tpu.vector_load %arg20[%parallel_loop3A_809, %parallel_loop3A_810, %parallel_loop3A_811] {strides = array<i32>} : memref<5x32x128xf32, #tpu.memory_space<vmem>>, vector<16xf32>,
          %parallel_loop3A_813 = arith.mulf %parallel_loop3A_718, %parallel_loop3A_812 : vector<16xf32>
          %parallel_loop3A_814 = arith.addf %parallel_loop3A_807, %parallel_loop3A_813 : vector<16xf32>
          %parallel_loop3A_815 = arith.constant 0 : i32
          %parallel_loop3A_816 = arith.index_cast %parallel_loop3A_815 : i32 to index
          %parallel_loop3A_817 = arith.index_cast %parallel_loop3A_695 : i32 to index
          %parallel_loop3A_818 = arith.constant 112 : index
          %parallel_loop3A_819 = tpu.vector_load %arg20[%parallel_loop3A_816, %parallel_loop3A_817, %parallel_loop3A_818] {strides = array<i32>} : memref<5x32x128xf32, #tpu.memory_space<vmem>>, vector<16xf32>,
          %parallel_loop3A_820 = arith.mulf %parallel_loop3A_721, %parallel_loop3A_819 : vector<16xf32>
          %parallel_loop3A_821 = arith.addf %parallel_loop3A_814, %parallel_loop3A_820 : vector<16xf32>
          %parallel_loop3A_822 = arith.constant true
          %parallel_loop3A_823 = vector.broadcast %parallel_loop3A_822 : i1 to vector<16xi1>
          %parallel_loop3A_824 = tpu.scan <sum>, %parallel_loop3A_821 masked %parallel_loop3A_823 : vector<16xf32>, vector<16xi1> -> vector<16xf32>
          %parallel_loop3A_825 = vector.extract %parallel_loop3A_824[15] : f32 from vector<16xf32>
          %parallel_loop3A_826 = vector.broadcast %parallel_loop3A_825 : f32 to vector<16xf32>
          %parallel_loop3A_827 = arith.select %parallel_loop3A_697, %parallel_loop3A_826, %scan3A_688 : vector<16xi1>, vector<16xf32>
          %parallel_loop3A_828 = arith.constant 1 : i32
          %parallel_loop3A_829 = arith.index_cast %parallel_loop3A_828 : i32 to index
          %parallel_loop3A_830 = arith.index_cast %parallel_loop3A_695 : i32 to index
          %parallel_loop3A_831 = arith.constant 0 : index
          %parallel_loop3A_832 = tpu.vector_load %arg20[%parallel_loop3A_829, %parallel_loop3A_830, %parallel_loop3A_831] {strides = array<i32>} : memref<5x32x128xf32, #tpu.memory_space<vmem>>, vector<16xf32>,
          %parallel_loop3A_833 = arith.mulf %parallel_loop3A_700, %parallel_loop3A_832 : vector<16xf32>
          %parallel_loop3A_834 = arith.constant 1 : i32
          %parallel_loop3A_835 = arith.index_cast %parallel_loop3A_834 : i32 to index
          %parallel_loop3A_836 = arith.index_cast %parallel_loop3A_695 : i32 to index
          %parallel_loop3A_837 = arith.constant 16 : index
          %parallel_loop3A_838 = tpu.vector_load %arg20[%parallel_loop3A_835, %parallel_loop3A_836, %parallel_loop3A_837] {strides = array<i32>} : memref<5x32x128xf32, #tpu.memory_space<vmem>>, vector<16xf32>,
          %parallel_loop3A_839 = arith.mulf %parallel_loop3A_703, %parallel_loop3A_838 : vector<16xf32>
          %parallel_loop3A_840 = arith.addf %parallel_loop3A_833, %parallel_loop3A_839 : vector<16xf32>
          %parallel_loop3A_841 = arith.constant 1 : i32
          %parallel_loop3A_842 = arith.index_cast %parallel_loop3A_841 : i32 to index
          %parallel_loop3A_843 = arith.index_cast %parallel_loop3A_695 : i32 to index
          %parallel_loop3A_844 = arith.constant 32 : index
          %parallel_loop3A_845 = tpu.vector_load %arg20[%parallel_loop3A_842, %parallel_loop3A_843, %parallel_loop3A_844] {strides = array<i32>} : memref<5x32x128xf32, #tpu.memory_space<vmem>>, vector<16xf32>,
          %parallel_loop3A_846 = arith.mulf %parallel_loop3A_706, %parallel_loop3A_845 : vector<16xf32>
          %parallel_loop3A_847 = arith.addf %parallel_loop3A_840, %parallel_loop3A_846 : vector<16xf32>
          %parallel_loop3A_848 = arith.constant 1 : i32
          %parallel_loop3A_849 = arith.index_cast %parallel_loop3A_848 : i32 to index
          %parallel_loop3A_850 = arith.index_cast %parallel_loop3A_695 : i32 to index
          %parallel_loop3A_851 = arith.constant 48 : index
          %parallel_loop3A_852 = tpu.vector_load %arg20[%parallel_loop3A_849, %parallel_loop3A_850, %parallel_loop3A_851] {strides = array<i32>} : memref<5x32x128xf32, #tpu.memory_space<vmem>>, vector<16xf32>,
          %parallel_loop3A_853 = arith.mulf %parallel_loop3A_709, %parallel_loop3A_852 : vector<16xf32>
          %parallel_loop3A_854 = arith.addf %parallel_loop3A_847, %parallel_loop3A_853 : vector<16xf32>
          %parallel_loop3A_855 = arith.constant 1 : i32
          %parallel_loop3A_856 = arith.index_cast %parallel_loop3A_855 : i32 to index
          %parallel_loop3A_857 = arith.index_cast %parallel_loop3A_695 : i32 to index
          %parallel_loop3A_858 = arith.constant 64 : index
          %parallel_loop3A_859 = tpu.vector_load %arg20[%parallel_loop3A_856, %parallel_loop3A_857, %parallel_loop3A_858] {strides = array<i32>} : memref<5x32x128xf32, #tpu.memory_space<vmem>>, vector<16xf32>,
          %parallel_loop3A_860 = arith.mulf %parallel_loop3A_712, %parallel_loop3A_859 : vector<16xf32>
          %parallel_loop3A_861 = arith.addf %parallel_loop3A_854, %parallel_loop3A_860 : vector<16xf32>
          %parallel_loop3A_862 = arith.constant 1 : i32
          %parallel_loop3A_863 = arith.index_cast %parallel_loop3A_862 : i32 to index
          %parallel_loop3A_864 = arith.index_cast %parallel_loop3A_695 : i32 to index
          %parallel_loop3A_865 = arith.constant 80 : index
          %parallel_loop3A_866 = tpu.vector_load %arg20[%parallel_loop3A_863, %parallel_loop3A_864, %parallel_loop3A_865] {strides = array<i32>} : memref<5x32x128xf32, #tpu.memory_space<vmem>>, vector<16xf32>,
          %parallel_loop3A_867 = arith.mulf %parallel_loop3A_715, %parallel_loop3A_866 : vector<16xf32>
          %parallel_loop3A_868 = arith.addf %parallel_loop3A_861, %parallel_loop3A_867 : vector<16xf32>
          %parallel_loop3A_869 = arith.constant 1 : i32
          %parallel_loop3A_870 = arith.index_cast %parallel_loop3A_869 : i32 to index
          %parallel_loop3A_871 = arith.index_cast %parallel_loop3A_695 : i32 to index
          %parallel_loop3A_872 = arith.constant 96 : index
          %parallel_loop3A_873 = tpu.vector_load %arg20[%parallel_loop3A_870, %parallel_loop3A_871, %parallel_loop3A_872] {strides = array<i32>} : memref<5x32x128xf32, #tpu.memory_space<vmem>>, vector<16xf32>,
          %parallel_loop3A_874 = arith.mulf %parallel_loop3A_718, %parallel_loop3A_873 : vector<16xf32>
          %parallel_loop3A_875 = arith.addf %parallel_loop3A_868, %parallel_loop3A_874 : vector<16xf32>
          %parallel_loop3A_876 = arith.constant 1 : i32
          %parallel_loop3A_877 = arith.index_cast %parallel_loop3A_876 : i32 to index
          %parallel_loop3A_878 = arith.index_cast %parallel_loop3A_695 : i32 to index
          %parallel_loop3A_879 = arith.constant 112 : index
          %parallel_loop3A_880 = tpu.vector_load %arg20[%parallel_loop3A_877, %parallel_loop3A_878, %parallel_loop3A_879] {strides = array<i32>} : memref<5x32x128xf32, #tpu.memory_space<vmem>>, vector<16xf32>,
          %parallel_loop3A_881 = arith.mulf %parallel_loop3A_721, %parallel_loop3A_880 : vector<16xf32>
          %parallel_loop3A_882 = arith.addf %parallel_loop3A_875, %parallel_loop3A_881 : vector<16xf32>
          %parallel_loop3A_883 = arith.constant true
          %parallel_loop3A_884 = vector.broadcast %parallel_loop3A_883 : i1 to vector<16xi1>
          %parallel_loop3A_885 = tpu.scan <sum>, %parallel_loop3A_882 masked %parallel_loop3A_884 : vector<16xf32>, vector<16xi1> -> vector<16xf32>
          %parallel_loop3A_886 = vector.extract %parallel_loop3A_885[15] : f32 from vector<16xf32>
          %parallel_loop3A_887 = vector.broadcast %parallel_loop3A_886 : f32 to vector<16xf32>
          %parallel_loop3A_888 = arith.select %parallel_loop3A_697, %parallel_loop3A_887, %scan3A_689 : vector<16xi1>, vector<16xf32>
          %parallel_loop3A_889 = arith.constant 2 : i32
          %parallel_loop3A_890 = arith.index_cast %parallel_loop3A_889 : i32 to index
          %parallel_loop3A_891 = arith.index_cast %parallel_loop3A_695 : i32 to index
          %parallel_loop3A_892 = arith.constant 0 : index
          %parallel_loop3A_893 = tpu.vector_load %arg20[%parallel_loop3A_890, %parallel_loop3A_891, %parallel_loop3A_892] {strides = array<i32>} : memref<5x32x128xf32, #tpu.memory_space<vmem>>, vector<16xf32>,
          %parallel_loop3A_894 = arith.mulf %parallel_loop3A_700, %parallel_loop3A_893 : vector<16xf32>
          %parallel_loop3A_895 = arith.constant 2 : i32
          %parallel_loop3A_896 = arith.index_cast %parallel_loop3A_895 : i32 to index
          %parallel_loop3A_897 = arith.index_cast %parallel_loop3A_695 : i32 to index
          %parallel_loop3A_898 = arith.constant 16 : index
          %parallel_loop3A_899 = tpu.vector_load %arg20[%parallel_loop3A_896, %parallel_loop3A_897, %parallel_loop3A_898] {strides = array<i32>} : memref<5x32x128xf32, #tpu.memory_space<vmem>>, vector<16xf32>,
          %parallel_loop3A_900 = arith.mulf %parallel_loop3A_703, %parallel_loop3A_899 : vector<16xf32>
          %parallel_loop3A_901 = arith.addf %parallel_loop3A_894, %parallel_loop3A_900 : vector<16xf32>
          %parallel_loop3A_902 = arith.constant 2 : i32
          %parallel_loop3A_903 = arith.index_cast %parallel_loop3A_902 : i32 to index
          %parallel_loop3A_904 = arith.index_cast %parallel_loop3A_695 : i32 to index
          %parallel_loop3A_905 = arith.constant 32 : index
          %parallel_loop3A_906 = tpu.vector_load %arg20[%parallel_loop3A_903, %parallel_loop3A_904, %parallel_loop3A_905] {strides = array<i32>} : memref<5x32x128xf32, #tpu.memory_space<vmem>>, vector<16xf32>,
          %parallel_loop3A_907 = arith.mulf %parallel_loop3A_706, %parallel_loop3A_906 : vector<16xf32>
          %parallel_loop3A_908 = arith.addf %parallel_loop3A_901, %parallel_loop3A_907 : vector<16xf32>
          %parallel_loop3A_909 = arith.constant 2 : i32
          %parallel_loop3A_910 = arith.index_cast %parallel_loop3A_909 : i32 to index
          %parallel_loop3A_911 = arith.index_cast %parallel_loop3A_695 : i32 to index
          %parallel_loop3A_912 = arith.constant 48 : index
          %parallel_loop3A_913 = tpu.vector_load %arg20[%parallel_loop3A_910, %parallel_loop3A_911, %parallel_loop3A_912] {strides = array<i32>} : memref<5x32x128xf32, #tpu.memory_space<vmem>>, vector<16xf32>,
          %parallel_loop3A_914 = arith.mulf %parallel_loop3A_709, %parallel_loop3A_913 : vector<16xf32>
          %parallel_loop3A_915 = arith.addf %parallel_loop3A_908, %parallel_loop3A_914 : vector<16xf32>
          %parallel_loop3A_916 = arith.constant 2 : i32
          %parallel_loop3A_917 = arith.index_cast %parallel_loop3A_916 : i32 to index
          %parallel_loop3A_918 = arith.index_cast %parallel_loop3A_695 : i32 to index
          %parallel_loop3A_919 = arith.constant 64 : index
          %parallel_loop3A_920 = tpu.vector_load %arg20[%parallel_loop3A_917, %parallel_loop3A_918, %parallel_loop3A_919] {strides = array<i32>} : memref<5x32x128xf32, #tpu.memory_space<vmem>>, vector<16xf32>,
          %parallel_loop3A_921 = arith.mulf %parallel_loop3A_712, %parallel_loop3A_920 : vector<16xf32>
          %parallel_loop3A_922 = arith.addf %parallel_loop3A_915, %parallel_loop3A_921 : vector<16xf32>
          %parallel_loop3A_923 = arith.constant 2 : i32
          %parallel_loop3A_924 = arith.index_cast %parallel_loop3A_923 : i32 to index
          %parallel_loop3A_925 = arith.index_cast %parallel_loop3A_695 : i32 to index
          %parallel_loop3A_926 = arith.constant 80 : index
          %parallel_loop3A_927 = tpu.vector_load %arg20[%parallel_loop3A_924, %parallel_loop3A_925, %parallel_loop3A_926] {strides = array<i32>} : memref<5x32x128xf32, #tpu.memory_space<vmem>>, vector<16xf32>,
          %parallel_loop3A_928 = arith.mulf %parallel_loop3A_715, %parallel_loop3A_927 : vector<16xf32>
          %parallel_loop3A_929 = arith.addf %parallel_loop3A_922, %parallel_loop3A_928 : vector<16xf32>
          %parallel_loop3A_930 = arith.constant 2 : i32
          %parallel_loop3A_931 = arith.index_cast %parallel_loop3A_930 : i32 to index
          %parallel_loop3A_932 = arith.index_cast %parallel_loop3A_695 : i32 to index
          %parallel_loop3A_933 = arith.constant 96 : index
          %parallel_loop3A_934 = tpu.vector_load %arg20[%parallel_loop3A_931, %parallel_loop3A_932, %parallel_loop3A_933] {strides = array<i32>} : memref<5x32x128xf32, #tpu.memory_space<vmem>>, vector<16xf32>,
          %parallel_loop3A_935 = arith.mulf %parallel_loop3A_718, %parallel_loop3A_934 : vector<16xf32>
          %parallel_loop3A_936 = arith.addf %parallel_loop3A_929, %parallel_loop3A_935 : vector<16xf32>
          %parallel_loop3A_937 = arith.constant 2 : i32
          %parallel_loop3A_938 = arith.index_cast %parallel_loop3A_937 : i32 to index
          %parallel_loop3A_939 = arith.index_cast %parallel_loop3A_695 : i32 to index
          %parallel_loop3A_940 = arith.constant 112 : index
          %parallel_loop3A_941 = tpu.vector_load %arg20[%parallel_loop3A_938, %parallel_loop3A_939, %parallel_loop3A_940] {strides = array<i32>} : memref<5x32x128xf32, #tpu.memory_space<vmem>>, vector<16xf32>,
          %parallel_loop3A_942 = arith.mulf %parallel_loop3A_721, %parallel_loop3A_941 : vector<16xf32>
          %parallel_loop3A_943 = arith.addf %parallel_loop3A_936, %parallel_loop3A_942 : vector<16xf32>
          %parallel_loop3A_944 = arith.constant true
          %parallel_loop3A_945 = vector.broadcast %parallel_loop3A_944 : i1 to vector<16xi1>
          %parallel_loop3A_946 = tpu.scan <sum>, %parallel_loop3A_943 masked %parallel_loop3A_945 : vector<16xf32>, vector<16xi1> -> vector<16xf32>
          %parallel_loop3A_947 = vector.extract %parallel_loop3A_946[15] : f32 from vector<16xf32>
          %parallel_loop3A_948 = vector.broadcast %parallel_loop3A_947 : f32 to vector<16xf32>
          %parallel_loop3A_949 = arith.select %parallel_loop3A_697, %parallel_loop3A_948, %scan3A_690 : vector<16xi1>, vector<16xf32>
          %parallel_loop3A_950 = arith.constant 3 : i32
          %parallel_loop3A_951 = arith.index_cast %parallel_loop3A_950 : i32 to index
          %parallel_loop3A_952 = arith.index_cast %parallel_loop3A_695 : i32 to index
          %parallel_loop3A_953 = arith.constant 0 : index
          %parallel_loop3A_954 = tpu.vector_load %arg20[%parallel_loop3A_951, %parallel_loop3A_952, %parallel_loop3A_953] {strides = array<i32>} : memref<5x32x128xf32, #tpu.memory_space<vmem>>, vector<16xf32>,
          %parallel_loop3A_955 = arith.mulf %parallel_loop3A_700, %parallel_loop3A_954 : vector<16xf32>
          %parallel_loop3A_956 = arith.constant 3 : i32
          %parallel_loop3A_957 = arith.index_cast %parallel_loop3A_956 : i32 to index
          %parallel_loop3A_958 = arith.index_cast %parallel_loop3A_695 : i32 to index
          %parallel_loop3A_959 = arith.constant 16 : index
          %parallel_loop3A_960 = tpu.vector_load %arg20[%parallel_loop3A_957, %parallel_loop3A_958, %parallel_loop3A_959] {strides = array<i32>} : memref<5x32x128xf32, #tpu.memory_space<vmem>>, vector<16xf32>,
          %parallel_loop3A_961 = arith.mulf %parallel_loop3A_703, %parallel_loop3A_960 : vector<16xf32>
          %parallel_loop3A_962 = arith.addf %parallel_loop3A_955, %parallel_loop3A_961 : vector<16xf32>
          %parallel_loop3A_963 = arith.constant 3 : i32
          %parallel_loop3A_964 = arith.index_cast %parallel_loop3A_963 : i32 to index
          %parallel_loop3A_965 = arith.index_cast %parallel_loop3A_695 : i32 to index
          %parallel_loop3A_966 = arith.constant 32 : index
          %parallel_loop3A_967 = tpu.vector_load %arg20[%parallel_loop3A_964, %parallel_loop3A_965, %parallel_loop3A_966] {strides = array<i32>} : memref<5x32x128xf32, #tpu.memory_space<vmem>>, vector<16xf32>,
          %parallel_loop3A_968 = arith.mulf %parallel_loop3A_706, %parallel_loop3A_967 : vector<16xf32>
          %parallel_loop3A_969 = arith.addf %parallel_loop3A_962, %parallel_loop3A_968 : vector<16xf32>
          %parallel_loop3A_970 = arith.constant 3 : i32
          %parallel_loop3A_971 = arith.index_cast %parallel_loop3A_970 : i32 to index
          %parallel_loop3A_972 = arith.index_cast %parallel_loop3A_695 : i32 to index
          %parallel_loop3A_973 = arith.constant 48 : index
          %parallel_loop3A_974 = tpu.vector_load %arg20[%parallel_loop3A_971, %parallel_loop3A_972, %parallel_loop3A_973] {strides = array<i32>} : memref<5x32x128xf32, #tpu.memory_space<vmem>>, vector<16xf32>,
          %parallel_loop3A_975 = arith.mulf %parallel_loop3A_709, %parallel_loop3A_974 : vector<16xf32>
          %parallel_loop3A_976 = arith.addf %parallel_loop3A_969, %parallel_loop3A_975 : vector<16xf32>
          %parallel_loop3A_977 = arith.constant 3 : i32
          %parallel_loop3A_978 = arith.index_cast %parallel_loop3A_977 : i32 to index
          %parallel_loop3A_979 = arith.index_cast %parallel_loop3A_695 : i32 to index
          %parallel_loop3A_980 = arith.constant 64 : index
          %parallel_loop3A_981 = tpu.vector_load %arg20[%parallel_loop3A_978, %parallel_loop3A_979, %parallel_loop3A_980] {strides = array<i32>} : memref<5x32x128xf32, #tpu.memory_space<vmem>>, vector<16xf32>,
          %parallel_loop3A_982 = arith.mulf %parallel_loop3A_712, %parallel_loop3A_981 : vector<16xf32>
          %parallel_loop3A_983 = arith.addf %parallel_loop3A_976, %parallel_loop3A_982 : vector<16xf32>
          %parallel_loop3A_984 = arith.constant 3 : i32
          %parallel_loop3A_985 = arith.index_cast %parallel_loop3A_984 : i32 to index
          %parallel_loop3A_986 = arith.index_cast %parallel_loop3A_695 : i32 to index
          %parallel_loop3A_987 = arith.constant 80 : index
          %parallel_loop3A_988 = tpu.vector_load %arg20[%parallel_loop3A_985, %parallel_loop3A_986, %parallel_loop3A_987] {strides = array<i32>} : memref<5x32x128xf32, #tpu.memory_space<vmem>>, vector<16xf32>,
          %parallel_loop3A_989 = arith.mulf %parallel_loop3A_715, %parallel_loop3A_988 : vector<16xf32>
          %parallel_loop3A_990 = arith.addf %parallel_loop3A_983, %parallel_loop3A_989 : vector<16xf32>
          %parallel_loop3A_991 = arith.constant 3 : i32
          %parallel_loop3A_992 = arith.index_cast %parallel_loop3A_991 : i32 to index
          %parallel_loop3A_993 = arith.index_cast %parallel_loop3A_695 : i32 to index
          %parallel_loop3A_994 = arith.constant 96 : index
          %parallel_loop3A_995 = tpu.vector_load %arg20[%parallel_loop3A_992, %parallel_loop3A_993, %parallel_loop3A_994] {strides = array<i32>} : memref<5x32x128xf32, #tpu.memory_space<vmem>>, vector<16xf32>,
          %parallel_loop3A_996 = arith.mulf %parallel_loop3A_718, %parallel_loop3A_995 : vector<16xf32>
          %parallel_loop3A_997 = arith.addf %parallel_loop3A_990, %parallel_loop3A_996 : vector<16xf32>
          %parallel_loop3A_998 = arith.constant 3 : i32
          %parallel_loop3A_999 = arith.index_cast %parallel_loop3A_998 : i32 to index
          %parallel_loop3A_1000 = arith.index_cast %parallel_loop3A_695 : i32 to index
          %parallel_loop3A_1001 = arith.constant 112 : index
          %parallel_loop3A_1002 = tpu.vector_load %arg20[%parallel_loop3A_999, %parallel_loop3A_1000, %parallel_loop3A_1001] {strides = array<i32>} : memref<5x32x128xf32, #tpu.memory_space<vmem>>, vector<16xf32>,
          %parallel_loop3A_1003 = arith.mulf %parallel_loop3A_721, %parallel_loop3A_1002 : vector<16xf32>
          %parallel_loop3A_1004 = arith.addf %parallel_loop3A_997, %parallel_loop3A_1003 : vector<16xf32>
          %parallel_loop3A_1005 = arith.constant true
          %parallel_loop3A_1006 = vector.broadcast %parallel_loop3A_1005 : i1 to vector<16xi1>
          %parallel_loop3A_1007 = tpu.scan <sum>, %parallel_loop3A_1004 masked %parallel_loop3A_1006 : vector<16xf32>, vector<16xi1> -> vector<16xf32>
          %parallel_loop3A_1008 = vector.extract %parallel_loop3A_1007[15] : f32 from vector<16xf32>
          %parallel_loop3A_1009 = vector.broadcast %parallel_loop3A_1008 : f32 to vector<16xf32>
          %parallel_loop3A_1010 = arith.select %parallel_loop3A_697, %parallel_loop3A_1009, %scan3A_691 : vector<16xi1>, vector<16xf32>
          %parallel_loop3A_1011 = arith.constant 4 : i32
          %parallel_loop3A_1012 = arith.index_cast %parallel_loop3A_1011 : i32 to index
          %parallel_loop3A_1013 = arith.index_cast %parallel_loop3A_695 : i32 to index
          %parallel_loop3A_1014 = arith.constant 0 : index
          %parallel_loop3A_1015 = tpu.vector_load %arg20[%parallel_loop3A_1012, %parallel_loop3A_1013, %parallel_loop3A_1014] {strides = array<i32>} : memref<5x32x128xf32, #tpu.memory_space<vmem>>, vector<16xf32>,
          %parallel_loop3A_1016 = arith.mulf %parallel_loop3A_700, %parallel_loop3A_1015 : vector<16xf32>
          %parallel_loop3A_1017 = arith.constant 4 : i32
          %parallel_loop3A_1018 = arith.index_cast %parallel_loop3A_1017 : i32 to index
          %parallel_loop3A_1019 = arith.index_cast %parallel_loop3A_695 : i32 to index
          %parallel_loop3A_1020 = arith.constant 16 : index
          %parallel_loop3A_1021 = tpu.vector_load %arg20[%parallel_loop3A_1018, %parallel_loop3A_1019, %parallel_loop3A_1020] {strides = array<i32>} : memref<5x32x128xf32, #tpu.memory_space<vmem>>, vector<16xf32>,
          %parallel_loop3A_1022 = arith.mulf %parallel_loop3A_703, %parallel_loop3A_1021 : vector<16xf32>
          %parallel_loop3A_1023 = arith.addf %parallel_loop3A_1016, %parallel_loop3A_1022 : vector<16xf32>
          %parallel_loop3A_1024 = arith.constant 4 : i32
          %parallel_loop3A_1025 = arith.index_cast %parallel_loop3A_1024 : i32 to index
          %parallel_loop3A_1026 = arith.index_cast %parallel_loop3A_695 : i32 to index
          %parallel_loop3A_1027 = arith.constant 32 : index
          %parallel_loop3A_1028 = tpu.vector_load %arg20[%parallel_loop3A_1025, %parallel_loop3A_1026, %parallel_loop3A_1027] {strides = array<i32>} : memref<5x32x128xf32, #tpu.memory_space<vmem>>, vector<16xf32>,
          %parallel_loop3A_1029 = arith.mulf %parallel_loop3A_706, %parallel_loop3A_1028 : vector<16xf32>
          %parallel_loop3A_1030 = arith.addf %parallel_loop3A_1023, %parallel_loop3A_1029 : vector<16xf32>
          %parallel_loop3A_1031 = arith.constant 4 : i32
          %parallel_loop3A_1032 = arith.index_cast %parallel_loop3A_1031 : i32 to index
          %parallel_loop3A_1033 = arith.index_cast %parallel_loop3A_695 : i32 to index
          %parallel_loop3A_1034 = arith.constant 48 : index
          %parallel_loop3A_1035 = tpu.vector_load %arg20[%parallel_loop3A_1032, %parallel_loop3A_1033, %parallel_loop3A_1034] {strides = array<i32>} : memref<5x32x128xf32, #tpu.memory_space<vmem>>, vector<16xf32>,
          %parallel_loop3A_1036 = arith.mulf %parallel_loop3A_709, %parallel_loop3A_1035 : vector<16xf32>
          %parallel_loop3A_1037 = arith.addf %parallel_loop3A_1030, %parallel_loop3A_1036 : vector<16xf32>
          %parallel_loop3A_1038 = arith.constant 4 : i32
          %parallel_loop3A_1039 = arith.index_cast %parallel_loop3A_1038 : i32 to index
          %parallel_loop3A_1040 = arith.index_cast %parallel_loop3A_695 : i32 to index
          %parallel_loop3A_1041 = arith.constant 64 : index
          %parallel_loop3A_1042 = tpu.vector_load %arg20[%parallel_loop3A_1039, %parallel_loop3A_1040, %parallel_loop3A_1041] {strides = array<i32>} : memref<5x32x128xf32, #tpu.memory_space<vmem>>, vector<16xf32>,
          %parallel_loop3A_1043 = arith.mulf %parallel_loop3A_712, %parallel_loop3A_1042 : vector<16xf32>
          %parallel_loop3A_1044 = arith.addf %parallel_loop3A_1037, %parallel_loop3A_1043 : vector<16xf32>
          %parallel_loop3A_1045 = arith.constant 4 : i32
          %parallel_loop3A_1046 = arith.index_cast %parallel_loop3A_1045 : i32 to index
          %parallel_loop3A_1047 = arith.index_cast %parallel_loop3A_695 : i32 to index
          %parallel_loop3A_1048 = arith.constant 80 : index
          %parallel_loop3A_1049 = tpu.vector_load %arg20[%parallel_loop3A_1046, %parallel_loop3A_1047, %parallel_loop3A_1048] {strides = array<i32>} : memref<5x32x128xf32, #tpu.memory_space<vmem>>, vector<16xf32>,
          %parallel_loop3A_1050 = arith.mulf %parallel_loop3A_715, %parallel_loop3A_1049 : vector<16xf32>
          %parallel_loop3A_1051 = arith.addf %parallel_loop3A_1044, %parallel_loop3A_1050 : vector<16xf32>
          %parallel_loop3A_1052 = arith.constant 4 : i32
          %parallel_loop3A_1053 = arith.index_cast %parallel_loop3A_1052 : i32 to index
          %parallel_loop3A_1054 = arith.index_cast %parallel_loop3A_695 : i32 to index
          %parallel_loop3A_1055 = arith.constant 96 : index
          %parallel_loop3A_1056 = tpu.vector_load %arg20[%parallel_loop3A_1053, %parallel_loop3A_1054, %parallel_loop3A_1055] {strides = array<i32>} : memref<5x32x128xf32, #tpu.memory_space<vmem>>, vector<16xf32>,
          %parallel_loop3A_1057 = arith.mulf %parallel_loop3A_718, %parallel_loop3A_1056 : vector<16xf32>
          %parallel_loop3A_1058 = arith.addf %parallel_loop3A_1051, %parallel_loop3A_1057 : vector<16xf32>
          %parallel_loop3A_1059 = arith.constant 4 : i32
          %parallel_loop3A_1060 = arith.index_cast %parallel_loop3A_1059 : i32 to index
          %parallel_loop3A_1061 = arith.index_cast %parallel_loop3A_695 : i32 to index
          %parallel_loop3A_1062 = arith.constant 112 : index
          %parallel_loop3A_1063 = tpu.vector_load %arg20[%parallel_loop3A_1060, %parallel_loop3A_1061, %parallel_loop3A_1062] {strides = array<i32>} : memref<5x32x128xf32, #tpu.memory_space<vmem>>, vector<16xf32>,
          %parallel_loop3A_1064 = arith.mulf %parallel_loop3A_721, %parallel_loop3A_1063 : vector<16xf32>
          %parallel_loop3A_1065 = arith.addf %parallel_loop3A_1058, %parallel_loop3A_1064 : vector<16xf32>
          %parallel_loop3A_1066 = arith.constant true
          %parallel_loop3A_1067 = vector.broadcast %parallel_loop3A_1066 : i1 to vector<16xi1>
          %parallel_loop3A_1068 = tpu.scan <sum>, %parallel_loop3A_1065 masked %parallel_loop3A_1067 : vector<16xf32>, vector<16xi1> -> vector<16xf32>
          %parallel_loop3A_1069 = vector.extract %parallel_loop3A_1068[15] : f32 from vector<16xf32>
          %parallel_loop3A_1070 = vector.broadcast %parallel_loop3A_1069 : f32 to vector<16xf32>
          %parallel_loop3A_1071 = arith.select %parallel_loop3A_697, %parallel_loop3A_1070, %scan3A_692 : vector<16xi1>, vector<16xf32>
          scf.yield %parallel_loop3A_766, %parallel_loop3A_827, %parallel_loop3A_888, %parallel_loop3A_949, %parallel_loop3A_1010, %parallel_loop3A_1071 : vector<16xf32>, vector<16xf32>, vector<16xf32>, vector<16xf32>, vector<16xf32>, vector<16xf32>
        }
        %parallel_loop3A_643 = arith.constant 16 : i32
        %parallel_loop3A_644 = arith.constant 16 : i32
        %parallel_loop3A_645 = arith.muli %parallel_loop3A_635, %parallel_loop3A_644 : i32
        %parallel_loop3A_646 = arith.addi %mul3A_538, %parallel_loop3A_645 : i32
        %parallel_loop3A_647 = arith.constant 0 : i32
        %parallel_loop3A_648 = arith.index_cast %parallel_loop3A_647 : i32 to index
        %parallel_loop3A_649 = arith.index_cast %parallel_loop3A_646 : i32 to index
        %parallel_loop3A_650 = tpu.vector_load %arg11[%parallel_loop3A_648, %parallel_loop3A_649] {strides = array<i32>} : memref<6x512xf32, #tpu.memory_space<vmem>>, vector<16xf32>,
        tpu.vector_store %arg11[%parallel_loop3A_648, %parallel_loop3A_649], %parallel_loop3A_642#0 {strides = array<i32>} : memref<6x512xf32, #tpu.memory_space<vmem>>, vector<16xf32>,
        %parallel_loop3A_651 = arith.constant 16 : i32
        %parallel_loop3A_652 = arith.muli %parallel_loop3A_635, %parallel_loop3A_651 : i32
        %parallel_loop3A_653 = arith.addi %mul3A_538, %parallel_loop3A_652 : i32
        %parallel_loop3A_654 = arith.constant 1 : i32
        %parallel_loop3A_655 = arith.index_cast %parallel_loop3A_654 : i32 to index
        %parallel_loop3A_656 = arith.index_cast %parallel_loop3A_653 : i32 to index
        %parallel_loop3A_657 = tpu.vector_load %arg11[%parallel_loop3A_655, %parallel_loop3A_656] {strides = array<i32>} : memref<6x512xf32, #tpu.memory_space<vmem>>, vector<16xf32>,
        tpu.vector_store %arg11[%parallel_loop3A_655, %parallel_loop3A_656], %parallel_loop3A_642#1 {strides = array<i32>} : memref<6x512xf32, #tpu.memory_space<vmem>>, vector<16xf32>,
        %parallel_loop3A_658 = arith.constant 16 : i32
        %parallel_loop3A_659 = arith.muli %parallel_loop3A_635, %parallel_loop3A_658 : i32
        %parallel_loop3A_660 = arith.addi %mul3A_538, %parallel_loop3A_659 : i32
        %parallel_loop3A_661 = arith.constant 2 : i32
        %parallel_loop3A_662 = arith.index_cast %parallel_loop3A_661 : i32 to index
        %parallel_loop3A_663 = arith.index_cast %parallel_loop3A_660 : i32 to index
        %parallel_loop3A_664 = tpu.vector_load %arg11[%parallel_loop3A_662, %parallel_loop3A_663] {strides = array<i32>} : memref<6x512xf32, #tpu.memory_space<vmem>>, vector<16xf32>,
        tpu.vector_store %arg11[%parallel_loop3A_662, %parallel_loop3A_663], %parallel_loop3A_642#2 {strides = array<i32>} : memref<6x512xf32, #tpu.memory_space<vmem>>, vector<16xf32>,
        %parallel_loop3A_665 = arith.constant 16 : i32
        %parallel_loop3A_666 = arith.muli %parallel_loop3A_635, %parallel_loop3A_665 : i32
        %parallel_loop3A_667 = arith.addi %mul3A_538, %parallel_loop3A_666 : i32
        %parallel_loop3A_668 = arith.constant 3 : i32
        %parallel_loop3A_669 = arith.index_cast %parallel_loop3A_668 : i32 to index
        %parallel_loop3A_670 = arith.index_cast %parallel_loop3A_667 : i32 to index
        %parallel_loop3A_671 = tpu.vector_load %arg11[%parallel_loop3A_669, %parallel_loop3A_670] {strides = array<i32>} : memref<6x512xf32, #tpu.memory_space<vmem>>, vector<16xf32>,
        tpu.vector_store %arg11[%parallel_loop3A_669, %parallel_loop3A_670], %parallel_loop3A_642#3 {strides = array<i32>} : memref<6x512xf32, #tpu.memory_space<vmem>>, vector<16xf32>,
        %parallel_loop3A_672 = arith.constant 16 : i32
        %parallel_loop3A_673 = arith.muli %parallel_loop3A_635, %parallel_loop3A_672 : i32
        %parallel_loop3A_674 = arith.addi %mul3A_538, %parallel_loop3A_673 : i32
        %parallel_loop3A_675 = arith.constant 4 : i32
        %parallel_loop3A_676 = arith.index_cast %parallel_loop3A_675 : i32 to index
        %parallel_loop3A_677 = arith.index_cast %parallel_loop3A_674 : i32 to index
        %parallel_loop3A_678 = tpu.vector_load %arg11[%parallel_loop3A_676, %parallel_loop3A_677] {strides = array<i32>} : memref<6x512xf32, #tpu.memory_space<vmem>>, vector<16xf32>,
        tpu.vector_store %arg11[%parallel_loop3A_676, %parallel_loop3A_677], %parallel_loop3A_642#4 {strides = array<i32>} : memref<6x512xf32, #tpu.memory_space<vmem>>, vector<16xf32>,
        %parallel_loop3A_679 = arith.constant 16 : i32
        %parallel_loop3A_680 = arith.muli %parallel_loop3A_635, %parallel_loop3A_679 : i32
        %parallel_loop3A_681 = arith.addi %mul3A_538, %parallel_loop3A_680 : i32
        %parallel_loop3A_682 = arith.constant 5 : i32
        %parallel_loop3A_683 = arith.index_cast %parallel_loop3A_682 : i32 to index
        %parallel_loop3A_684 = arith.index_cast %parallel_loop3A_681 : i32 to index
        %parallel_loop3A_685 = tpu.vector_load %arg11[%parallel_loop3A_683, %parallel_loop3A_684] {strides = array<i32>} : memref<6x512xf32, #tpu.memory_space<vmem>>, vector<16xf32>,
        tpu.vector_store %arg11[%parallel_loop3A_683, %parallel_loop3A_684], %parallel_loop3A_642#5 {strides = array<i32>} : memref<6x512xf32, #tpu.memory_space<vmem>>, vector<16xf32>,
      } {sc.loop_unroll_factor = 2 : i64, sc.parallel_access}
      %add3A_543 = arith.constant 4 : i32
      %add3A_544 = arith.addi %add3A_466, %add3A_543 : i32
      %lt3A_545 = arith.constant 16 : i32
      %lt3A_546 = arith.cmpi slt, %add3A_544, %lt3A_545 : i32
      %convert_element_type3A_547 = arith.extui %lt3A_546 : i1 to i32
      %cond3A_548 = arith.constant 0 : i32
      %cond3A_549 = arith.cmpi ne, %convert_element_type3A_547, %cond3A_548 : i32
      scf.if %cond3A_549 {
        %add3A_635 = arith.constant 4 : i32
        %add3A_636 = arith.addi %add3A_466, %add3A_635 : i32
        %mul3A_637 = arith.constant 32 : i32
        %mul3A_638 = arith.muli %add3A_636, %mul3A_637 : i32
        %dma_start3A_639 = tpu.memref_slice %arg8[%mul3A_638] : memref<512xi32, #tpu.memory_space<vmem>> -> memref<32xi32, #tpu.memory_space<vmem>>
        %dma_start3A_640 = arith.constant 0 : i32
        %dma_start3A_641 = arith.constant 0 : i32
        %dma_start3A_642 = tpu.memref_slice %arg5[%dma_start3A_640, %dma_start3A_641] : memref<100000x128xf32, #tpu.memory_space<hbm>> -> memref<100000x128xf32, #tpu.memory_space<hbm>>
        tpu.enqueue_indirect_dma source(%dma_start3A_642 : memref<100000x128xf32, #tpu.memory_space<hbm>>) target(%arg18 : memref<32x128xf32, #tpu.memory_space<vmem>>) offsets(%dma_start3A_639 : memref<32xi32, #tpu.memory_space<vmem>>) semaphore(%arg26 : memref<!tpu.dma_semaphore, #tpu.memory_space<semaphore_mem>>)
        %dma_start3A_643 = tpu.memref_slice %arg9[%mul3A_638] : memref<512xi32, #tpu.memory_space<vmem>> -> memref<32xi32, #tpu.memory_space<vmem>>
        %dma_start3A_644 = arith.constant 0 : i32
        %dma_start3A_645 = arith.constant 0 : i32
        %dma_start3A_646 = tpu.memref_slice %arg6[%dma_start3A_644, %dma_start3A_645] : memref<100000x128xf32, #tpu.memory_space<hbm>> -> memref<100000x128xf32, #tpu.memory_space<hbm>>
        tpu.enqueue_indirect_dma source(%dma_start3A_646 : memref<100000x128xf32, #tpu.memory_space<hbm>>) target(%arg19 : memref<32x128xf32, #tpu.memory_space<vmem>>) offsets(%dma_start3A_643 : memref<32xi32, #tpu.memory_space<vmem>>) semaphore(%arg26 : memref<!tpu.dma_semaphore, #tpu.memory_space<semaphore_mem>>)
        %mul3A_647 = arith.constant 32 : i32
        %mul3A_648 = arith.muli %add3A_636, %mul3A_647 : i32
        %dma_start3A_649 = arith.constant 0 : i32
        %dma_start3A_650 = arith.constant 0 : i32
        %dma_start3A_651 = arith.constant 0 : i32
        %dma_start3A_652 = arith.constant 0 : i32
        %dma_start3A_653 = tpu.memref_slice %arg20[%dma_start3A_650, %dma_start3A_651, %dma_start3A_652] : memref<5x32x128xf32, #tpu.memory_space<vmem>> -> memref<1x32x128xf32, #tpu.memory_space<vmem>>
        %dma_start3A_654 = tpu.memref_squeeze %dma_start3A_653 : memref<1x32x128xf32, #tpu.memory_space<vmem>> -> memref<32x128xf32, #tpu.memory_space<vmem>>
        %dma_start3A_655 = tpu.memref_slice %arg10[%dma_start3A_649, %mul3A_648] : memref<5x512xi32, #tpu.memory_space<vmem>> -> memref<1x32xi32, #tpu.memory_space<vmem>>
        %dma_start3A_656 = tpu.memref_squeeze %dma_start3A_655 : memref<1x32xi32, #tpu.memory_space<vmem>> -> memref<32xi32, #tpu.memory_space<vmem>>
        %dma_start3A_657 = arith.constant 0 : i32
        %dma_start3A_658 = arith.constant 0 : i32
        %dma_start3A_659 = tpu.memref_slice %arg6[%dma_start3A_657, %dma_start3A_658] : memref<100000x128xf32, #tpu.memory_space<hbm>> -> memref<100000x128xf32, #tpu.memory_space<hbm>>
        tpu.enqueue_indirect_dma source(%dma_start3A_659 : memref<100000x128xf32, #tpu.memory_space<hbm>>) target(%dma_start3A_654 : memref<32x128xf32, #tpu.memory_space<vmem>>) offsets(%dma_start3A_656 : memref<32xi32, #tpu.memory_space<vmem>>) semaphore(%arg26 : memref<!tpu.dma_semaphore, #tpu.memory_space<semaphore_mem>>)
        %dma_start3A_660 = arith.constant 1 : i32
        %dma_start3A_661 = arith.constant 1 : i32
        %dma_start3A_662 = arith.constant 0 : i32
        %dma_start3A_663 = arith.constant 0 : i32
        %dma_start3A_664 = tpu.memref_slice %arg20[%dma_start3A_661, %dma_start3A_662, %dma_start3A_663] : memref<5x32x128xf32, #tpu.memory_space<vmem>> -> memref<1x32x128xf32, #tpu.memory_space<vmem>>
        %dma_start3A_665 = tpu.memref_squeeze %dma_start3A_664 : memref<1x32x128xf32, #tpu.memory_space<vmem>> -> memref<32x128xf32, #tpu.memory_space<vmem>>
        %dma_start3A_666 = tpu.memref_slice %arg10[%dma_start3A_660, %mul3A_648] : memref<5x512xi32, #tpu.memory_space<vmem>> -> memref<1x32xi32, #tpu.memory_space<vmem>>
        %dma_start3A_667 = tpu.memref_squeeze %dma_start3A_666 : memref<1x32xi32, #tpu.memory_space<vmem>> -> memref<32xi32, #tpu.memory_space<vmem>>
        %dma_start3A_668 = arith.constant 0 : i32
        %dma_start3A_669 = arith.constant 0 : i32
        %dma_start3A_670 = tpu.memref_slice %arg6[%dma_start3A_668, %dma_start3A_669] : memref<100000x128xf32, #tpu.memory_space<hbm>> -> memref<100000x128xf32, #tpu.memory_space<hbm>>
        tpu.enqueue_indirect_dma source(%dma_start3A_670 : memref<100000x128xf32, #tpu.memory_space<hbm>>) target(%dma_start3A_665 : memref<32x128xf32, #tpu.memory_space<vmem>>) offsets(%dma_start3A_667 : memref<32xi32, #tpu.memory_space<vmem>>) semaphore(%arg26 : memref<!tpu.dma_semaphore, #tpu.memory_space<semaphore_mem>>)
        %dma_start3A_671 = arith.constant 2 : i32
        %dma_start3A_672 = arith.constant 2 : i32
        %dma_start3A_673 = arith.constant 0 : i32
        %dma_start3A_674 = arith.constant 0 : i32
        %dma_start3A_675 = tpu.memref_slice %arg20[%dma_start3A_672, %dma_start3A_673, %dma_start3A_674] : memref<5x32x128xf32, #tpu.memory_space<vmem>> -> memref<1x32x128xf32, #tpu.memory_space<vmem>>
        %dma_start3A_676 = tpu.memref_squeeze %dma_start3A_675 : memref<1x32x128xf32, #tpu.memory_space<vmem>> -> memref<32x128xf32, #tpu.memory_space<vmem>>
        %dma_start3A_677 = tpu.memref_slice %arg10[%dma_start3A_671, %mul3A_648] : memref<5x512xi32, #tpu.memory_space<vmem>> -> memref<1x32xi32, #tpu.memory_space<vmem>>
        %dma_start3A_678 = tpu.memref_squeeze %dma_start3A_677 : memref<1x32xi32, #tpu.memory_space<vmem>> -> memref<32xi32, #tpu.memory_space<vmem>>
        %dma_start3A_679 = arith.constant 0 : i32
        %dma_start3A_680 = arith.constant 0 : i32
        %dma_start3A_681 = tpu.memref_slice %arg6[%dma_start3A_679, %dma_start3A_680] : memref<100000x128xf32, #tpu.memory_space<hbm>> -> memref<100000x128xf32, #tpu.memory_space<hbm>>
        tpu.enqueue_indirect_dma source(%dma_start3A_681 : memref<100000x128xf32, #tpu.memory_space<hbm>>) target(%dma_start3A_676 : memref<32x128xf32, #tpu.memory_space<vmem>>) offsets(%dma_start3A_678 : memref<32xi32, #tpu.memory_space<vmem>>) semaphore(%arg26 : memref<!tpu.dma_semaphore, #tpu.memory_space<semaphore_mem>>)
        %dma_start3A_682 = arith.constant 3 : i32
        %dma_start3A_683 = arith.constant 3 : i32
        %dma_start3A_684 = arith.constant 0 : i32
        %dma_start3A_685 = arith.constant 0 : i32
        %dma_start3A_686 = tpu.memref_slice %arg20[%dma_start3A_683, %dma_start3A_684, %dma_start3A_685] : memref<5x32x128xf32, #tpu.memory_space<vmem>> -> memref<1x32x128xf32, #tpu.memory_space<vmem>>
        %dma_start3A_687 = tpu.memref_squeeze %dma_start3A_686 : memref<1x32x128xf32, #tpu.memory_space<vmem>> -> memref<32x128xf32, #tpu.memory_space<vmem>>
        %dma_start3A_688 = tpu.memref_slice %arg10[%dma_start3A_682, %mul3A_648] : memref<5x512xi32, #tpu.memory_space<vmem>> -> memref<1x32xi32, #tpu.memory_space<vmem>>
        %dma_start3A_689 = tpu.memref_squeeze %dma_start3A_688 : memref<1x32xi32, #tpu.memory_space<vmem>> -> memref<32xi32, #tpu.memory_space<vmem>>
        %dma_start3A_690 = arith.constant 0 : i32
        %dma_start3A_691 = arith.constant 0 : i32
        %dma_start3A_692 = tpu.memref_slice %arg6[%dma_start3A_690, %dma_start3A_691] : memref<100000x128xf32, #tpu.memory_space<hbm>> -> memref<100000x128xf32, #tpu.memory_space<hbm>>
        tpu.enqueue_indirect_dma source(%dma_start3A_692 : memref<100000x128xf32, #tpu.memory_space<hbm>>) target(%dma_start3A_687 : memref<32x128xf32, #tpu.memory_space<vmem>>) offsets(%dma_start3A_689 : memref<32xi32, #tpu.memory_space<vmem>>) semaphore(%arg26 : memref<!tpu.dma_semaphore, #tpu.memory_space<semaphore_mem>>)
        %dma_start3A_693 = arith.constant 4 : i32
        %dma_start3A_694 = arith.constant 4 : i32
        %dma_start3A_695 = arith.constant 0 : i32
        %dma_start3A_696 = arith.constant 0 : i32
        %dma_start3A_697 = tpu.memref_slice %arg20[%dma_start3A_694, %dma_start3A_695, %dma_start3A_696] : memref<5x32x128xf32, #tpu.memory_space<vmem>> -> memref<1x32x128xf32, #tpu.memory_space<vmem>>
        %dma_start3A_698 = tpu.memref_squeeze %dma_start3A_697 : memref<1x32x128xf32, #tpu.memory_space<vmem>> -> memref<32x128xf32, #tpu.memory_space<vmem>>
        %dma_start3A_699 = tpu.memref_slice %arg10[%dma_start3A_693, %mul3A_648] : memref<5x512xi32, #tpu.memory_space<vmem>> -> memref<1x32xi32, #tpu.memory_space<vmem>>
        %dma_start3A_700 = tpu.memref_squeeze %dma_start3A_699 : memref<1x32xi32, #tpu.memory_space<vmem>> -> memref<32xi32, #tpu.memory_space<vmem>>
        %dma_start3A_701 = arith.constant 0 : i32
        %dma_start3A_702 = arith.constant 0 : i32
        %dma_start3A_703 = tpu.memref_slice %arg6[%dma_start3A_701, %dma_start3A_702] : memref<100000x128xf32, #tpu.memory_space<hbm>> -> memref<100000x128xf32, #tpu.memory_space<hbm>>
        tpu.enqueue_indirect_dma source(%dma_start3A_703 : memref<100000x128xf32, #tpu.memory_space<hbm>>) target(%dma_start3A_698 : memref<32x128xf32, #tpu.memory_space<vmem>>) offsets(%dma_start3A_700 : memref<32xi32, #tpu.memory_space<vmem>>) semaphore(%arg26 : memref<!tpu.dma_semaphore, #tpu.memory_space<semaphore_mem>>)
      } else {
      }
      %add3A_550 = arith.constant 3 : i32
      %add3A_551 = arith.addi %mul3A_299, %add3A_550 : i32
      %dma_wait3A_552 = arith.constant 0 : i32
      %dma_wait3A_553 = tpu.memref_slice %arg8[%dma_wait3A_552] : memref<512xi32, #tpu.memory_space<vmem>> -> memref<32xi32, #tpu.memory_space<vmem>>
      %dma_wait3A_554 = arith.constant 0 : i32
      %dma_wait3A_555 = arith.constant 0 : i32
      %dma_wait3A_556 = tpu.memref_slice %arg5[%dma_wait3A_554, %dma_wait3A_555] : memref<100000x128xf32, #tpu.memory_space<hbm>> -> memref<100000x128xf32, #tpu.memory_space<hbm>>
      tpu.wait_indirect_dma semaphore(%arg27 : memref<!tpu.dma_semaphore, #tpu.memory_space<semaphore_mem>>) src(%dma_wait3A_556 : memref<100000x128xf32, #tpu.memory_space<hbm>>) dst(%arg21 : memref<32x128xf32, #tpu.memory_space<vmem>>)
      %dma_wait3A_557 = arith.constant 0 : i32
      %dma_wait3A_558 = tpu.memref_slice %arg9[%dma_wait3A_557] : memref<512xi32, #tpu.memory_space<vmem>> -> memref<32xi32, #tpu.memory_space<vmem>>
      %dma_wait3A_559 = arith.constant 0 : i32
      %dma_wait3A_560 = arith.constant 0 : i32
      %dma_wait3A_561 = tpu.memref_slice %arg6[%dma_wait3A_559, %dma_wait3A_560] : memref<100000x128xf32, #tpu.memory_space<hbm>> -> memref<100000x128xf32, #tpu.memory_space<hbm>>
      tpu.wait_indirect_dma semaphore(%arg27 : memref<!tpu.dma_semaphore, #tpu.memory_space<semaphore_mem>>) src(%dma_wait3A_561 : memref<100000x128xf32, #tpu.memory_space<hbm>>) dst(%arg22 : memref<32x128xf32, #tpu.memory_space<vmem>>)
      %dma_wait3A_562 = arith.constant 0 : i32
      %dma_wait3A_563 = arith.constant 0 : i32
      %dma_wait3A_564 = arith.constant 0 : i32
      %dma_wait3A_565 = arith.constant 0 : i32
      %dma_wait3A_566 = tpu.memref_slice %arg23[%dma_wait3A_563, %dma_wait3A_564, %dma_wait3A_565] : memref<5x32x128xf32, #tpu.memory_space<vmem>> -> memref<1x32x128xf32, #tpu.memory_space<vmem>>
      %dma_wait3A_567 = tpu.memref_squeeze %dma_wait3A_566 : memref<1x32x128xf32, #tpu.memory_space<vmem>> -> memref<32x128xf32, #tpu.memory_space<vmem>>
      %dma_wait3A_568 = arith.constant 0 : i32
      %dma_wait3A_569 = tpu.memref_slice %arg10[%dma_wait3A_562, %dma_wait3A_568] : memref<5x512xi32, #tpu.memory_space<vmem>> -> memref<1x32xi32, #tpu.memory_space<vmem>>
      %dma_wait3A_570 = tpu.memref_squeeze %dma_wait3A_569 : memref<1x32xi32, #tpu.memory_space<vmem>> -> memref<32xi32, #tpu.memory_space<vmem>>
      %dma_wait3A_571 = arith.constant 0 : i32
      %dma_wait3A_572 = arith.constant 0 : i32
      %dma_wait3A_573 = tpu.memref_slice %arg6[%dma_wait3A_571, %dma_wait3A_572] : memref<100000x128xf32, #tpu.memory_space<hbm>> -> memref<100000x128xf32, #tpu.memory_space<hbm>>
      tpu.wait_indirect_dma semaphore(%arg27 : memref<!tpu.dma_semaphore, #tpu.memory_space<semaphore_mem>>) src(%dma_wait3A_573 : memref<100000x128xf32, #tpu.memory_space<hbm>>) dst(%dma_wait3A_567 : memref<32x128xf32, #tpu.memory_space<vmem>>)
      %dma_wait3A_574 = arith.constant 1 : i32
      %dma_wait3A_575 = arith.constant 1 : i32
      %dma_wait3A_576 = arith.constant 0 : i32
      %dma_wait3A_577 = arith.constant 0 : i32
      %dma_wait3A_578 = tpu.memref_slice %arg23[%dma_wait3A_575, %dma_wait3A_576, %dma_wait3A_577] : memref<5x32x128xf32, #tpu.memory_space<vmem>> -> memref<1x32x128xf32, #tpu.memory_space<vmem>>
      %dma_wait3A_579 = tpu.memref_squeeze %dma_wait3A_578 : memref<1x32x128xf32, #tpu.memory_space<vmem>> -> memref<32x128xf32, #tpu.memory_space<vmem>>
      %dma_wait3A_580 = arith.constant 0 : i32
      %dma_wait3A_581 = tpu.memref_slice %arg10[%dma_wait3A_574, %dma_wait3A_580] : memref<5x512xi32, #tpu.memory_space<vmem>> -> memref<1x32xi32, #tpu.memory_space<vmem>>
      %dma_wait3A_582 = tpu.memref_squeeze %dma_wait3A_581 : memref<1x32xi32, #tpu.memory_space<vmem>> -> memref<32xi32, #tpu.memory_space<vmem>>
      %dma_wait3A_583 = arith.constant 0 : i32
      %dma_wait3A_584 = arith.constant 0 : i32
      %dma_wait3A_585 = tpu.memref_slice %arg6[%dma_wait3A_583, %dma_wait3A_584] : memref<100000x128xf32, #tpu.memory_space<hbm>> -> memref<100000x128xf32, #tpu.memory_space<hbm>>
      tpu.wait_indirect_dma semaphore(%arg27 : memref<!tpu.dma_semaphore, #tpu.memory_space<semaphore_mem>>) src(%dma_wait3A_585 : memref<100000x128xf32, #tpu.memory_space<hbm>>) dst(%dma_wait3A_579 : memref<32x128xf32, #tpu.memory_space<vmem>>)
      %dma_wait3A_586 = arith.constant 2 : i32
      %dma_wait3A_587 = arith.constant 2 : i32
      %dma_wait3A_588 = arith.constant 0 : i32
      %dma_wait3A_589 = arith.constant 0 : i32
      %dma_wait3A_590 = tpu.memref_slice %arg23[%dma_wait3A_587, %dma_wait3A_588, %dma_wait3A_589] : memref<5x32x128xf32, #tpu.memory_space<vmem>> -> memref<1x32x128xf32, #tpu.memory_space<vmem>>
      %dma_wait3A_591 = tpu.memref_squeeze %dma_wait3A_590 : memref<1x32x128xf32, #tpu.memory_space<vmem>> -> memref<32x128xf32, #tpu.memory_space<vmem>>
      %dma_wait3A_592 = arith.constant 0 : i32
      %dma_wait3A_593 = tpu.memref_slice %arg10[%dma_wait3A_586, %dma_wait3A_592] : memref<5x512xi32, #tpu.memory_space<vmem>> -> memref<1x32xi32, #tpu.memory_space<vmem>>
      %dma_wait3A_594 = tpu.memref_squeeze %dma_wait3A_593 : memref<1x32xi32, #tpu.memory_space<vmem>> -> memref<32xi32, #tpu.memory_space<vmem>>
      %dma_wait3A_595 = arith.constant 0 : i32
      %dma_wait3A_596 = arith.constant 0 : i32
      %dma_wait3A_597 = tpu.memref_slice %arg6[%dma_wait3A_595, %dma_wait3A_596] : memref<100000x128xf32, #tpu.memory_space<hbm>> -> memref<100000x128xf32, #tpu.memory_space<hbm>>
      tpu.wait_indirect_dma semaphore(%arg27 : memref<!tpu.dma_semaphore, #tpu.memory_space<semaphore_mem>>) src(%dma_wait3A_597 : memref<100000x128xf32, #tpu.memory_space<hbm>>) dst(%dma_wait3A_591 : memref<32x128xf32, #tpu.memory_space<vmem>>)
      %dma_wait3A_598 = arith.constant 3 : i32
      %dma_wait3A_599 = arith.constant 3 : i32
      %dma_wait3A_600 = arith.constant 0 : i32
      %dma_wait3A_601 = arith.constant 0 : i32
      %dma_wait3A_602 = tpu.memref_slice %arg23[%dma_wait3A_599, %dma_wait3A_600, %dma_wait3A_601] : memref<5x32x128xf32, #tpu.memory_space<vmem>> -> memref<1x32x128xf32, #tpu.memory_space<vmem>>
      %dma_wait3A_603 = tpu.memref_squeeze %dma_wait3A_602 : memref<1x32x128xf32, #tpu.memory_space<vmem>> -> memref<32x128xf32, #tpu.memory_space<vmem>>
      %dma_wait3A_604 = arith.constant 0 : i32
      %dma_wait3A_605 = tpu.memref_slice %arg10[%dma_wait3A_598, %dma_wait3A_604] : memref<5x512xi32, #tpu.memory_space<vmem>> -> memref<1x32xi32, #tpu.memory_space<vmem>>
      %dma_wait3A_606 = tpu.memref_squeeze %dma_wait3A_605 : memref<1x32xi32, #tpu.memory_space<vmem>> -> memref<32xi32, #tpu.memory_space<vmem>>
      %dma_wait3A_607 = arith.constant 0 : i32
      %dma_wait3A_608 = arith.constant 0 : i32
      %dma_wait3A_609 = tpu.memref_slice %arg6[%dma_wait3A_607, %dma_wait3A_608] : memref<100000x128xf32, #tpu.memory_space<hbm>> -> memref<100000x128xf32, #tpu.memory_space<hbm>>
      tpu.wait_indirect_dma semaphore(%arg27 : memref<!tpu.dma_semaphore, #tpu.memory_space<semaphore_mem>>) src(%dma_wait3A_609 : memref<100000x128xf32, #tpu.memory_space<hbm>>) dst(%dma_wait3A_603 : memref<32x128xf32, #tpu.memory_space<vmem>>)
      %dma_wait3A_610 = arith.constant 4 : i32
      %dma_wait3A_611 = arith.constant 4 : i32
      %dma_wait3A_612 = arith.constant 0 : i32
      %dma_wait3A_613 = arith.constant 0 : i32
      %dma_wait3A_614 = tpu.memref_slice %arg23[%dma_wait3A_611, %dma_wait3A_612, %dma_wait3A_613] : memref<5x32x128xf32, #tpu.memory_space<vmem>> -> memref<1x32x128xf32, #tpu.memory_space<vmem>>
      %dma_wait3A_615 = tpu.memref_squeeze %dma_wait3A_614 : memref<1x32x128xf32, #tpu.memory_space<vmem>> -> memref<32x128xf32, #tpu.memory_space<vmem>>
      %dma_wait3A_616 = arith.constant 0 : i32
      %dma_wait3A_617 = tpu.memref_slice %arg10[%dma_wait3A_610, %dma_wait3A_616] : memref<5x512xi32, #tpu.memory_space<vmem>> -> memref<1x32xi32, #tpu.memory_space<vmem>>
      %dma_wait3A_618 = tpu.memref_squeeze %dma_wait3A_617 : memref<1x32xi32, #tpu.memory_space<vmem>> -> memref<32xi32, #tpu.memory_space<vmem>>
      %dma_wait3A_619 = arith.constant 0 : i32
      %dma_wait3A_620 = arith.constant 0 : i32
      %dma_wait3A_621 = tpu.memref_slice %arg6[%dma_wait3A_619, %dma_wait3A_620] : memref<100000x128xf32, #tpu.memory_space<hbm>> -> memref<100000x128xf32, #tpu.memory_space<hbm>>
      tpu.wait_indirect_dma semaphore(%arg27 : memref<!tpu.dma_semaphore, #tpu.memory_space<semaphore_mem>>) src(%dma_wait3A_621 : memref<100000x128xf32, #tpu.memory_space<hbm>>) dst(%dma_wait3A_615 : memref<32x128xf32, #tpu.memory_space<vmem>>)
      %mul3A_622 = arith.constant 32 : i32
      %mul3A_623 = arith.muli %add3A_551, %mul3A_622 : i32
      %iota3A_624 = tpu.iota {dimensions = array<i32: 0>} : vector<16xi32>
      %parallel_loop3A_625 = arith.constant 0 : i32
      %parallel_loop3A_626 = arith.constant 2 : i32
      %parallel_loop3A_627 = arith.constant 1 : i32
      scf.for %parallel_loop3A_635 = %parallel_loop3A_625 to %parallel_loop3A_626 step %parallel_loop3A_627  : i32 {
        %parallel_loop3A_636 = arith.constant 0.000000e+00 : f32
        %parallel_loop3A_637 = vector.broadcast %parallel_loop3A_636 : f32 to vector<16xf32>
        %parallel_loop3A_638 = arith.constant 0 : i32
        %parallel_loop3A_639 = arith.constant 16 : i32
        %parallel_loop3A_640 = arith.addi %parallel_loop3A_638, %parallel_loop3A_639 : i32
        %parallel_loop3A_641 = arith.constant 1 : i32
        %parallel_loop3A_642:6 = scf.for %scan3A_686 = %parallel_loop3A_638 to %parallel_loop3A_640 step %parallel_loop3A_641 iter_args(%scan3A_687 = %parallel_loop3A_637, %scan3A_688 = %parallel_loop3A_637, %scan3A_689 = %parallel_loop3A_637, %scan3A_690 = %parallel_loop3A_637, %scan3A_691 = %parallel_loop3A_637, %scan3A_692 = %parallel_loop3A_637) -> (vector<16xf32>, vector<16xf32>, vector<16xf32>, vector<16xf32>, vector<16xf32>, vector<16xf32>)  : i32 {
          %parallel_loop3A_693 = arith.constant 16 : i32
          %parallel_loop3A_694 = arith.muli %parallel_loop3A_635, %parallel_loop3A_693 : i32
          %parallel_loop3A_695 = arith.addi %parallel_loop3A_694, %scan3A_686 : i32
          %parallel_loop3A_696 = vector.broadcast %scan3A_686 : i32 to vector<16xi32>
          %parallel_loop3A_697 = arith.cmpi eq, %iota3A_624, %parallel_loop3A_696 : vector<16xi32>
          %parallel_loop3A_698 = arith.index_cast %parallel_loop3A_695 : i32 to index
          %parallel_loop3A_699 = arith.constant 0 : index
          %parallel_loop3A_700 = tpu.vector_load %arg21[%parallel_loop3A_698, %parallel_loop3A_699] {strides = array<i32>} : memref<32x128xf32, #tpu.memory_space<vmem>>, vector<16xf32>,
          %parallel_loop3A_701 = arith.index_cast %parallel_loop3A_695 : i32 to index
          %parallel_loop3A_702 = arith.constant 16 : index
          %parallel_loop3A_703 = tpu.vector_load %arg21[%parallel_loop3A_701, %parallel_loop3A_702] {strides = array<i32>} : memref<32x128xf32, #tpu.memory_space<vmem>>, vector<16xf32>,
          %parallel_loop3A_704 = arith.index_cast %parallel_loop3A_695 : i32 to index
          %parallel_loop3A_705 = arith.constant 32 : index
          %parallel_loop3A_706 = tpu.vector_load %arg21[%parallel_loop3A_704, %parallel_loop3A_705] {strides = array<i32>} : memref<32x128xf32, #tpu.memory_space<vmem>>, vector<16xf32>,
          %parallel_loop3A_707 = arith.index_cast %parallel_loop3A_695 : i32 to index
          %parallel_loop3A_708 = arith.constant 48 : index
          %parallel_loop3A_709 = tpu.vector_load %arg21[%parallel_loop3A_707, %parallel_loop3A_708] {strides = array<i32>} : memref<32x128xf32, #tpu.memory_space<vmem>>, vector<16xf32>,
          %parallel_loop3A_710 = arith.index_cast %parallel_loop3A_695 : i32 to index
          %parallel_loop3A_711 = arith.constant 64 : index
          %parallel_loop3A_712 = tpu.vector_load %arg21[%parallel_loop3A_710, %parallel_loop3A_711] {strides = array<i32>} : memref<32x128xf32, #tpu.memory_space<vmem>>, vector<16xf32>,
          %parallel_loop3A_713 = arith.index_cast %parallel_loop3A_695 : i32 to index
          %parallel_loop3A_714 = arith.constant 80 : index
          %parallel_loop3A_715 = tpu.vector_load %arg21[%parallel_loop3A_713, %parallel_loop3A_714] {strides = array<i32>} : memref<32x128xf32, #tpu.memory_space<vmem>>, vector<16xf32>,
          %parallel_loop3A_716 = arith.index_cast %parallel_loop3A_695 : i32 to index
          %parallel_loop3A_717 = arith.constant 96 : index
          %parallel_loop3A_718 = tpu.vector_load %arg21[%parallel_loop3A_716, %parallel_loop3A_717] {strides = array<i32>} : memref<32x128xf32, #tpu.memory_space<vmem>>, vector<16xf32>,
          %parallel_loop3A_719 = arith.index_cast %parallel_loop3A_695 : i32 to index
          %parallel_loop3A_720 = arith.constant 112 : index
          %parallel_loop3A_721 = tpu.vector_load %arg21[%parallel_loop3A_719, %parallel_loop3A_720] {strides = array<i32>} : memref<32x128xf32, #tpu.memory_space<vmem>>, vector<16xf32>,
          %parallel_loop3A_722 = arith.index_cast %parallel_loop3A_695 : i32 to index
          %parallel_loop3A_723 = arith.constant 0 : index
          %parallel_loop3A_724 = tpu.vector_load %arg22[%parallel_loop3A_722, %parallel_loop3A_723] {strides = array<i32>} : memref<32x128xf32, #tpu.memory_space<vmem>>, vector<16xf32>,
          %parallel_loop3A_725 = arith.mulf %parallel_loop3A_700, %parallel_loop3A_724 : vector<16xf32>
          %parallel_loop3A_726 = arith.index_cast %parallel_loop3A_695 : i32 to index
          %parallel_loop3A_727 = arith.constant 16 : index
          %parallel_loop3A_728 = tpu.vector_load %arg22[%parallel_loop3A_726, %parallel_loop3A_727] {strides = array<i32>} : memref<32x128xf32, #tpu.memory_space<vmem>>, vector<16xf32>,
          %parallel_loop3A_729 = arith.mulf %parallel_loop3A_703, %parallel_loop3A_728 : vector<16xf32>
          %parallel_loop3A_730 = arith.addf %parallel_loop3A_725, %parallel_loop3A_729 : vector<16xf32>
          %parallel_loop3A_731 = arith.index_cast %parallel_loop3A_695 : i32 to index
          %parallel_loop3A_732 = arith.constant 32 : index
          %parallel_loop3A_733 = tpu.vector_load %arg22[%parallel_loop3A_731, %parallel_loop3A_732] {strides = array<i32>} : memref<32x128xf32, #tpu.memory_space<vmem>>, vector<16xf32>,
          %parallel_loop3A_734 = arith.mulf %parallel_loop3A_706, %parallel_loop3A_733 : vector<16xf32>
          %parallel_loop3A_735 = arith.addf %parallel_loop3A_730, %parallel_loop3A_734 : vector<16xf32>
          %parallel_loop3A_736 = arith.index_cast %parallel_loop3A_695 : i32 to index
          %parallel_loop3A_737 = arith.constant 48 : index
          %parallel_loop3A_738 = tpu.vector_load %arg22[%parallel_loop3A_736, %parallel_loop3A_737] {strides = array<i32>} : memref<32x128xf32, #tpu.memory_space<vmem>>, vector<16xf32>,
          %parallel_loop3A_739 = arith.mulf %parallel_loop3A_709, %parallel_loop3A_738 : vector<16xf32>
          %parallel_loop3A_740 = arith.addf %parallel_loop3A_735, %parallel_loop3A_739 : vector<16xf32>
          %parallel_loop3A_741 = arith.index_cast %parallel_loop3A_695 : i32 to index
          %parallel_loop3A_742 = arith.constant 64 : index
          %parallel_loop3A_743 = tpu.vector_load %arg22[%parallel_loop3A_741, %parallel_loop3A_742] {strides = array<i32>} : memref<32x128xf32, #tpu.memory_space<vmem>>, vector<16xf32>,
          %parallel_loop3A_744 = arith.mulf %parallel_loop3A_712, %parallel_loop3A_743 : vector<16xf32>
          %parallel_loop3A_745 = arith.addf %parallel_loop3A_740, %parallel_loop3A_744 : vector<16xf32>
          %parallel_loop3A_746 = arith.index_cast %parallel_loop3A_695 : i32 to index
          %parallel_loop3A_747 = arith.constant 80 : index
          %parallel_loop3A_748 = tpu.vector_load %arg22[%parallel_loop3A_746, %parallel_loop3A_747] {strides = array<i32>} : memref<32x128xf32, #tpu.memory_space<vmem>>, vector<16xf32>,
          %parallel_loop3A_749 = arith.mulf %parallel_loop3A_715, %parallel_loop3A_748 : vector<16xf32>
          %parallel_loop3A_750 = arith.addf %parallel_loop3A_745, %parallel_loop3A_749 : vector<16xf32>
          %parallel_loop3A_751 = arith.index_cast %parallel_loop3A_695 : i32 to index
          %parallel_loop3A_752 = arith.constant 96 : index
          %parallel_loop3A_753 = tpu.vector_load %arg22[%parallel_loop3A_751, %parallel_loop3A_752] {strides = array<i32>} : memref<32x128xf32, #tpu.memory_space<vmem>>, vector<16xf32>,
          %parallel_loop3A_754 = arith.mulf %parallel_loop3A_718, %parallel_loop3A_753 : vector<16xf32>
          %parallel_loop3A_755 = arith.addf %parallel_loop3A_750, %parallel_loop3A_754 : vector<16xf32>
          %parallel_loop3A_756 = arith.index_cast %parallel_loop3A_695 : i32 to index
          %parallel_loop3A_757 = arith.constant 112 : index
          %parallel_loop3A_758 = tpu.vector_load %arg22[%parallel_loop3A_756, %parallel_loop3A_757] {strides = array<i32>} : memref<32x128xf32, #tpu.memory_space<vmem>>, vector<16xf32>,
          %parallel_loop3A_759 = arith.mulf %parallel_loop3A_721, %parallel_loop3A_758 : vector<16xf32>
          %parallel_loop3A_760 = arith.addf %parallel_loop3A_755, %parallel_loop3A_759 : vector<16xf32>
          %parallel_loop3A_761 = arith.constant true
          %parallel_loop3A_762 = vector.broadcast %parallel_loop3A_761 : i1 to vector<16xi1>
          %parallel_loop3A_763 = tpu.scan <sum>, %parallel_loop3A_760 masked %parallel_loop3A_762 : vector<16xf32>, vector<16xi1> -> vector<16xf32>
          %parallel_loop3A_764 = vector.extract %parallel_loop3A_763[15] : f32 from vector<16xf32>
          %parallel_loop3A_765 = vector.broadcast %parallel_loop3A_764 : f32 to vector<16xf32>
          %parallel_loop3A_766 = arith.select %parallel_loop3A_697, %parallel_loop3A_765, %scan3A_687 : vector<16xi1>, vector<16xf32>
          %parallel_loop3A_767 = arith.constant 0 : i32
          %parallel_loop3A_768 = arith.index_cast %parallel_loop3A_767 : i32 to index
          %parallel_loop3A_769 = arith.index_cast %parallel_loop3A_695 : i32 to index
          %parallel_loop3A_770 = arith.constant 0 : index
          %parallel_loop3A_771 = tpu.vector_load %arg23[%parallel_loop3A_768, %parallel_loop3A_769, %parallel_loop3A_770] {strides = array<i32>} : memref<5x32x128xf32, #tpu.memory_space<vmem>>, vector<16xf32>,
          %parallel_loop3A_772 = arith.mulf %parallel_loop3A_700, %parallel_loop3A_771 : vector<16xf32>
          %parallel_loop3A_773 = arith.constant 0 : i32
          %parallel_loop3A_774 = arith.index_cast %parallel_loop3A_773 : i32 to index
          %parallel_loop3A_775 = arith.index_cast %parallel_loop3A_695 : i32 to index
          %parallel_loop3A_776 = arith.constant 16 : index
          %parallel_loop3A_777 = tpu.vector_load %arg23[%parallel_loop3A_774, %parallel_loop3A_775, %parallel_loop3A_776] {strides = array<i32>} : memref<5x32x128xf32, #tpu.memory_space<vmem>>, vector<16xf32>,
          %parallel_loop3A_778 = arith.mulf %parallel_loop3A_703, %parallel_loop3A_777 : vector<16xf32>
          %parallel_loop3A_779 = arith.addf %parallel_loop3A_772, %parallel_loop3A_778 : vector<16xf32>
          %parallel_loop3A_780 = arith.constant 0 : i32
          %parallel_loop3A_781 = arith.index_cast %parallel_loop3A_780 : i32 to index
          %parallel_loop3A_782 = arith.index_cast %parallel_loop3A_695 : i32 to index
          %parallel_loop3A_783 = arith.constant 32 : index
          %parallel_loop3A_784 = tpu.vector_load %arg23[%parallel_loop3A_781, %parallel_loop3A_782, %parallel_loop3A_783] {strides = array<i32>} : memref<5x32x128xf32, #tpu.memory_space<vmem>>, vector<16xf32>,
          %parallel_loop3A_785 = arith.mulf %parallel_loop3A_706, %parallel_loop3A_784 : vector<16xf32>
          %parallel_loop3A_786 = arith.addf %parallel_loop3A_779, %parallel_loop3A_785 : vector<16xf32>
          %parallel_loop3A_787 = arith.constant 0 : i32
          %parallel_loop3A_788 = arith.index_cast %parallel_loop3A_787 : i32 to index
          %parallel_loop3A_789 = arith.index_cast %parallel_loop3A_695 : i32 to index
          %parallel_loop3A_790 = arith.constant 48 : index
          %parallel_loop3A_791 = tpu.vector_load %arg23[%parallel_loop3A_788, %parallel_loop3A_789, %parallel_loop3A_790] {strides = array<i32>} : memref<5x32x128xf32, #tpu.memory_space<vmem>>, vector<16xf32>,
          %parallel_loop3A_792 = arith.mulf %parallel_loop3A_709, %parallel_loop3A_791 : vector<16xf32>
          %parallel_loop3A_793 = arith.addf %parallel_loop3A_786, %parallel_loop3A_792 : vector<16xf32>
          %parallel_loop3A_794 = arith.constant 0 : i32
          %parallel_loop3A_795 = arith.index_cast %parallel_loop3A_794 : i32 to index
          %parallel_loop3A_796 = arith.index_cast %parallel_loop3A_695 : i32 to index
          %parallel_loop3A_797 = arith.constant 64 : index
          %parallel_loop3A_798 = tpu.vector_load %arg23[%parallel_loop3A_795, %parallel_loop3A_796, %parallel_loop3A_797] {strides = array<i32>} : memref<5x32x128xf32, #tpu.memory_space<vmem>>, vector<16xf32>,
          %parallel_loop3A_799 = arith.mulf %parallel_loop3A_712, %parallel_loop3A_798 : vector<16xf32>
          %parallel_loop3A_800 = arith.addf %parallel_loop3A_793, %parallel_loop3A_799 : vector<16xf32>
          %parallel_loop3A_801 = arith.constant 0 : i32
          %parallel_loop3A_802 = arith.index_cast %parallel_loop3A_801 : i32 to index
          %parallel_loop3A_803 = arith.index_cast %parallel_loop3A_695 : i32 to index
          %parallel_loop3A_804 = arith.constant 80 : index
          %parallel_loop3A_805 = tpu.vector_load %arg23[%parallel_loop3A_802, %parallel_loop3A_803, %parallel_loop3A_804] {strides = array<i32>} : memref<5x32x128xf32, #tpu.memory_space<vmem>>, vector<16xf32>,
          %parallel_loop3A_806 = arith.mulf %parallel_loop3A_715, %parallel_loop3A_805 : vector<16xf32>
          %parallel_loop3A_807 = arith.addf %parallel_loop3A_800, %parallel_loop3A_806 : vector<16xf32>
          %parallel_loop3A_808 = arith.constant 0 : i32
          %parallel_loop3A_809 = arith.index_cast %parallel_loop3A_808 : i32 to index
          %parallel_loop3A_810 = arith.index_cast %parallel_loop3A_695 : i32 to index
          %parallel_loop3A_811 = arith.constant 96 : index
          %parallel_loop3A_812 = tpu.vector_load %arg23[%parallel_loop3A_809, %parallel_loop3A_810, %parallel_loop3A_811] {strides = array<i32>} : memref<5x32x128xf32, #tpu.memory_space<vmem>>, vector<16xf32>,
          %parallel_loop3A_813 = arith.mulf %parallel_loop3A_718, %parallel_loop3A_812 : vector<16xf32>
          %parallel_loop3A_814 = arith.addf %parallel_loop3A_807, %parallel_loop3A_813 : vector<16xf32>
          %parallel_loop3A_815 = arith.constant 0 : i32
          %parallel_loop3A_816 = arith.index_cast %parallel_loop3A_815 : i32 to index
          %parallel_loop3A_817 = arith.index_cast %parallel_loop3A_695 : i32 to index
          %parallel_loop3A_818 = arith.constant 112 : index
          %parallel_loop3A_819 = tpu.vector_load %arg23[%parallel_loop3A_816, %parallel_loop3A_817, %parallel_loop3A_818] {strides = array<i32>} : memref<5x32x128xf32, #tpu.memory_space<vmem>>, vector<16xf32>,
          %parallel_loop3A_820 = arith.mulf %parallel_loop3A_721, %parallel_loop3A_819 : vector<16xf32>
          %parallel_loop3A_821 = arith.addf %parallel_loop3A_814, %parallel_loop3A_820 : vector<16xf32>
          %parallel_loop3A_822 = arith.constant true
          %parallel_loop3A_823 = vector.broadcast %parallel_loop3A_822 : i1 to vector<16xi1>
          %parallel_loop3A_824 = tpu.scan <sum>, %parallel_loop3A_821 masked %parallel_loop3A_823 : vector<16xf32>, vector<16xi1> -> vector<16xf32>
          %parallel_loop3A_825 = vector.extract %parallel_loop3A_824[15] : f32 from vector<16xf32>
          %parallel_loop3A_826 = vector.broadcast %parallel_loop3A_825 : f32 to vector<16xf32>
          %parallel_loop3A_827 = arith.select %parallel_loop3A_697, %parallel_loop3A_826, %scan3A_688 : vector<16xi1>, vector<16xf32>
          %parallel_loop3A_828 = arith.constant 1 : i32
          %parallel_loop3A_829 = arith.index_cast %parallel_loop3A_828 : i32 to index
          %parallel_loop3A_830 = arith.index_cast %parallel_loop3A_695 : i32 to index
          %parallel_loop3A_831 = arith.constant 0 : index
          %parallel_loop3A_832 = tpu.vector_load %arg23[%parallel_loop3A_829, %parallel_loop3A_830, %parallel_loop3A_831] {strides = array<i32>} : memref<5x32x128xf32, #tpu.memory_space<vmem>>, vector<16xf32>,
          %parallel_loop3A_833 = arith.mulf %parallel_loop3A_700, %parallel_loop3A_832 : vector<16xf32>
          %parallel_loop3A_834 = arith.constant 1 : i32
          %parallel_loop3A_835 = arith.index_cast %parallel_loop3A_834 : i32 to index
          %parallel_loop3A_836 = arith.index_cast %parallel_loop3A_695 : i32 to index
          %parallel_loop3A_837 = arith.constant 16 : index
          %parallel_loop3A_838 = tpu.vector_load %arg23[%parallel_loop3A_835, %parallel_loop3A_836, %parallel_loop3A_837] {strides = array<i32>} : memref<5x32x128xf32, #tpu.memory_space<vmem>>, vector<16xf32>,
          %parallel_loop3A_839 = arith.mulf %parallel_loop3A_703, %parallel_loop3A_838 : vector<16xf32>
          %parallel_loop3A_840 = arith.addf %parallel_loop3A_833, %parallel_loop3A_839 : vector<16xf32>
          %parallel_loop3A_841 = arith.constant 1 : i32
          %parallel_loop3A_842 = arith.index_cast %parallel_loop3A_841 : i32 to index
          %parallel_loop3A_843 = arith.index_cast %parallel_loop3A_695 : i32 to index
          %parallel_loop3A_844 = arith.constant 32 : index
          %parallel_loop3A_845 = tpu.vector_load %arg23[%parallel_loop3A_842, %parallel_loop3A_843, %parallel_loop3A_844] {strides = array<i32>} : memref<5x32x128xf32, #tpu.memory_space<vmem>>, vector<16xf32>,
          %parallel_loop3A_846 = arith.mulf %parallel_loop3A_706, %parallel_loop3A_845 : vector<16xf32>
          %parallel_loop3A_847 = arith.addf %parallel_loop3A_840, %parallel_loop3A_846 : vector<16xf32>
          %parallel_loop3A_848 = arith.constant 1 : i32
          %parallel_loop3A_849 = arith.index_cast %parallel_loop3A_848 : i32 to index
          %parallel_loop3A_850 = arith.index_cast %parallel_loop3A_695 : i32 to index
          %parallel_loop3A_851 = arith.constant 48 : index
          %parallel_loop3A_852 = tpu.vector_load %arg23[%parallel_loop3A_849, %parallel_loop3A_850, %parallel_loop3A_851] {strides = array<i32>} : memref<5x32x128xf32, #tpu.memory_space<vmem>>, vector<16xf32>,
          %parallel_loop3A_853 = arith.mulf %parallel_loop3A_709, %parallel_loop3A_852 : vector<16xf32>
          %parallel_loop3A_854 = arith.addf %parallel_loop3A_847, %parallel_loop3A_853 : vector<16xf32>
          %parallel_loop3A_855 = arith.constant 1 : i32
          %parallel_loop3A_856 = arith.index_cast %parallel_loop3A_855 : i32 to index
          %parallel_loop3A_857 = arith.index_cast %parallel_loop3A_695 : i32 to index
          %parallel_loop3A_858 = arith.constant 64 : index
          %parallel_loop3A_859 = tpu.vector_load %arg23[%parallel_loop3A_856, %parallel_loop3A_857, %parallel_loop3A_858] {strides = array<i32>} : memref<5x32x128xf32, #tpu.memory_space<vmem>>, vector<16xf32>,
          %parallel_loop3A_860 = arith.mulf %parallel_loop3A_712, %parallel_loop3A_859 : vector<16xf32>
          %parallel_loop3A_861 = arith.addf %parallel_loop3A_854, %parallel_loop3A_860 : vector<16xf32>
          %parallel_loop3A_862 = arith.constant 1 : i32
          %parallel_loop3A_863 = arith.index_cast %parallel_loop3A_862 : i32 to index
          %parallel_loop3A_864 = arith.index_cast %parallel_loop3A_695 : i32 to index
          %parallel_loop3A_865 = arith.constant 80 : index
          %parallel_loop3A_866 = tpu.vector_load %arg23[%parallel_loop3A_863, %parallel_loop3A_864, %parallel_loop3A_865] {strides = array<i32>} : memref<5x32x128xf32, #tpu.memory_space<vmem>>, vector<16xf32>,
          %parallel_loop3A_867 = arith.mulf %parallel_loop3A_715, %parallel_loop3A_866 : vector<16xf32>
          %parallel_loop3A_868 = arith.addf %parallel_loop3A_861, %parallel_loop3A_867 : vector<16xf32>
          %parallel_loop3A_869 = arith.constant 1 : i32
          %parallel_loop3A_870 = arith.index_cast %parallel_loop3A_869 : i32 to index
          %parallel_loop3A_871 = arith.index_cast %parallel_loop3A_695 : i32 to index
          %parallel_loop3A_872 = arith.constant 96 : index
          %parallel_loop3A_873 = tpu.vector_load %arg23[%parallel_loop3A_870, %parallel_loop3A_871, %parallel_loop3A_872] {strides = array<i32>} : memref<5x32x128xf32, #tpu.memory_space<vmem>>, vector<16xf32>,
          %parallel_loop3A_874 = arith.mulf %parallel_loop3A_718, %parallel_loop3A_873 : vector<16xf32>
          %parallel_loop3A_875 = arith.addf %parallel_loop3A_868, %parallel_loop3A_874 : vector<16xf32>
          %parallel_loop3A_876 = arith.constant 1 : i32
          %parallel_loop3A_877 = arith.index_cast %parallel_loop3A_876 : i32 to index
          %parallel_loop3A_878 = arith.index_cast %parallel_loop3A_695 : i32 to index
          %parallel_loop3A_879 = arith.constant 112 : index
          %parallel_loop3A_880 = tpu.vector_load %arg23[%parallel_loop3A_877, %parallel_loop3A_878, %parallel_loop3A_879] {strides = array<i32>} : memref<5x32x128xf32, #tpu.memory_space<vmem>>, vector<16xf32>,
          %parallel_loop3A_881 = arith.mulf %parallel_loop3A_721, %parallel_loop3A_880 : vector<16xf32>
          %parallel_loop3A_882 = arith.addf %parallel_loop3A_875, %parallel_loop3A_881 : vector<16xf32>
          %parallel_loop3A_883 = arith.constant true
          %parallel_loop3A_884 = vector.broadcast %parallel_loop3A_883 : i1 to vector<16xi1>
          %parallel_loop3A_885 = tpu.scan <sum>, %parallel_loop3A_882 masked %parallel_loop3A_884 : vector<16xf32>, vector<16xi1> -> vector<16xf32>
          %parallel_loop3A_886 = vector.extract %parallel_loop3A_885[15] : f32 from vector<16xf32>
          %parallel_loop3A_887 = vector.broadcast %parallel_loop3A_886 : f32 to vector<16xf32>
          %parallel_loop3A_888 = arith.select %parallel_loop3A_697, %parallel_loop3A_887, %scan3A_689 : vector<16xi1>, vector<16xf32>
          %parallel_loop3A_889 = arith.constant 2 : i32
          %parallel_loop3A_890 = arith.index_cast %parallel_loop3A_889 : i32 to index
          %parallel_loop3A_891 = arith.index_cast %parallel_loop3A_695 : i32 to index
          %parallel_loop3A_892 = arith.constant 0 : index
          %parallel_loop3A_893 = tpu.vector_load %arg23[%parallel_loop3A_890, %parallel_loop3A_891, %parallel_loop3A_892] {strides = array<i32>} : memref<5x32x128xf32, #tpu.memory_space<vmem>>, vector<16xf32>,
          %parallel_loop3A_894 = arith.mulf %parallel_loop3A_700, %parallel_loop3A_893 : vector<16xf32>
          %parallel_loop3A_895 = arith.constant 2 : i32
          %parallel_loop3A_896 = arith.index_cast %parallel_loop3A_895 : i32 to index
          %parallel_loop3A_897 = arith.index_cast %parallel_loop3A_695 : i32 to index
          %parallel_loop3A_898 = arith.constant 16 : index
          %parallel_loop3A_899 = tpu.vector_load %arg23[%parallel_loop3A_896, %parallel_loop3A_897, %parallel_loop3A_898] {strides = array<i32>} : memref<5x32x128xf32, #tpu.memory_space<vmem>>, vector<16xf32>,
          %parallel_loop3A_900 = arith.mulf %parallel_loop3A_703, %parallel_loop3A_899 : vector<16xf32>
          %parallel_loop3A_901 = arith.addf %parallel_loop3A_894, %parallel_loop3A_900 : vector<16xf32>
          %parallel_loop3A_902 = arith.constant 2 : i32
          %parallel_loop3A_903 = arith.index_cast %parallel_loop3A_902 : i32 to index
          %parallel_loop3A_904 = arith.index_cast %parallel_loop3A_695 : i32 to index
          %parallel_loop3A_905 = arith.constant 32 : index
          %parallel_loop3A_906 = tpu.vector_load %arg23[%parallel_loop3A_903, %parallel_loop3A_904, %parallel_loop3A_905] {strides = array<i32>} : memref<5x32x128xf32, #tpu.memory_space<vmem>>, vector<16xf32>,
          %parallel_loop3A_907 = arith.mulf %parallel_loop3A_706, %parallel_loop3A_906 : vector<16xf32>
          %parallel_loop3A_908 = arith.addf %parallel_loop3A_901, %parallel_loop3A_907 : vector<16xf32>
          %parallel_loop3A_909 = arith.constant 2 : i32
          %parallel_loop3A_910 = arith.index_cast %parallel_loop3A_909 : i32 to index
          %parallel_loop3A_911 = arith.index_cast %parallel_loop3A_695 : i32 to index
          %parallel_loop3A_912 = arith.constant 48 : index
          %parallel_loop3A_913 = tpu.vector_load %arg23[%parallel_loop3A_910, %parallel_loop3A_911, %parallel_loop3A_912] {strides = array<i32>} : memref<5x32x128xf32, #tpu.memory_space<vmem>>, vector<16xf32>,
          %parallel_loop3A_914 = arith.mulf %parallel_loop3A_709, %parallel_loop3A_913 : vector<16xf32>
          %parallel_loop3A_915 = arith.addf %parallel_loop3A_908, %parallel_loop3A_914 : vector<16xf32>
          %parallel_loop3A_916 = arith.constant 2 : i32
          %parallel_loop3A_917 = arith.index_cast %parallel_loop3A_916 : i32 to index
          %parallel_loop3A_918 = arith.index_cast %parallel_loop3A_695 : i32 to index
          %parallel_loop3A_919 = arith.constant 64 : index
          %parallel_loop3A_920 = tpu.vector_load %arg23[%parallel_loop3A_917, %parallel_loop3A_918, %parallel_loop3A_919] {strides = array<i32>} : memref<5x32x128xf32, #tpu.memory_space<vmem>>, vector<16xf32>,
          %parallel_loop3A_921 = arith.mulf %parallel_loop3A_712, %parallel_loop3A_920 : vector<16xf32>
          %parallel_loop3A_922 = arith.addf %parallel_loop3A_915, %parallel_loop3A_921 : vector<16xf32>
          %parallel_loop3A_923 = arith.constant 2 : i32
          %parallel_loop3A_924 = arith.index_cast %parallel_loop3A_923 : i32 to index
          %parallel_loop3A_925 = arith.index_cast %parallel_loop3A_695 : i32 to index
          %parallel_loop3A_926 = arith.constant 80 : index
          %parallel_loop3A_927 = tpu.vector_load %arg23[%parallel_loop3A_924, %parallel_loop3A_925, %parallel_loop3A_926] {strides = array<i32>} : memref<5x32x128xf32, #tpu.memory_space<vmem>>, vector<16xf32>,
          %parallel_loop3A_928 = arith.mulf %parallel_loop3A_715, %parallel_loop3A_927 : vector<16xf32>
          %parallel_loop3A_929 = arith.addf %parallel_loop3A_922, %parallel_loop3A_928 : vector<16xf32>
          %parallel_loop3A_930 = arith.constant 2 : i32
          %parallel_loop3A_931 = arith.index_cast %parallel_loop3A_930 : i32 to index
          %parallel_loop3A_932 = arith.index_cast %parallel_loop3A_695 : i32 to index
          %parallel_loop3A_933 = arith.constant 96 : index
          %parallel_loop3A_934 = tpu.vector_load %arg23[%parallel_loop3A_931, %parallel_loop3A_932, %parallel_loop3A_933] {strides = array<i32>} : memref<5x32x128xf32, #tpu.memory_space<vmem>>, vector<16xf32>,
          %parallel_loop3A_935 = arith.mulf %parallel_loop3A_718, %parallel_loop3A_934 : vector<16xf32>
          %parallel_loop3A_936 = arith.addf %parallel_loop3A_929, %parallel_loop3A_935 : vector<16xf32>
          %parallel_loop3A_937 = arith.constant 2 : i32
          %parallel_loop3A_938 = arith.index_cast %parallel_loop3A_937 : i32 to index
          %parallel_loop3A_939 = arith.index_cast %parallel_loop3A_695 : i32 to index
          %parallel_loop3A_940 = arith.constant 112 : index
          %parallel_loop3A_941 = tpu.vector_load %arg23[%parallel_loop3A_938, %parallel_loop3A_939, %parallel_loop3A_940] {strides = array<i32>} : memref<5x32x128xf32, #tpu.memory_space<vmem>>, vector<16xf32>,
          %parallel_loop3A_942 = arith.mulf %parallel_loop3A_721, %parallel_loop3A_941 : vector<16xf32>
          %parallel_loop3A_943 = arith.addf %parallel_loop3A_936, %parallel_loop3A_942 : vector<16xf32>
          %parallel_loop3A_944 = arith.constant true
          %parallel_loop3A_945 = vector.broadcast %parallel_loop3A_944 : i1 to vector<16xi1>
          %parallel_loop3A_946 = tpu.scan <sum>, %parallel_loop3A_943 masked %parallel_loop3A_945 : vector<16xf32>, vector<16xi1> -> vector<16xf32>
          %parallel_loop3A_947 = vector.extract %parallel_loop3A_946[15] : f32 from vector<16xf32>
          %parallel_loop3A_948 = vector.broadcast %parallel_loop3A_947 : f32 to vector<16xf32>
          %parallel_loop3A_949 = arith.select %parallel_loop3A_697, %parallel_loop3A_948, %scan3A_690 : vector<16xi1>, vector<16xf32>
          %parallel_loop3A_950 = arith.constant 3 : i32
          %parallel_loop3A_951 = arith.index_cast %parallel_loop3A_950 : i32 to index
          %parallel_loop3A_952 = arith.index_cast %parallel_loop3A_695 : i32 to index
          %parallel_loop3A_953 = arith.constant 0 : index
          %parallel_loop3A_954 = tpu.vector_load %arg23[%parallel_loop3A_951, %parallel_loop3A_952, %parallel_loop3A_953] {strides = array<i32>} : memref<5x32x128xf32, #tpu.memory_space<vmem>>, vector<16xf32>,
          %parallel_loop3A_955 = arith.mulf %parallel_loop3A_700, %parallel_loop3A_954 : vector<16xf32>
          %parallel_loop3A_956 = arith.constant 3 : i32
          %parallel_loop3A_957 = arith.index_cast %parallel_loop3A_956 : i32 to index
          %parallel_loop3A_958 = arith.index_cast %parallel_loop3A_695 : i32 to index
          %parallel_loop3A_959 = arith.constant 16 : index
          %parallel_loop3A_960 = tpu.vector_load %arg23[%parallel_loop3A_957, %parallel_loop3A_958, %parallel_loop3A_959] {strides = array<i32>} : memref<5x32x128xf32, #tpu.memory_space<vmem>>, vector<16xf32>,
          %parallel_loop3A_961 = arith.mulf %parallel_loop3A_703, %parallel_loop3A_960 : vector<16xf32>
          %parallel_loop3A_962 = arith.addf %parallel_loop3A_955, %parallel_loop3A_961 : vector<16xf32>
          %parallel_loop3A_963 = arith.constant 3 : i32
          %parallel_loop3A_964 = arith.index_cast %parallel_loop3A_963 : i32 to index
          %parallel_loop3A_965 = arith.index_cast %parallel_loop3A_695 : i32 to index
          %parallel_loop3A_966 = arith.constant 32 : index
          %parallel_loop3A_967 = tpu.vector_load %arg23[%parallel_loop3A_964, %parallel_loop3A_965, %parallel_loop3A_966] {strides = array<i32>} : memref<5x32x128xf32, #tpu.memory_space<vmem>>, vector<16xf32>,
          %parallel_loop3A_968 = arith.mulf %parallel_loop3A_706, %parallel_loop3A_967 : vector<16xf32>
          %parallel_loop3A_969 = arith.addf %parallel_loop3A_962, %parallel_loop3A_968 : vector<16xf32>
          %parallel_loop3A_970 = arith.constant 3 : i32
          %parallel_loop3A_971 = arith.index_cast %parallel_loop3A_970 : i32 to index
          %parallel_loop3A_972 = arith.index_cast %parallel_loop3A_695 : i32 to index
          %parallel_loop3A_973 = arith.constant 48 : index
          %parallel_loop3A_974 = tpu.vector_load %arg23[%parallel_loop3A_971, %parallel_loop3A_972, %parallel_loop3A_973] {strides = array<i32>} : memref<5x32x128xf32, #tpu.memory_space<vmem>>, vector<16xf32>,
          %parallel_loop3A_975 = arith.mulf %parallel_loop3A_709, %parallel_loop3A_974 : vector<16xf32>
          %parallel_loop3A_976 = arith.addf %parallel_loop3A_969, %parallel_loop3A_975 : vector<16xf32>
          %parallel_loop3A_977 = arith.constant 3 : i32
          %parallel_loop3A_978 = arith.index_cast %parallel_loop3A_977 : i32 to index
          %parallel_loop3A_979 = arith.index_cast %parallel_loop3A_695 : i32 to index
          %parallel_loop3A_980 = arith.constant 64 : index
          %parallel_loop3A_981 = tpu.vector_load %arg23[%parallel_loop3A_978, %parallel_loop3A_979, %parallel_loop3A_980] {strides = array<i32>} : memref<5x32x128xf32, #tpu.memory_space<vmem>>, vector<16xf32>,
          %parallel_loop3A_982 = arith.mulf %parallel_loop3A_712, %parallel_loop3A_981 : vector<16xf32>
          %parallel_loop3A_983 = arith.addf %parallel_loop3A_976, %parallel_loop3A_982 : vector<16xf32>
          %parallel_loop3A_984 = arith.constant 3 : i32
          %parallel_loop3A_985 = arith.index_cast %parallel_loop3A_984 : i32 to index
          %parallel_loop3A_986 = arith.index_cast %parallel_loop3A_695 : i32 to index
          %parallel_loop3A_987 = arith.constant 80 : index
          %parallel_loop3A_988 = tpu.vector_load %arg23[%parallel_loop3A_985, %parallel_loop3A_986, %parallel_loop3A_987] {strides = array<i32>} : memref<5x32x128xf32, #tpu.memory_space<vmem>>, vector<16xf32>,
          %parallel_loop3A_989 = arith.mulf %parallel_loop3A_715, %parallel_loop3A_988 : vector<16xf32>
          %parallel_loop3A_990 = arith.addf %parallel_loop3A_983, %parallel_loop3A_989 : vector<16xf32>
          %parallel_loop3A_991 = arith.constant 3 : i32
          %parallel_loop3A_992 = arith.index_cast %parallel_loop3A_991 : i32 to index
          %parallel_loop3A_993 = arith.index_cast %parallel_loop3A_695 : i32 to index
          %parallel_loop3A_994 = arith.constant 96 : index
          %parallel_loop3A_995 = tpu.vector_load %arg23[%parallel_loop3A_992, %parallel_loop3A_993, %parallel_loop3A_994] {strides = array<i32>} : memref<5x32x128xf32, #tpu.memory_space<vmem>>, vector<16xf32>,
          %parallel_loop3A_996 = arith.mulf %parallel_loop3A_718, %parallel_loop3A_995 : vector<16xf32>
          %parallel_loop3A_997 = arith.addf %parallel_loop3A_990, %parallel_loop3A_996 : vector<16xf32>
          %parallel_loop3A_998 = arith.constant 3 : i32
          %parallel_loop3A_999 = arith.index_cast %parallel_loop3A_998 : i32 to index
          %parallel_loop3A_1000 = arith.index_cast %parallel_loop3A_695 : i32 to index
          %parallel_loop3A_1001 = arith.constant 112 : index
          %parallel_loop3A_1002 = tpu.vector_load %arg23[%parallel_loop3A_999, %parallel_loop3A_1000, %parallel_loop3A_1001] {strides = array<i32>} : memref<5x32x128xf32, #tpu.memory_space<vmem>>, vector<16xf32>,
          %parallel_loop3A_1003 = arith.mulf %parallel_loop3A_721, %parallel_loop3A_1002 : vector<16xf32>
          %parallel_loop3A_1004 = arith.addf %parallel_loop3A_997, %parallel_loop3A_1003 : vector<16xf32>
          %parallel_loop3A_1005 = arith.constant true
          %parallel_loop3A_1006 = vector.broadcast %parallel_loop3A_1005 : i1 to vector<16xi1>
          %parallel_loop3A_1007 = tpu.scan <sum>, %parallel_loop3A_1004 masked %parallel_loop3A_1006 : vector<16xf32>, vector<16xi1> -> vector<16xf32>
          %parallel_loop3A_1008 = vector.extract %parallel_loop3A_1007[15] : f32 from vector<16xf32>
          %parallel_loop3A_1009 = vector.broadcast %parallel_loop3A_1008 : f32 to vector<16xf32>
          %parallel_loop3A_1010 = arith.select %parallel_loop3A_697, %parallel_loop3A_1009, %scan3A_691 : vector<16xi1>, vector<16xf32>
          %parallel_loop3A_1011 = arith.constant 4 : i32
          %parallel_loop3A_1012 = arith.index_cast %parallel_loop3A_1011 : i32 to index
          %parallel_loop3A_1013 = arith.index_cast %parallel_loop3A_695 : i32 to index
          %parallel_loop3A_1014 = arith.constant 0 : index
          %parallel_loop3A_1015 = tpu.vector_load %arg23[%parallel_loop3A_1012, %parallel_loop3A_1013, %parallel_loop3A_1014] {strides = array<i32>} : memref<5x32x128xf32, #tpu.memory_space<vmem>>, vector<16xf32>,
          %parallel_loop3A_1016 = arith.mulf %parallel_loop3A_700, %parallel_loop3A_1015 : vector<16xf32>
          %parallel_loop3A_1017 = arith.constant 4 : i32
          %parallel_loop3A_1018 = arith.index_cast %parallel_loop3A_1017 : i32 to index
          %parallel_loop3A_1019 = arith.index_cast %parallel_loop3A_695 : i32 to index
          %parallel_loop3A_1020 = arith.constant 16 : index
          %parallel_loop3A_1021 = tpu.vector_load %arg23[%parallel_loop3A_1018, %parallel_loop3A_1019, %parallel_loop3A_1020] {strides = array<i32>} : memref<5x32x128xf32, #tpu.memory_space<vmem>>, vector<16xf32>,
          %parallel_loop3A_1022 = arith.mulf %parallel_loop3A_703, %parallel_loop3A_1021 : vector<16xf32>
          %parallel_loop3A_1023 = arith.addf %parallel_loop3A_1016, %parallel_loop3A_1022 : vector<16xf32>
          %parallel_loop3A_1024 = arith.constant 4 : i32
          %parallel_loop3A_1025 = arith.index_cast %parallel_loop3A_1024 : i32 to index
          %parallel_loop3A_1026 = arith.index_cast %parallel_loop3A_695 : i32 to index
          %parallel_loop3A_1027 = arith.constant 32 : index
          %parallel_loop3A_1028 = tpu.vector_load %arg23[%parallel_loop3A_1025, %parallel_loop3A_1026, %parallel_loop3A_1027] {strides = array<i32>} : memref<5x32x128xf32, #tpu.memory_space<vmem>>, vector<16xf32>,
          %parallel_loop3A_1029 = arith.mulf %parallel_loop3A_706, %parallel_loop3A_1028 : vector<16xf32>
          %parallel_loop3A_1030 = arith.addf %parallel_loop3A_1023, %parallel_loop3A_1029 : vector<16xf32>
          %parallel_loop3A_1031 = arith.constant 4 : i32
          %parallel_loop3A_1032 = arith.index_cast %parallel_loop3A_1031 : i32 to index
          %parallel_loop3A_1033 = arith.index_cast %parallel_loop3A_695 : i32 to index
          %parallel_loop3A_1034 = arith.constant 48 : index
          %parallel_loop3A_1035 = tpu.vector_load %arg23[%parallel_loop3A_1032, %parallel_loop3A_1033, %parallel_loop3A_1034] {strides = array<i32>} : memref<5x32x128xf32, #tpu.memory_space<vmem>>, vector<16xf32>,
          %parallel_loop3A_1036 = arith.mulf %parallel_loop3A_709, %parallel_loop3A_1035 : vector<16xf32>
          %parallel_loop3A_1037 = arith.addf %parallel_loop3A_1030, %parallel_loop3A_1036 : vector<16xf32>
          %parallel_loop3A_1038 = arith.constant 4 : i32
          %parallel_loop3A_1039 = arith.index_cast %parallel_loop3A_1038 : i32 to index
          %parallel_loop3A_1040 = arith.index_cast %parallel_loop3A_695 : i32 to index
          %parallel_loop3A_1041 = arith.constant 64 : index
          %parallel_loop3A_1042 = tpu.vector_load %arg23[%parallel_loop3A_1039, %parallel_loop3A_1040, %parallel_loop3A_1041] {strides = array<i32>} : memref<5x32x128xf32, #tpu.memory_space<vmem>>, vector<16xf32>,
          %parallel_loop3A_1043 = arith.mulf %parallel_loop3A_712, %parallel_loop3A_1042 : vector<16xf32>
          %parallel_loop3A_1044 = arith.addf %parallel_loop3A_1037, %parallel_loop3A_1043 : vector<16xf32>
          %parallel_loop3A_1045 = arith.constant 4 : i32
          %parallel_loop3A_1046 = arith.index_cast %parallel_loop3A_1045 : i32 to index
          %parallel_loop3A_1047 = arith.index_cast %parallel_loop3A_695 : i32 to index
          %parallel_loop3A_1048 = arith.constant 80 : index
          %parallel_loop3A_1049 = tpu.vector_load %arg23[%parallel_loop3A_1046, %parallel_loop3A_1047, %parallel_loop3A_1048] {strides = array<i32>} : memref<5x32x128xf32, #tpu.memory_space<vmem>>, vector<16xf32>,
          %parallel_loop3A_1050 = arith.mulf %parallel_loop3A_715, %parallel_loop3A_1049 : vector<16xf32>
          %parallel_loop3A_1051 = arith.addf %parallel_loop3A_1044, %parallel_loop3A_1050 : vector<16xf32>
          %parallel_loop3A_1052 = arith.constant 4 : i32
          %parallel_loop3A_1053 = arith.index_cast %parallel_loop3A_1052 : i32 to index
          %parallel_loop3A_1054 = arith.index_cast %parallel_loop3A_695 : i32 to index
          %parallel_loop3A_1055 = arith.constant 96 : index
          %parallel_loop3A_1056 = tpu.vector_load %arg23[%parallel_loop3A_1053, %parallel_loop3A_1054, %parallel_loop3A_1055] {strides = array<i32>} : memref<5x32x128xf32, #tpu.memory_space<vmem>>, vector<16xf32>,
          %parallel_loop3A_1057 = arith.mulf %parallel_loop3A_718, %parallel_loop3A_1056 : vector<16xf32>
          %parallel_loop3A_1058 = arith.addf %parallel_loop3A_1051, %parallel_loop3A_1057 : vector<16xf32>
          %parallel_loop3A_1059 = arith.constant 4 : i32
          %parallel_loop3A_1060 = arith.index_cast %parallel_loop3A_1059 : i32 to index
          %parallel_loop3A_1061 = arith.index_cast %parallel_loop3A_695 : i32 to index
          %parallel_loop3A_1062 = arith.constant 112 : index
          %parallel_loop3A_1063 = tpu.vector_load %arg23[%parallel_loop3A_1060, %parallel_loop3A_1061, %parallel_loop3A_1062] {strides = array<i32>} : memref<5x32x128xf32, #tpu.memory_space<vmem>>, vector<16xf32>,
          %parallel_loop3A_1064 = arith.mulf %parallel_loop3A_721, %parallel_loop3A_1063 : vector<16xf32>
          %parallel_loop3A_1065 = arith.addf %parallel_loop3A_1058, %parallel_loop3A_1064 : vector<16xf32>
          %parallel_loop3A_1066 = arith.constant true
          %parallel_loop3A_1067 = vector.broadcast %parallel_loop3A_1066 : i1 to vector<16xi1>
          %parallel_loop3A_1068 = tpu.scan <sum>, %parallel_loop3A_1065 masked %parallel_loop3A_1067 : vector<16xf32>, vector<16xi1> -> vector<16xf32>
          %parallel_loop3A_1069 = vector.extract %parallel_loop3A_1068[15] : f32 from vector<16xf32>
          %parallel_loop3A_1070 = vector.broadcast %parallel_loop3A_1069 : f32 to vector<16xf32>
          %parallel_loop3A_1071 = arith.select %parallel_loop3A_697, %parallel_loop3A_1070, %scan3A_692 : vector<16xi1>, vector<16xf32>
          scf.yield %parallel_loop3A_766, %parallel_loop3A_827, %parallel_loop3A_888, %parallel_loop3A_949, %parallel_loop3A_1010, %parallel_loop3A_1071 : vector<16xf32>, vector<16xf32>, vector<16xf32>, vector<16xf32>, vector<16xf32>, vector<16xf32>
        }
        %parallel_loop3A_643 = arith.constant 16 : i32
        %parallel_loop3A_644 = arith.constant 16 : i32
        %parallel_loop3A_645 = arith.muli %parallel_loop3A_635, %parallel_loop3A_644 : i32
        %parallel_loop3A_646 = arith.addi %mul3A_623, %parallel_loop3A_645 : i32
        %parallel_loop3A_647 = arith.constant 0 : i32
        %parallel_loop3A_648 = arith.index_cast %parallel_loop3A_647 : i32 to index
        %parallel_loop3A_649 = arith.index_cast %parallel_loop3A_646 : i32 to index
        %parallel_loop3A_650 = tpu.vector_load %arg11[%parallel_loop3A_648, %parallel_loop3A_649] {strides = array<i32>} : memref<6x512xf32, #tpu.memory_space<vmem>>, vector<16xf32>,
        tpu.vector_store %arg11[%parallel_loop3A_648, %parallel_loop3A_649], %parallel_loop3A_642#0 {strides = array<i32>} : memref<6x512xf32, #tpu.memory_space<vmem>>, vector<16xf32>,
        %parallel_loop3A_651 = arith.constant 16 : i32
        %parallel_loop3A_652 = arith.muli %parallel_loop3A_635, %parallel_loop3A_651 : i32
        %parallel_loop3A_653 = arith.addi %mul3A_623, %parallel_loop3A_652 : i32
        %parallel_loop3A_654 = arith.constant 1 : i32
        %parallel_loop3A_655 = arith.index_cast %parallel_loop3A_654 : i32 to index
        %parallel_loop3A_656 = arith.index_cast %parallel_loop3A_653 : i32 to index
        %parallel_loop3A_657 = tpu.vector_load %arg11[%parallel_loop3A_655, %parallel_loop3A_656] {strides = array<i32>} : memref<6x512xf32, #tpu.memory_space<vmem>>, vector<16xf32>,
        tpu.vector_store %arg11[%parallel_loop3A_655, %parallel_loop3A_656], %parallel_loop3A_642#1 {strides = array<i32>} : memref<6x512xf32, #tpu.memory_space<vmem>>, vector<16xf32>,
        %parallel_loop3A_658 = arith.constant 16 : i32
        %parallel_loop3A_659 = arith.muli %parallel_loop3A_635, %parallel_loop3A_658 : i32
        %parallel_loop3A_660 = arith.addi %mul3A_623, %parallel_loop3A_659 : i32
        %parallel_loop3A_661 = arith.constant 2 : i32
        %parallel_loop3A_662 = arith.index_cast %parallel_loop3A_661 : i32 to index
        %parallel_loop3A_663 = arith.index_cast %parallel_loop3A_660 : i32 to index
        %parallel_loop3A_664 = tpu.vector_load %arg11[%parallel_loop3A_662, %parallel_loop3A_663] {strides = array<i32>} : memref<6x512xf32, #tpu.memory_space<vmem>>, vector<16xf32>,
        tpu.vector_store %arg11[%parallel_loop3A_662, %parallel_loop3A_663], %parallel_loop3A_642#2 {strides = array<i32>} : memref<6x512xf32, #tpu.memory_space<vmem>>, vector<16xf32>,
        %parallel_loop3A_665 = arith.constant 16 : i32
        %parallel_loop3A_666 = arith.muli %parallel_loop3A_635, %parallel_loop3A_665 : i32
        %parallel_loop3A_667 = arith.addi %mul3A_623, %parallel_loop3A_666 : i32
        %parallel_loop3A_668 = arith.constant 3 : i32
        %parallel_loop3A_669 = arith.index_cast %parallel_loop3A_668 : i32 to index
        %parallel_loop3A_670 = arith.index_cast %parallel_loop3A_667 : i32 to index
        %parallel_loop3A_671 = tpu.vector_load %arg11[%parallel_loop3A_669, %parallel_loop3A_670] {strides = array<i32>} : memref<6x512xf32, #tpu.memory_space<vmem>>, vector<16xf32>,
        tpu.vector_store %arg11[%parallel_loop3A_669, %parallel_loop3A_670], %parallel_loop3A_642#3 {strides = array<i32>} : memref<6x512xf32, #tpu.memory_space<vmem>>, vector<16xf32>,
        %parallel_loop3A_672 = arith.constant 16 : i32
        %parallel_loop3A_673 = arith.muli %parallel_loop3A_635, %parallel_loop3A_672 : i32
        %parallel_loop3A_674 = arith.addi %mul3A_623, %parallel_loop3A_673 : i32
        %parallel_loop3A_675 = arith.constant 4 : i32
        %parallel_loop3A_676 = arith.index_cast %parallel_loop3A_675 : i32 to index
        %parallel_loop3A_677 = arith.index_cast %parallel_loop3A_674 : i32 to index
        %parallel_loop3A_678 = tpu.vector_load %arg11[%parallel_loop3A_676, %parallel_loop3A_677] {strides = array<i32>} : memref<6x512xf32, #tpu.memory_space<vmem>>, vector<16xf32>,
        tpu.vector_store %arg11[%parallel_loop3A_676, %parallel_loop3A_677], %parallel_loop3A_642#4 {strides = array<i32>} : memref<6x512xf32, #tpu.memory_space<vmem>>, vector<16xf32>,
        %parallel_loop3A_679 = arith.constant 16 : i32
        %parallel_loop3A_680 = arith.muli %parallel_loop3A_635, %parallel_loop3A_679 : i32
        %parallel_loop3A_681 = arith.addi %mul3A_623, %parallel_loop3A_680 : i32
        %parallel_loop3A_682 = arith.constant 5 : i32
        %parallel_loop3A_683 = arith.index_cast %parallel_loop3A_682 : i32 to index
        %parallel_loop3A_684 = arith.index_cast %parallel_loop3A_681 : i32 to index
        %parallel_loop3A_685 = tpu.vector_load %arg11[%parallel_loop3A_683, %parallel_loop3A_684] {strides = array<i32>} : memref<6x512xf32, #tpu.memory_space<vmem>>, vector<16xf32>,
        tpu.vector_store %arg11[%parallel_loop3A_683, %parallel_loop3A_684], %parallel_loop3A_642#5 {strides = array<i32>} : memref<6x512xf32, #tpu.memory_space<vmem>>, vector<16xf32>,
      } {sc.loop_unroll_factor = 2 : i64, sc.parallel_access}
      %add3A_628 = arith.constant 4 : i32
      %add3A_629 = arith.addi %add3A_551, %add3A_628 : i32
      %lt3A_630 = arith.constant 16 : i32
      %lt3A_631 = arith.cmpi slt, %add3A_629, %lt3A_630 : i32
      %convert_element_type3A_632 = arith.extui %lt3A_631 : i1 to i32
      %cond3A_633 = arith.constant 0 : i32
      %cond3A_634 = arith.cmpi ne, %convert_element_type3A_632, %cond3A_633 : i32
      scf.if %cond3A_634 {
        %add3A_635 = arith.constant 4 : i32
        %add3A_636 = arith.addi %add3A_551, %add3A_635 : i32
        %mul3A_637 = arith.constant 32 : i32
        %mul3A_638 = arith.muli %add3A_636, %mul3A_637 : i32
        %dma_start3A_639 = tpu.memref_slice %arg8[%mul3A_638] : memref<512xi32, #tpu.memory_space<vmem>> -> memref<32xi32, #tpu.memory_space<vmem>>
        %dma_start3A_640 = arith.constant 0 : i32
        %dma_start3A_641 = arith.constant 0 : i32
        %dma_start3A_642 = tpu.memref_slice %arg5[%dma_start3A_640, %dma_start3A_641] : memref<100000x128xf32, #tpu.memory_space<hbm>> -> memref<100000x128xf32, #tpu.memory_space<hbm>>
        tpu.enqueue_indirect_dma source(%dma_start3A_642 : memref<100000x128xf32, #tpu.memory_space<hbm>>) target(%arg21 : memref<32x128xf32, #tpu.memory_space<vmem>>) offsets(%dma_start3A_639 : memref<32xi32, #tpu.memory_space<vmem>>) semaphore(%arg27 : memref<!tpu.dma_semaphore, #tpu.memory_space<semaphore_mem>>)
        %dma_start3A_643 = tpu.memref_slice %arg9[%mul3A_638] : memref<512xi32, #tpu.memory_space<vmem>> -> memref<32xi32, #tpu.memory_space<vmem>>
        %dma_start3A_644 = arith.constant 0 : i32
        %dma_start3A_645 = arith.constant 0 : i32
        %dma_start3A_646 = tpu.memref_slice %arg6[%dma_start3A_644, %dma_start3A_645] : memref<100000x128xf32, #tpu.memory_space<hbm>> -> memref<100000x128xf32, #tpu.memory_space<hbm>>
        tpu.enqueue_indirect_dma source(%dma_start3A_646 : memref<100000x128xf32, #tpu.memory_space<hbm>>) target(%arg22 : memref<32x128xf32, #tpu.memory_space<vmem>>) offsets(%dma_start3A_643 : memref<32xi32, #tpu.memory_space<vmem>>) semaphore(%arg27 : memref<!tpu.dma_semaphore, #tpu.memory_space<semaphore_mem>>)
        %mul3A_647 = arith.constant 32 : i32
        %mul3A_648 = arith.muli %add3A_636, %mul3A_647 : i32
        %dma_start3A_649 = arith.constant 0 : i32
        %dma_start3A_650 = arith.constant 0 : i32
        %dma_start3A_651 = arith.constant 0 : i32
        %dma_start3A_652 = arith.constant 0 : i32
        %dma_start3A_653 = tpu.memref_slice %arg23[%dma_start3A_650, %dma_start3A_651, %dma_start3A_652] : memref<5x32x128xf32, #tpu.memory_space<vmem>> -> memref<1x32x128xf32, #tpu.memory_space<vmem>>
        %dma_start3A_654 = tpu.memref_squeeze %dma_start3A_653 : memref<1x32x128xf32, #tpu.memory_space<vmem>> -> memref<32x128xf32, #tpu.memory_space<vmem>>
        %dma_start3A_655 = tpu.memref_slice %arg10[%dma_start3A_649, %mul3A_648] : memref<5x512xi32, #tpu.memory_space<vmem>> -> memref<1x32xi32, #tpu.memory_space<vmem>>
        %dma_start3A_656 = tpu.memref_squeeze %dma_start3A_655 : memref<1x32xi32, #tpu.memory_space<vmem>> -> memref<32xi32, #tpu.memory_space<vmem>>
        %dma_start3A_657 = arith.constant 0 : i32
        %dma_start3A_658 = arith.constant 0 : i32
        %dma_start3A_659 = tpu.memref_slice %arg6[%dma_start3A_657, %dma_start3A_658] : memref<100000x128xf32, #tpu.memory_space<hbm>> -> memref<100000x128xf32, #tpu.memory_space<hbm>>
        tpu.enqueue_indirect_dma source(%dma_start3A_659 : memref<100000x128xf32, #tpu.memory_space<hbm>>) target(%dma_start3A_654 : memref<32x128xf32, #tpu.memory_space<vmem>>) offsets(%dma_start3A_656 : memref<32xi32, #tpu.memory_space<vmem>>) semaphore(%arg27 : memref<!tpu.dma_semaphore, #tpu.memory_space<semaphore_mem>>)
        %dma_start3A_660 = arith.constant 1 : i32
        %dma_start3A_661 = arith.constant 1 : i32
        %dma_start3A_662 = arith.constant 0 : i32
        %dma_start3A_663 = arith.constant 0 : i32
        %dma_start3A_664 = tpu.memref_slice %arg23[%dma_start3A_661, %dma_start3A_662, %dma_start3A_663] : memref<5x32x128xf32, #tpu.memory_space<vmem>> -> memref<1x32x128xf32, #tpu.memory_space<vmem>>
        %dma_start3A_665 = tpu.memref_squeeze %dma_start3A_664 : memref<1x32x128xf32, #tpu.memory_space<vmem>> -> memref<32x128xf32, #tpu.memory_space<vmem>>
        %dma_start3A_666 = tpu.memref_slice %arg10[%dma_start3A_660, %mul3A_648] : memref<5x512xi32, #tpu.memory_space<vmem>> -> memref<1x32xi32, #tpu.memory_space<vmem>>
        %dma_start3A_667 = tpu.memref_squeeze %dma_start3A_666 : memref<1x32xi32, #tpu.memory_space<vmem>> -> memref<32xi32, #tpu.memory_space<vmem>>
        %dma_start3A_668 = arith.constant 0 : i32
        %dma_start3A_669 = arith.constant 0 : i32
        %dma_start3A_670 = tpu.memref_slice %arg6[%dma_start3A_668, %dma_start3A_669] : memref<100000x128xf32, #tpu.memory_space<hbm>> -> memref<100000x128xf32, #tpu.memory_space<hbm>>
        tpu.enqueue_indirect_dma source(%dma_start3A_670 : memref<100000x128xf32, #tpu.memory_space<hbm>>) target(%dma_start3A_665 : memref<32x128xf32, #tpu.memory_space<vmem>>) offsets(%dma_start3A_667 : memref<32xi32, #tpu.memory_space<vmem>>) semaphore(%arg27 : memref<!tpu.dma_semaphore, #tpu.memory_space<semaphore_mem>>)
        %dma_start3A_671 = arith.constant 2 : i32
        %dma_start3A_672 = arith.constant 2 : i32
        %dma_start3A_673 = arith.constant 0 : i32
        %dma_start3A_674 = arith.constant 0 : i32
        %dma_start3A_675 = tpu.memref_slice %arg23[%dma_start3A_672, %dma_start3A_673, %dma_start3A_674] : memref<5x32x128xf32, #tpu.memory_space<vmem>> -> memref<1x32x128xf32, #tpu.memory_space<vmem>>
        %dma_start3A_676 = tpu.memref_squeeze %dma_start3A_675 : memref<1x32x128xf32, #tpu.memory_space<vmem>> -> memref<32x128xf32, #tpu.memory_space<vmem>>
        %dma_start3A_677 = tpu.memref_slice %arg10[%dma_start3A_671, %mul3A_648] : memref<5x512xi32, #tpu.memory_space<vmem>> -> memref<1x32xi32, #tpu.memory_space<vmem>>
        %dma_start3A_678 = tpu.memref_squeeze %dma_start3A_677 : memref<1x32xi32, #tpu.memory_space<vmem>> -> memref<32xi32, #tpu.memory_space<vmem>>
        %dma_start3A_679 = arith.constant 0 : i32
        %dma_start3A_680 = arith.constant 0 : i32
        %dma_start3A_681 = tpu.memref_slice %arg6[%dma_start3A_679, %dma_start3A_680] : memref<100000x128xf32, #tpu.memory_space<hbm>> -> memref<100000x128xf32, #tpu.memory_space<hbm>>
        tpu.enqueue_indirect_dma source(%dma_start3A_681 : memref<100000x128xf32, #tpu.memory_space<hbm>>) target(%dma_start3A_676 : memref<32x128xf32, #tpu.memory_space<vmem>>) offsets(%dma_start3A_678 : memref<32xi32, #tpu.memory_space<vmem>>) semaphore(%arg27 : memref<!tpu.dma_semaphore, #tpu.memory_space<semaphore_mem>>)
        %dma_start3A_682 = arith.constant 3 : i32
        %dma_start3A_683 = arith.constant 3 : i32
        %dma_start3A_684 = arith.constant 0 : i32
        %dma_start3A_685 = arith.constant 0 : i32
        %dma_start3A_686 = tpu.memref_slice %arg23[%dma_start3A_683, %dma_start3A_684, %dma_start3A_685] : memref<5x32x128xf32, #tpu.memory_space<vmem>> -> memref<1x32x128xf32, #tpu.memory_space<vmem>>
        %dma_start3A_687 = tpu.memref_squeeze %dma_start3A_686 : memref<1x32x128xf32, #tpu.memory_space<vmem>> -> memref<32x128xf32, #tpu.memory_space<vmem>>
        %dma_start3A_688 = tpu.memref_slice %arg10[%dma_start3A_682, %mul3A_648] : memref<5x512xi32, #tpu.memory_space<vmem>> -> memref<1x32xi32, #tpu.memory_space<vmem>>
        %dma_start3A_689 = tpu.memref_squeeze %dma_start3A_688 : memref<1x32xi32, #tpu.memory_space<vmem>> -> memref<32xi32, #tpu.memory_space<vmem>>
        %dma_start3A_690 = arith.constant 0 : i32
        %dma_start3A_691 = arith.constant 0 : i32
        %dma_start3A_692 = tpu.memref_slice %arg6[%dma_start3A_690, %dma_start3A_691] : memref<100000x128xf32, #tpu.memory_space<hbm>> -> memref<100000x128xf32, #tpu.memory_space<hbm>>
        tpu.enqueue_indirect_dma source(%dma_start3A_692 : memref<100000x128xf32, #tpu.memory_space<hbm>>) target(%dma_start3A_687 : memref<32x128xf32, #tpu.memory_space<vmem>>) offsets(%dma_start3A_689 : memref<32xi32, #tpu.memory_space<vmem>>) semaphore(%arg27 : memref<!tpu.dma_semaphore, #tpu.memory_space<semaphore_mem>>)
        %dma_start3A_693 = arith.constant 4 : i32
        %dma_start3A_694 = arith.constant 4 : i32
        %dma_start3A_695 = arith.constant 0 : i32
        %dma_start3A_696 = arith.constant 0 : i32
        %dma_start3A_697 = tpu.memref_slice %arg23[%dma_start3A_694, %dma_start3A_695, %dma_start3A_696] : memref<5x32x128xf32, #tpu.memory_space<vmem>> -> memref<1x32x128xf32, #tpu.memory_space<vmem>>
        %dma_start3A_698 = tpu.memref_squeeze %dma_start3A_697 : memref<1x32x128xf32, #tpu.memory_space<vmem>> -> memref<32x128xf32, #tpu.memory_space<vmem>>
        %dma_start3A_699 = tpu.memref_slice %arg10[%dma_start3A_693, %mul3A_648] : memref<5x512xi32, #tpu.memory_space<vmem>> -> memref<1x32xi32, #tpu.memory_space<vmem>>
        %dma_start3A_700 = tpu.memref_squeeze %dma_start3A_699 : memref<1x32xi32, #tpu.memory_space<vmem>> -> memref<32xi32, #tpu.memory_space<vmem>>
        %dma_start3A_701 = arith.constant 0 : i32
        %dma_start3A_702 = arith.constant 0 : i32
        %dma_start3A_703 = tpu.memref_slice %arg6[%dma_start3A_701, %dma_start3A_702] : memref<100000x128xf32, #tpu.memory_space<hbm>> -> memref<100000x128xf32, #tpu.memory_space<hbm>>
        tpu.enqueue_indirect_dma source(%dma_start3A_703 : memref<100000x128xf32, #tpu.memory_space<hbm>>) target(%dma_start3A_698 : memref<32x128xf32, #tpu.memory_space<vmem>>) offsets(%dma_start3A_700 : memref<32xi32, #tpu.memory_space<vmem>>) semaphore(%arg27 : memref<!tpu.dma_semaphore, #tpu.memory_space<semaphore_mem>>)
      } else {
      }
    }
    %scan3A_292 = arith.constant 4 : i32
    "tpu.region"() ({
      %run_scoped3A = tpu.sem_alloc : memref<!tpu.dma_semaphore, #tpu.memory_space<semaphore_mem>>
      %dma_start3A_293 = arith.constant 0 : i32
      %dma_start3A_294 = tpu.memref_slice %arg7[%dma_start3A_293, %mul3A_2] : memref<6x16384xf32, #tpu.memory_space<hbm>> -> memref<6x512xf32, #tpu.memory_space<hbm>>
      %dma_start3A_295 = arith.constant 0 : i32
      %dma_start3A_296 = tpu.memref_slice %arg7[%dma_start3A_295, %mul3A_2] : memref<6x16384xf32, #tpu.memory_space<hbm>> -> memref<6x512xf32, #tpu.memory_space<hbm>>
      tpu.enqueue_dma source(%arg11 : memref<6x512xf32, #tpu.memory_space<vmem>>) target(%dma_start3A_296 : memref<6x512xf32, #tpu.memory_space<hbm>>) target_semaphore(%run_scoped3A : memref<!tpu.dma_semaphore, #tpu.memory_space<semaphore_mem>>)
      %dma_wait3A_297 = arith.constant 0 : i32
      %dma_wait3A_298 = tpu.memref_slice %arg7[%dma_wait3A_297, %mul3A_2] : memref<6x16384xf32, #tpu.memory_space<hbm>> -> memref<6x512xf32, #tpu.memory_space<hbm>>
      %dma_wait3A_299 = arith.constant 0 : i32
      %dma_wait3A_300 = tpu.memref_slice %arg7[%dma_wait3A_299, %mul3A_2] : memref<6x16384xf32, #tpu.memory_space<hbm>> -> memref<6x512xf32, #tpu.memory_space<hbm>>
      tpu.wait_dma2 semaphore(%run_scoped3A : memref<!tpu.dma_semaphore, #tpu.memory_space<semaphore_mem>>) src(%arg11 : memref<6x512xf32, #tpu.memory_space<vmem>>) dst(%dma_wait3A_300 : memref<6x512xf32, #tpu.memory_space<hbm>>)
      tpu.yield
    }) : () -> ()
    return
  }
}

module attributes {stable_mosaic.version = 14 : i64} {
  func.func @_tc_finish_body(%arg0: memref<6x16384xf32, #tpu.memory_space<vmem>>, %arg1: memref<1x1xf32, #tpu.memory_space<smem>>) attributes {dimension_semantics = [], scalar_prefetch = 0 : i64, scratch_operands = 0 : i64, tpu.core_type = #tpu.core_type<tc>} {
    %get3A = arith.constant 0 : index
    %get3A_0 = arith.constant 0 : index
    %get3A_1 = vector.load %arg0[%get3A, %get3A_0] : memref<6x16384xf32, #tpu.memory_space<vmem>>, vector<6x16384xf32>
    %jit3A = arith.constant 1.000000e-07 : f32
    %jit3A_2 = arith.constant 0.99999988 : f32
    %max3A = vector.broadcast %jit3A : f32 to vector<6x16384xf32>
    %max3A_3 = arith.maximumf %max3A, %get3A_1 : vector<6x16384xf32>
    %min3A = vector.broadcast %jit3A_2 : f32 to vector<6x16384xf32>
    %min3A_4 = arith.minimumf %min3A, %max3A_3 : vector<6x16384xf32>
    %slice3A = vector.extract_strided_slice %min3A_4 {offsets = [0, 0], sizes = [1, 16384], strides = [1, 1]} : vector<6x16384xf32> to vector<1x16384xf32>
    %log3A = math.log %slice3A : vector<1x16384xf32>
    %neg3A = arith.constant 0.000000e+00 : f32
    %neg3A_5 = vector.broadcast %neg3A : f32 to vector<1x16384xf32>
    %neg3A_6 = arith.subf %neg3A_5, %log3A : vector<1x16384xf32>
    %slice3A_7 = vector.extract_strided_slice %min3A_4 {offsets = [1, 0], sizes = [5, 16384], strides = [1, 1]} : vector<6x16384xf32> to vector<5x16384xf32>
    %sub3A = arith.constant 1.000000e+00 : f32
    %sub3A_8 = vector.broadcast %sub3A : f32 to vector<5x16384xf32>
    %sub3A_9 = arith.subf %sub3A_8, %slice3A_7 : vector<5x16384xf32>
    %log3A_10 = math.log %sub3A_9 : vector<5x16384xf32>
    %neg3A_11 = arith.constant 0.000000e+00 : f32
    %neg3A_12 = vector.broadcast %neg3A_11 : f32 to vector<5x16384xf32>
    %neg3A_13 = arith.subf %neg3A_12, %log3A_10 : vector<5x16384xf32>
    %reduce_sum3A = vector.shape_cast %neg3A_6 : vector<1x16384xf32> to vector<1x1x16384xf32>
    %reduce_sum3A_14 = arith.constant dense<0.000000e+00> : vector<1xf32>
    %reduce_sum3A_15 = vector.multi_reduction <add>, %reduce_sum3A, %reduce_sum3A_14 [1, 2] : vector<1x1x16384xf32> to vector<1xf32>
    %reduce_sum3A_16 = vector.shape_cast %reduce_sum3A_15 : vector<1xf32> to vector<1x1x1xf32>
    %reduce_sum3A_17 = vector.extract %reduce_sum3A_16[0, 0, 0] : f32 from vector<1x1x1xf32>
    %reduce_sum3A_18 = vector.shape_cast %neg3A_13 : vector<5x16384xf32> to vector<1x5x16384xf32>
    %reduce_sum3A_19 = arith.constant dense<0.000000e+00> : vector<1xf32>
    %reduce_sum3A_20 = vector.multi_reduction <add>, %reduce_sum3A_18, %reduce_sum3A_19 [1, 2] : vector<1x5x16384xf32> to vector<1xf32>
    %reduce_sum3A_21 = vector.shape_cast %reduce_sum3A_20 : vector<1xf32> to vector<1x1x1xf32>
    %reduce_sum3A_22 = vector.extract %reduce_sum3A_21[0, 0, 0] : f32 from vector<1x1x1xf32>
    %add3A = arith.addf %reduce_sum3A_17, %reduce_sum3A_22 : f32
    %div3A = arith.constant 1.638400e+04 : f32
    %div3A_23 = arith.divf %add3A, %div3A : f32
    %swap3A = arith.constant 0 : index
    %swap3A_24 = arith.constant 0 : index
    %swap3A_25 = memref.load %arg1[%swap3A, %swap3A_24] : memref<1x1xf32, #tpu.memory_space<smem>>
    memref.store %div3A_23, %arg1[%swap3A, %swap3A_24] : memref<1x1xf32, #tpu.memory_space<smem>>
    return
  }
}

</mosaic_0001>

<sc_bundles>
// kernel: kernel.4.cloned.1.call-start
scs
__scs_entry_jumppad:
0x0: {  	(pc) =	sbr.rel $0x88, $3  }
0x1: {  	(tag) =	ssettag $0x0;
	lr =	simm.s32 $0x1  }
0x2: {  	[smem:$0x3F9C] =	sst lr;
	_ =	strace $0xD0000000  }
0x3: {  	_ = 	snop  }
0x4: {  	_ = 	snop  }
0x5: {  	_ = 	snop  }
0x6: {  	_ = 	snop  }
0x7: {  	_ = 	snop  }
__scs_overlays_trampoline_lowered:
0x8: {  	[smem:$0x3FAB] =	sst s0  }
0x9: {  	[smem:$0x3FAC] =	sst s1  }
0xa: {  	[smem:$0x3FAD] =	sst s2  }
0xb: {  	[smem:$0x3FAE] =	sst s3  }
0xc: {  	[smem:$0x3FAF] =	sst s4  }
0xd: {  	[smem:$0x3FB0] =	sst s5  }
0xe: {  	[smem:$0x3FB1] =	sst s6  }
0xf: {  	[smem:$0x3FB2] =	sst s7  }
0x10: {  	[smem:$0x3FB3] =	sst s8  }
0x11: {  	[smem:$0x3FB4] =	sst s9;
	s0 =	simm.s32 @!p0 $0x0  }
0x12: {  	s1 =	sld [smem:$0x3F9A];
	s0 =	simm.s32 @p0 $0x1  }
0x13: {  	[smem:$0x3FB5] =	sst s0;
	s0 =	simm.s32 @!p1 $0x0  }
0x14: {  	s2 =	sld [smem:$0x3F99];
	s0 =	simm.s32 @p1 $0x1  }
0x15: {  	[smem:$0x3FB6] =	sst s0;
	s0 =	simm.s32 @!p2 $0x0  }
0x16: {  	s3 =	sld [smem:$0x3FDB];
	s0 =	simm.s32 @p2 $0x1  }
0x17: {  	s4 =	simm.s32 $0x1BF5;
	[smem:$0x3FB8] =	sst s0  }
0x18: {  	s0 =	sld [smem:$0x3F9B];
	_ =	swait.ge [sflag:s4], $0x0  }
0x19: {  	s7 =	sld [smem:$0x3F9C]  }
0x1a: {  	s8 =	sadd.s32 $0xFFFFE003, lr  }
0x1b: {  	s9 =	sadd.s32 $0xFFFFFEF7, lr;
	s5 =	simm.s32 $0xFFFFFFFF;
	p2 =	slt.u32 s8, $0xFFFFF086  }
0x1c: {  	p1 =	slt.u32 s9, $0xF7A;
	s5 =	simm.s32 @!p2 $0x0  }
0x1d: {  	s5 =	simm.s32 @p1 $0x1;
	p0 =	seq.s32 s7, s2  }
0x1e: {  	s7 =	smul.u32 @!p0 $0xF7A, s2;
	p2 =	seq.s32 @!p0 s5, $0x0  }
0x1f: {  	s9 =	smul.u32 $0xF7A, s1;
	s8 =	simm.s32 @!p0 $0x1BF5;
	p2 =	por !p2, p0  }
0x20: {  	[sflag:s8] =	ssyncset.s32 @!p0 $0xFFFFF086;
	s6 =	sadd.s32 @!p0 s3, s7;
	s7 =	simm.s32 @!p0 $0x108  }
0x21: {  	s3 =	sadd.s32 s3, s9;
	s6 =	sadd.s32 @!p0 $0x88, s6;
	s7 =	simm.s32 @p2 $0x1082  }
0x22: {  	[simem:s7], [sflag:s8] =	dma.local @!p0 [hbm:s6], $0xF7A  }
0x23: {  	s9 =	sor.u32 $0xD0000000, s2;
	s6 =	simm.s32 $0x108;
	_ =	swait.ge @!p0 [sflag:s8], $0x0  }
0x24: {  	s3 =	sadd.s32 $0x88, s3;
	s6 =	simm.s32 @!p1 $0x1082;
	[sflag:s4] =	ssyncset.s32 $0xFFFFF086  }
0x25: {  	[simem:s6], [sflag:s4] =	dma.local [hbm:s3], $0xF7A  }
0x26: {  	[smem:$0x3F9C] =	sst s1;
	(tag) =	ssettag s2;
	_ =	strace s9  }
0x27: {  	s1 =	sld [smem:$0x3FAC]  }
0x28: {  	s2 =	sld [smem:$0x3FAD]  }
0x29: {  	s4 =	sld [smem:$0x3FAF]  }
0x2a: {  	p0 =	seq.s32 s5, $0x0;
	s5 =	sld [smem:$0x3FB0]  }
0x2b: {  	s6 =	sld [smem:$0x3FB1]  }
0x2c: {  	s7 =	sld [smem:$0x3FB2]  }
0x2d: {  	s3 =	simm.s32 $0x108;
	s8 =	sld [smem:$0x3FB3]  }
0x2e: {  	s3 =	simm.s32 @!p0 $0x1082;
	s9 =	sld [smem:$0x3FB4]  }
0x2f: {  	lr =	sadd.s32 s0, s3;
	s0 =	sld [smem:$0x3FAB]  }
0x30: {  	s3 =	sld [smem:$0x3FAE]  }
0x31: {  	[smem:$0x3FB7] =	sst s10  }
0x32: {  	s10 =	sld [smem:$0x3FB5];
	_ =	sdelay $0x3  }
0x33: {  	p0 =	seq.s32 s10, $0x1;
	s10 =	sld [smem:$0x3FB7];
	_ =	sdelay $0x3  }
0x34: {  	[smem:$0x3FB7] =	sst s10  }
0x35: {  	s10 =	sld [smem:$0x3FB6];
	_ =	sdelay $0x3  }
0x36: {  	p1 =	seq.s32 s10, $0x1;
	s10 =	sld [smem:$0x3FB7];
	_ =	sdelay $0x3  }
0x37: {  	[smem:$0x3FB7] =	sst s10  }
0x38: {  	s10 =	sld [smem:$0x3FB8]  }
0x39: {  	_ = 	snop;
	(pc) =	sbr.ind lr, $3  }
0x3a: {  	_ = 	snop  }
0x3b: {  	_ = 	snop  }
0x3c: {  	p2 =	seq.s32 s10, $0x1;
	s10 =	sld [smem:$0x3FB7]  }
0x3d: {  	_ =	shalt  }
0x3e: {  	_ =	shalt  }
0x3f: {  	_ =	shalt  }
0x40: {  	_ =	shalt  }
0x41: {  	_ =	shalt  }
0x42: {  	_ =	shalt  }
0x43: {  	_ =	shalt  }
0x44: {  	_ =	shalt  }
0x45: {  	_ =	shalt  }
0x46: {  	_ =	shalt  }
0x47: {  	_ =	shalt  }
0x48: {  	_ =	shalt  }
0x49: {  	_ =	shalt  }
0x4a: {  	_ =	shalt  }
0x4b: {  	_ =	shalt  }
0x4c: {  	_ =	shalt  }
0x4d: {  	_ =	shalt  }
0x4e: {  	_ =	shalt  }
0x4f: {  	_ =	shalt  }
0x50: {  	_ =	shalt  }
0x51: {  	_ =	shalt  }
0x52: {  	_ =	shalt  }
0x53: {  	_ =	shalt  }
0x54: {  	_ =	shalt  }
0x55: {  	_ =	shalt  }
0x56: {  	_ =	shalt  }
0x57: {  	_ =	shalt  }
0x58: {  	_ =	shalt  }
0x59: {  	_ =	shalt  }
0x5a: {  	_ =	shalt  }
0x5b: {  	_ =	shalt  }
0x5c: {  	_ =	shalt  }
0x5d: {  	_ =	shalt  }
0x5e: {  	_ =	shalt  }
0x5f: {  	_ =	shalt  }
0x60: {  	_ =	shalt  }
0x61: {  	_ =	shalt  }
0x62: {  	_ =	shalt  }
0x63: {  	_ =	shalt  }
0x64: {  	_ =	shalt  }
0x65: {  	_ =	shalt  }
0x66: {  	_ =	shalt  }
0x67: {  	_ =	shalt  }
0x68: {  	_ =	shalt  }
0x69: {  	_ =	shalt  }
0x6a: {  	_ =	shalt  }
0x6b: {  	_ =	shalt  }
0x6c: {  	_ =	shalt  }
0x6d: {  	_ =	shalt  }
0x6e: {  	_ =	shalt  }
0x6f: {  	_ =	shalt  }
0x70: {  	_ =	shalt  }
0x71: {  	_ =	shalt  }
0x72: {  	_ =	shalt  }
0x73: {  	_ =	shalt  }
0x74: {  	_ =	shalt  }
0x75: {  	_ =	shalt  }
0x76: {  	_ =	shalt  }
0x77: {  	_ =	shalt  }
0x78: {  	_ =	shalt  }
0x79: {  	_ =	shalt  }
0x7a: {  	_ =	shalt  }
0x7b: {  	_ =	shalt  }
0x7c: {  	_ =	shalt  }
0x7d: {  	_ =	shalt  }
0x7e: {  	_ =	shalt  }
0x7f: {  	_ =	shalt  }
0x80: {  	_ =	shalt  }
0x81: {  	_ =	shalt  }
0x82: {  	_ =	shalt  }
0x83: {  	_ =	shalt  }
0x84: {  	_ =	shalt  }
0x85: {  	_ =	shalt  }
0x86: {  	_ =	shalt  }
0x87: {  	_ =	shalt  }
.Lfunc_end0:
.L_simem_size_0:
called_computation_lowered:
.L_overlay_start_0:
0x88: {  	s2 =	sld [smem:$0x3FD9]  }
0x89: {  	s3 =	sld [smem:$0x3FFE];
	_ =	sdelay $0x1  }
0x8a: {  	s1 =	srdreg.scid  }
0x8b: {  	s0 =	sand.u32 $0x1, s1  }
0x8c: {  	s17 =	sshll.u32 s0, $0xA;
	s2 =	sadd.s32 s3, s2  }
0x8d: {  	s2 =	sadd.s32 s2, s17  }
0x8e: {  	[smem:$0x3FC3] =	sst s2  }
0x8f: {  	_ = 	snop  }
0x90: {  	s2 =	sld [smem:$0x3FC9]  }
0x91: {  	s18 =	sld [smem:$0x3FC8]  }
0x92: {  	s4 =	sld [smem:$0x3FC7]  }
0x93: {  	s5 =	sld [smem:$0x3FC6]  }
0x94: {  	s6 =	sld [smem:$0x3FC5];
	(tm) =	ssettm $0x1  }
0x95: {  	s7 =	sld [smem:$0x3FFB];
	_ =	sdelay $0x3  }
0x96: {  	_ =	strace s7  }
0x97: {  	s7 =	sld [smem:$0x3FFC];
	_ =	sdelay $0x3  }
0x98: {  	_ =	strace s7  }
0x99: {  	s7 =	sld [smem:$0x3FFD];
	_ =	sdelay $0x3  }
0x9a: {  	_ =	strace s7  }
0x9b: {  	_ =	strace $0x8FFFFFFF  }
0x9c: {  	s19 =	sld [smem:$0x3FDB];
	_ =	sdelay $0x1  }
0x9d: {  	s8 =	simm.s32 $_scs_section_size  }
0x9e: {  	s9 =	simm.s32 $_size__tile_overlayer_lowered;
	s10 =	simm.s32 $_tile_overlayer_lowered  }
0x9f: {  	s22 =	simm.s32 $0x1BFF;
	s21 =	sshll.u32 s10, $0x1;
	s7 =	sadd.s32 s8, s19  }
0xa0: {  	s11 =	simm.s32 $0x0;
	s20 =	sshll.u32 s9, $0x1;
	s9 =	sadd.s32 s21, s7  }
0xa1: {  	[timem:s11], [sflag:s22] =	dma.local [hbm:s9], s20  }
0xa2: {  	_ =	swait.ge [sflag:s22], s20  }
0xa3: {  	s8 =	ssub.s32 $0x0, s20;
	[sflag:s22] =	ssyncset.done $0x0  }
0xa4: {  	[sflag:s22] =	ssyncadd.s32 s8;
	_ =	sdelay $0x1  }
0xa5: {  	s23 =	simm.s32 $0x1B8B  }
0xa6: {  	_ =	swait.ge [sflag:s23], $0x1  }
0xa7: {  	[sflag:s23] =	ssyncset.done $0x0  }
0xa8: {  	s25 =	simm.s32 $0x1B8E;
	s24 =	sld [smem:$0x3FFE];
	[sflag:s23] =	ssyncadd.s32 $0xFFFFFFFF  }
0xa9: {  	s26 =	simm.s32 $execute0_lowered;
	[smem:$0x3FD2] =	sst s25  }
0xaa: {  	s9 =	sshll.u32 s26, $0x1;
	_ =	strace $0x80000046;
	[dreg:$0x1] =	wrdreg $0xFFFFFFFF  }
0xab: {  	s28 =	simm.s32 $_size_execute0_lowered;
	s7 =	sadd.s32 s7, s9;
	[dreg:$0x0] =	wrdreg $0x0  }
0xac: {  	s9 =	sshll.u32 s28, $0x1;
	[dreg:$0x2] =	wrdreg s7  }
0xad: {  	[dreg:$0x3] =	wrdreg s9  }
0xae: {  	[dreg:$0x4] =	wrdreg $0xC0  }
0xaf: {  	_ =	task [dreg:s11], $0x5FFFF  }
0xb0: {  	[dreg:$0x1] =	wrdreg $0xFFFFFFFF  }
0xb1: {  	[dreg:$0x0] =	wrdreg $0x60  }
0xb2: {  	[dreg:$0x2] =	wrdreg s2  }
0xb3: {  	[dreg:$0x3] =	wrdreg s18  }
0xb4: {  	[dreg:$0x4] =	wrdreg s4  }
0xb5: {  	[dreg:$0x5] =	wrdreg s5  }
0xb6: {  	[dreg:$0x6] =	wrdreg s6  }
0xb7: {  	[dreg:$0x7] =	wrdreg s24  }
0xb8: {  	[dreg:$0x8] =	wrdreg $0x9  }
0xb9: {  	_ =	task.clear_ibuf [dreg:s11], $0x9FFFF;
	_ =	strace $0x90000046  }
0xba: {  	s29 =	simm.s32 $0x9;
	_ =	strace $0x80000048  }
0xbb: {  	_ =	swait.ge [sflag:s29], $0x1  }
0xbc: {  	[sflag:s29] =	ssyncadd.s32 $0xFFFFFFFF  }
0xbd: {  	_ =	strace $0x90000048  }
0xbe: {  	_ =	sfence  }
0xbf: {  	s30 =	sld [smem:$0x0];
	_ =	sdelay $0x2  }
0xc0: {  	s31 =	sshll.u32 s1, $0xD;
	s1 =	sshrl.u32 s1, $0x2  }
0xc1: {  	s3 =	sand.u32 $0x4000, s31;
	s1 =	sadd.s32 s1, s30  }
0xc2: {  	s0 =	sor.u32 s3, s0;
	s1 =	sshll.u32 s1, $0x11  }
0xc3: {  	s0 =	sor.u32 s1, s0  }
0xc4: {  	s0 =	sadd.s32 $0x8F2B, s0  }
0xc5: {  	[sflag:s0] =	ssyncadd.remote.s32 $0x1  }
0xc6: {  	_ =	sfence.sel $0xFFFF  }
0xc7: {  	[dreg:$0x0] =	wrdreg $0xFFFFFFFF;
	(pc) =	sbr.abs _section_cstart, $3  }
0xc8: {  	[dreg:$0x1] =	wrdreg $0xFFFFFFFF  }
0xc9: {  	_ =	task.clear_ibuf [dreg:s11], $0x2FFFF;
	_ =	strace $0x9FFFFFFF  }
0xca: {  	(tm) =	ssettm $0x7FFFFFFF  }
0xcb: {  	_ =	shalt  }
tec
execute0_lowered:
.L_overlay_start_1:
0x0: {  	(tag) =	ssettag $0x1  }
0x1: {  	s0 =	rddreg [dreg:$0x0]  }
0x2: {  	s3 =	rddreg [dreg:$0x1]  }
0x3: {  	s5 =	rddreg [dreg:$0x2]  }
0x4: {  	s1 =	rddreg [dreg:$0x3]  }
0x5: {  	s2 =	rddreg [dreg:$0x4]  }
0x6: {  	s6 =	rddreg [dreg:$0x5];
	s7 =	srdreg.scid;
	s4 =	simm.s32 $0x0  }
0x7: {  	s8 =	stileid.u32;
	s13 =	simm.s32 $0x20;
	s24 =	simm.s32 $0x17400  }
0x8: {  	s26 =	simm.s32 $0x18400;
	s28 =	simm.s32 $0x5;
	s23 =	simm.s32 $0x19400  }
0x9: {  	s29 =	simm.s32 $0x1A400;
	s31 =	simm.s32 $0x1B400;
	s15 =	simm.s32 $0x1D400  }
0xa: {  	s16 =	simm.s32 $0x1;
	s17 =	simm.s32 $0x2;
	s18 =	simm.s32 $0x3  }
0xb: {  	s19 =	simm.s32 $0x4;
	s21 =	simm.s32 $0x0;
	s7 =	sand.u32 $0x1, s7  }
0xc: {  	[smem:$0x7FF] =	sst s4;
	s8 =	sshll.u32 s8, $0xA;
	s9 =	sshll.u32 s7, $0x9  }
.Ltmp0:
0xd: {  	s7 =	ssub.s32 $0x2, s7;
	s8 =	sor.u32 s9, s8;
	(pc) =	sbr.rel .LBB2_1-.Ltmp0, $4  }
0xe: {  	_ =	strace $0x80000047;
	s30 =	sshrl.u32 s7, $0x1;
	s9 =	sadd.s32 s8, s6  }
0xf: {  	s10 =	sshrl.u32 s8, $0x3;
	s11 =	ssub.s32 s7, s30;
	s5 =	sadd.s32 s5, s8  }
0x10: {  	s6 =	sadd.s32 s0, s10;
	s7 =	sadd.s32 s3, s10;
	s8 =	sadd.s32 $0x600, s9  }
0x11: {  	v0 =	vlaneseq.u32;
	s9 =	smax.u32 s11, $0x1;
	s11 =	simm.s32 $0x6;
	s3 =	simm.s32 $0x1C400  }
.LBB2_20:
0x12: {  	s21 =	sadd.s32 $0x1, s21  }
0x13: {  	p0 =	sne.s32 s21, s9  }
.Ltmp1:
0x14: {  	s0 =	simm.s32 $0x1400;
	(pc) =	sbr.rel @!p0 .LBB2_21-.Ltmp1, $4  }
0x15: {  	[hbm4b:s8+s4] =	stream.linear.scatter [tilespmem:s0], [sflag:$0x6], $0x1000, $0x38;
	[tilespmem:$0x1E400] =	vst v63  }
0x16: {  	_ =	swait.ge [sflag:s11], $0x1000  }
0x17: {  	[sflag:s11] =	ssyncset.done $0x0  }
0x18: {  	[sflag:s11] =	ssyncadd.s32 $0xFFFFF000  }
.LBB2_1:
0x19: {  	s0 =	simm.s32 $0x400  }
0x1a: {  	[tilespmem:s0], [sflag:$0x5] =	stream.linear.gather [hbm4b:s5+s4], $0x1000, $0x38;
	[tilespmem:$0x1E400] =	vst v63  }
0x1b: {  	_ = 	snop  }
0x1c: {  	[tilespmem:s4], [sflag:$0x6] =	stream.linear.gather [hbm4b:s6+s4], $0x200, $0x38;
	[tilespmem:$0x1E400] =	vst v63  }
0x1d: {  	_ =	swait.ge [sflag:s11], $0x200  }
0x1e: {  	[sflag:s11] =	ssyncset.done $0x0  }
0x1f: {  	s10 =	simm.s32 $0x200;
	[sflag:s11] =	ssyncadd.s32 $0xFFFFFE00  }
0x20: {  	[tilespmem:s10], [sflag:$0x6] =	stream.linear.gather [hbm4b:s7+s4], $0x200, $0x38;
	[tilespmem:$0x1E400] =	vst v63  }
0x21: {  	_ =	swait.ge [sflag:s11], $0x200  }
0x22: {  	[sflag:s11] =	ssyncset.done $0x0  }
0x23: {  	s12 =	simm.s32 $0x2400;
	[sflag:s11] =	ssyncadd.s32 $0xFFFFFE00  }
0x24: {  	[tilespmem:s12], [sflag:$0x1] =	stream.indirect.gather [hbm4b:s1+s13], $0x80, s4, s13, $0xb8;
	[tilespmem:$0x1E400] =	vst v63  }
0x25: {  	s25 =	simm.s32 $0x3400  }
0x26: {  	[tilespmem:s25], [sflag:$0x1] =	stream.indirect.gather [hbm4b:s2+s13], $0x80, s10, s13, $0xb8;
	[tilespmem:$0x1E400] =	vst v63  }
0x27: {  	s30 =	simm.s32 $0x9400  }
0x28: {  	[tilespmem:s30], [sflag:$0x2] =	stream.indirect.gather [hbm4b:s1+s13], $0x80, s13, s13, $0xb8;
	[tilespmem:$0x1E400] =	vst v63  }
0x29: {  	s14 =	simm.s32 $0xA400;
	s12 =	simm.s32 $0x220  }
0x2a: {  	[tilespmem:s14], [sflag:$0x2] =	stream.indirect.gather [hbm4b:s2+s13], $0x80, s12, s13, $0xb8;
	[tilespmem:$0x1E400] =	vst v63  }
0x2b: {  	s20 =	simm.s32 $0x40;
	s22 =	simm.s32 $0x10400  }
0x2c: {  	[tilespmem:s22], [sflag:$0x3] =	stream.indirect.gather [hbm4b:s1+s13], $0x80, s20, s13, $0xb8;
	[tilespmem:$0x1E400] =	vst v63  }
0x2d: {  	s25 =	simm.s32 $0x240;
	s30 =	simm.s32 $0x11400  }
0x2e: {  	[tilespmem:s30], [sflag:$0x3] =	stream.indirect.gather [hbm4b:s2+s13], $0x80, s25, s13, $0xb8;
	[tilespmem:$0x1E400] =	vst v63  }
0x2f: {  	s14 =	simm.s32 $0x60  }
0x30: {  	[tilespmem:s24], [sflag:$0x4] =	stream.indirect.gather [hbm4b:s1+s13], $0x80, s14, s13, $0xb8;
	[tilespmem:$0x1E400] =	vst v63  }
0x31: {  	s20 =	simm.s32 $0x260  }
0x32: {  	[tilespmem:s26], [sflag:$0x4] =	stream.indirect.gather [hbm4b:s2+s13], $0x80, s20, s13, $0xb8;
	[tilespmem:$0x1E400] =	vst v63  }
0x33: {  	_ =	swait.ge [sflag:s28], $0x1000  }
0x34: {  	[sflag:s28] =	ssyncset.done $0x0  }
0x35: {  	s22 =	simm.s32 $0x4400;
	[sflag:s28] =	ssyncadd.s32 $0xFFFFF000  }
0x36: {  	[tilespmem:s22], [sflag:$0x1] =	stream.indirect.gather [hbm4b:s2+s13], $0x80, s0, s13, $0xb8;
	[tilespmem:$0x1E400] =	vst v63  }
0x37: {  	s25 =	simm.s32 $0x480;
	s30 =	simm.s32 $0x5400  }
0x38: {  	[tilespmem:s30], [sflag:$0x1] =	stream.indirect.gather [hbm4b:s2+s13], $0x80, s25, s13, $0xb8;
	[tilespmem:$0x1E400] =	vst v63  }
0x39: {  	s12 =	simm.s32 $0x500;
	s14 =	simm.s32 $0x6400  }
0x3a: {  	[tilespmem:s14], [sflag:$0x1] =	stream.indirect.gather [hbm4b:s2+s13], $0x80, s12, s13, $0xb8;
	[tilespmem:$0x1E400] =	vst v63  }
0x3b: {  	s20 =	simm.s32 $0x580;
	s22 =	simm.s32 $0x7400  }
0x3c: {  	[tilespmem:s22], [sflag:$0x1] =	stream.indirect.gather [hbm4b:s2+s13], $0x80, s20, s13, $0xb8;
	[tilespmem:$0x1E400] =	vst v63  }
0x3d: {  	s25 =	simm.s32 $0x600;
	s30 =	simm.s32 $0x8400  }
0x3e: {  	[tilespmem:s30], [sflag:$0x1] =	stream.indirect.gather [hbm4b:s2+s13], $0x80, s25, s13, $0xb8;
	[tilespmem:$0x1E400] =	vst v63  }
0x3f: {  	s12 =	simm.s32 $0x420;
	s14 =	simm.s32 $0xB400  }
0x40: {  	[tilespmem:s14], [sflag:$0x2] =	stream.indirect.gather [hbm4b:s2+s13], $0x80, s12, s13, $0xb8;
	[tilespmem:$0x1E400] =	vst v63  }
0x41: {  	s20 =	simm.s32 $0x4A0;
	s22 =	simm.s32 $0xC400  }
0x42: {  	[tilespmem:s22], [sflag:$0x2] =	stream.indirect.gather [hbm4b:s2+s13], $0x80, s20, s13, $0xb8;
	[tilespmem:$0x1E400] =	vst v63  }
0x43: {  	s25 =	simm.s32 $0x520;
	s30 =	simm.s32 $0xD400  }
0x44: {  	[tilespmem:s30], [sflag:$0x2] =	stream.indirect.gather [hbm4b:s2+s13], $0x80, s25, s13, $0xb8;
	[tilespmem:$0x1E400] =	vst v63  }
0x45: {  	s12 =	simm.s32 $0x5A0;
	s14 =	simm.s32 $0xE400  }
0x46: {  	[tilespmem:s14], [sflag:$0x2] =	stream.indirect.gather [hbm4b:s2+s13], $0x80, s12, s13, $0xb8;
	[tilespmem:$0x1E400] =	vst v63  }
0x47: {  	s20 =	simm.s32 $0x620;
	s22 =	simm.s32 $0xF400  }
0x48: {  	[tilespmem:s22], [sflag:$0x2] =	stream.indirect.gather [hbm4b:s2+s13], $0x80, s20, s13, $0xb8;
	[tilespmem:$0x1E400] =	vst v63  }
0x49: {  	s25 =	simm.s32 $0x440;
	s30 =	simm.s32 $0x12400  }
0x4a: {  	[tilespmem:s30], [sflag:$0x3] =	stream.indirect.gather [hbm4b:s2+s13], $0x80, s25, s13, $0xb8;
	[tilespmem:$0x1E400] =	vst v63  }
0x4b: {  	s12 =	simm.s32 $0x4C0;
	s14 =	simm.s32 $0x13400  }
0x4c: {  	[tilespmem:s14], [sflag:$0x3] =	stream.indirect.gather [hbm4b:s2+s13], $0x80, s12, s13, $0xb8;
	[tilespmem:$0x1E400] =	vst v63  }
0x4d: {  	s20 =	simm.s32 $0x540;
	s22 =	simm.s32 $0x14400  }
0x4e: {  	[tilespmem:s22], [sflag:$0x3] =	stream.indirect.gather [hbm4b:s2+s13], $0x80, s20, s13, $0xb8;
	[tilespmem:$0x1E400] =	vst v63  }
0x4f: {  	s25 =	simm.s32 $0x5C0;
	s30 =	simm.s32 $0x15400  }
0x50: {  	[tilespmem:s30], [sflag:$0x3] =	stream.indirect.gather [hbm4b:s2+s13], $0x80, s25, s13, $0xb8;
	[tilespmem:$0x1E400] =	vst v63  }
0x51: {  	s10 =	simm.s32 $0x640;
	s12 =	simm.s32 $0x16400  }
0x52: {  	[tilespmem:s12], [sflag:$0x3] =	stream.indirect.gather [hbm4b:s2+s13], $0x80, s10, s13, $0xb8;
	[tilespmem:$0x1E400] =	vst v63  }
0x53: {  	s14 =	simm.s32 $0x460  }
0x54: {  	[tilespmem:s23], [sflag:$0x4] =	stream.indirect.gather [hbm4b:s2+s13], $0x80, s14, s13, $0xb8;
	[tilespmem:$0x1E400] =	vst v63  }
0x55: {  	s20 =	simm.s32 $0x4E0  }
0x56: {  	[tilespmem:s29], [sflag:$0x4] =	stream.indirect.gather [hbm4b:s2+s13], $0x80, s20, s13, $0xb8;
	[tilespmem:$0x1E400] =	vst v63  }
0x57: {  	s22 =	simm.s32 $0x560  }
0x58: {  	[tilespmem:s31], [sflag:$0x4] =	stream.indirect.gather [hbm4b:s2+s13], $0x80, s22, s13, $0xb8;
	[tilespmem:$0x1E400] =	vst v63  }
0x59: {  	s25 =	simm.s32 $0x5E0  }
0x5a: {  	[tilespmem:s3], [sflag:$0x4] =	stream.indirect.gather [hbm4b:s2+s13], $0x80, s25, s13, $0xb8;
	[tilespmem:$0x1E400] =	vst v63  }
0x5b: {  	s30 =	simm.s32 $0x660;
	s22 =	simm.s32 $0x0  }
0x5c: {  	[tilespmem:s15], [sflag:$0x4] =	stream.indirect.gather [hbm4b:s2+s13], $0x80, s30, s13, $0xb8;
	[tilespmem:$0x1E400] =	vst v63  }
.LBB2_2:
0x5d: {  	_ =	swait.ge [sflag:s16], $0x1000  }
0x5e: {  	[sflag:s16] =	ssyncset.done $0x0  }
0x5f: {  	[sflag:s16] =	ssyncadd.s32 $0xFFFFF000  }
0x60: {  	_ =	swait.ge [sflag:s16], $0x1000  }
0x61: {  	[sflag:s16] =	ssyncset.done $0x0  }
0x62: {  	[sflag:s16] =	ssyncadd.s32 $0xFFFFF000  }
0x63: {  	_ =	swait.ge [sflag:s16], $0x1000  }
0x64: {  	[sflag:s16] =	ssyncset.done $0x0  }
0x65: {  	[sflag:s16] =	ssyncadd.s32 $0xFFFFF000  }
0x66: {  	_ =	swait.ge [sflag:s16], $0x1000  }
0x67: {  	[sflag:s16] =	ssyncset.done $0x0  }
0x68: {  	[sflag:s16] =	ssyncadd.s32 $0xFFFFF000  }
0x69: {  	_ =	swait.ge [sflag:s16], $0x1000  }
0x6a: {  	[sflag:s16] =	ssyncset.done $0x0  }
0x6b: {  	[sflag:s16] =	ssyncadd.s32 $0xFFFFF000  }
0x6c: {  	_ =	swait.ge [sflag:s16], $0x1000  }
0x6d: {  	[sflag:s16] =	ssyncset.done $0x0  }
0x6e: {  	[sflag:s16] =	ssyncadd.s32 $0xFFFFF000  }
0x6f: {  	_ =	swait.ge [sflag:s16], $0x1000  }
0x70: {  	[sflag:s16] =	ssyncset.done $0x0  }
0x71: {  	s14 =	simm.s32 $0x0;
	[sflag:s16] =	ssyncadd.s32 $0xFFFFF000  }
0x72: {  	v1 =	vld [tilespmem:s14+$0x2400]  }
0x73: {  	v2 =	vld [tilespmem:s14+$0x2410]  }
0x74: {  	v3 =	vld [tilespmem:s14+$0x8400]  }
0x75: {  	v5 =	vld [tilespmem:s14+$0x8410]  }
0x76: {  	v6 =	vld [tilespmem:s14+$0x2420]  }
0x77: {  	v7 =	vld [tilespmem:s14+$0x8420]  }
0x78: {  	v8 =	vld [tilespmem:s14+$0x2430]  }
0x79: {  	v9 =	vld [tilespmem:s14+$0x8430]  }
0x7a: {  	v10 =	vld [tilespmem:s14+$0x2440]  }
0x7b: {  	v11 =	vld [tilespmem:s14+$0x8440]  }
0x7c: {  	v12 =	vld [tilespmem:s14+$0x2450]  }
0x7d: {  	v13 =	vld [tilespmem:s14+$0x8450]  }
0x7e: {  	v14 =	vld [tilespmem:s14+$0x2460]  }
0x7f: {  	v15 =	vld [tilespmem:s14+$0x8460]  }
0x80: {  	v4 =	vld [tilespmem:s14+$0x2470]  }
0x81: {  	v16 =	vld [tilespmem:s14+$0x8470]  }
0x82: {  	v17 =	vld [tilespmem:s14+$0x3400]  }
0x83: {  	v18 =	vld [tilespmem:s14+$0x3410]  }
0x84: {  	v19 =	vld [tilespmem:s14+$0x4400]  }
0x85: {  	v20 =	vld [tilespmem:s14+$0x4410]  }
0x86: {  	v21 =	vld [tilespmem:s14+$0x5400];
	v3 =	vmul.f32 v3, v1;
	v5 =	vmul.f32 v5, v2  }
0x87: {  	v22 =	vld [tilespmem:s14+$0x6400]  }
0x88: {  	v23 =	vld [tilespmem:s14+$0x7400];
	v3 =	vadd.f32 v5, v3;
	v5 =	vmul.f32 v7, v6  }
0x89: {  	v24 =	vld [tilespmem:s14+$0x3420]  }
0x8a: {  	v25 =	vld [tilespmem:s14+$0x5420];
	v3 =	vadd.f32 v5, v3;
	v5 =	vmul.f32 v9, v8  }
0x8b: {  	v26 =	vld [tilespmem:s14+$0x7420]  }
0x8c: {  	v27 =	vld [tilespmem:s14+$0x4430];
	v3 =	vadd.f32 v5, v3;
	v5 =	vmul.f32 v11, v10  }
0x8d: {  	v28 =	vld [tilespmem:s14+$0x6430]  }
0x8e: {  	v7 =	vld [tilespmem:s14+$0x5410];
	v3 =	vadd.f32 v5, v3;
	v5 =	vmul.f32 v13, v12  }
0x8f: {  	v17 =	vmul.f32 v17, v1;
	v18 =	vmul.f32 v18, v2;
	v9 =	vld [tilespmem:s14+$0x6410]  }
0x90: {  	v3 =	vadd.f32 v5, v3;
	v5 =	vmul.f32 v15, v14;
	v15 =	vld [tilespmem:s14+$0x6420]  }
0x91: {  	v17 =	vadd.f32 v18, v17;
	v18 =	vld [tilespmem:s14+$0x3440]  }
0x92: {  	v11 =	vld [tilespmem:s14+$0x7410];
	v3 =	vadd.f32 v5, v3;
	v5 =	vmul.f32 v16, v4  }
0x93: {  	v20 =	vmul.f32 v20, v2;
	v16 =	vld [tilespmem:s14+$0x3430]  }
0x94: {  	v21 =	vmul.f32 v21, v1;
	v13 =	vld [tilespmem:s14+$0x4420];
	v9 =	vmul.f32 v9, v2;
	v3 =	vadd.f32 v5, v3  }
0x95: {  	v5 =	vmul.f32 v19, v1;
	v19 =	vld [tilespmem:s14+$0x5430];
	v15 =	vmul.f32 v15, v6  }
0x96: {  	(xrf2) =	vadd.scan.msk.f32 $0xffff, v3;
	v3 =	vmul.f32 v7, v2;
	v7 =	vmul.f32 v22, v1;
	v22 =	vld [tilespmem:s14+$0x7430]  }
0x97: {  	v1 =	vmul.f32 v23, v1;
	v5 =	vadd.f32 v20, v5;
	v2 =	vmul.f32 v11, v2;
	v20 =	vld [tilespmem:s14+$0x4440]  }
0x98: {  	v11 =	vmul.f32 v24, v6;
	v23 =	vld [tilespmem:s14+$0x4450];
	v16 =	vmul.f32 v16, v8  }
0x99: {  	v3 =	vadd.f32 v3, v21;
	v7 =	vadd.f32 v9, v7;
	v9 =	vmul.f32 v13, v6;
	v13 =	vld [tilespmem:s14+$0x5440]  }
0x9a: {  	s25 =	simm.s32 $0x0;
	v1 =	vadd.f32 v2, v1;
	v2 =	vadd.f32 v11, v17;
	v11 =	vld [tilespmem:s14+$0x6440];
	v17 =	vmul.f32 v25, v6  }
0x9b: {  	v21 =	vld [tilespmem:s14+$0x7440];
	v6 =	vmul.f32 v26, v6;
	v5 =	vadd.f32 v9, v5;
	v9 =	vmov s25  }
0x9c: {  	v3 =	vadd.f32 v17, v3;
	v17 =	vmul.f32 v27, v8;
	v7 =	vadd.f32 v15, v7;
	v15 =	vld [tilespmem:s14+$0x5450]  }
0x9d: {  	v1 =	vadd.f32 v6, v1;
	v6 =	vmul.f32 v19, v8;
	vm0 =	veq.s32 v9, v0;
	v9 =	vld [tilespmem:s14+$0x3450]  }
0x9e: {  	v2 =	vadd.f32 v16, v2;
	v16 =	vmul.f32 v28, v8;
	v19 =	vld [tilespmem:s14+$0x7450]  }
0x9f: {  	v18 =	vmul.f32 v18, v10;
	v8 =	vmul.f32 v22, v8;
	v22 =	vld [tilespmem:s14+$0x5470];
	v5 =	vadd.f32 v17, v5  }
0xa0: {  	v17 =	vld [tilespmem:s14+$0x6450];
	v3 =	vadd.f32 v6, v3;
	v7 =	vadd.f32 v16, v7;
	v16 =	vmul.f32 v20, v10  }
0xa1: {  	v20 =	vld [tilespmem:s14+$0x3460];
	v18 =	vadd.f32 v18, v2;
	v8 =	vadd.f32 v8, v1;
	v1 =	vmul.f32 v13, v10;
	v6, _, _ =	vpop (xrf2)  }
0xa2: {  	v2 =	vimm.f32 $0.0e+00;
	v13 =	vld [tilespmem:s14+$0x4460];
	v9 =	vmul.f32 v9, v12;
	v6 =	vbroadcast v6, $0xF  }
0xa3: {  	v11 =	vmul.f32 v11, v10;
	v5 =	vadd.f32 v16, v5;
	v16 =	vld [tilespmem:s14+$0x5460];
	v3 =	vadd.f32 v1, v3  }
0xa4: {  	v9 =	vadd.f32 v9, v18;
	v18 =	vld [tilespmem:s14+$0x4470];
	v1 =	vsel vm0, v6, v2;
	v6 =	vmul.f32 v21, v10  }
0xa5: {  	v7 =	vadd.f32 v11, v7;
	v11 =	vmul.f32 v23, v12;
	v10 =	vld [tilespmem:s14+$0x6460]  }
0xa6: {  	v21 =	vld [tilespmem:s14+$0x7460];
	v6 =	vadd.f32 v6, v8;
	v8 =	vmul.f32 v15, v12  }
0xa7: {  	v5 =	vadd.f32 v11, v5;
	v11 =	vmul.f32 v19, v12;
	v15 =	vmul.f32 v17, v12;
	v17 =	vld [tilespmem:s14+$0x3470]  }
0xa8: {  	v12 =	vmul.f32 v13, v14;
	v13 =	vmul.f32 v16, v14;
	v3 =	vadd.f32 v8, v3  }
0xa9: {  	v8 =	vmul.f32 v20, v14;
	v7 =	vadd.f32 v15, v7;
	v6 =	vadd.f32 v11, v6  }
0xaa: {  	v15 =	vld [tilespmem:s14+$0x6470];
	v11 =	vadd.f32 v12, v5;
	v20 =	vmul.f32 v18, v4;
	v5 =	vimm.f32 $0.0e+00  }
0xab: {  	s0 =	simm.s32 $0x80;
	v16 =	vadd.f32 v8, v9;
	v9 =	vmul.f32 v10, v14;
	v10 =	vmul.f32 v21, v14;
	v14 =	vld [tilespmem:s14+$0x7470]  }
0xac: {  	v12 =	vadd.f32 v13, v3;
	v8 =	vld [tilespmem:s0+$0x2400];
	v21 =	vmul.f32 v22, v4;
	v3 =	vmul.f32 v17, v4  }
0xad: {  	v22 =	vld [tilespmem:s0+$0x8400];
	v19 =	vadd.f32 v9, v7;
	v18 =	vadd.f32 v10, v6;
	v6 =	vimm.f32 $0.0e+00  }
0xae: {  	s14 =	simm.s32 $0x400;
	v9 =	vld [tilespmem:s0+$0x2410];
	v7 =	vimm.f32 $0.0e+00;
	v10 =	vadd.f32 v3, v16;
	v3 =	vimm.f32 $0.0e+00  }
.LBB2_3:
0xaf: {  	p0 =	sne.s32 s14, $0x1E00;
	v16 =	vld [tilespmem:s0+$0x8410];
	v11 =	vadd.f32 v20, v11;
	v13 =	vmul.f32 v15, v4  }
0xb0: {  	v15 =	vld [tilespmem:s0+$0x2420];
	v17 =	vadd.f32 v21, v12;
	v4 =	vmul.f32 v14, v4;
	(xrf2) =	vadd.scan.msk.f32 $0xffff, v10  }
0xb1: {  	v10 =	vld [tilespmem:s0+$0x8420];
	v14 =	vadd.f32 v13, v19  }
0xb2: {  	v13 =	vld [tilespmem:s0+$0x2430];
	v18 =	vadd.f32 v4, v18  }
0xb3: {  	v4 =	vld [tilespmem:s0+$0x8430];
	(xrf2) =	vadd.scan.msk.f32 $0xffff, v11  }
0xb4: {  	v19 =	vmul.f32 v22, v8;
	v12 =	vld [tilespmem:s0+$0x2440];
	v16 =	vmul.f32 v16, v9  }
0xb5: {  	v20 =	vld [tilespmem:s0+$0x8440]  }
0xb6: {  	v11 =	vld [tilespmem:s0+$0x2450];
	v16 =	vadd.f32 v16, v19;
	v19 =	vmul.f32 v10, v15;
	(xrf2) =	vadd.scan.msk.f32 $0xffff, v17  }
0xb7: {  	v17 =	vld [tilespmem:s0+$0x8450]  }
0xb8: {  	v10 =	vld [tilespmem:s0+$0x2460];
	v16 =	vadd.f32 v19, v16;
	v22 =	vmul.f32 v4, v13  }
0xb9: {  	v21 =	vld [tilespmem:s0+$0x8460];
	(xrf2) =	vadd.scan.msk.f32 $0xffff, v14  }
0xba: {  	v4 =	vld [tilespmem:s0+$0x2470];
	v14 =	vadd.f32 v22, v16;
	v16 =	vmul.f32 v20, v12;
	v19, _, _ =	vpop (xrf2)  }
0xbb: {  	v20 =	vld [tilespmem:s0+$0x8470];
	v19 =	vbroadcast v19, $0xF  }
0xbc: {  	v22 =	vld [tilespmem:s0+$0x3400];
	v14 =	vadd.f32 v16, v14;
	v16 =	vmul.f32 v17, v11;
	(xrf2) =	vadd.scan.msk.f32 $0xffff, v18  }
0xbd: {  	v17 =	vld [tilespmem:s0+$0x3410];
	v2 =	vsel vm0, v19, v2;
	v18, _, _ =	vpop (xrf2)  }
0xbe: {  	v19 =	vld [tilespmem:s0+$0x4400];
	v14 =	vadd.f32 v16, v14;
	v16 =	vmul.f32 v21, v10;
	v24 =	vbroadcast v18, $0xF  }
0xbf: {  	v21 =	vld [tilespmem:s0+$0x4410]  }
0xc0: {  	v23 =	vld [tilespmem:s0+$0x5400];
	v14 =	vadd.f32 v16, v14;
	v16 =	vmul.f32 v20, v4;
	v5 =	vsel vm0, v24, v5;
	v18, _, _ =	vpop (xrf2)  }
0xc1: {  	v20 =	vmul.f32 v22, v8;
	v22 =	vld [tilespmem:s0+$0x5410];
	v25 =	vbroadcast v18, $0xF  }
0xc2: {  	v17 =	vmul.f32 v17, v9;
	v24 =	vld [tilespmem:s0+$0x6400];
	v14 =	vadd.f32 v16, v14  }
0xc3: {  	v16 =	vmul.f32 v19, v8;
	v19 =	vld [tilespmem:s0+$0x6410];
	v6 =	vsel vm0, v25, v6;
	v18, _, _ =	vpop (xrf2)  }
0xc4: {  	v17 =	vadd.f32 v17, v20;
	v20 =	vmul.f32 v21, v9;
	v21 =	vld [tilespmem:s0+$0x7400];
	(xrf2) =	vadd.scan.msk.f32 $0xffff, v14;
	v26 =	vbroadcast v18, $0xF  }
0xc5: {  	v18 =	vmul.f32 v23, v8;
	v23 =	vld [tilespmem:s0+$0x7410]  }
0xc6: {  	v25 =	vld [tilespmem:s0+$0x3420];
	v16 =	vadd.f32 v20, v16;
	v20 =	vmul.f32 v22, v9;
	v7 =	vsel vm0, v26, v7;
	v14, _, _ =	vpop (xrf2)  }
0xc7: {  	v22 =	vld [tilespmem:s0+$0x4420];
	v24 =	vmul.f32 v24, v8;
	v14 =	vbroadcast v14, $0xF  }
0xc8: {  	v18 =	vadd.f32 v20, v18;
	v20 =	vld [tilespmem:s0+$0x5420];
	v19 =	vmul.f32 v19, v9  }
0xc9: {  	v26 =	vld [tilespmem:s0+$0x6420];
	v8 =	vmul.f32 v21, v8;
	v3 =	vsel vm0, v14, v3  }
0xca: {  	v14 =	vadd.f32 v19, v24;
	v9 =	vmul.f32 v23, v9;
	v19 =	vld [tilespmem:s0+$0x7420]  }
0xcb: {  	v21 =	vmul.f32 v25, v15;
	v23 =	vld [tilespmem:s0+$0x3430]  }
0xcc: {  	v22 =	vmul.f32 v22, v15;
	v24 =	vld [tilespmem:s0+$0x4430];
	v8 =	vadd.f32 v9, v8  }
0xcd: {  	v9 =	vadd.f32 v21, v17;
	v17 =	vmul.f32 v20, v15;
	v20 =	vld [tilespmem:s0+$0x5430]  }
0xce: {  	s25 =	sadd.s32 $0x1, s25;
	v16 =	vadd.f32 v22, v16;
	v21 =	vmul.f32 v26, v15;
	v22 =	vld [tilespmem:s0+$0x6430];
	v25, _, _ =	vpop (xrf2)  }
0xcf: {  	v26 =	vmov s25;
	v15 =	vmul.f32 v19, v15;
	v19 =	vld [tilespmem:s0+$0x7430];
	v25 =	vbroadcast v25, $0xF  }
0xd0: {  	vm0 =	veq.s32 v26, v0;
	v17 =	vadd.f32 v17, v18;
	v26 =	vld [tilespmem:s0+$0x3440];
	v14 =	vadd.f32 v21, v14  }
0xd1: {  	v18 =	vmul.f32 v23, v13;
	v21 =	vld [tilespmem:s0+$0x4440];
	v8 =	vadd.f32 v15, v8;
	v1 =	vsel vm0, v25, v1  }
0xd2: {  	v15 =	vmul.f32 v24, v13;
	v20 =	vmul.f32 v20, v13;
	v23 =	vld [tilespmem:s0+$0x5440]  }
0xd3: {  	v9 =	vadd.f32 v18, v9;
	v18 =	vmul.f32 v22, v13;
	v22 =	vld [tilespmem:s0+$0x6440]  }
0xd4: {  	v15 =	vadd.f32 v15, v16;
	v16 =	vadd.f32 v20, v17;
	v13 =	vmul.f32 v19, v13;
	v17 =	vld [tilespmem:s0+$0x7440]  }
0xd5: {  	v19 =	vmul.f32 v26, v12;
	v20 =	vld [tilespmem:s0+$0x3450];
	v14 =	vadd.f32 v18, v14  }
0xd6: {  	v18 =	vmul.f32 v21, v12;
	v21 =	vld [tilespmem:s0+$0x4450];
	v8 =	vadd.f32 v13, v8  }
0xd7: {  	v9 =	vadd.f32 v19, v9;
	v13 =	vmul.f32 v23, v12;
	v19 =	vld [tilespmem:s0+$0x5450]  }
0xd8: {  	v15 =	vadd.f32 v18, v15;
	v18 =	vmul.f32 v22, v12;
	v22 =	vld [tilespmem:s0+$0x6450]  }
0xd9: {  	v13 =	vadd.f32 v13, v16;
	v12 =	vmul.f32 v17, v12;
	v16 =	vld [tilespmem:s0+$0x7450]  }
0xda: {  	v17 =	vmul.f32 v20, v11;
	v20 =	vld [tilespmem:s0+$0x3460];
	v14 =	vadd.f32 v18, v14  }
0xdb: {  	v18 =	vmul.f32 v21, v11;
	v21 =	vld [tilespmem:s0+$0x4460];
	v8 =	vadd.f32 v12, v8  }
0xdc: {  	v9 =	vadd.f32 v17, v9;
	v12 =	vmul.f32 v19, v11;
	v17 =	vld [tilespmem:s0+$0x5460]  }
0xdd: {  	v15 =	vadd.f32 v18, v15;
	v18 =	vmul.f32 v22, v11;
	v19 =	vld [tilespmem:s0+$0x6460]  }
0xde: {  	v12 =	vadd.f32 v12, v13;
	v11 =	vmul.f32 v16, v11;
	v13 =	vld [tilespmem:s0+$0x7460]  }
0xdf: {  	v16 =	vmul.f32 v20, v10;
	v20 =	vld [tilespmem:s0+$0x3470];
	v18 =	vadd.f32 v18, v14  }
0xe0: {  	v14 =	vmul.f32 v21, v10;
	v21 =	vld [tilespmem:s0+$0x4470];
	v22 =	vadd.f32 v11, v8  }
0xe1: {  	v16 =	vadd.f32 v16, v9;
	v8 =	vmul.f32 v17, v10;
	v17 =	vld [tilespmem:s0+$0x5470]  }
.Ltmp2:
0xe2: {  	v11 =	vadd.f32 v14, v15;
	v9 =	vmul.f32 v19, v10;
	v15 =	vld [tilespmem:s0+$0x6470];
	(pc) =	sbr.rel @p0 .LBB2_3-.Ltmp2, $4  }
0xe3: {  	v12 =	vadd.f32 v8, v12;
	v10 =	vmul.f32 v13, v10;
	v14 =	vld [tilespmem:s0+$0x7470];
	s0 =	sshra.s32 s14, $0x2  }
0xe4: {  	v8 =	vld [tilespmem:s0+$0x2400];
	v13 =	vmul.f32 v20, v4;
	v19 =	vadd.f32 v9, v18  }
0xe5: {  	v9 =	vld [tilespmem:s0+$0x2410];
	v20 =	vmul.f32 v21, v4;
	v18 =	vadd.f32 v10, v22  }
0xe6: {  	s14 =	sadd.s32 $0x200, s14;
	v22 =	vld [tilespmem:s0+$0x8400];
	v10 =	vadd.f32 v13, v16;
	v21 =	vmul.f32 v17, v4  }
0xe7: {  	v23 =	vld [tilespmem:s0+$0x8410]  }
0xe8: {  	v24 =	vld [tilespmem:s0+$0x2420]  }
0xe9: {  	v25 =	vld [tilespmem:s0+$0x8420]  }
0xea: {  	v26 =	vld [tilespmem:s0+$0x2430]  }
0xeb: {  	v27 =	vld [tilespmem:s0+$0x8430]  }
0xec: {  	v28 =	vld [tilespmem:s0+$0x2440]  }
0xed: {  	v29 =	vld [tilespmem:s0+$0x8440]  }
0xee: {  	v17 =	vld [tilespmem:s0+$0x2450]  }
0xef: {  	v30 =	vld [tilespmem:s0+$0x8450]  }
0xf0: {  	v16 =	vld [tilespmem:s0+$0x2460]  }
0xf1: {  	v31 =	vld [tilespmem:s0+$0x8460]  }
0xf2: {  	v13 =	vld [tilespmem:s0+$0x2470]  }
0xf3: {  	v32 =	vld [tilespmem:s0+$0x8470]  }
0xf4: {  	v33 =	vld [tilespmem:s0+$0x3400]  }
0xf5: {  	v34 =	vld [tilespmem:s0+$0x3410]  }
0xf6: {  	v35 =	vld [tilespmem:s0+$0x4400]  }
0xf7: {  	v36 =	vld [tilespmem:s0+$0x4410]  }
0xf8: {  	v37 =	vld [tilespmem:s0+$0x5400]  }
0xf9: {  	v38 =	vld [tilespmem:s0+$0x5410]  }
0xfa: {  	v39 =	vld [tilespmem:s0+$0x6400]  }
0xfb: {  	v40 =	vld [tilespmem:s0+$0x6410]  }
0xfc: {  	v41 =	vld [tilespmem:s0+$0x7400]  }
0xfd: {  	v42 =	vld [tilespmem:s0+$0x7410]  }
0xfe: {  	v43 =	vld [tilespmem:s0+$0x3420]  }
0xff: {  	v44 =	vld [tilespmem:s0+$0x4420]  }
0x100: {  	v45 =	vld [tilespmem:s0+$0x5420]  }
0x101: {  	v46 =	vld [tilespmem:s0+$0x6420]  }
0x102: {  	v47 =	vld [tilespmem:s0+$0x7420]  }
0x103: {  	v48 =	vld [tilespmem:s0+$0x3430]  }
0x104: {  	v49 =	vld [tilespmem:s0+$0x4430]  }
0x105: {  	v50 =	vld [tilespmem:s0+$0x5430]  }
0x106: {  	v51 =	vld [tilespmem:s0+$0x6430]  }
0x107: {  	v52 =	vld [tilespmem:s0+$0x7430]  }
0x108: {  	v53 =	vld [tilespmem:s0+$0x3440]  }
0x109: {  	v54 =	vld [tilespmem:s0+$0x5440]  }
0x10a: {  	v55 =	vld [tilespmem:s0+$0x7440]  }
0x10b: {  	v56 =	vld [tilespmem:s0+$0x4450]  }
0x10c: {  	v57 =	vld [tilespmem:s0+$0x6450]  }
0x10d: {  	v15 =	vmul.f32 v15, v4;
	v58 =	vld [tilespmem:s0+$0x3460];
	s14 =	simm.s32 $0x0;
	v4 =	vmul.f32 v14, v4  }
0x10e: {  	(xrf2) =	vadd.scan.msk.f32 $0xffff, v10;
	v10 =	vld [tilespmem:s14+$0x2C40];
	v22 =	vmul.f32 v22, v8;
	v23 =	vmul.f32 v23, v9  }
0x10f: {  	v21 =	vadd.f32 v21, v12;
	v4 =	vadd.f32 v4, v18;
	v18 =	vld [tilespmem:s0+$0x5460]  }
0x110: {  	v12 =	vmul.f32 v32, v13;
	v32 =	vld [tilespmem:s0+$0x6460];
	v22 =	vadd.f32 v23, v22;
	v23 =	vmul.f32 v25, v24  }
0x111: {  	v20 =	vadd.f32 v20, v11;
	v19 =	vadd.f32 v15, v19;
	v15 =	vmul.f32 v34, v9;
	v34 =	vld [tilespmem:s0+$0x7460]  }
0x112: {  	v14 =	vmul.f32 v33, v8;
	v33 =	vld [tilespmem:s0+$0x4470];
	v22 =	vadd.f32 v23, v22;
	v23 =	vmul.f32 v27, v26  }
0x113: {  	(xrf2) =	vadd.scan.msk.f32 $0xffff, v20;
	v61 =	vmul.f32 v38, v9;
	v38 =	vld [tilespmem:s0+$0x5470]  }
0x114: {  	(xrf2) =	vadd.scan.msk.f32 $0xffff, v21;
	v62 =	vmul.f32 v40, v9;
	v40 =	vld [tilespmem:s0+$0x6470];
	v22 =	vadd.f32 v23, v22;
	v23 =	vmul.f32 v29, v28  }
0x115: {  	(xrf2) =	vadd.scan.msk.f32 $0xffff, v19;
	v63 =	vmul.f32 v43, v24;
	v60 =	vmul.f32 v51, v26;
	v51 =	vld [tilespmem:s14+$0x8C40]  }
0x116: {  	v44 =	vmul.f32 v44, v24;
	(xrf2) =	vadd.scan.msk.f32 $0xffff, v4;
	v4 =	vld [tilespmem:s14+$0x2C70];
	v22 =	vadd.f32 v23, v22;
	v23 =	vmul.f32 v30, v17  }
0x117: {  	v46 =	vmul.f32 v46, v24;
	v48 =	vmul.f32 v48, v26;
	v25 =	vld [tilespmem:s0+$0x4440];
	v14 =	vadd.f32 v15, v14  }
0x118: {  	v15 =	vmul.f32 v37, v8;
	v37 =	vld [tilespmem:s0+$0x7470];
	v22 =	vadd.f32 v23, v22;
	v23 =	vmul.f32 v31, v16  }
0x119: {  	v49 =	vmul.f32 v49, v26;
	v59 =	vmul.f32 v50, v26;
	v27 =	vld [tilespmem:s0+$0x6440]  }
0x11a: {  	v50 =	vmul.f32 v57, v17;
	v18 =	vmul.f32 v18, v16;
	v29 =	vld [tilespmem:s0+$0x3450];
	v11 =	vadd.f32 v23, v22  }
0x11b: {  	v15 =	vadd.f32 v61, v15;
	v26 =	vmul.f32 v52, v26;
	v61 =	vld [tilespmem:s14+$0x8C00];
	v52 =	vmul.f32 v58, v16  }
0x11c: {  	v22 =	vld [tilespmem:s0+$0x4460];
	v23 =	vadd.f32 v12, v11;
	v11 =	vmul.f32 v35, v8;
	v12 =	vmul.f32 v36, v9  }
0x11d: {  	v25 =	vmul.f32 v25, v28;
	v30 =	vld [tilespmem:s0+$0x5450];
	v9 =	vmul.f32 v42, v9;
	v35 =	vadd.f32 v63, v14  }
0x11e: {  	v31 =	vld [tilespmem:s0+$0x7450];
	v11 =	vadd.f32 v12, v11;
	v12 =	vmul.f32 v39, v8;
	v8 =	vmul.f32 v41, v8  }
0x11f: {  	v27 =	vmul.f32 v27, v28;
	v29 =	vmul.f32 v29, v17;
	v36 =	vld [tilespmem:s0+$0x3470]  }
0x120: {  	v14 =	vld [tilespmem:s14+$0x2C00];
	v35 =	vadd.f32 v48, v35;
	v8 =	vadd.f32 v9, v8;
	v9 =	vmul.f32 v45, v24  }
0x121: {  	v63 =	vld [tilespmem:s14+$0x8C10];
	v22 =	vmul.f32 v22, v16;
	v12 =	vadd.f32 v62, v12;
	v24 =	vmul.f32 v47, v24  }
0x122: {  	v42 =	vld [tilespmem:s14+$0x7C10];
	v11 =	vadd.f32 v44, v11;
	v62 =	vmul.f32 v53, v28;
	v9 =	vadd.f32 v9, v15  }
0x123: {  	v48 =	vld [tilespmem:s14+$0x8C30];
	v44 =	vmul.f32 v54, v28;
	v12 =	vadd.f32 v46, v12;
	v8 =	vadd.f32 v24, v8  }
0x124: {  	(xrf2) =	vadd.scan.msk.f32 $0xffff, v23;
	v23 =	vld [tilespmem:s14+$0x8C70];
	v28 =	vmul.f32 v55, v28;
	v11 =	vadd.f32 v49, v11;
	v24 =	vadd.f32 v62, v35  }
0x125: {  	v45 =	vld [tilespmem:s14+$0x8C20];
	v47 =	vmul.f32 v56, v17;
	v9 =	vadd.f32 v59, v9;
	v39 =	vadd.f32 v60, v12  }
0x126: {  	v53 =	vld [tilespmem:s14+$0x8C50];
	v54 =	vmul.f32 v32, v16;
	v8 =	vadd.f32 v26, v8;
	v25 =	vadd.f32 v25, v11  }
0x127: {  	v55 =	vld [tilespmem:s14+$0x8C60];
	v49 =	vmul.f32 v30, v17;
	v24 =	vadd.f32 v29, v24;
	v9 =	vadd.f32 v44, v9  }
0x128: {  	v58 =	vmul.f32 v61, v14;
	v61 =	vld [tilespmem:s14+$0x6C00];
	v46 =	vadd.f32 v27, v39;
	v20 =	vadd.f32 v47, v25  }
0x129: {  	v16 =	vmul.f32 v34, v16;
	v15 =	vld [tilespmem:s14+$0x2C10];
	v8 =	vadd.f32 v28, v8;
	v21 =	vadd.f32 v49, v9  }
0x12a: {  	v17 =	vmul.f32 v31, v17;
	v12 =	vld [tilespmem:s14+$0x2C20];
	v24 =	vadd.f32 v52, v24;
	v20 =	vadd.f32 v22, v20  }
0x12b: {  	v11 =	vld [tilespmem:s14+$0x2C30];
	v22 =	vmul.f32 v36, v13;
	v18 =	vadd.f32 v18, v21;
	v21 =	vmul.f32 v33, v13  }
0x12c: {  	v56 =	vmul.f32 v38, v13;
	v9 =	vld [tilespmem:s14+$0x2C50];
	v19 =	vadd.f32 v50, v46;
	v17 =	vadd.f32 v17, v8  }
0x12d: {  	v8 =	vld [tilespmem:s14+$0x2C60];
	v22 =	vadd.f32 v22, v24;
	v20 =	vadd.f32 v21, v20;
	v21 =	vmul.f32 v40, v13  }
0x12e: {  	v49 =	vld [tilespmem:s14+$0x6C20];
	v16 =	vadd.f32 v16, v17;
	v17 =	vadd.f32 v56, v18  }
0x12f: {  	v60 =	vld [tilespmem:s14+$0x5C10];
	v59 =	vmul.f32 v63, v15;
	v19 =	vadd.f32 v54, v19  }
0x130: {  	v46 =	vmul.f32 v51, v10;
	v13 =	vmul.f32 v37, v13;
	(xrf2) =	vadd.scan.msk.f32 $0xffff, v22;
	v18 =	vld [tilespmem:s14+$0x3C00]  }
0x131: {  	v62 =	vmul.f32 v45, v12;
	v41 =	vmul.f32 v48, v11;
	v19 =	vadd.f32 v21, v19;
	(xrf2) =	vadd.scan.msk.f32 $0xffff, v20;
	v20 =	vld [tilespmem:s14+$0x3C10];
	v21, _, _ =	vpop (xrf2)  }
0x132: {  	v54 =	vmul.f32 v61, v14;
	v25 =	vmul.f32 v53, v9;
	v13 =	vadd.f32 v13, v16;
	v16 =	vld [tilespmem:s14+$0x4C00];
	(xrf2) =	vadd.scan.msk.f32 $0xffff, v17;
	v17, _, _ =	vpop (xrf2)  }
0x133: {  	s25 =	sadd.s32 $0x1, s25;
	v44 =	vld [tilespmem:s14+$0x3C20];
	v51 =	vmul.f32 v55, v8;
	v26 =	vmul.f32 v49, v12;
	v22, _, _ =	vpop (xrf2)  }
0x134: {  	v47 =	vld [tilespmem:s14+$0x4C20];
	v40 =	vmov s25;
	(xrf2) =	vadd.scan.msk.f32 $0xffff, v19;
	v21 =	vbroadcast v21, $0xF;
	v22 =	vbroadcast v22, $0xF  }
0x135: {  	v63 =	vld [tilespmem:s14+$0x6C10];
	vm1 =	veq.s32 v40, v0;
	v18 =	vmul.f32 v18, v14;
	v17 =	vbroadcast v17, $0xF  }
0x136: {  	(xrf2) =	vadd.scan.msk.f32 $0xffff, v13;
	v13 =	vld [tilespmem:s14+$0x5C00];
	v57, _, _ =	vpop (xrf2);
	v2 =	vsel vm0, v21, v2;
	v21 =	vadd.f32 v59, v58;
	v20 =	vmul.f32 v20, v15  }
0x137: {  	s0 =	simm.s32 $0x0;
	v52 =	vld [tilespmem:s14+$0x3C30];
	v16 =	vmul.f32 v16, v14;
	v24 =	vbroadcast v57, $0xF;
	v38, _, _ =	vpop (xrf2);
	v5 =	vsel vm0, v17, v5  }
0x138: {  	v59 =	vld [tilespmem:s14+$0x4C50];
	v57 =	vmov s0;
	v6 =	vsel vm0, v22, v6;
	v21 =	vadd.f32 v62, v21;
	v22, _, _ =	vpop (xrf2)  }
0x139: {  	v50 =	vld [tilespmem:s14+$0x7C20];
	v32 =	vbroadcast v38, $0xF;
	v18 =	vadd.f32 v20, v18;
	v22 =	vbroadcast v22, $0xF  }
0x13a: {  	v17 =	vld [tilespmem:s14+$0x7C00];
	v20 =	vmul.f32 v63, v15;
	v7 =	vsel vm0, v24, v7;
	v21 =	vadd.f32 v41, v21;
	v43, _, _ =	vpop (xrf2)  }
0x13b: {  	v48 =	vld [tilespmem:s14+$0x5C20];
	v32 =	vsel vm0, v32, v3;
	v13 =	vmul.f32 v13, v14;
	v34 =	vbroadcast v43, $0xF;
	v45, _, _ =	vpop (xrf2)  }
0x13c: {  	v19 =	vld [tilespmem:s14+$0x4C10];
	v21 =	vadd.f32 v46, v21;
	v3 =	vsel vm1, v22, v1;
	v1 =	vbroadcast v45, $0xF  }
0x13d: {  	v56 =	vld [tilespmem:s14+$0x4C40];
	v20 =	vadd.f32 v20, v54;
	v61 =	vmul.f32 v59, v9;
	v34 =	vsel vm1, v34, v2;
	v22, _, _ =	vpop (xrf2)  }
0x13e: {  	v53 =	vld [tilespmem:s14+$0x5C30];
	v21 =	vadd.f32 v25, v21;
	v5 =	vsel vm1, v1, v5;
	v2, _, _ =	vpop (xrf2);
	v1 =	vbroadcast v22, $0xF  }
0x13f: {  	s20 =	sshll.u32 s22, $0xA;
	v63 =	vld [tilespmem:s14+$0x3C70];
	vm0 =	veq.s32 v57, v0;
	v14 =	vmul.f32 v17, v14;
	v2 =	vbroadcast v2, $0xF  }
0x140: {  	s25 =	sand.u32 $0x3FFFFC00, s20;
	v55 =	vld [tilespmem:s14+$0x7C30];
	v21 =	vadd.f32 v51, v21;
	v6 =	vsel vm1, v1, v6;
	v1 =	vmul.f32 v23, v4  }
0x141: {  	v58 =	vld [tilespmem:s14+$0x7C40];
	[tilespmem:s25+$0x1680] =	vst v3;
	v3 =	vimm.f32 $0.0e+00;
	v22, _, _ =	vpop (xrf2);
	v7 =	vsel vm1, v2, v7;
	v2 =	vmul.f32 v19, v15  }
0x142: {  	v22 =	vbroadcast v22, $0xF;
	v23 =	vld [tilespmem:s14+$0x4C30];
	v1 =	vadd.f32 v1, v21;
	v21 =	vmul.f32 v60, v15  }
0x143: {  	v19 =	vld [tilespmem:s14+$0x6C30];
	[tilespmem:s25+$0x1500] =	vst v6;
	v15 =	vmul.f32 v42, v15;
	v2 =	vadd.f32 v2, v16;
	v16 =	vmul.f32 v44, v12  }
0x144: {  	v17 =	vld [tilespmem:s14+$0x3C40];
	v6 =	vmul.f32 v63, v4;
	v13 =	vadd.f32 v21, v13;
	(xrf2) =	vadd.scan.msk.f32 $0xffff, v1;
	v1 =	vmul.f32 v47, v12  }
0x145: {  	v60 =	vld [tilespmem:s14+$0x5C50];
	v14 =	vadd.f32 v15, v14;
	v15 =	vadd.f32 v16, v18;
	v18 =	vmul.f32 v48, v12  }
0x146: {  	v22 =	vsel vm1, v22, v32;
	v21 =	vld [tilespmem:s14+$0x5C40];
	v1 =	vadd.f32 v1, v2;
	v2 =	vmul.f32 v50, v12  }
0x147: {  	v16 =	vld [tilespmem:s14+$0x6C40];
	v13 =	vadd.f32 v18, v13;
	v18 =	vadd.f32 v26, v20;
	v20 =	vmul.f32 v52, v11  }
0x148: {  	v12 =	vld [tilespmem:s14+$0x3C50];
	v19 =	vmul.f32 v19, v11;
	v2 =	vadd.f32 v2, v14;
	v14 =	vmul.f32 v23, v11  }
0x149: {  	v23 =	vmul.f32 v53, v11;
	v11 =	vmul.f32 v55, v11;
	v15 =	vadd.f32 v20, v15;
	v20 =	vld [tilespmem:s14+$0x6C50]  }
0x14a: {  	v18 =	vadd.f32 v19, v18;
	v1 =	vadd.f32 v14, v1;
	v14 =	vmul.f32 v17, v10;
	v17 =	vld [tilespmem:s14+$0x7C50]  }
0x14b: {  	v19 =	vmul.f32 v56, v10;
	v13 =	vadd.f32 v23, v13;
	v11 =	vadd.f32 v11, v2;
	v23 =	vld [tilespmem:s14+$0x3C60]  }
0x14c: {  	v16 =	vmul.f32 v16, v10;
	v14 =	vadd.f32 v14, v15;
	v15 =	vmul.f32 v21, v10;
	v21 =	vld [tilespmem:s14+$0x4C60]  }
0x14d: {  	v12 =	vmul.f32 v12, v9;
	v19 =	vadd.f32 v19, v1;
	v1 =	vmul.f32 v58, v10;
	v10 =	vld [tilespmem:s14+$0x5C60]  }
0x14e: {  	v2 =	vimm.f32 $0.0e+00;
	v16 =	vadd.f32 v16, v18;
	v18 =	vld [tilespmem:s14+$0x6C60];
	v13 =	vadd.f32 v15, v13  }
0x14f: {  	v62 =	vld [tilespmem:s14+$0x7C60];
	v11 =	vadd.f32 v1, v11;
	v12 =	vadd.f32 v12, v14;
	v14 =	vmul.f32 v60, v9  }
0x150: {  	v20 =	vmul.f32 v20, v9;
	v19 =	vadd.f32 v61, v19;
	v9 =	vmul.f32 v17, v9;
	v15, _, _ =	vpop (xrf2)  }
0x151: {  	v17 =	vld [tilespmem:s14+$0x4C70];
	v14 =	vadd.f32 v14, v13;
	v13 =	vmul.f32 v23, v8;
	v15 =	vbroadcast v15, $0xF  }
0x152: {  	v20 =	vadd.f32 v20, v16;
	v23 =	vld [tilespmem:s14+$0x5C70];
	v16 =	vmul.f32 v21, v8;
	v9 =	vadd.f32 v9, v11  }
0x153: {  	v10 =	vmul.f32 v10, v8;
	v11 =	vmul.f32 v18, v8;
	v1 =	vsel vm0, v15, v2;
	v15 =	vld [tilespmem:s14+$0x6C70]  }
0x154: {  	s30 =	simm.s32 $0x80;
	[tilespmem:s25+$0x1480] =	vst v5;
	v5 =	vadd.f32 v13, v12;
	v12 =	vmul.f32 v62, v8;
	v13 =	vadd.f32 v16, v19;
	v16 =	vld [tilespmem:s14+$0x7C70]  }
0x155: {  	[tilespmem:s25+$0x1580] =	vst v7;
	v7 =	vimm.f32 $0.0e+00;
	v21 =	vld [tilespmem:s30+$0x8C00];
	v14 =	vadd.f32 v10, v14;
	v18 =	vadd.f32 v11, v20  }
0x156: {  	[tilespmem:s25+$0x1400] =	vst v34;
	v8 =	vld [tilespmem:s30+$0x2C00];
	v19 =	vmul.f32 v17, v4;
	v17 =	vadd.f32 v12, v9;
	v10 =	vadd.f32 v6, v5  }
0x157: {  	[tilespmem:s25+$0x1600] =	vst v22;
	s14 =	simm.s32 $0x400;
	v9 =	vld [tilespmem:s30+$0x2C10];
	v6 =	vimm.f32 $0.0e+00;
	v5 =	vimm.f32 $0.0e+00;
	v20 =	vmul.f32 v23, v4  }
.LBB2_5:
0x158: {  	p0 =	sne.s32 s14, $0x1E00;
	v11 =	vld [tilespmem:s30+$0x8C10];
	v12 =	vadd.f32 v19, v13;
	v13 =	vmul.f32 v15, v4  }
0x159: {  	v15 =	vld [tilespmem:s30+$0x2C20];
	v14 =	vadd.f32 v20, v14;
	v4 =	vmul.f32 v16, v4;
	(xrf2) =	vadd.scan.msk.f32 $0xffff, v10  }
0x15a: {  	v10 =	vld [tilespmem:s30+$0x8C20];
	v16 =	vadd.f32 v13, v18  }
0x15b: {  	v13 =	vld [tilespmem:s30+$0x2C30];
	v17 =	vadd.f32 v4, v17  }
0x15c: {  	v4 =	vld [tilespmem:s30+$0x8C30];
	(xrf2) =	vadd.scan.msk.f32 $0xffff, v12  }
0x15d: {  	v18 =	vmul.f32 v21, v8;
	v12 =	vld [tilespmem:s30+$0x2C40];
	v19 =	vmul.f32 v11, v9  }
0x15e: {  	v20 =	vld [tilespmem:s30+$0x8C40]  }
0x15f: {  	v11 =	vld [tilespmem:s30+$0x2C50];
	v18 =	vadd.f32 v19, v18;
	v19 =	vmul.f32 v10, v15;
	(xrf2) =	vadd.scan.msk.f32 $0xffff, v14  }
0x160: {  	v14 =	vld [tilespmem:s30+$0x8C50]  }
0x161: {  	v10 =	vld [tilespmem:s30+$0x2C60];
	v18 =	vadd.f32 v19, v18;
	v22 =	vmul.f32 v4, v13  }
0x162: {  	v21 =	vld [tilespmem:s30+$0x8C60];
	(xrf2) =	vadd.scan.msk.f32 $0xffff, v16  }
0x163: {  	v4 =	vld [tilespmem:s30+$0x2C70];
	v16 =	vadd.f32 v22, v18;
	v23 =	vmul.f32 v20, v12;
	v19, _, _ =	vpop (xrf2)  }
0x164: {  	v20 =	vld [tilespmem:s30+$0x8C70];
	v19 =	vbroadcast v19, $0xF  }
0x165: {  	v22 =	vld [tilespmem:s30+$0x3C00];
	v16 =	vadd.f32 v23, v16;
	v14 =	vmul.f32 v14, v11;
	(xrf2) =	vadd.scan.msk.f32 $0xffff, v17  }
0x166: {  	v17 =	vld [tilespmem:s30+$0x3C10];
	v2 =	vsel vm0, v19, v2;
	v18, _, _ =	vpop (xrf2)  }
0x167: {  	v19 =	vld [tilespmem:s30+$0x4C00];
	v14 =	vadd.f32 v14, v16;
	v16 =	vmul.f32 v21, v10;
	v24 =	vbroadcast v18, $0xF  }
0x168: {  	v21 =	vld [tilespmem:s30+$0x4C10]  }
0x169: {  	v23 =	vld [tilespmem:s30+$0x5C00];
	v14 =	vadd.f32 v16, v14;
	v16 =	vmul.f32 v20, v4;
	v6 =	vsel vm0, v24, v6;
	v18, _, _ =	vpop (xrf2)  }
0x16a: {  	v20 =	vmul.f32 v22, v8;
	v22 =	vld [tilespmem:s30+$0x5C10];
	v25 =	vbroadcast v18, $0xF  }
0x16b: {  	v17 =	vmul.f32 v17, v9;
	v24 =	vld [tilespmem:s30+$0x6C00];
	v14 =	vadd.f32 v16, v14  }
0x16c: {  	v16 =	vmul.f32 v19, v8;
	v19 =	vld [tilespmem:s30+$0x6C10];
	v7 =	vsel vm0, v25, v7;
	v18, _, _ =	vpop (xrf2)  }
0x16d: {  	v17 =	vadd.f32 v17, v20;
	v20 =	vmul.f32 v21, v9;
	v21 =	vld [tilespmem:s30+$0x7C00];
	(xrf2) =	vadd.scan.msk.f32 $0xffff, v14;
	v26 =	vbroadcast v18, $0xF  }
0x16e: {  	v18 =	vmul.f32 v23, v8;
	v23 =	vld [tilespmem:s30+$0x7C10]  }
0x16f: {  	v25 =	vld [tilespmem:s30+$0x3C20];
	v16 =	vadd.f32 v20, v16;
	v20 =	vmul.f32 v22, v9;
	v5 =	vsel vm0, v26, v5;
	v14, _, _ =	vpop (xrf2)  }
0x170: {  	v22 =	vld [tilespmem:s30+$0x4C20];
	v24 =	vmul.f32 v24, v8;
	v14 =	vbroadcast v14, $0xF  }
0x171: {  	v18 =	vadd.f32 v20, v18;
	v20 =	vld [tilespmem:s30+$0x5C20];
	v19 =	vmul.f32 v19, v9  }
0x172: {  	v26 =	vld [tilespmem:s30+$0x6C20];
	v8 =	vmul.f32 v21, v8;
	v3 =	vsel vm0, v14, v3  }
0x173: {  	v14 =	vadd.f32 v19, v24;
	v9 =	vmul.f32 v23, v9;
	v19 =	vld [tilespmem:s30+$0x7C20]  }
0x174: {  	v21 =	vmul.f32 v25, v15;
	v23 =	vld [tilespmem:s30+$0x3C30]  }
0x175: {  	v22 =	vmul.f32 v22, v15;
	v24 =	vld [tilespmem:s30+$0x4C30];
	v8 =	vadd.f32 v9, v8  }
0x176: {  	v9 =	vadd.f32 v21, v17;
	v17 =	vmul.f32 v20, v15;
	v20 =	vld [tilespmem:s30+$0x5C30]  }
0x177: {  	s0 =	sadd.s32 $0x1, s0;
	v16 =	vadd.f32 v22, v16;
	v21 =	vmul.f32 v26, v15;
	v22 =	vld [tilespmem:s30+$0x6C30];
	v25, _, _ =	vpop (xrf2)  }
0x178: {  	v26 =	vmov s0;
	v15 =	vmul.f32 v19, v15;
	v19 =	vld [tilespmem:s30+$0x7C30];
	v25 =	vbroadcast v25, $0xF  }
0x179: {  	vm0 =	veq.s32 v26, v0;
	v17 =	vadd.f32 v17, v18;
	v26 =	vld [tilespmem:s30+$0x3C40];
	v14 =	vadd.f32 v21, v14  }
0x17a: {  	v18 =	vmul.f32 v23, v13;
	v21 =	vld [tilespmem:s30+$0x4C40];
	v8 =	vadd.f32 v15, v8;
	v1 =	vsel vm0, v25, v1  }
0x17b: {  	v15 =	vmul.f32 v24, v13;
	v20 =	vmul.f32 v20, v13;
	v23 =	vld [tilespmem:s30+$0x5C40]  }
0x17c: {  	v9 =	vadd.f32 v18, v9;
	v18 =	vmul.f32 v22, v13;
	v22 =	vld [tilespmem:s30+$0x6C40]  }
0x17d: {  	v15 =	vadd.f32 v15, v16;
	v16 =	vadd.f32 v20, v17;
	v13 =	vmul.f32 v19, v13;
	v17 =	vld [tilespmem:s30+$0x7C40]  }
0x17e: {  	v19 =	vmul.f32 v26, v12;
	v20 =	vld [tilespmem:s30+$0x3C50];
	v14 =	vadd.f32 v18, v14  }
0x17f: {  	v18 =	vmul.f32 v21, v12;
	v21 =	vld [tilespmem:s30+$0x4C50];
	v8 =	vadd.f32 v13, v8  }
0x180: {  	v9 =	vadd.f32 v19, v9;
	v13 =	vmul.f32 v23, v12;
	v19 =	vld [tilespmem:s30+$0x5C50]  }
0x181: {  	v15 =	vadd.f32 v18, v15;
	v18 =	vmul.f32 v22, v12;
	v22 =	vld [tilespmem:s30+$0x6C50]  }
0x182: {  	v13 =	vadd.f32 v13, v16;
	v12 =	vmul.f32 v17, v12;
	v16 =	vld [tilespmem:s30+$0x7C50]  }
0x183: {  	v17 =	vmul.f32 v20, v11;
	v20 =	vld [tilespmem:s30+$0x3C60];
	v14 =	vadd.f32 v18, v14  }
0x184: {  	v18 =	vmul.f32 v21, v11;
	v21 =	vld [tilespmem:s30+$0x4C60];
	v8 =	vadd.f32 v12, v8  }
0x185: {  	v9 =	vadd.f32 v17, v9;
	v12 =	vmul.f32 v19, v11;
	v17 =	vld [tilespmem:s30+$0x5C60]  }
0x186: {  	v15 =	vadd.f32 v18, v15;
	v18 =	vmul.f32 v22, v11;
	v19 =	vld [tilespmem:s30+$0x6C60]  }
0x187: {  	v12 =	vadd.f32 v12, v13;
	v11 =	vmul.f32 v16, v11;
	v16 =	vld [tilespmem:s30+$0x7C60]  }
0x188: {  	v13 =	vmul.f32 v20, v10;
	v20 =	vld [tilespmem:s30+$0x3C70];
	v18 =	vadd.f32 v18, v14  }
0x189: {  	v14 =	vmul.f32 v21, v10;
	v21 =	vld [tilespmem:s30+$0x4C70];
	v11 =	vadd.f32 v11, v8  }
0x18a: {  	v22 =	vadd.f32 v13, v9;
	v8 =	vmul.f32 v17, v10;
	v23 =	vld [tilespmem:s30+$0x5C70]  }
.Ltmp3:
0x18b: {  	v13 =	vadd.f32 v14, v15;
	v9 =	vmul.f32 v19, v10;
	v15 =	vld [tilespmem:s30+$0x6C70];
	(pc) =	sbr.rel @p0 .LBB2_5-.Ltmp3, $4  }
0x18c: {  	v14 =	vadd.f32 v8, v12;
	v10 =	vmul.f32 v16, v10;
	v16 =	vld [tilespmem:s30+$0x7C70];
	s30 =	sshra.s32 s14, $0x2  }
0x18d: {  	v8 =	vld [tilespmem:s30+$0x2C00];
	v12 =	vmul.f32 v20, v4;
	v18 =	vadd.f32 v9, v18  }
0x18e: {  	v9 =	vld [tilespmem:s30+$0x2C10];
	v19 =	vmul.f32 v21, v4;
	v17 =	vadd.f32 v10, v11  }
0x18f: {  	s14 =	sadd.s32 $0x200, s14;
	v21 =	vld [tilespmem:s30+$0x8C00];
	v10 =	vadd.f32 v12, v22;
	v20 =	vmul.f32 v23, v4  }
0x190: {  	v22 =	vld [tilespmem:s30+$0x8C10]  }
0x191: {  	v23 =	vld [tilespmem:s30+$0x2C20]  }
0x192: {  	v24 =	vld [tilespmem:s30+$0x8C20]  }
0x193: {  	v25 =	vld [tilespmem:s30+$0x2C30]  }
0x194: {  	v26 =	vld [tilespmem:s30+$0x8C30]  }
0x195: {  	v27 =	vld [tilespmem:s30+$0x2C40]  }
0x196: {  	v28 =	vld [tilespmem:s30+$0x8C40]  }
0x197: {  	v29 =	vld [tilespmem:s30+$0x2C50]  }
0x198: {  	v30 =	vld [tilespmem:s30+$0x8C50]  }
0x199: {  	v12 =	vld [tilespmem:s30+$0x2C60]  }
0x19a: {  	v31 =	vld [tilespmem:s30+$0x8C60]  }
0x19b: {  	v11 =	vld [tilespmem:s30+$0x2C70]  }
0x19c: {  	v32 =	vld [tilespmem:s30+$0x8C70]  }
0x19d: {  	v33 =	vld [tilespmem:s30+$0x3C00]  }
0x19e: {  	v34 =	vld [tilespmem:s30+$0x3C10]  }
0x19f: {  	v35 =	vld [tilespmem:s30+$0x4C00]  }
0x1a0: {  	v36 =	vld [tilespmem:s30+$0x4C10]  }
0x1a1: {  	v37 =	vld [tilespmem:s30+$0x5C00]  }
0x1a2: {  	v38 =	vld [tilespmem:s30+$0x5C10]  }
0x1a3: {  	v39 =	vld [tilespmem:s30+$0x6C00]  }
0x1a4: {  	v40 =	vld [tilespmem:s30+$0x6C10]  }
0x1a5: {  	v41 =	vld [tilespmem:s30+$0x7C00]  }
0x1a6: {  	v52 =	vld [tilespmem:s30+$0x7C10]  }
0x1a7: {  	v42 =	vld [tilespmem:s30+$0x3C20];
	v21 =	vmul.f32 v21, v8;
	v22 =	vmul.f32 v22, v9  }
0x1a8: {  	v53 =	vld [tilespmem:s30+$0x4C20]  }
0x1a9: {  	v43 =	vld [tilespmem:s30+$0x5C20];
	v21 =	vadd.f32 v22, v21;
	v22 =	vmul.f32 v24, v23  }
0x1aa: {  	v54 =	vld [tilespmem:s30+$0x6C20]  }
0x1ab: {  	v44 =	vld [tilespmem:s30+$0x7C20];
	v21 =	vadd.f32 v22, v21;
	v22 =	vmul.f32 v26, v25  }
0x1ac: {  	v55 =	vld [tilespmem:s30+$0x3C30];
	v15 =	vmul.f32 v15, v4;
	v4 =	vmul.f32 v16, v4  }
0x1ad: {  	v63 =	vld [tilespmem:s30+$0x6C40];
	v21 =	vadd.f32 v22, v21;
	v22 =	vmul.f32 v28, v27  }
0x1ae: {  	v13 =	vadd.f32 v19, v13;
	v49 =	vld [tilespmem:s30+$0x3C60];
	v4 =	vadd.f32 v4, v17;
	v19 =	vmul.f32 v32, v11  }
0x1af: {  	v45 =	vld [tilespmem:s30+$0x4C30];
	v17 =	vmul.f32 v33, v8;
	v21 =	vadd.f32 v22, v21;
	v22 =	vmul.f32 v30, v29  }
0x1b0: {  	v56 =	vld [tilespmem:s30+$0x5C30];
	v14 =	vadd.f32 v20, v14;
	v57 =	vmul.f32 v36, v9;
	v59 =	vmul.f32 v38, v9  }
0x1b1: {  	v58 =	vld [tilespmem:s30+$0x4C40];
	v61 =	vmul.f32 v39, v8;
	v21 =	vadd.f32 v22, v21;
	v22 =	vmul.f32 v31, v12  }
0x1b2: {  	v60 =	vld [tilespmem:s30+$0x5C40];
	v15 =	vadd.f32 v15, v18;
	v62 =	vmul.f32 v40, v9;
	v46 =	vmul.f32 v55, v25  }
0x1b3: {  	v47 =	vld [tilespmem:s30+$0x6C50];
	(xrf2) =	vadd.scan.msk.f32 $0xffff, v10;
	v50 =	vmul.f32 v63, v27;
	v10 =	vmul.f32 v49, v12;
	v18 =	vadd.f32 v22, v21  }
0x1b4: {  	v16 =	vld [tilespmem:s30+$0x6C30];
	v32 =	vadd.f32 v62, v61;
	v26 =	vmul.f32 v53, v23;
	v21 =	vmul.f32 v34, v9  }
0x1b5: {  	v48 =	vld [tilespmem:s30+$0x7C50];
	v9 =	vmul.f32 v52, v9;
	v18 =	vadd.f32 v19, v18;
	v19 =	vmul.f32 v35, v8  }
0x1b6: {  	v51 =	vld [tilespmem:s30+$0x6C60];
	v17 =	vadd.f32 v21, v17;
	v21 =	vmul.f32 v37, v8;
	v8 =	vmul.f32 v41, v8  }
0x1b7: {  	v28 =	vmul.f32 v54, v23;
	v22 =	vld [tilespmem:s30+$0x3C40];
	v41 =	vmul.f32 v42, v23;
	v19 =	vadd.f32 v57, v19  }
0x1b8: {  	v20 =	vld [tilespmem:s30+$0x7C30];
	v8 =	vadd.f32 v9, v8;
	v9 =	vmul.f32 v43, v23;
	v23 =	vmul.f32 v44, v23  }
0x1b9: {  	v40 =	vld [tilespmem:s30+$0x7C40];
	v16 =	vmul.f32 v16, v25;
	v21 =	vadd.f32 v59, v21;
	v17 =	vadd.f32 v41, v17  }
0x1ba: {  	v53 =	vld [tilespmem:s30+$0x7C60];
	v19 =	vadd.f32 v26, v19;
	v8 =	vadd.f32 v23, v8;
	v23 =	vmul.f32 v45, v25  }
0x1bb: {  	v31 =	vmul.f32 v56, v25;
	v43 =	vld [tilespmem:s30+$0x4C50];
	v9 =	vadd.f32 v9, v21;
	v21 =	vadd.f32 v28, v32  }
0x1bc: {  	(xrf2) =	vadd.scan.msk.f32 $0xffff, v13;
	v42 =	vld [tilespmem:s30+$0x3C50];
	v22 =	vmul.f32 v22, v27;
	v17 =	vadd.f32 v46, v17;
	v19 =	vadd.f32 v23, v19  }
0x1bd: {  	(xrf2) =	vadd.scan.msk.f32 $0xffff, v14;
	v20 =	vmul.f32 v20, v25;
	v54 =	vld [tilespmem:s30+$0x3C70];
	v9 =	vadd.f32 v31, v9;
	v16 =	vadd.f32 v16, v21  }
0x1be: {  	(xrf2) =	vadd.scan.msk.f32 $0xffff, v15;
	v44 =	vld [tilespmem:s30+$0x5C50];
	v21 =	vmul.f32 v58, v27;
	v17 =	vadd.f32 v22, v17;
	v22 =	vmul.f32 v60, v27  }
0x1bf: {  	v15 =	vmul.f32 v51, v12;
	(xrf2) =	vadd.scan.msk.f32 $0xffff, v4;
	v4 =	vmul.f32 v53, v12;
	v8 =	vadd.f32 v20, v8;
	v20 =	vld [tilespmem:s30+$0x5C60]  }
0x1c0: {  	v23 =	vld [tilespmem:s30+$0x4C60];
	v19 =	vadd.f32 v21, v19;
	v9 =	vadd.f32 v22, v9;
	v22 =	vmul.f32 v43, v29  }
0x1c1: {  	v57 =	vld [tilespmem:s30+$0x5C70];
	v52 =	vmul.f32 v42, v29;
	v21 =	vmul.f32 v40, v27  }
0x1c2: {  	v55 =	vld [tilespmem:s30+$0x4C70];
	v16 =	vadd.f32 v50, v16;
	v19 =	vadd.f32 v22, v19;
	v22 =	vmul.f32 v47, v29  }
0x1c3: {  	v17 =	vadd.f32 v52, v17;
	v8 =	vadd.f32 v21, v8;
	v21 =	vmul.f32 v44, v29  }
0x1c4: {  	v56 =	vmul.f32 v48, v29;
	v13 =	vadd.f32 v22, v16;
	v16 =	vmul.f32 v20, v12;
	v20 =	vld [tilespmem:s30+$0x7C70]  }
0x1c5: {  	v10 =	vadd.f32 v10, v17;
	v9 =	vadd.f32 v21, v9;
	v21 =	vmul.f32 v23, v12;
	v23 =	vld [tilespmem:s30+$0x6C70]  }
0x1c6: {  	v17 =	vmul.f32 v54, v11;
	v8 =	vadd.f32 v56, v8;
	v12 =	vmul.f32 v57, v11  }
0x1c7: {  	v14 =	vadd.f32 v21, v19;
	v9 =	vadd.f32 v16, v9;
	v16 =	vmul.f32 v55, v11  }
0x1c8: {  	v10 =	vadd.f32 v17, v10;
	v4 =	vadd.f32 v4, v8  }
0x1c9: {  	(xrf2) =	vadd.scan.msk.f32 $0xffff, v18;
	v14 =	vadd.f32 v16, v14;
	v8 =	vadd.f32 v12, v9;
	v9 =	vmul.f32 v20, v11  }
0x1ca: {  	v13 =	vadd.f32 v15, v13;
	(xrf2) =	vadd.scan.msk.f32 $0xffff, v10;
	v15 =	vmul.f32 v23, v11  }
0x1cb: {  	(xrf2) =	vadd.scan.msk.f32 $0xffff, v14;
	v4 =	vadd.f32 v9, v4  }
0x1cc: {  	v10 =	vadd.f32 v15, v13  }
0x1cd: {  	(xrf2) =	vadd.scan.msk.f32 $0xffff, v8  }
0x1ce: {  	v8, _, _ =	vpop (xrf2);
	(xrf2) =	vadd.scan.msk.f32 $0xffff, v10  }
0x1cf: {  	(xrf2) =	vadd.scan.msk.f32 $0xffff, v4;
	v4, _, _ =	vpop (xrf2)  }
0x1d0: {  	v9, _, _ =	vpop (xrf2)  }
0x1d1: {  	v8 =	vbroadcast v8, $0xF;
	v10, _, _ =	vpop (xrf2)  }
0x1d2: {  	v11, _, _ =	vpop (xrf2)  }
0x1d3: {  	v2 =	vsel vm0, v8, v2;
	v4 =	vbroadcast v4, $0xF;
	v8 =	vbroadcast v9, $0xF;
	v12, _, _ =	vpop (xrf2)  }
0x1d4: {  	s0 =	sadd.s32 $0x1, s0;
	v13, _, _ =	vpop (xrf2)  }
0x1d5: {  	v4 =	vsel vm0, v4, v6;
	v6 =	vmov s0;
	v9 =	vbroadcast v13, $0xF;
	v13, _, _ =	vpop (xrf2)  }
0x1d6: {  	vm1 =	veq.s32 v6, v0;
	v6 =	vbroadcast v13, $0xF  }
0x1d7: {  	v7 =	vsel vm0, v8, v7;
	v8, _, _ =	vpop (xrf2)  }
0x1d8: {  	v10 =	vbroadcast v10, $0xF;
	v8 =	vbroadcast v8, $0xF;
	v4 =	vsel vm1, v6, v4  }
0x1d9: {  	v11 =	vbroadcast v11, $0xF;
	v2 =	vsel vm1, v9, v2;
	v9, _, _ =	vpop (xrf2);
	[tilespmem:s25+$0x1490] =	vst v4;
	v4 =	vbroadcast v12, $0xF  }
0x1da: {  	[tilespmem:s25+$0x1410] =	vst v2;
	v2 =	vsel vm0, v10, v5;
	v5 =	vsel vm1, v8, v7;
	v6 =	vbroadcast v9, $0xF;
	v9, _, _ =	vpop (xrf2)  }
0x1db: {  	[tilespmem:s25+$0x1510] =	vst v5;
	v7 =	vbroadcast v9, $0xF;
	v1 =	vsel vm1, v4, v1  }
0x1dc: {  	p0 =	seq.s32 s22, $0x3;
	s30 =	sshll.u32 s22, $0x2;
	v3 =	vsel vm0, v11, v3;
	v2 =	vsel vm1, v6, v2;
	[tilespmem:s25+$0x1690] =	vst v1  }
0x1dd: {  	s20 =	simm.s32 @!p0 $0x20;
	s0 =	sadd.s32 @!p0 $0x4, s30;
	v3 =	vsel vm1, v7, v3;
	[tilespmem:s25+$0x1590] =	vst v2  }
0x1de: {  	s10 =	simm.s32 @!p0 $0x2400;
	s14 =	sshll.u32 @!p0 s0, $0x5;
	s0 =	sshll.u32 @!p0 s0, $0x8;
	[tilespmem:s25+$0x1610] =	vst v3  }
0x1df: {  	[tilespmem:s10], [sflag:$0x1] =	stream.indirect.gather @!p0 [hbm4b:s1+s20], $0x80, s14, s20, $0xb8;
	[tilespmem:$0x1E400] =	vst v63  }
0x1e0: {  	s0 =	sand.u32 @!p0 $0x3FFFFF00, s0;
	s10 =	sadd.s32 @!p0 $0x200, s14;
	s14 =	simm.s32 @!p0 $0x3400  }
0x1e1: {  	[tilespmem:s14], [sflag:$0x1] =	stream.indirect.gather @!p0 [hbm4b:s2+s20], $0x80, s10, s20, $0xb8;
	[tilespmem:$0x1E400] =	vst v63  }
0x1e2: {  	s10 =	sadd.s32 @!p0 $0x400, s0;
	s14 =	simm.s32 @!p0 $0x4400  }
0x1e3: {  	[tilespmem:s14], [sflag:$0x1] =	stream.indirect.gather @!p0 [hbm4b:s2+s20], $0x80, s10, s20, $0xb8;
	[tilespmem:$0x1E400] =	vst v63  }
0x1e4: {  	s10 =	sadd.s32 @!p0 $0x480, s0;
	s14 =	simm.s32 @!p0 $0x5400  }
0x1e5: {  	[tilespmem:s14], [sflag:$0x1] =	stream.indirect.gather @!p0 [hbm4b:s2+s20], $0x80, s10, s20, $0xb8;
	[tilespmem:$0x1E400] =	vst v63  }
0x1e6: {  	s10 =	sadd.s32 @!p0 $0x500, s0;
	s14 =	simm.s32 @!p0 $0x6400  }
0x1e7: {  	[tilespmem:s14], [sflag:$0x1] =	stream.indirect.gather @!p0 [hbm4b:s2+s20], $0x80, s10, s20, $0xb8;
	[tilespmem:$0x1E400] =	vst v63  }
0x1e8: {  	s10 =	sadd.s32 @!p0 $0x580, s0;
	s14 =	simm.s32 @!p0 $0x7400  }
0x1e9: {  	[tilespmem:s14], [sflag:$0x1] =	stream.indirect.gather @!p0 [hbm4b:s2+s20], $0x80, s10, s20, $0xb8;
	[tilespmem:$0x1E400] =	vst v63  }
0x1ea: {  	s0 =	sadd.s32 @!p0 $0x600, s0;
	s10 =	simm.s32 @!p0 $0x8400  }
0x1eb: {  	[tilespmem:s10], [sflag:$0x1] =	stream.indirect.gather @!p0 [hbm4b:s2+s20], $0x80, s0, s20, $0xb8;
	[tilespmem:$0x1E400] =	vst v63  }
0x1ec: {  	_ =	swait.ge [sflag:s17], $0x1000  }
0x1ed: {  	[sflag:s17] =	ssyncset.done $0x0  }
0x1ee: {  	[sflag:s17] =	ssyncadd.s32 $0xFFFFF000  }
0x1ef: {  	_ =	swait.ge [sflag:s17], $0x1000  }
0x1f0: {  	[sflag:s17] =	ssyncset.done $0x0  }
0x1f1: {  	[sflag:s17] =	ssyncadd.s32 $0xFFFFF000  }
0x1f2: {  	_ =	swait.ge [sflag:s17], $0x1000  }
0x1f3: {  	[sflag:s17] =	ssyncset.done $0x0  }
0x1f4: {  	[sflag:s17] =	ssyncadd.s32 $0xFFFFF000  }
0x1f5: {  	_ =	swait.ge [sflag:s17], $0x1000  }
0x1f6: {  	[sflag:s17] =	ssyncset.done $0x0  }
0x1f7: {  	[sflag:s17] =	ssyncadd.s32 $0xFFFFF000  }
0x1f8: {  	_ =	swait.ge [sflag:s17], $0x1000  }
0x1f9: {  	[sflag:s17] =	ssyncset.done $0x0  }
0x1fa: {  	[sflag:s17] =	ssyncadd.s32 $0xFFFFF000  }
0x1fb: {  	_ =	swait.ge [sflag:s17], $0x1000  }
0x1fc: {  	[sflag:s17] =	ssyncset.done $0x0  }
0x1fd: {  	[sflag:s17] =	ssyncadd.s32 $0xFFFFF000  }
0x1fe: {  	_ =	swait.ge [sflag:s17], $0x1000  }
0x1ff: {  	[sflag:s17] =	ssyncset.done $0x0  }
0x200: {  	s12 =	simm.s32 $0x0;
	[sflag:s17] =	ssyncadd.s32 $0xFFFFF000  }
0x201: {  	v1 =	vld [tilespmem:s12+$0x9400]  }
0x202: {  	v2 =	vld [tilespmem:s12+$0x9410]  }
0x203: {  	v3 =	vld [tilespmem:s12+$0xF400]  }
0x204: {  	v5 =	vld [tilespmem:s12+$0xF410]  }
0x205: {  	v6 =	vld [tilespmem:s12+$0x9420]  }
0x206: {  	v7 =	vld [tilespmem:s12+$0xF420]  }
0x207: {  	v8 =	vld [tilespmem:s12+$0x9430]  }
0x208: {  	v9 =	vld [tilespmem:s12+$0xF430]  }
0x209: {  	v10 =	vld [tilespmem:s12+$0x9440]  }
0x20a: {  	v11 =	vld [tilespmem:s12+$0xF440]  }
0x20b: {  	v12 =	vld [tilespmem:s12+$0x9450]  }
0x20c: {  	v13 =	vld [tilespmem:s12+$0xF450]  }
0x20d: {  	v14 =	vld [tilespmem:s12+$0x9460]  }
0x20e: {  	v15 =	vld [tilespmem:s12+$0xF460]  }
0x20f: {  	v4 =	vld [tilespmem:s12+$0x9470]  }
0x210: {  	v16 =	vld [tilespmem:s12+$0xF470]  }
0x211: {  	v17 =	vld [tilespmem:s12+$0xA400]  }
0x212: {  	v18 =	vld [tilespmem:s12+$0xB400];
	v3 =	vmul.f32 v3, v1;
	v5 =	vmul.f32 v5, v2  }
0x213: {  	v19 =	vld [tilespmem:s12+$0xC400]  }
0x214: {  	v20 =	vld [tilespmem:s12+$0xD400];
	v3 =	vadd.f32 v5, v3;
	v5 =	vmul.f32 v7, v6  }
0x215: {  	v21 =	vld [tilespmem:s12+$0xE400]  }
0x216: {  	v22 =	vld [tilespmem:s12+$0xA420];
	v3 =	vadd.f32 v5, v3;
	v5 =	vmul.f32 v9, v8  }
0x217: {  	v23 =	vld [tilespmem:s12+$0xC420]  }
0x218: {  	v58 =	vld [tilespmem:s12+$0xE420];
	v3 =	vadd.f32 v5, v3;
	v5 =	vmul.f32 v11, v10  }
0x219: {  	v59 =	vld [tilespmem:s12+$0xB430]  }
0x21a: {  	v60 =	vld [tilespmem:s12+$0xC430];
	v3 =	vadd.f32 v5, v3;
	v5 =	vmul.f32 v13, v12  }
0x21b: {  	v7 =	vld [tilespmem:s12+$0xA410]  }
0x21c: {  	v61 =	vld [tilespmem:s12+$0xD430];
	v3 =	vadd.f32 v5, v3;
	v5 =	vmul.f32 v15, v14  }
0x21d: {  	v62 =	vld [tilespmem:s12+$0xE430]  }
0x21e: {  	v9 =	vld [tilespmem:s12+$0xB410];
	v3 =	vadd.f32 v5, v3;
	v5 =	vmul.f32 v16, v4  }
0x21f: {  	v11 =	vld [tilespmem:s12+$0xC410]  }
0x220: {  	v17 =	vmul.f32 v17, v1;
	v7 =	vmul.f32 v7, v2;
	v13 =	vld [tilespmem:s12+$0xD410];
	v3 =	vadd.f32 v5, v3  }
0x221: {  	v15 =	vld [tilespmem:s12+$0xE410]  }
0x222: {  	v18 =	vmul.f32 v18, v1;
	v7 =	vadd.f32 v7, v17;
	v17 =	vld [tilespmem:s12+$0xA440];
	(xrf2) =	vadd.scan.msk.f32 $0xffff, v3  }
0x223: {  	v19 =	vmul.f32 v19, v1;
	v20 =	vmul.f32 v20, v1;
	v16 =	vld [tilespmem:s12+$0xB420]  }
0x224: {  	v9 =	vmul.f32 v9, v2;
	v11 =	vmul.f32 v11, v2;
	v5 =	vld [tilespmem:s12+$0xD420]  }
0x225: {  	v1 =	vmul.f32 v21, v1;
	v13 =	vmul.f32 v13, v2;
	v3 =	vld [tilespmem:s12+$0xA430]  }
0x226: {  	v63 =	vld [tilespmem:s12+$0xD450];
	v9 =	vadd.f32 v9, v18;
	v11 =	vadd.f32 v11, v19;
	v2 =	vmul.f32 v15, v2  }
0x227: {  	v18 =	vld [tilespmem:s12+$0xB440];
	v17 =	vmul.f32 v17, v10;
	v15 =	vmul.f32 v22, v6;
	v13 =	vadd.f32 v13, v20  }
0x228: {  	s0 =	simm.s32 $0x0;
	v19 =	vld [tilespmem:s12+$0xC440];
	v20 =	vmul.f32 v23, v6;
	v16 =	vmul.f32 v16, v6;
	v1 =	vadd.f32 v2, v1  }
0x229: {  	v22 =	vld [tilespmem:s12+$0xA450];
	v7 =	vadd.f32 v15, v7;
	v2 =	vmov s0;
	v5 =	vmul.f32 v5, v6  }
0x22a: {  	v23 =	vld [tilespmem:s12+$0xC450];
	v11 =	vadd.f32 v20, v11;
	vm0 =	veq.s32 v2, v0;
	v3 =	vmul.f32 v3, v8  }
0x22b: {  	v15 =	vld [tilespmem:s12+$0xD440];
	v9 =	vadd.f32 v16, v9;
	v6 =	vmul.f32 v58, v6;
	v5 =	vadd.f32 v5, v13  }
0x22c: {  	v20 =	vld [tilespmem:s12+$0xB450];
	v13 =	vmul.f32 v59, v8;
	v3 =	vadd.f32 v3, v7;
	v7 =	vmul.f32 v61, v8;
	v21, _, _ =	vpop (xrf2)  }
0x22d: {  	v2 =	vimm.f32 $0.0e+00;
	v16 =	vld [tilespmem:s12+$0xE440];
	v6 =	vadd.f32 v6, v1;
	v21 =	vbroadcast v21, $0xF  }
0x22e: {  	v9 =	vadd.f32 v13, v9;
	v13 =	vld [tilespmem:s12+$0xE450];
	v5 =	vadd.f32 v7, v5;
	v7 =	vmul.f32 v18, v10  }
0x22f: {  	v18 =	vmul.f32 v19, v10;
	v19 =	vld [tilespmem:s12+$0xB460];
	v1 =	vsel vm0, v21, v2;
	v21 =	vmul.f32 v60, v8  }
0x230: {  	v3 =	vadd.f32 v17, v3;
	v17 =	vld [tilespmem:s12+$0xE460];
	v8 =	vmul.f32 v62, v8  }
0x231: {  	v11 =	vadd.f32 v21, v11;
	v21 =	vld [tilespmem:s12+$0xA460]  }
0x232: {  	v7 =	vadd.f32 v7, v9;
	v6 =	vadd.f32 v8, v6;
	v8 =	vmul.f32 v15, v10;
	v15 =	vld [tilespmem:s12+$0xC460]  }
0x233: {  	v10 =	vmul.f32 v16, v10;
	v16 =	vmul.f32 v22, v12;
	v9 =	vadd.f32 v18, v11;
	v11 =	vld [tilespmem:s12+$0xD460]  }
0x234: {  	v5 =	vadd.f32 v8, v5;
	v8 =	vmul.f32 v20, v12;
	v20 =	vld [tilespmem:s12+$0xA470]  }
0x235: {  	v6 =	vadd.f32 v10, v6;
	v10 =	vmul.f32 v23, v12;
	v3 =	vadd.f32 v16, v3;
	v16 =	vld [tilespmem:s12+$0xC470]  }
0x236: {  	v18 =	vmul.f32 v63, v12;
	v7 =	vadd.f32 v8, v7;
	v8 =	vmul.f32 v13, v12  }
0x237: {  	v17 =	vmul.f32 v17, v14;
	v13 =	vld [tilespmem:s12+$0xB470];
	v9 =	vadd.f32 v10, v9;
	v10 =	vmul.f32 v21, v14  }
0x238: {  	v5 =	vadd.f32 v18, v5;
	v12 =	vmul.f32 v19, v14;
	v6 =	vadd.f32 v8, v6  }
0x239: {  	v8 =	vmul.f32 v15, v14;
	v15 =	vld [tilespmem:s12+$0xD470];
	v3 =	vadd.f32 v10, v3;
	v10 =	vmul.f32 v11, v14  }
0x23a: {  	s14 =	simm.s32 $0x80;
	v11 =	vadd.f32 v12, v7;
	v14 =	vld [tilespmem:s12+$0xE470];
	v7 =	vmul.f32 v20, v4;
	v21 =	vmul.f32 v16, v4  }
0x23b: {  	v22 =	vld [tilespmem:s14+$0xF400];
	v12 =	vadd.f32 v8, v9;
	v18 =	vadd.f32 v17, v6;
	v6 =	vimm.f32 $0.0e+00  }
0x23c: {  	v8 =	vld [tilespmem:s14+$0x9400];
	v19 =	vadd.f32 v10, v5;
	v20 =	vmul.f32 v13, v4;
	v10 =	vadd.f32 v7, v3  }
0x23d: {  	s20 =	simm.s32 $0x400;
	v9 =	vld [tilespmem:s14+$0x9410];
	v5 =	vimm.f32 $0.0e+00;
	v7 =	vimm.f32 $0.0e+00;
	v3 =	vimm.f32 $0.0e+00  }
.LBB2_7:
0x23e: {  	p1 =	sne.s32 s20, $0x1E00;
	v16 =	vld [tilespmem:s14+$0xF410];
	v11 =	vadd.f32 v20, v11;
	v13 =	vmul.f32 v15, v4  }
0x23f: {  	v15 =	vld [tilespmem:s14+$0x9420];
	v17 =	vadd.f32 v21, v12;
	v4 =	vmul.f32 v14, v4;
	(xrf2) =	vadd.scan.msk.f32 $0xffff, v10  }
0x240: {  	v10 =	vld [tilespmem:s14+$0xF420];
	v14 =	vadd.f32 v13, v19  }
0x241: {  	v13 =	vld [tilespmem:s14+$0x9430];
	v18 =	vadd.f32 v4, v18  }
0x242: {  	v4 =	vld [tilespmem:s14+$0xF430];
	(xrf2) =	vadd.scan.msk.f32 $0xffff, v11  }
0x243: {  	v19 =	vmul.f32 v22, v8;
	v12 =	vld [tilespmem:s14+$0x9440];
	v16 =	vmul.f32 v16, v9  }
0x244: {  	v20 =	vld [tilespmem:s14+$0xF440]  }
0x245: {  	v11 =	vld [tilespmem:s14+$0x9450];
	v16 =	vadd.f32 v16, v19;
	v19 =	vmul.f32 v10, v15;
	(xrf2) =	vadd.scan.msk.f32 $0xffff, v17  }
0x246: {  	v17 =	vld [tilespmem:s14+$0xF450]  }
0x247: {  	v10 =	vld [tilespmem:s14+$0x9460];
	v16 =	vadd.f32 v19, v16;
	v22 =	vmul.f32 v4, v13  }
0x248: {  	v21 =	vld [tilespmem:s14+$0xF460];
	(xrf2) =	vadd.scan.msk.f32 $0xffff, v14  }
0x249: {  	v4 =	vld [tilespmem:s14+$0x9470];
	v14 =	vadd.f32 v22, v16;
	v16 =	vmul.f32 v20, v12;
	v19, _, _ =	vpop (xrf2)  }
0x24a: {  	v20 =	vld [tilespmem:s14+$0xF470];
	v19 =	vbroadcast v19, $0xF  }
0x24b: {  	v22 =	vld [tilespmem:s14+$0xA400];
	v14 =	vadd.f32 v16, v14;
	v16 =	vmul.f32 v17, v11;
	(xrf2) =	vadd.scan.msk.f32 $0xffff, v18  }
0x24c: {  	v17 =	vld [tilespmem:s14+$0xA410];
	v2 =	vsel vm0, v19, v2;
	v18, _, _ =	vpop (xrf2)  }
0x24d: {  	v19 =	vld [tilespmem:s14+$0xB400];
	v14 =	vadd.f32 v16, v14;
	v16 =	vmul.f32 v21, v10;
	v24 =	vbroadcast v18, $0xF  }
0x24e: {  	v21 =	vld [tilespmem:s14+$0xB410]  }
0x24f: {  	v23 =	vld [tilespmem:s14+$0xC400];
	v14 =	vadd.f32 v16, v14;
	v16 =	vmul.f32 v20, v4;
	v5 =	vsel vm0, v24, v5;
	v18, _, _ =	vpop (xrf2)  }
0x250: {  	v20 =	vmul.f32 v22, v8;
	v22 =	vld [tilespmem:s14+$0xC410];
	v25 =	vbroadcast v18, $0xF  }
0x251: {  	v17 =	vmul.f32 v17, v9;
	v24 =	vld [tilespmem:s14+$0xD400];
	v14 =	vadd.f32 v16, v14  }
0x252: {  	v16 =	vmul.f32 v19, v8;
	v19 =	vld [tilespmem:s14+$0xD410];
	v6 =	vsel vm0, v25, v6;
	v18, _, _ =	vpop (xrf2)  }
0x253: {  	v17 =	vadd.f32 v17, v20;
	v20 =	vmul.f32 v21, v9;
	v21 =	vld [tilespmem:s14+$0xE400];
	(xrf2) =	vadd.scan.msk.f32 $0xffff, v14;
	v26 =	vbroadcast v18, $0xF  }
0x254: {  	v18 =	vmul.f32 v23, v8;
	v23 =	vld [tilespmem:s14+$0xE410]  }
0x255: {  	v25 =	vld [tilespmem:s14+$0xA420];
	v16 =	vadd.f32 v20, v16;
	v20 =	vmul.f32 v22, v9;
	v7 =	vsel vm0, v26, v7;
	v14, _, _ =	vpop (xrf2)  }
0x256: {  	v22 =	vld [tilespmem:s14+$0xB420];
	v24 =	vmul.f32 v24, v8;
	v14 =	vbroadcast v14, $0xF  }
0x257: {  	v18 =	vadd.f32 v20, v18;
	v20 =	vld [tilespmem:s14+$0xC420];
	v19 =	vmul.f32 v19, v9  }
0x258: {  	v26 =	vld [tilespmem:s14+$0xD420];
	v8 =	vmul.f32 v21, v8;
	v3 =	vsel vm0, v14, v3  }
0x259: {  	v14 =	vadd.f32 v19, v24;
	v9 =	vmul.f32 v23, v9;
	v19 =	vld [tilespmem:s14+$0xE420]  }
0x25a: {  	v21 =	vmul.f32 v25, v15;
	v23 =	vld [tilespmem:s14+$0xA430]  }
0x25b: {  	v22 =	vmul.f32 v22, v15;
	v24 =	vld [tilespmem:s14+$0xB430];
	v8 =	vadd.f32 v9, v8  }
0x25c: {  	v9 =	vadd.f32 v21, v17;
	v17 =	vmul.f32 v20, v15;
	v20 =	vld [tilespmem:s14+$0xC430]  }
0x25d: {  	s0 =	sadd.s32 $0x1, s0;
	v16 =	vadd.f32 v22, v16;
	v21 =	vmul.f32 v26, v15;
	v22 =	vld [tilespmem:s14+$0xD430];
	v25, _, _ =	vpop (xrf2)  }
0x25e: {  	v26 =	vmov s0;
	v15 =	vmul.f32 v19, v15;
	v19 =	vld [tilespmem:s14+$0xE430];
	v25 =	vbroadcast v25, $0xF  }
0x25f: {  	vm0 =	veq.s32 v26, v0;
	v17 =	vadd.f32 v17, v18;
	v26 =	vld [tilespmem:s14+$0xA440];
	v14 =	vadd.f32 v21, v14  }
0x260: {  	v18 =	vmul.f32 v23, v13;
	v21 =	vld [tilespmem:s14+$0xB440];
	v8 =	vadd.f32 v15, v8;
	v1 =	vsel vm0, v25, v1  }
0x261: {  	v15 =	vmul.f32 v24, v13;
	v20 =	vmul.f32 v20, v13;
	v23 =	vld [tilespmem:s14+$0xC440]  }
0x262: {  	v9 =	vadd.f32 v18, v9;
	v18 =	vmul.f32 v22, v13;
	v22 =	vld [tilespmem:s14+$0xD440]  }
0x263: {  	v15 =	vadd.f32 v15, v16;
	v16 =	vadd.f32 v20, v17;
	v13 =	vmul.f32 v19, v13;
	v17 =	vld [tilespmem:s14+$0xE440]  }
0x264: {  	v19 =	vmul.f32 v26, v12;
	v20 =	vld [tilespmem:s14+$0xA450];
	v14 =	vadd.f32 v18, v14  }
0x265: {  	v18 =	vmul.f32 v21, v12;
	v21 =	vld [tilespmem:s14+$0xB450];
	v8 =	vadd.f32 v13, v8  }
0x266: {  	v9 =	vadd.f32 v19, v9;
	v13 =	vmul.f32 v23, v12;
	v19 =	vld [tilespmem:s14+$0xC450]  }
0x267: {  	v15 =	vadd.f32 v18, v15;
	v18 =	vmul.f32 v22, v12;
	v22 =	vld [tilespmem:s14+$0xD450]  }
0x268: {  	v13 =	vadd.f32 v13, v16;
	v12 =	vmul.f32 v17, v12;
	v16 =	vld [tilespmem:s14+$0xE450]  }
0x269: {  	v17 =	vmul.f32 v20, v11;
	v20 =	vld [tilespmem:s14+$0xA460];
	v14 =	vadd.f32 v18, v14  }
0x26a: {  	v18 =	vmul.f32 v21, v11;
	v21 =	vld [tilespmem:s14+$0xB460];
	v8 =	vadd.f32 v12, v8  }
0x26b: {  	v9 =	vadd.f32 v17, v9;
	v12 =	vmul.f32 v19, v11;
	v17 =	vld [tilespmem:s14+$0xC460]  }
0x26c: {  	v15 =	vadd.f32 v18, v15;
	v18 =	vmul.f32 v22, v11;
	v19 =	vld [tilespmem:s14+$0xD460]  }
0x26d: {  	v12 =	vadd.f32 v12, v13;
	v11 =	vmul.f32 v16, v11;
	v13 =	vld [tilespmem:s14+$0xE460]  }
0x26e: {  	v16 =	vmul.f32 v20, v10;
	v20 =	vld [tilespmem:s14+$0xA470];
	v18 =	vadd.f32 v18, v14  }
0x26f: {  	v14 =	vmul.f32 v21, v10;
	v21 =	vld [tilespmem:s14+$0xB470];
	v22 =	vadd.f32 v11, v8  }
0x270: {  	v16 =	vadd.f32 v16, v9;
	v8 =	vmul.f32 v17, v10;
	v17 =	vld [tilespmem:s14+$0xC470]  }
.Ltmp4:
0x271: {  	v11 =	vadd.f32 v14, v15;
	v9 =	vmul.f32 v19, v10;
	v15 =	vld [tilespmem:s14+$0xD470];
	(pc) =	sbr.rel @p1 .LBB2_7-.Ltmp4, $4  }
0x272: {  	v12 =	vadd.f32 v8, v12;
	v10 =	vmul.f32 v13, v10;
	v14 =	vld [tilespmem:s14+$0xE470];
	s14 =	sshra.s32 s20, $0x2  }
0x273: {  	v8 =	vld [tilespmem:s14+$0x9400];
	v13 =	vmul.f32 v20, v4;
	v19 =	vadd.f32 v9, v18  }
0x274: {  	v9 =	vld [tilespmem:s14+$0x9410];
	v20 =	vmul.f32 v21, v4;
	v18 =	vadd.f32 v10, v22  }
0x275: {  	s20 =	sadd.s32 $0x200, s20;
	v22 =	vld [tilespmem:s14+$0xF400];
	v10 =	vadd.f32 v13, v16;
	v21 =	vmul.f32 v17, v4  }
0x276: {  	v23 =	vld [tilespmem:s14+$0xF410]  }
0x277: {  	v24 =	vld [tilespmem:s14+$0x9420]  }
0x278: {  	v25 =	vld [tilespmem:s14+$0xF420]  }
0x279: {  	v26 =	vld [tilespmem:s14+$0x9430]  }
0x27a: {  	v27 =	vld [tilespmem:s14+$0xF430]  }
0x27b: {  	v28 =	vld [tilespmem:s14+$0x9440]  }
0x27c: {  	v29 =	vld [tilespmem:s14+$0xF440]  }
0x27d: {  	v17 =	vld [tilespmem:s14+$0x9450]  }
0x27e: {  	v30 =	vld [tilespmem:s14+$0xF450]  }
0x27f: {  	v16 =	vld [tilespmem:s14+$0x9460]  }
0x280: {  	v31 =	vld [tilespmem:s14+$0xF460]  }
0x281: {  	v13 =	vld [tilespmem:s14+$0x9470]  }
0x282: {  	v32 =	vld [tilespmem:s14+$0xF470]  }
0x283: {  	v33 =	vld [tilespmem:s14+$0xA400]  }
0x284: {  	v34 =	vld [tilespmem:s14+$0xA410]  }
0x285: {  	v35 =	vld [tilespmem:s14+$0xB400]  }
0x286: {  	v36 =	vld [tilespmem:s14+$0xB410]  }
0x287: {  	v37 =	vld [tilespmem:s14+$0xC400]  }
0x288: {  	v38 =	vld [tilespmem:s14+$0xC410]  }
0x289: {  	v39 =	vld [tilespmem:s14+$0xD400]  }
0x28a: {  	v40 =	vld [tilespmem:s14+$0xD410]  }
0x28b: {  	v41 =	vld [tilespmem:s14+$0xE400]  }
0x28c: {  	v42 =	vld [tilespmem:s14+$0xE410]  }
0x28d: {  	v43 =	vld [tilespmem:s14+$0xA420]  }
0x28e: {  	v44 =	vld [tilespmem:s14+$0xB420]  }
0x28f: {  	v45 =	vld [tilespmem:s14+$0xC420]  }
0x290: {  	v46 =	vld [tilespmem:s14+$0xD420]  }
0x291: {  	v47 =	vld [tilespmem:s14+$0xE420]  }
0x292: {  	v48 =	vld [tilespmem:s14+$0xA430]  }
0x293: {  	v49 =	vld [tilespmem:s14+$0xB430]  }
0x294: {  	v50 =	vld [tilespmem:s14+$0xC430]  }
0x295: {  	v51 =	vld [tilespmem:s14+$0xD430]  }
0x296: {  	v52 =	vld [tilespmem:s14+$0xE430]  }
0x297: {  	v53 =	vld [tilespmem:s14+$0xA440]  }
0x298: {  	v54 =	vld [tilespmem:s14+$0xC440]  }
0x299: {  	v55 =	vld [tilespmem:s14+$0xE440]  }
0x29a: {  	v56 =	vld [tilespmem:s14+$0xB450]  }
0x29b: {  	v57 =	vld [tilespmem:s14+$0xD450]  }
0x29c: {  	v15 =	vmul.f32 v15, v4;
	v58 =	vld [tilespmem:s14+$0xA460];
	s20 =	simm.s32 $0x0;
	v4 =	vmul.f32 v14, v4  }
0x29d: {  	(xrf2) =	vadd.scan.msk.f32 $0xffff, v10;
	v10 =	vld [tilespmem:s20+$0x9C40];
	v22 =	vmul.f32 v22, v8;
	v23 =	vmul.f32 v23, v9  }
0x29e: {  	v21 =	vadd.f32 v21, v12;
	v4 =	vadd.f32 v4, v18;
	v18 =	vld [tilespmem:s14+$0xC460]  }
0x29f: {  	v12 =	vmul.f32 v32, v13;
	v32 =	vld [tilespmem:s14+$0xD460];
	v22 =	vadd.f32 v23, v22;
	v23 =	vmul.f32 v25, v24  }
0x2a0: {  	v20 =	vadd.f32 v20, v11;
	v19 =	vadd.f32 v15, v19;
	v15 =	vmul.f32 v34, v9;
	v34 =	vld [tilespmem:s14+$0xE460]  }
0x2a1: {  	v14 =	vmul.f32 v33, v8;
	v33 =	vld [tilespmem:s14+$0xB470];
	v22 =	vadd.f32 v23, v22;
	v23 =	vmul.f32 v27, v26  }
0x2a2: {  	(xrf2) =	vadd.scan.msk.f32 $0xffff, v20;
	v61 =	vmul.f32 v38, v9;
	v38 =	vld [tilespmem:s14+$0xC470]  }
0x2a3: {  	(xrf2) =	vadd.scan.msk.f32 $0xffff, v21;
	v62 =	vmul.f32 v40, v9;
	v40 =	vld [tilespmem:s14+$0xD470];
	v22 =	vadd.f32 v23, v22;
	v23 =	vmul.f32 v29, v28  }
0x2a4: {  	(xrf2) =	vadd.scan.msk.f32 $0xffff, v19;
	v63 =	vmul.f32 v43, v24;
	v60 =	vmul.f32 v51, v26;
	v51 =	vld [tilespmem:s20+$0xFC40]  }
0x2a5: {  	v44 =	vmul.f32 v44, v24;
	(xrf2) =	vadd.scan.msk.f32 $0xffff, v4;
	v4 =	vld [tilespmem:s20+$0x9C70];
	v22 =	vadd.f32 v23, v22;
	v23 =	vmul.f32 v30, v17  }
0x2a6: {  	v46 =	vmul.f32 v46, v24;
	v48 =	vmul.f32 v48, v26;
	v25 =	vld [tilespmem:s14+$0xB440];
	v14 =	vadd.f32 v15, v14  }
0x2a7: {  	v15 =	vmul.f32 v37, v8;
	v37 =	vld [tilespmem:s14+$0xE470];
	v22 =	vadd.f32 v23, v22;
	v23 =	vmul.f32 v31, v16  }
0x2a8: {  	v49 =	vmul.f32 v49, v26;
	v59 =	vmul.f32 v50, v26;
	v27 =	vld [tilespmem:s14+$0xD440]  }
0x2a9: {  	v50 =	vmul.f32 v57, v17;
	v18 =	vmul.f32 v18, v16;
	v29 =	vld [tilespmem:s14+$0xA450];
	v11 =	vadd.f32 v23, v22  }
0x2aa: {  	v15 =	vadd.f32 v61, v15;
	v26 =	vmul.f32 v52, v26;
	v61 =	vld [tilespmem:s20+$0xFC00];
	v52 =	vmul.f32 v58, v16  }
0x2ab: {  	v22 =	vld [tilespmem:s14+$0xB460];
	v23 =	vadd.f32 v12, v11;
	v11 =	vmul.f32 v35, v8;
	v12 =	vmul.f32 v36, v9  }
0x2ac: {  	v25 =	vmul.f32 v25, v28;
	v30 =	vld [tilespmem:s14+$0xC450];
	v9 =	vmul.f32 v42, v9;
	v35 =	vadd.f32 v63, v14  }
0x2ad: {  	v31 =	vld [tilespmem:s14+$0xE450];
	v11 =	vadd.f32 v12, v11;
	v12 =	vmul.f32 v39, v8;
	v8 =	vmul.f32 v41, v8  }
0x2ae: {  	v27 =	vmul.f32 v27, v28;
	v29 =	vmul.f32 v29, v17;
	v36 =	vld [tilespmem:s14+$0xA470]  }
0x2af: {  	v14 =	vld [tilespmem:s20+$0x9C00];
	v35 =	vadd.f32 v48, v35;
	v8 =	vadd.f32 v9, v8;
	v9 =	vmul.f32 v45, v24  }
0x2b0: {  	v63 =	vld [tilespmem:s20+$0xFC10];
	v22 =	vmul.f32 v22, v16;
	v12 =	vadd.f32 v62, v12;
	v24 =	vmul.f32 v47, v24  }
0x2b1: {  	v42 =	vld [tilespmem:s20+$0xEC10];
	v11 =	vadd.f32 v44, v11;
	v62 =	vmul.f32 v53, v28;
	v9 =	vadd.f32 v9, v15  }
0x2b2: {  	v48 =	vld [tilespmem:s20+$0xFC30];
	v44 =	vmul.f32 v54, v28;
	v12 =	vadd.f32 v46, v12;
	v8 =	vadd.f32 v24, v8  }
0x2b3: {  	(xrf2) =	vadd.scan.msk.f32 $0xffff, v23;
	v23 =	vld [tilespmem:s20+$0xFC70];
	v28 =	vmul.f32 v55, v28;
	v11 =	vadd.f32 v49, v11;
	v24 =	vadd.f32 v62, v35  }
0x2b4: {  	v45 =	vld [tilespmem:s20+$0xFC20];
	v47 =	vmul.f32 v56, v17;
	v9 =	vadd.f32 v59, v9;
	v39 =	vadd.f32 v60, v12  }
0x2b5: {  	v53 =	vld [tilespmem:s20+$0xFC50];
	v54 =	vmul.f32 v32, v16;
	v8 =	vadd.f32 v26, v8;
	v25 =	vadd.f32 v25, v11  }
0x2b6: {  	v55 =	vld [tilespmem:s20+$0xFC60];
	v49 =	vmul.f32 v30, v17;
	v24 =	vadd.f32 v29, v24;
	v9 =	vadd.f32 v44, v9  }
0x2b7: {  	v58 =	vmul.f32 v61, v14;
	v61 =	vld [tilespmem:s20+$0xDC00];
	v46 =	vadd.f32 v27, v39;
	v20 =	vadd.f32 v47, v25  }
0x2b8: {  	v16 =	vmul.f32 v34, v16;
	v15 =	vld [tilespmem:s20+$0x9C10];
	v8 =	vadd.f32 v28, v8;
	v21 =	vadd.f32 v49, v9  }
0x2b9: {  	v17 =	vmul.f32 v31, v17;
	v12 =	vld [tilespmem:s20+$0x9C20];
	v24 =	vadd.f32 v52, v24;
	v20 =	vadd.f32 v22, v20  }
0x2ba: {  	v11 =	vld [tilespmem:s20+$0x9C30];
	v22 =	vmul.f32 v36, v13;
	v18 =	vadd.f32 v18, v21;
	v21 =	vmul.f32 v33, v13  }
0x2bb: {  	v56 =	vmul.f32 v38, v13;
	v9 =	vld [tilespmem:s20+$0x9C50];
	v19 =	vadd.f32 v50, v46;
	v17 =	vadd.f32 v17, v8  }
0x2bc: {  	v8 =	vld [tilespmem:s20+$0x9C60];
	v22 =	vadd.f32 v22, v24;
	v20 =	vadd.f32 v21, v20;
	v21 =	vmul.f32 v40, v13  }
0x2bd: {  	v49 =	vld [tilespmem:s20+$0xDC20];
	v16 =	vadd.f32 v16, v17;
	v17 =	vadd.f32 v56, v18  }
0x2be: {  	v60 =	vld [tilespmem:s20+$0xCC10];
	v59 =	vmul.f32 v63, v15;
	v19 =	vadd.f32 v54, v19  }
0x2bf: {  	v46 =	vmul.f32 v51, v10;
	v13 =	vmul.f32 v37, v13;
	(xrf2) =	vadd.scan.msk.f32 $0xffff, v22;
	v18 =	vld [tilespmem:s20+$0xAC00]  }
0x2c0: {  	v62 =	vmul.f32 v45, v12;
	v41 =	vmul.f32 v48, v11;
	v19 =	vadd.f32 v21, v19;
	(xrf2) =	vadd.scan.msk.f32 $0xffff, v20;
	v20 =	vld [tilespmem:s20+$0xAC10];
	v21, _, _ =	vpop (xrf2)  }
0x2c1: {  	v54 =	vmul.f32 v61, v14;
	v25 =	vmul.f32 v53, v9;
	v13 =	vadd.f32 v13, v16;
	v16 =	vld [tilespmem:s20+$0xBC00];
	(xrf2) =	vadd.scan.msk.f32 $0xffff, v17;
	v17, _, _ =	vpop (xrf2)  }
0x2c2: {  	s0 =	sadd.s32 $0x1, s0;
	v44 =	vld [tilespmem:s20+$0xAC20];
	v51 =	vmul.f32 v55, v8;
	v26 =	vmul.f32 v49, v12;
	v22, _, _ =	vpop (xrf2)  }
0x2c3: {  	v47 =	vld [tilespmem:s20+$0xBC20];
	v40 =	vmov s0;
	(xrf2) =	vadd.scan.msk.f32 $0xffff, v19;
	v21 =	vbroadcast v21, $0xF;
	v22 =	vbroadcast v22, $0xF  }
0x2c4: {  	v63 =	vld [tilespmem:s20+$0xDC10];
	vm1 =	veq.s32 v40, v0;
	v18 =	vmul.f32 v18, v14;
	v17 =	vbroadcast v17, $0xF  }
0x2c5: {  	(xrf2) =	vadd.scan.msk.f32 $0xffff, v13;
	v13 =	vld [tilespmem:s20+$0xCC00];
	v57, _, _ =	vpop (xrf2);
	v2 =	vsel vm0, v21, v2;
	v21 =	vadd.f32 v59, v58;
	v20 =	vmul.f32 v20, v15  }
0x2c6: {  	v52 =	vld [tilespmem:s20+$0xAC30];
	s0 =	simm.s32 $0x0;
	v16 =	vmul.f32 v16, v14;
	v24 =	vbroadcast v57, $0xF;
	v38, _, _ =	vpop (xrf2);
	v5 =	vsel vm0, v17, v5  }
0x2c7: {  	v59 =	vld [tilespmem:s20+$0xBC50];
	v57 =	vmov s0;
	v6 =	vsel vm0, v22, v6;
	v21 =	vadd.f32 v62, v21;
	v22, _, _ =	vpop (xrf2)  }
0x2c8: {  	v50 =	vld [tilespmem:s20+$0xEC20];
	v32 =	vbroadcast v38, $0xF;
	v18 =	vadd.f32 v20, v18;
	v22 =	vbroadcast v22, $0xF  }
0x2c9: {  	v17 =	vld [tilespmem:s20+$0xEC00];
	v20 =	vmul.f32 v63, v15;
	v7 =	vsel vm0, v24, v7;
	v21 =	vadd.f32 v41, v21;
	v43, _, _ =	vpop (xrf2)  }
0x2ca: {  	v48 =	vld [tilespmem:s20+$0xCC20];
	v32 =	vsel vm0, v32, v3;
	v13 =	vmul.f32 v13, v14;
	v34 =	vbroadcast v43, $0xF;
	v45, _, _ =	vpop (xrf2)  }
0x2cb: {  	v19 =	vld [tilespmem:s20+$0xBC10];
	v21 =	vadd.f32 v46, v21;
	v3 =	vsel vm1, v22, v1;
	v1 =	vbroadcast v45, $0xF  }
0x2cc: {  	v56 =	vld [tilespmem:s20+$0xBC40];
	v20 =	vadd.f32 v20, v54;
	v61 =	vmul.f32 v59, v9;
	v34 =	vsel vm1, v34, v2;
	v22, _, _ =	vpop (xrf2)  }
0x2cd: {  	v53 =	vld [tilespmem:s20+$0xCC30];
	v21 =	vadd.f32 v25, v21;
	v5 =	vsel vm1, v1, v5;
	v2, _, _ =	vpop (xrf2);
	v1 =	vbroadcast v22, $0xF  }
0x2ce: {  	v63 =	vld [tilespmem:s20+$0xAC70];
	vm0 =	veq.s32 v57, v0;
	v14 =	vmul.f32 v17, v14;
	v2 =	vbroadcast v2, $0xF  }
0x2cf: {  	v55 =	vld [tilespmem:s20+$0xEC30];
	v21 =	vadd.f32 v51, v21;
	v6 =	vsel vm1, v1, v6;
	v1 =	vmul.f32 v23, v4  }
0x2d0: {  	v58 =	vld [tilespmem:s20+$0xEC40];
	[tilespmem:s25+$0x16A0] =	vst v3;
	v3 =	vimm.f32 $0.0e+00;
	v22, _, _ =	vpop (xrf2);
	v7 =	vsel vm1, v2, v7;
	v2 =	vmul.f32 v19, v15  }
0x2d1: {  	v22 =	vbroadcast v22, $0xF;
	v23 =	vld [tilespmem:s20+$0xBC30];
	v1 =	vadd.f32 v1, v21;
	v21 =	vmul.f32 v60, v15  }
0x2d2: {  	v19 =	vld [tilespmem:s20+$0xDC30];
	[tilespmem:s25+$0x1520] =	vst v6;
	v15 =	vmul.f32 v42, v15;
	v2 =	vadd.f32 v2, v16;
	v16 =	vmul.f32 v44, v12  }
0x2d3: {  	v17 =	vld [tilespmem:s20+$0xAC40];
	v6 =	vmul.f32 v63, v4;
	v13 =	vadd.f32 v21, v13;
	(xrf2) =	vadd.scan.msk.f32 $0xffff, v1;
	v1 =	vmul.f32 v47, v12  }
0x2d4: {  	v60 =	vld [tilespmem:s20+$0xCC50];
	v14 =	vadd.f32 v15, v14;
	v15 =	vadd.f32 v16, v18;
	v18 =	vmul.f32 v48, v12  }
0x2d5: {  	v22 =	vsel vm1, v22, v32;
	v21 =	vld [tilespmem:s20+$0xCC40];
	v1 =	vadd.f32 v1, v2;
	v2 =	vmul.f32 v50, v12  }
0x2d6: {  	v16 =	vld [tilespmem:s20+$0xDC40];
	v13 =	vadd.f32 v18, v13;
	v18 =	vadd.f32 v26, v20;
	v20 =	vmul.f32 v52, v11  }
0x2d7: {  	v12 =	vld [tilespmem:s20+$0xAC50];
	v19 =	vmul.f32 v19, v11;
	v2 =	vadd.f32 v2, v14;
	v14 =	vmul.f32 v23, v11  }
0x2d8: {  	v23 =	vmul.f32 v53, v11;
	v11 =	vmul.f32 v55, v11;
	v15 =	vadd.f32 v20, v15;
	v20 =	vld [tilespmem:s20+$0xDC50]  }
0x2d9: {  	v18 =	vadd.f32 v19, v18;
	v1 =	vadd.f32 v14, v1;
	v14 =	vmul.f32 v17, v10;
	v17 =	vld [tilespmem:s20+$0xEC50]  }
0x2da: {  	v19 =	vmul.f32 v56, v10;
	v13 =	vadd.f32 v23, v13;
	v11 =	vadd.f32 v11, v2;
	v23 =	vld [tilespmem:s20+$0xAC60]  }
0x2db: {  	v16 =	vmul.f32 v16, v10;
	v14 =	vadd.f32 v14, v15;
	v15 =	vmul.f32 v21, v10;
	v21 =	vld [tilespmem:s20+$0xBC60]  }
0x2dc: {  	v12 =	vmul.f32 v12, v9;
	v19 =	vadd.f32 v19, v1;
	v1 =	vmul.f32 v58, v10;
	v10 =	vld [tilespmem:s20+$0xCC60]  }
0x2dd: {  	v2 =	vimm.f32 $0.0e+00;
	v16 =	vadd.f32 v16, v18;
	v18 =	vld [tilespmem:s20+$0xDC60];
	v13 =	vadd.f32 v15, v13  }
0x2de: {  	v62 =	vld [tilespmem:s20+$0xEC60];
	v11 =	vadd.f32 v1, v11;
	v12 =	vadd.f32 v12, v14;
	v14 =	vmul.f32 v60, v9  }
0x2df: {  	v20 =	vmul.f32 v20, v9;
	v19 =	vadd.f32 v61, v19;
	v9 =	vmul.f32 v17, v9;
	v15, _, _ =	vpop (xrf2)  }
0x2e0: {  	v17 =	vld [tilespmem:s20+$0xBC70];
	v14 =	vadd.f32 v14, v13;
	v13 =	vmul.f32 v23, v8;
	v15 =	vbroadcast v15, $0xF  }
0x2e1: {  	v20 =	vadd.f32 v20, v16;
	v23 =	vld [tilespmem:s20+$0xCC70];
	v16 =	vmul.f32 v21, v8;
	v9 =	vadd.f32 v9, v11  }
0x2e2: {  	v10 =	vmul.f32 v10, v8;
	v11 =	vmul.f32 v18, v8;
	v1 =	vsel vm0, v15, v2;
	v15 =	vld [tilespmem:s20+$0xDC70]  }
0x2e3: {  	s14 =	simm.s32 $0x80;
	[tilespmem:s25+$0x14A0] =	vst v5;
	v5 =	vadd.f32 v13, v12;
	v12 =	vmul.f32 v62, v8;
	v13 =	vadd.f32 v16, v19;
	v16 =	vld [tilespmem:s20+$0xEC70]  }
0x2e4: {  	[tilespmem:s25+$0x15A0] =	vst v7;
	v7 =	vimm.f32 $0.0e+00;
	v21 =	vld [tilespmem:s14+$0xFC00];
	v14 =	vadd.f32 v10, v14;
	v18 =	vadd.f32 v11, v20  }
0x2e5: {  	[tilespmem:s25+$0x1420] =	vst v34;
	v8 =	vld [tilespmem:s14+$0x9C00];
	v19 =	vmul.f32 v17, v4;
	v17 =	vadd.f32 v12, v9;
	v10 =	vadd.f32 v6, v5  }
0x2e6: {  	[tilespmem:s25+$0x1620] =	vst v22;
	s20 =	simm.s32 $0x400;
	v9 =	vld [tilespmem:s14+$0x9C10];
	v6 =	vimm.f32 $0.0e+00;
	v5 =	vimm.f32 $0.0e+00;
	v20 =	vmul.f32 v23, v4  }
.LBB2_9:
0x2e7: {  	p1 =	sne.s32 s20, $0x1E00;
	v11 =	vld [tilespmem:s14+$0xFC10];
	v12 =	vadd.f32 v19, v13;
	v13 =	vmul.f32 v15, v4  }
0x2e8: {  	v15 =	vld [tilespmem:s14+$0x9C20];
	v14 =	vadd.f32 v20, v14;
	v4 =	vmul.f32 v16, v4;
	(xrf2) =	vadd.scan.msk.f32 $0xffff, v10  }
0x2e9: {  	v10 =	vld [tilespmem:s14+$0xFC20];
	v16 =	vadd.f32 v13, v18  }
0x2ea: {  	v13 =	vld [tilespmem:s14+$0x9C30];
	v17 =	vadd.f32 v4, v17  }
0x2eb: {  	v4 =	vld [tilespmem:s14+$0xFC30];
	(xrf2) =	vadd.scan.msk.f32 $0xffff, v12  }
0x2ec: {  	v18 =	vmul.f32 v21, v8;
	v12 =	vld [tilespmem:s14+$0x9C40];
	v19 =	vmul.f32 v11, v9  }
0x2ed: {  	v20 =	vld [tilespmem:s14+$0xFC40]  }
0x2ee: {  	v11 =	vld [tilespmem:s14+$0x9C50];
	v18 =	vadd.f32 v19, v18;
	v19 =	vmul.f32 v10, v15;
	(xrf2) =	vadd.scan.msk.f32 $0xffff, v14  }
0x2ef: {  	v14 =	vld [tilespmem:s14+$0xFC50]  }
0x2f0: {  	v10 =	vld [tilespmem:s14+$0x9C60];
	v18 =	vadd.f32 v19, v18;
	v22 =	vmul.f32 v4, v13  }
0x2f1: {  	v21 =	vld [tilespmem:s14+$0xFC60];
	(xrf2) =	vadd.scan.msk.f32 $0xffff, v16  }
0x2f2: {  	v4 =	vld [tilespmem:s14+$0x9C70];
	v16 =	vadd.f32 v22, v18;
	v23 =	vmul.f32 v20, v12;
	v19, _, _ =	vpop (xrf2)  }
0x2f3: {  	v20 =	vld [tilespmem:s14+$0xFC70];
	v19 =	vbroadcast v19, $0xF  }
0x2f4: {  	v22 =	vld [tilespmem:s14+$0xAC00];
	v16 =	vadd.f32 v23, v16;
	v14 =	vmul.f32 v14, v11;
	(xrf2) =	vadd.scan.msk.f32 $0xffff, v17  }
0x2f5: {  	v17 =	vld [tilespmem:s14+$0xAC10];
	v2 =	vsel vm0, v19, v2;
	v18, _, _ =	vpop (xrf2)  }
0x2f6: {  	v19 =	vld [tilespmem:s14+$0xBC00];
	v14 =	vadd.f32 v14, v16;
	v16 =	vmul.f32 v21, v10;
	v24 =	vbroadcast v18, $0xF  }
0x2f7: {  	v21 =	vld [tilespmem:s14+$0xBC10]  }
0x2f8: {  	v23 =	vld [tilespmem:s14+$0xCC00];
	v14 =	vadd.f32 v16, v14;
	v16 =	vmul.f32 v20, v4;
	v6 =	vsel vm0, v24, v6;
	v18, _, _ =	vpop (xrf2)  }
0x2f9: {  	v20 =	vmul.f32 v22, v8;
	v22 =	vld [tilespmem:s14+$0xCC10];
	v25 =	vbroadcast v18, $0xF  }
0x2fa: {  	v17 =	vmul.f32 v17, v9;
	v24 =	vld [tilespmem:s14+$0xDC00];
	v14 =	vadd.f32 v16, v14  }
0x2fb: {  	v16 =	vmul.f32 v19, v8;
	v19 =	vld [tilespmem:s14+$0xDC10];
	v7 =	vsel vm0, v25, v7;
	v18, _, _ =	vpop (xrf2)  }
0x2fc: {  	v17 =	vadd.f32 v17, v20;
	v20 =	vmul.f32 v21, v9;
	v21 =	vld [tilespmem:s14+$0xEC00];
	(xrf2) =	vadd.scan.msk.f32 $0xffff, v14;
	v26 =	vbroadcast v18, $0xF  }
0x2fd: {  	v18 =	vmul.f32 v23, v8;
	v23 =	vld [tilespmem:s14+$0xEC10]  }
0x2fe: {  	v25 =	vld [tilespmem:s14+$0xAC20];
	v16 =	vadd.f32 v20, v16;
	v20 =	vmul.f32 v22, v9;
	v5 =	vsel vm0, v26, v5;
	v14, _, _ =	vpop (xrf2)  }
0x2ff: {  	v22 =	vld [tilespmem:s14+$0xBC20];
	v24 =	vmul.f32 v24, v8;
	v14 =	vbroadcast v14, $0xF  }
0x300: {  	v18 =	vadd.f32 v20, v18;
	v20 =	vld [tilespmem:s14+$0xCC20];
	v19 =	vmul.f32 v19, v9  }
0x301: {  	v26 =	vld [tilespmem:s14+$0xDC20];
	v8 =	vmul.f32 v21, v8;
	v3 =	vsel vm0, v14, v3  }
0x302: {  	v14 =	vadd.f32 v19, v24;
	v9 =	vmul.f32 v23, v9;
	v19 =	vld [tilespmem:s14+$0xEC20]  }
0x303: {  	v21 =	vmul.f32 v25, v15;
	v23 =	vld [tilespmem:s14+$0xAC30]  }
0x304: {  	v22 =	vmul.f32 v22, v15;
	v24 =	vld [tilespmem:s14+$0xBC30];
	v8 =	vadd.f32 v9, v8  }
0x305: {  	v9 =	vadd.f32 v21, v17;
	v17 =	vmul.f32 v20, v15;
	v20 =	vld [tilespmem:s14+$0xCC30]  }
0x306: {  	s0 =	sadd.s32 $0x1, s0;
	v16 =	vadd.f32 v22, v16;
	v21 =	vmul.f32 v26, v15;
	v22 =	vld [tilespmem:s14+$0xDC30];
	v25, _, _ =	vpop (xrf2)  }
0x307: {  	v26 =	vmov s0;
	v15 =	vmul.f32 v19, v15;
	v19 =	vld [tilespmem:s14+$0xEC30];
	v25 =	vbroadcast v25, $0xF  }
0x308: {  	vm0 =	veq.s32 v26, v0;
	v17 =	vadd.f32 v17, v18;
	v26 =	vld [tilespmem:s14+$0xAC40];
	v14 =	vadd.f32 v21, v14  }
0x309: {  	v18 =	vmul.f32 v23, v13;
	v21 =	vld [tilespmem:s14+$0xBC40];
	v8 =	vadd.f32 v15, v8;
	v1 =	vsel vm0, v25, v1  }
0x30a: {  	v15 =	vmul.f32 v24, v13;
	v20 =	vmul.f32 v20, v13;
	v23 =	vld [tilespmem:s14+$0xCC40]  }
0x30b: {  	v9 =	vadd.f32 v18, v9;
	v18 =	vmul.f32 v22, v13;
	v22 =	vld [tilespmem:s14+$0xDC40]  }
0x30c: {  	v15 =	vadd.f32 v15, v16;
	v16 =	vadd.f32 v20, v17;
	v13 =	vmul.f32 v19, v13;
	v17 =	vld [tilespmem:s14+$0xEC40]  }
0x30d: {  	v19 =	vmul.f32 v26, v12;
	v20 =	vld [tilespmem:s14+$0xAC50];
	v14 =	vadd.f32 v18, v14  }
0x30e: {  	v18 =	vmul.f32 v21, v12;
	v21 =	vld [tilespmem:s14+$0xBC50];
	v8 =	vadd.f32 v13, v8  }
0x30f: {  	v9 =	vadd.f32 v19, v9;
	v13 =	vmul.f32 v23, v12;
	v19 =	vld [tilespmem:s14+$0xCC50]  }
0x310: {  	v15 =	vadd.f32 v18, v15;
	v18 =	vmul.f32 v22, v12;
	v22 =	vld [tilespmem:s14+$0xDC50]  }
0x311: {  	v13 =	vadd.f32 v13, v16;
	v12 =	vmul.f32 v17, v12;
	v16 =	vld [tilespmem:s14+$0xEC50]  }
0x312: {  	v17 =	vmul.f32 v20, v11;
	v20 =	vld [tilespmem:s14+$0xAC60];
	v14 =	vadd.f32 v18, v14  }
0x313: {  	v18 =	vmul.f32 v21, v11;
	v21 =	vld [tilespmem:s14+$0xBC60];
	v8 =	vadd.f32 v12, v8  }
0x314: {  	v9 =	vadd.f32 v17, v9;
	v12 =	vmul.f32 v19, v11;
	v17 =	vld [tilespmem:s14+$0xCC60]  }
0x315: {  	v15 =	vadd.f32 v18, v15;
	v18 =	vmul.f32 v22, v11;
	v19 =	vld [tilespmem:s14+$0xDC60]  }
0x316: {  	v12 =	vadd.f32 v12, v13;
	v11 =	vmul.f32 v16, v11;
	v16 =	vld [tilespmem:s14+$0xEC60]  }
0x317: {  	v13 =	vmul.f32 v20, v10;
	v20 =	vld [tilespmem:s14+$0xAC70];
	v18 =	vadd.f32 v18, v14  }
0x318: {  	v14 =	vmul.f32 v21, v10;
	v21 =	vld [tilespmem:s14+$0xBC70];
	v11 =	vadd.f32 v11, v8  }
0x319: {  	v22 =	vadd.f32 v13, v9;
	v8 =	vmul.f32 v17, v10;
	v23 =	vld [tilespmem:s14+$0xCC70]  }
.Ltmp5:
0x31a: {  	v13 =	vadd.f32 v14, v15;
	v9 =	vmul.f32 v19, v10;
	v15 =	vld [tilespmem:s14+$0xDC70];
	(pc) =	sbr.rel @p1 .LBB2_9-.Ltmp5, $4  }
0x31b: {  	v14 =	vadd.f32 v8, v12;
	v10 =	vmul.f32 v16, v10;
	v16 =	vld [tilespmem:s14+$0xEC70];
	s14 =	sshra.s32 s20, $0x2  }
0x31c: {  	v8 =	vld [tilespmem:s14+$0x9C00];
	v12 =	vmul.f32 v20, v4;
	v18 =	vadd.f32 v9, v18  }
0x31d: {  	v9 =	vld [tilespmem:s14+$0x9C10];
	v19 =	vmul.f32 v21, v4;
	v17 =	vadd.f32 v10, v11  }
0x31e: {  	s20 =	sadd.s32 $0x200, s20;
	v21 =	vld [tilespmem:s14+$0xFC00];
	v10 =	vadd.f32 v12, v22;
	v20 =	vmul.f32 v23, v4  }
0x31f: {  	v22 =	vld [tilespmem:s14+$0xFC10]  }
0x320: {  	v23 =	vld [tilespmem:s14+$0x9C20]  }
0x321: {  	v24 =	vld [tilespmem:s14+$0xFC20]  }
0x322: {  	v25 =	vld [tilespmem:s14+$0x9C30]  }
0x323: {  	v26 =	vld [tilespmem:s14+$0xFC30]  }
0x324: {  	v27 =	vld [tilespmem:s14+$0x9C40]  }
0x325: {  	v28 =	vld [tilespmem:s14+$0xFC40]  }
0x326: {  	v29 =	vld [tilespmem:s14+$0x9C50]  }
0x327: {  	v30 =	vld [tilespmem:s14+$0xFC50]  }
0x328: {  	v12 =	vld [tilespmem:s14+$0x9C60]  }
0x329: {  	v31 =	vld [tilespmem:s14+$0xFC60]  }
0x32a: {  	v11 =	vld [tilespmem:s14+$0x9C70]  }
0x32b: {  	v32 =	vld [tilespmem:s14+$0xFC70]  }
0x32c: {  	v33 =	vld [tilespmem:s14+$0xAC00]  }
0x32d: {  	v34 =	vld [tilespmem:s14+$0xAC10]  }
0x32e: {  	v35 =	vld [tilespmem:s14+$0xBC00]  }
0x32f: {  	v36 =	vld [tilespmem:s14+$0xBC10]  }
0x330: {  	v37 =	vld [tilespmem:s14+$0xCC00]  }
0x331: {  	v38 =	vld [tilespmem:s14+$0xCC10]  }
0x332: {  	v39 =	vld [tilespmem:s14+$0xDC00]  }
0x333: {  	v40 =	vld [tilespmem:s14+$0xDC10]  }
0x334: {  	v41 =	vld [tilespmem:s14+$0xEC00]  }
0x335: {  	v52 =	vld [tilespmem:s14+$0xEC10]  }
0x336: {  	v42 =	vld [tilespmem:s14+$0xAC20];
	v21 =	vmul.f32 v21, v8;
	v22 =	vmul.f32 v22, v9  }
0x337: {  	v53 =	vld [tilespmem:s14+$0xBC20]  }
0x338: {  	v43 =	vld [tilespmem:s14+$0xCC20];
	v21 =	vadd.f32 v22, v21;
	v22 =	vmul.f32 v24, v23  }
0x339: {  	v54 =	vld [tilespmem:s14+$0xDC20]  }
0x33a: {  	v44 =	vld [tilespmem:s14+$0xEC20];
	v21 =	vadd.f32 v22, v21;
	v22 =	vmul.f32 v26, v25  }
0x33b: {  	v55 =	vld [tilespmem:s14+$0xAC30];
	v15 =	vmul.f32 v15, v4;
	v4 =	vmul.f32 v16, v4  }
0x33c: {  	v63 =	vld [tilespmem:s14+$0xDC40];
	v21 =	vadd.f32 v22, v21;
	v22 =	vmul.f32 v28, v27  }
0x33d: {  	v13 =	vadd.f32 v19, v13;
	v49 =	vld [tilespmem:s14+$0xAC60];
	v4 =	vadd.f32 v4, v17;
	v19 =	vmul.f32 v32, v11  }
0x33e: {  	v45 =	vld [tilespmem:s14+$0xBC30];
	v17 =	vmul.f32 v33, v8;
	v21 =	vadd.f32 v22, v21;
	v22 =	vmul.f32 v30, v29  }
0x33f: {  	v56 =	vld [tilespmem:s14+$0xCC30];
	v14 =	vadd.f32 v20, v14;
	v57 =	vmul.f32 v36, v9;
	v59 =	vmul.f32 v38, v9  }
0x340: {  	v58 =	vld [tilespmem:s14+$0xBC40];
	v61 =	vmul.f32 v39, v8;
	v21 =	vadd.f32 v22, v21;
	v22 =	vmul.f32 v31, v12  }
0x341: {  	v60 =	vld [tilespmem:s14+$0xCC40];
	v15 =	vadd.f32 v15, v18;
	v62 =	vmul.f32 v40, v9;
	v46 =	vmul.f32 v55, v25  }
0x342: {  	v47 =	vld [tilespmem:s14+$0xDC50];
	(xrf2) =	vadd.scan.msk.f32 $0xffff, v10;
	v50 =	vmul.f32 v63, v27;
	v10 =	vmul.f32 v49, v12;
	v18 =	vadd.f32 v22, v21  }
0x343: {  	v16 =	vld [tilespmem:s14+$0xDC30];
	v32 =	vadd.f32 v62, v61;
	v26 =	vmul.f32 v53, v23;
	v21 =	vmul.f32 v34, v9  }
0x344: {  	v48 =	vld [tilespmem:s14+$0xEC50];
	v9 =	vmul.f32 v52, v9;
	v18 =	vadd.f32 v19, v18;
	v19 =	vmul.f32 v35, v8  }
0x345: {  	v51 =	vld [tilespmem:s14+$0xDC60];
	v17 =	vadd.f32 v21, v17;
	v21 =	vmul.f32 v37, v8;
	v8 =	vmul.f32 v41, v8  }
0x346: {  	v28 =	vmul.f32 v54, v23;
	v22 =	vld [tilespmem:s14+$0xAC40];
	v41 =	vmul.f32 v42, v23;
	v19 =	vadd.f32 v57, v19  }
0x347: {  	v20 =	vld [tilespmem:s14+$0xEC30];
	v8 =	vadd.f32 v9, v8;
	v9 =	vmul.f32 v43, v23;
	v23 =	vmul.f32 v44, v23  }
0x348: {  	v40 =	vld [tilespmem:s14+$0xEC40];
	v16 =	vmul.f32 v16, v25;
	v21 =	vadd.f32 v59, v21;
	v17 =	vadd.f32 v41, v17  }
0x349: {  	v53 =	vld [tilespmem:s14+$0xEC60];
	v19 =	vadd.f32 v26, v19;
	v8 =	vadd.f32 v23, v8;
	v23 =	vmul.f32 v45, v25  }
0x34a: {  	v31 =	vmul.f32 v56, v25;
	v43 =	vld [tilespmem:s14+$0xBC50];
	v9 =	vadd.f32 v9, v21;
	v21 =	vadd.f32 v28, v32  }
0x34b: {  	(xrf2) =	vadd.scan.msk.f32 $0xffff, v13;
	v42 =	vld [tilespmem:s14+$0xAC50];
	v22 =	vmul.f32 v22, v27;
	v17 =	vadd.f32 v46, v17;
	v19 =	vadd.f32 v23, v19  }
0x34c: {  	(xrf2) =	vadd.scan.msk.f32 $0xffff, v14;
	v20 =	vmul.f32 v20, v25;
	v54 =	vld [tilespmem:s14+$0xAC70];
	v9 =	vadd.f32 v31, v9;
	v16 =	vadd.f32 v16, v21  }
0x34d: {  	(xrf2) =	vadd.scan.msk.f32 $0xffff, v15;
	v44 =	vld [tilespmem:s14+$0xCC50];
	v21 =	vmul.f32 v58, v27;
	v17 =	vadd.f32 v22, v17;
	v22 =	vmul.f32 v60, v27  }
0x34e: {  	v15 =	vmul.f32 v51, v12;
	(xrf2) =	vadd.scan.msk.f32 $0xffff, v4;
	v4 =	vmul.f32 v53, v12;
	v8 =	vadd.f32 v20, v8;
	v20 =	vld [tilespmem:s14+$0xCC60]  }
0x34f: {  	v23 =	vld [tilespmem:s14+$0xBC60];
	v19 =	vadd.f32 v21, v19;
	v9 =	vadd.f32 v22, v9;
	v22 =	vmul.f32 v43, v29  }
0x350: {  	v57 =	vld [tilespmem:s14+$0xCC70];
	v52 =	vmul.f32 v42, v29;
	v21 =	vmul.f32 v40, v27  }
0x351: {  	v55 =	vld [tilespmem:s14+$0xBC70];
	v16 =	vadd.f32 v50, v16;
	v19 =	vadd.f32 v22, v19;
	v22 =	vmul.f32 v47, v29  }
0x352: {  	v17 =	vadd.f32 v52, v17;
	v8 =	vadd.f32 v21, v8;
	v21 =	vmul.f32 v44, v29  }
0x353: {  	v56 =	vmul.f32 v48, v29;
	v13 =	vadd.f32 v22, v16;
	v16 =	vmul.f32 v20, v12;
	v20 =	vld [tilespmem:s14+$0xEC70]  }
0x354: {  	v10 =	vadd.f32 v10, v17;
	v9 =	vadd.f32 v21, v9;
	v21 =	vmul.f32 v23, v12;
	v23 =	vld [tilespmem:s14+$0xDC70]  }
0x355: {  	v17 =	vmul.f32 v54, v11;
	v8 =	vadd.f32 v56, v8;
	v12 =	vmul.f32 v57, v11  }
0x356: {  	v14 =	vadd.f32 v21, v19;
	v9 =	vadd.f32 v16, v9;
	v16 =	vmul.f32 v55, v11  }
0x357: {  	v10 =	vadd.f32 v17, v10;
	v4 =	vadd.f32 v4, v8  }
0x358: {  	(xrf2) =	vadd.scan.msk.f32 $0xffff, v18;
	v14 =	vadd.f32 v16, v14;
	v8 =	vadd.f32 v12, v9;
	v9 =	vmul.f32 v20, v11  }
0x359: {  	v13 =	vadd.f32 v15, v13;
	(xrf2) =	vadd.scan.msk.f32 $0xffff, v10;
	v15 =	vmul.f32 v23, v11  }
0x35a: {  	(xrf2) =	vadd.scan.msk.f32 $0xffff, v14;
	v4 =	vadd.f32 v9, v4  }
0x35b: {  	v10 =	vadd.f32 v15, v13  }
0x35c: {  	(xrf2) =	vadd.scan.msk.f32 $0xffff, v8  }
0x35d: {  	v8, _, _ =	vpop (xrf2);
	(xrf2) =	vadd.scan.msk.f32 $0xffff, v10  }
0x35e: {  	(xrf2) =	vadd.scan.msk.f32 $0xffff, v4;
	v4, _, _ =	vpop (xrf2)  }
0x35f: {  	v9, _, _ =	vpop (xrf2)  }
0x360: {  	v8 =	vbroadcast v8, $0xF;
	v10, _, _ =	vpop (xrf2)  }
0x361: {  	v11, _, _ =	vpop (xrf2)  }
0x362: {  	v2 =	vsel vm0, v8, v2;
	v4 =	vbroadcast v4, $0xF;
	v8 =	vbroadcast v9, $0xF;
	v12, _, _ =	vpop (xrf2)  }
0x363: {  	s0 =	sadd.s32 $0x1, s0;
	v13, _, _ =	vpop (xrf2)  }
0x364: {  	v4 =	vsel vm0, v4, v6;
	v6 =	vmov s0;
	v9 =	vbroadcast v13, $0xF;
	v13, _, _ =	vpop (xrf2)  }
0x365: {  	vm1 =	veq.s32 v6, v0;
	v6 =	vbroadcast v13, $0xF  }
0x366: {  	v7 =	vsel vm0, v8, v7;
	v8, _, _ =	vpop (xrf2)  }
0x367: {  	v10 =	vbroadcast v10, $0xF;
	v8 =	vbroadcast v8, $0xF;
	v4 =	vsel vm1, v6, v4  }
0x368: {  	v11 =	vbroadcast v11, $0xF;
	v2 =	vsel vm1, v9, v2;
	v9, _, _ =	vpop (xrf2);
	[tilespmem:s25+$0x14B0] =	vst v4;
	v4 =	vbroadcast v12, $0xF  }
0x369: {  	[tilespmem:s25+$0x1430] =	vst v2;
	v2 =	vsel vm0, v10, v5;
	v5 =	vsel vm1, v8, v7;
	v6 =	vbroadcast v9, $0xF;
	v9, _, _ =	vpop (xrf2)  }
0x36a: {  	[tilespmem:s25+$0x1530] =	vst v5;
	v7 =	vbroadcast v9, $0xF;
	v1 =	vsel vm1, v4, v1  }
0x36b: {  	v3 =	vsel vm0, v11, v3;
	v2 =	vsel vm1, v6, v2;
	[tilespmem:s25+$0x16B0] =	vst v1  }
0x36c: {  	s0 =	sadd.s32 @!p0 $0x5, s30;
	v3 =	vsel vm1, v7, v3;
	[tilespmem:s25+$0x15B0] =	vst v2  }
0x36d: {  	s20 =	simm.s32 @!p0 $0x9400;
	s14 =	simm.s32 @!p0 $0x20;
	s10 =	sshll.u32 @!p0 s0, $0x5;
	[tilespmem:s25+$0x1630] =	vst v3  }
0x36e: {  	[tilespmem:s20], [sflag:$0x2] =	stream.indirect.gather @!p0 [hbm4b:s1+s14], $0x80, s10, s14, $0xb8;
	[tilespmem:$0x1E400] =	vst v63  }
0x36f: {  	s0 =	sshll.u32 @!p0 s0, $0x8;
	s10 =	sadd.s32 @!p0 $0x200, s10;
	s20 =	simm.s32 @!p0 $0xA400  }
0x370: {  	[tilespmem:s20], [sflag:$0x2] =	stream.indirect.gather @!p0 [hbm4b:s2+s14], $0x80, s10, s14, $0xb8;
	[tilespmem:$0x1E400] =	vst v63  }
0x371: {  	s10 =	sand.u32 @!p0 $0x1C00, s0  }
0x372: {  	s12 =	simm.s32 @!p0 $0xB400;
	s20 =	sadd.s32 @!p0 $0x420, s10  }
0x373: {  	[tilespmem:s12], [sflag:$0x2] =	stream.indirect.gather @!p0 [hbm4b:s2+s14], $0x80, s20, s14, $0xb8;
	[tilespmem:$0x1E400] =	vst v63  }
0x374: {  	s12 =	sadd.s32 @!p0 $0x4A0, s10;
	s20 =	simm.s32 @!p0 $0xC400  }
0x375: {  	[tilespmem:s20], [sflag:$0x2] =	stream.indirect.gather @!p0 [hbm4b:s2+s14], $0x80, s12, s14, $0xb8;
	[tilespmem:$0x1E400] =	vst v63  }
0x376: {  	s12 =	sadd.s32 @!p0 $0x420, s0;
	s20 =	simm.s32 @!p0 $0xD400;
	s0 =	sor.u32 @!p0 $0x1A0, s0  }
0x377: {  	[tilespmem:s20], [sflag:$0x2] =	stream.indirect.gather @!p0 [hbm4b:s2+s14], $0x80, s12, s14, $0xb8;
	[tilespmem:$0x1E400] =	vst v63  }
0x378: {  	s0 =	sadd.s32 @!p0 $0x400, s0;
	s12 =	simm.s32 @!p0 $0xE400  }
0x379: {  	[tilespmem:s12], [sflag:$0x2] =	stream.indirect.gather @!p0 [hbm4b:s2+s14], $0x80, s0, s14, $0xb8;
	[tilespmem:$0x1E400] =	vst v63  }
0x37a: {  	s0 =	sadd.s32 @!p0 $0x620, s10;
	s10 =	simm.s32 @!p0 $0xF400  }
0x37b: {  	[tilespmem:s10], [sflag:$0x2] =	stream.indirect.gather @!p0 [hbm4b:s2+s14], $0x80, s0, s14, $0xb8;
	[tilespmem:$0x1E400] =	vst v63  }
0x37c: {  	_ =	swait.ge [sflag:s18], $0x1000  }
0x37d: {  	[sflag:s18] =	ssyncset.done $0x0  }
0x37e: {  	[sflag:s18] =	ssyncadd.s32 $0xFFFFF000  }
0x37f: {  	_ =	swait.ge [sflag:s18], $0x1000  }
0x380: {  	[sflag:s18] =	ssyncset.done $0x0  }
0x381: {  	[sflag:s18] =	ssyncadd.s32 $0xFFFFF000  }
0x382: {  	_ =	swait.ge [sflag:s18], $0x1000  }
0x383: {  	[sflag:s18] =	ssyncset.done $0x0  }
0x384: {  	[sflag:s18] =	ssyncadd.s32 $0xFFFFF000  }
0x385: {  	_ =	swait.ge [sflag:s18], $0x1000  }
0x386: {  	[sflag:s18] =	ssyncset.done $0x0  }
0x387: {  	[sflag:s18] =	ssyncadd.s32 $0xFFFFF000  }
0x388: {  	_ =	swait.ge [sflag:s18], $0x1000  }
0x389: {  	[sflag:s18] =	ssyncset.done $0x0  }
0x38a: {  	[sflag:s18] =	ssyncadd.s32 $0xFFFFF000  }
0x38b: {  	_ =	swait.ge [sflag:s18], $0x1000  }
0x38c: {  	[sflag:s18] =	ssyncset.done $0x0  }
0x38d: {  	[sflag:s18] =	ssyncadd.s32 $0xFFFFF000  }
0x38e: {  	_ =	swait.ge [sflag:s18], $0x1000  }
0x38f: {  	[sflag:s18] =	ssyncset.done $0x0  }
0x390: {  	s12 =	simm.s32 $0x0;
	[sflag:s18] =	ssyncadd.s32 $0xFFFFF000  }
0x391: {  	v1 =	vld [tilespmem:s12+$0x10400]  }
0x392: {  	v2 =	vld [tilespmem:s12+$0x10410]  }
0x393: {  	v3 =	vld [tilespmem:s12+$0x16400]  }
0x394: {  	v5 =	vld [tilespmem:s12+$0x16410]  }
0x395: {  	v6 =	vld [tilespmem:s12+$0x10420]  }
0x396: {  	v7 =	vld [tilespmem:s12+$0x16420]  }
0x397: {  	v8 =	vld [tilespmem:s12+$0x10430]  }
0x398: {  	v9 =	vld [tilespmem:s12+$0x16430]  }
0x399: {  	v10 =	vld [tilespmem:s12+$0x10440]  }
0x39a: {  	v11 =	vld [tilespmem:s12+$0x16440]  }
0x39b: {  	v12 =	vld [tilespmem:s12+$0x10450]  }
0x39c: {  	v13 =	vld [tilespmem:s12+$0x16450]  }
0x39d: {  	v14 =	vld [tilespmem:s12+$0x10460]  }
0x39e: {  	v15 =	vld [tilespmem:s12+$0x16460]  }
0x39f: {  	v4 =	vld [tilespmem:s12+$0x10470]  }
0x3a0: {  	v16 =	vld [tilespmem:s12+$0x16470]  }
0x3a1: {  	v17 =	vld [tilespmem:s12+$0x11400]  }
0x3a2: {  	v18 =	vld [tilespmem:s12+$0x12400];
	v3 =	vmul.f32 v3, v1;
	v5 =	vmul.f32 v5, v2  }
0x3a3: {  	v19 =	vld [tilespmem:s12+$0x13400]  }
0x3a4: {  	v20 =	vld [tilespmem:s12+$0x14400];
	v3 =	vadd.f32 v5, v3;
	v5 =	vmul.f32 v7, v6  }
0x3a5: {  	v21 =	vld [tilespmem:s12+$0x15400]  }
0x3a6: {  	v22 =	vld [tilespmem:s12+$0x11420];
	v3 =	vadd.f32 v5, v3;
	v5 =	vmul.f32 v9, v8  }
0x3a7: {  	v23 =	vld [tilespmem:s12+$0x13420]  }
0x3a8: {  	v58 =	vld [tilespmem:s12+$0x15420];
	v3 =	vadd.f32 v5, v3;
	v5 =	vmul.f32 v11, v10  }
0x3a9: {  	v59 =	vld [tilespmem:s12+$0x12430]  }
0x3aa: {  	v60 =	vld [tilespmem:s12+$0x13430];
	v3 =	vadd.f32 v5, v3;
	v5 =	vmul.f32 v13, v12  }
0x3ab: {  	v7 =	vld [tilespmem:s12+$0x11410]  }
0x3ac: {  	v61 =	vld [tilespmem:s12+$0x14430];
	v3 =	vadd.f32 v5, v3;
	v5 =	vmul.f32 v15, v14  }
0x3ad: {  	v62 =	vld [tilespmem:s12+$0x15430]  }
0x3ae: {  	v9 =	vld [tilespmem:s12+$0x12410];
	v3 =	vadd.f32 v5, v3;
	v5 =	vmul.f32 v16, v4  }
0x3af: {  	v11 =	vld [tilespmem:s12+$0x13410]  }
0x3b0: {  	v17 =	vmul.f32 v17, v1;
	v7 =	vmul.f32 v7, v2;
	v13 =	vld [tilespmem:s12+$0x14410];
	v3 =	vadd.f32 v5, v3  }
0x3b1: {  	v15 =	vld [tilespmem:s12+$0x15410]  }
0x3b2: {  	v18 =	vmul.f32 v18, v1;
	v7 =	vadd.f32 v7, v17;
	v17 =	vld [tilespmem:s12+$0x11440];
	(xrf2) =	vadd.scan.msk.f32 $0xffff, v3  }
0x3b3: {  	v19 =	vmul.f32 v19, v1;
	v20 =	vmul.f32 v20, v1;
	v16 =	vld [tilespmem:s12+$0x12420]  }
0x3b4: {  	v9 =	vmul.f32 v9, v2;
	v11 =	vmul.f32 v11, v2;
	v5 =	vld [tilespmem:s12+$0x14420]  }
0x3b5: {  	v1 =	vmul.f32 v21, v1;
	v13 =	vmul.f32 v13, v2;
	v3 =	vld [tilespmem:s12+$0x11430]  }
0x3b6: {  	v63 =	vld [tilespmem:s12+$0x14450];
	v9 =	vadd.f32 v9, v18;
	v11 =	vadd.f32 v11, v19;
	v2 =	vmul.f32 v15, v2  }
0x3b7: {  	v18 =	vld [tilespmem:s12+$0x12440];
	v17 =	vmul.f32 v17, v10;
	v15 =	vmul.f32 v22, v6;
	v13 =	vadd.f32 v13, v20  }
0x3b8: {  	s0 =	simm.s32 $0x0;
	v19 =	vld [tilespmem:s12+$0x13440];
	v20 =	vmul.f32 v23, v6;
	v16 =	vmul.f32 v16, v6;
	v1 =	vadd.f32 v2, v1  }
0x3b9: {  	v22 =	vld [tilespmem:s12+$0x11450];
	v7 =	vadd.f32 v15, v7;
	v2 =	vmov s0;
	v5 =	vmul.f32 v5, v6  }
0x3ba: {  	v23 =	vld [tilespmem:s12+$0x13450];
	v11 =	vadd.f32 v20, v11;
	vm0 =	veq.s32 v2, v0;
	v3 =	vmul.f32 v3, v8  }
0x3bb: {  	v15 =	vld [tilespmem:s12+$0x14440];
	v9 =	vadd.f32 v16, v9;
	v6 =	vmul.f32 v58, v6;
	v5 =	vadd.f32 v5, v13  }
0x3bc: {  	v20 =	vld [tilespmem:s12+$0x12450];
	v13 =	vmul.f32 v59, v8;
	v3 =	vadd.f32 v3, v7;
	v7 =	vmul.f32 v61, v8;
	v21, _, _ =	vpop (xrf2)  }
0x3bd: {  	v2 =	vimm.f32 $0.0e+00;
	v16 =	vld [tilespmem:s12+$0x15440];
	v6 =	vadd.f32 v6, v1;
	v21 =	vbroadcast v21, $0xF  }
0x3be: {  	v9 =	vadd.f32 v13, v9;
	v13 =	vld [tilespmem:s12+$0x15450];
	v5 =	vadd.f32 v7, v5;
	v7 =	vmul.f32 v18, v10  }
0x3bf: {  	v18 =	vmul.f32 v19, v10;
	v19 =	vld [tilespmem:s12+$0x12460];
	v1 =	vsel vm0, v21, v2;
	v21 =	vmul.f32 v60, v8  }
0x3c0: {  	v3 =	vadd.f32 v17, v3;
	v17 =	vld [tilespmem:s12+$0x15460];
	v8 =	vmul.f32 v62, v8  }
0x3c1: {  	v11 =	vadd.f32 v21, v11;
	v21 =	vld [tilespmem:s12+$0x11460]  }
0x3c2: {  	v7 =	vadd.f32 v7, v9;
	v6 =	vadd.f32 v8, v6;
	v8 =	vmul.f32 v15, v10;
	v15 =	vld [tilespmem:s12+$0x13460]  }
0x3c3: {  	v10 =	vmul.f32 v16, v10;
	v16 =	vmul.f32 v22, v12;
	v9 =	vadd.f32 v18, v11;
	v11 =	vld [tilespmem:s12+$0x14460]  }
0x3c4: {  	v5 =	vadd.f32 v8, v5;
	v8 =	vmul.f32 v20, v12;
	v20 =	vld [tilespmem:s12+$0x11470]  }
0x3c5: {  	v6 =	vadd.f32 v10, v6;
	v10 =	vmul.f32 v23, v12;
	v3 =	vadd.f32 v16, v3;
	v16 =	vld [tilespmem:s12+$0x13470]  }
0x3c6: {  	v18 =	vmul.f32 v63, v12;
	v7 =	vadd.f32 v8, v7;
	v8 =	vmul.f32 v13, v12  }
0x3c7: {  	v17 =	vmul.f32 v17, v14;
	v13 =	vld [tilespmem:s12+$0x12470];
	v9 =	vadd.f32 v10, v9;
	v10 =	vmul.f32 v21, v14  }
0x3c8: {  	v5 =	vadd.f32 v18, v5;
	v12 =	vmul.f32 v19, v14;
	v6 =	vadd.f32 v8, v6  }
0x3c9: {  	v8 =	vmul.f32 v15, v14;
	v15 =	vld [tilespmem:s12+$0x14470];
	v3 =	vadd.f32 v10, v3;
	v10 =	vmul.f32 v11, v14  }
0x3ca: {  	s14 =	simm.s32 $0x80;
	v11 =	vadd.f32 v12, v7;
	v14 =	vld [tilespmem:s12+$0x15470];
	v7 =	vmul.f32 v20, v4;
	v21 =	vmul.f32 v16, v4  }
0x3cb: {  	v22 =	vld [tilespmem:s14+$0x16400];
	v12 =	vadd.f32 v8, v9;
	v18 =	vadd.f32 v17, v6;
	v6 =	vimm.f32 $0.0e+00  }
0x3cc: {  	v8 =	vld [tilespmem:s14+$0x10400];
	v19 =	vadd.f32 v10, v5;
	v20 =	vmul.f32 v13, v4;
	v10 =	vadd.f32 v7, v3  }
0x3cd: {  	s20 =	simm.s32 $0x400;
	v9 =	vld [tilespmem:s14+$0x10410];
	v5 =	vimm.f32 $0.0e+00;
	v7 =	vimm.f32 $0.0e+00;
	v3 =	vimm.f32 $0.0e+00  }
.LBB2_11:
0x3ce: {  	p1 =	sne.s32 s20, $0x1E00;
	v16 =	vld [tilespmem:s14+$0x16410];
	v11 =	vadd.f32 v20, v11;
	v13 =	vmul.f32 v15, v4  }
0x3cf: {  	v15 =	vld [tilespmem:s14+$0x10420];
	v17 =	vadd.f32 v21, v12;
	v4 =	vmul.f32 v14, v4;
	(xrf2) =	vadd.scan.msk.f32 $0xffff, v10  }
0x3d0: {  	v10 =	vld [tilespmem:s14+$0x16420];
	v14 =	vadd.f32 v13, v19  }
0x3d1: {  	v13 =	vld [tilespmem:s14+$0x10430];
	v18 =	vadd.f32 v4, v18  }
0x3d2: {  	v4 =	vld [tilespmem:s14+$0x16430];
	(xrf2) =	vadd.scan.msk.f32 $0xffff, v11  }
0x3d3: {  	v19 =	vmul.f32 v22, v8;
	v12 =	vld [tilespmem:s14+$0x10440];
	v16 =	vmul.f32 v16, v9  }
0x3d4: {  	v20 =	vld [tilespmem:s14+$0x16440]  }
0x3d5: {  	v11 =	vld [tilespmem:s14+$0x10450];
	v16 =	vadd.f32 v16, v19;
	v19 =	vmul.f32 v10, v15;
	(xrf2) =	vadd.scan.msk.f32 $0xffff, v17  }
0x3d6: {  	v17 =	vld [tilespmem:s14+$0x16450]  }
0x3d7: {  	v10 =	vld [tilespmem:s14+$0x10460];
	v16 =	vadd.f32 v19, v16;
	v22 =	vmul.f32 v4, v13  }
0x3d8: {  	v21 =	vld [tilespmem:s14+$0x16460];
	(xrf2) =	vadd.scan.msk.f32 $0xffff, v14  }
0x3d9: {  	v4 =	vld [tilespmem:s14+$0x10470];
	v14 =	vadd.f32 v22, v16;
	v16 =	vmul.f32 v20, v12;
	v19, _, _ =	vpop (xrf2)  }
0x3da: {  	v20 =	vld [tilespmem:s14+$0x16470];
	v19 =	vbroadcast v19, $0xF  }
0x3db: {  	v22 =	vld [tilespmem:s14+$0x11400];
	v14 =	vadd.f32 v16, v14;
	v16 =	vmul.f32 v17, v11;
	(xrf2) =	vadd.scan.msk.f32 $0xffff, v18  }
0x3dc: {  	v17 =	vld [tilespmem:s14+$0x11410];
	v2 =	vsel vm0, v19, v2;
	v18, _, _ =	vpop (xrf2)  }
0x3dd: {  	v19 =	vld [tilespmem:s14+$0x12400];
	v14 =	vadd.f32 v16, v14;
	v16 =	vmul.f32 v21, v10;
	v24 =	vbroadcast v18, $0xF  }
0x3de: {  	v21 =	vld [tilespmem:s14+$0x12410]  }
0x3df: {  	v23 =	vld [tilespmem:s14+$0x13400];
	v14 =	vadd.f32 v16, v14;
	v16 =	vmul.f32 v20, v4;
	v5 =	vsel vm0, v24, v5;
	v18, _, _ =	vpop (xrf2)  }
0x3e0: {  	v20 =	vmul.f32 v22, v8;
	v22 =	vld [tilespmem:s14+$0x13410];
	v25 =	vbroadcast v18, $0xF  }
0x3e1: {  	v17 =	vmul.f32 v17, v9;
	v24 =	vld [tilespmem:s14+$0x14400];
	v14 =	vadd.f32 v16, v14  }
0x3e2: {  	v16 =	vmul.f32 v19, v8;
	v19 =	vld [tilespmem:s14+$0x14410];
	v6 =	vsel vm0, v25, v6;
	v18, _, _ =	vpop (xrf2)  }
0x3e3: {  	v17 =	vadd.f32 v17, v20;
	v20 =	vmul.f32 v21, v9;
	v21 =	vld [tilespmem:s14+$0x15400];
	(xrf2) =	vadd.scan.msk.f32 $0xffff, v14;
	v26 =	vbroadcast v18, $0xF  }
0x3e4: {  	v18 =	vmul.f32 v23, v8;
	v23 =	vld [tilespmem:s14+$0x15410]  }
0x3e5: {  	v25 =	vld [tilespmem:s14+$0x11420];
	v16 =	vadd.f32 v20, v16;
	v20 =	vmul.f32 v22, v9;
	v7 =	vsel vm0, v26, v7;
	v14, _, _ =	vpop (xrf2)  }
0x3e6: {  	v22 =	vld [tilespmem:s14+$0x12420];
	v24 =	vmul.f32 v24, v8;
	v14 =	vbroadcast v14, $0xF  }
0x3e7: {  	v18 =	vadd.f32 v20, v18;
	v20 =	vld [tilespmem:s14+$0x13420];
	v19 =	vmul.f32 v19, v9  }
0x3e8: {  	v26 =	vld [tilespmem:s14+$0x14420];
	v8 =	vmul.f32 v21, v8;
	v3 =	vsel vm0, v14, v3  }
0x3e9: {  	v14 =	vadd.f32 v19, v24;
	v9 =	vmul.f32 v23, v9;
	v19 =	vld [tilespmem:s14+$0x15420]  }
0x3ea: {  	v21 =	vmul.f32 v25, v15;
	v23 =	vld [tilespmem:s14+$0x11430]  }
0x3eb: {  	v22 =	vmul.f32 v22, v15;
	v24 =	vld [tilespmem:s14+$0x12430];
	v8 =	vadd.f32 v9, v8  }
0x3ec: {  	v9 =	vadd.f32 v21, v17;
	v17 =	vmul.f32 v20, v15;
	v20 =	vld [tilespmem:s14+$0x13430]  }
0x3ed: {  	s0 =	sadd.s32 $0x1, s0;
	v16 =	vadd.f32 v22, v16;
	v21 =	vmul.f32 v26, v15;
	v22 =	vld [tilespmem:s14+$0x14430];
	v25, _, _ =	vpop (xrf2)  }
0x3ee: {  	v26 =	vmov s0;
	v15 =	vmul.f32 v19, v15;
	v19 =	vld [tilespmem:s14+$0x15430];
	v25 =	vbroadcast v25, $0xF  }
0x3ef: {  	vm0 =	veq.s32 v26, v0;
	v17 =	vadd.f32 v17, v18;
	v26 =	vld [tilespmem:s14+$0x11440];
	v14 =	vadd.f32 v21, v14  }
0x3f0: {  	v18 =	vmul.f32 v23, v13;
	v21 =	vld [tilespmem:s14+$0x12440];
	v8 =	vadd.f32 v15, v8;
	v1 =	vsel vm0, v25, v1  }
0x3f1: {  	v15 =	vmul.f32 v24, v13;
	v20 =	vmul.f32 v20, v13;
	v23 =	vld [tilespmem:s14+$0x13440]  }
0x3f2: {  	v9 =	vadd.f32 v18, v9;
	v18 =	vmul.f32 v22, v13;
	v22 =	vld [tilespmem:s14+$0x14440]  }
0x3f3: {  	v15 =	vadd.f32 v15, v16;
	v16 =	vadd.f32 v20, v17;
	v13 =	vmul.f32 v19, v13;
	v17 =	vld [tilespmem:s14+$0x15440]  }
0x3f4: {  	v19 =	vmul.f32 v26, v12;
	v20 =	vld [tilespmem:s14+$0x11450];
	v14 =	vadd.f32 v18, v14  }
0x3f5: {  	v18 =	vmul.f32 v21, v12;
	v21 =	vld [tilespmem:s14+$0x12450];
	v8 =	vadd.f32 v13, v8  }
0x3f6: {  	v9 =	vadd.f32 v19, v9;
	v13 =	vmul.f32 v23, v12;
	v19 =	vld [tilespmem:s14+$0x13450]  }
0x3f7: {  	v15 =	vadd.f32 v18, v15;
	v18 =	vmul.f32 v22, v12;
	v22 =	vld [tilespmem:s14+$0x14450]  }
0x3f8: {  	v13 =	vadd.f32 v13, v16;
	v12 =	vmul.f32 v17, v12;
	v16 =	vld [tilespmem:s14+$0x15450]  }
0x3f9: {  	v17 =	vmul.f32 v20, v11;
	v20 =	vld [tilespmem:s14+$0x11460];
	v14 =	vadd.f32 v18, v14  }
0x3fa: {  	v18 =	vmul.f32 v21, v11;
	v21 =	vld [tilespmem:s14+$0x12460];
	v8 =	vadd.f32 v12, v8  }
0x3fb: {  	v9 =	vadd.f32 v17, v9;
	v12 =	vmul.f32 v19, v11;
	v17 =	vld [tilespmem:s14+$0x13460]  }
0x3fc: {  	v15 =	vadd.f32 v18, v15;
	v18 =	vmul.f32 v22, v11;
	v19 =	vld [tilespmem:s14+$0x14460]  }
0x3fd: {  	v12 =	vadd.f32 v12, v13;
	v11 =	vmul.f32 v16, v11;
	v13 =	vld [tilespmem:s14+$0x15460]  }
0x3fe: {  	v16 =	vmul.f32 v20, v10;
	v20 =	vld [tilespmem:s14+$0x11470];
	v18 =	vadd.f32 v18, v14  }
0x3ff: {  	v14 =	vmul.f32 v21, v10;
	v21 =	vld [tilespmem:s14+$0x12470];
	v22 =	vadd.f32 v11, v8  }
0x400: {  	v16 =	vadd.f32 v16, v9;
	v8 =	vmul.f32 v17, v10;
	v17 =	vld [tilespmem:s14+$0x13470]  }
.Ltmp6:
0x401: {  	v11 =	vadd.f32 v14, v15;
	v9 =	vmul.f32 v19, v10;
	v15 =	vld [tilespmem:s14+$0x14470];
	(pc) =	sbr.rel @p1 .LBB2_11-.Ltmp6, $4  }
0x402: {  	v12 =	vadd.f32 v8, v12;
	v10 =	vmul.f32 v13, v10;
	v14 =	vld [tilespmem:s14+$0x15470];
	s14 =	sshra.s32 s20, $0x2  }
0x403: {  	v8 =	vld [tilespmem:s14+$0x10400];
	v13 =	vmul.f32 v20, v4;
	v19 =	vadd.f32 v9, v18  }
0x404: {  	v9 =	vld [tilespmem:s14+$0x10410];
	v20 =	vmul.f32 v21, v4;
	v18 =	vadd.f32 v10, v22  }
0x405: {  	s20 =	sadd.s32 $0x200, s20;
	v22 =	vld [tilespmem:s14+$0x16400];
	v10 =	vadd.f32 v13, v16;
	v21 =	vmul.f32 v17, v4  }
0x406: {  	v23 =	vld [tilespmem:s14+$0x16410]  }
0x407: {  	v24 =	vld [tilespmem:s14+$0x10420]  }
0x408: {  	v25 =	vld [tilespmem:s14+$0x16420]  }
0x409: {  	v26 =	vld [tilespmem:s14+$0x10430]  }
0x40a: {  	v27 =	vld [tilespmem:s14+$0x16430]  }
0x40b: {  	v28 =	vld [tilespmem:s14+$0x10440]  }
0x40c: {  	v29 =	vld [tilespmem:s14+$0x16440]  }
0x40d: {  	v17 =	vld [tilespmem:s14+$0x10450]  }
0x40e: {  	v30 =	vld [tilespmem:s14+$0x16450]  }
0x40f: {  	v16 =	vld [tilespmem:s14+$0x10460]  }
0x410: {  	v31 =	vld [tilespmem:s14+$0x16460]  }
0x411: {  	v13 =	vld [tilespmem:s14+$0x10470]  }
0x412: {  	v32 =	vld [tilespmem:s14+$0x16470]  }
0x413: {  	v33 =	vld [tilespmem:s14+$0x11400]  }
0x414: {  	v34 =	vld [tilespmem:s14+$0x11410]  }
0x415: {  	v35 =	vld [tilespmem:s14+$0x12400]  }
0x416: {  	v36 =	vld [tilespmem:s14+$0x12410]  }
0x417: {  	v37 =	vld [tilespmem:s14+$0x13400]  }
0x418: {  	v38 =	vld [tilespmem:s14+$0x13410]  }
0x419: {  	v39 =	vld [tilespmem:s14+$0x14400]  }
0x41a: {  	v40 =	vld [tilespmem:s14+$0x14410]  }
0x41b: {  	v41 =	vld [tilespmem:s14+$0x15400]  }
0x41c: {  	v42 =	vld [tilespmem:s14+$0x15410]  }
0x41d: {  	v43 =	vld [tilespmem:s14+$0x11420]  }
0x41e: {  	v44 =	vld [tilespmem:s14+$0x12420]  }
0x41f: {  	v45 =	vld [tilespmem:s14+$0x13420]  }
0x420: {  	v46 =	vld [tilespmem:s14+$0x14420]  }
0x421: {  	v47 =	vld [tilespmem:s14+$0x15420]  }
0x422: {  	v48 =	vld [tilespmem:s14+$0x11430]  }
0x423: {  	v49 =	vld [tilespmem:s14+$0x12430]  }
0x424: {  	v50 =	vld [tilespmem:s14+$0x13430]  }
0x425: {  	v51 =	vld [tilespmem:s14+$0x14430]  }
0x426: {  	v52 =	vld [tilespmem:s14+$0x15430]  }
0x427: {  	v53 =	vld [tilespmem:s14+$0x11440]  }
0x428: {  	v54 =	vld [tilespmem:s14+$0x13440]  }
0x429: {  	v55 =	vld [tilespmem:s14+$0x15440]  }
0x42a: {  	v56 =	vld [tilespmem:s14+$0x12450]  }
0x42b: {  	v57 =	vld [tilespmem:s14+$0x14450]  }
0x42c: {  	v15 =	vmul.f32 v15, v4;
	v58 =	vld [tilespmem:s14+$0x11460];
	s20 =	simm.s32 $0x0;
	v4 =	vmul.f32 v14, v4  }
0x42d: {  	(xrf2) =	vadd.scan.msk.f32 $0xffff, v10;
	v10 =	vld [tilespmem:s20+$0x10C40];
	v22 =	vmul.f32 v22, v8;
	v23 =	vmul.f32 v23, v9  }
0x42e: {  	v21 =	vadd.f32 v21, v12;
	v4 =	vadd.f32 v4, v18;
	v18 =	vld [tilespmem:s14+$0x13460]  }
0x42f: {  	v12 =	vmul.f32 v32, v13;
	v32 =	vld [tilespmem:s14+$0x14460];
	v22 =	vadd.f32 v23, v22;
	v23 =	vmul.f32 v25, v24  }
0x430: {  	v20 =	vadd.f32 v20, v11;
	v19 =	vadd.f32 v15, v19;
	v15 =	vmul.f32 v34, v9;
	v34 =	vld [tilespmem:s14+$0x15460]  }
0x431: {  	v14 =	vmul.f32 v33, v8;
	v33 =	vld [tilespmem:s14+$0x12470];
	v22 =	vadd.f32 v23, v22;
	v23 =	vmul.f32 v27, v26  }
0x432: {  	(xrf2) =	vadd.scan.msk.f32 $0xffff, v20;
	v61 =	vmul.f32 v38, v9;
	v38 =	vld [tilespmem:s14+$0x13470]  }
0x433: {  	(xrf2) =	vadd.scan.msk.f32 $0xffff, v21;
	v62 =	vmul.f32 v40, v9;
	v40 =	vld [tilespmem:s14+$0x14470];
	v22 =	vadd.f32 v23, v22;
	v23 =	vmul.f32 v29, v28  }
0x434: {  	(xrf2) =	vadd.scan.msk.f32 $0xffff, v19;
	v63 =	vmul.f32 v43, v24;
	v60 =	vmul.f32 v51, v26;
	v51 =	vld [tilespmem:s20+$0x16C40]  }
0x435: {  	v44 =	vmul.f32 v44, v24;
	(xrf2) =	vadd.scan.msk.f32 $0xffff, v4;
	v4 =	vld [tilespmem:s20+$0x10C70];
	v22 =	vadd.f32 v23, v22;
	v23 =	vmul.f32 v30, v17  }
0x436: {  	v46 =	vmul.f32 v46, v24;
	v48 =	vmul.f32 v48, v26;
	v25 =	vld [tilespmem:s14+$0x12440];
	v14 =	vadd.f32 v15, v14  }
0x437: {  	v15 =	vmul.f32 v37, v8;
	v37 =	vld [tilespmem:s14+$0x15470];
	v22 =	vadd.f32 v23, v22;
	v23 =	vmul.f32 v31, v16  }
0x438: {  	v49 =	vmul.f32 v49, v26;
	v59 =	vmul.f32 v50, v26;
	v27 =	vld [tilespmem:s14+$0x14440]  }
0x439: {  	v50 =	vmul.f32 v57, v17;
	v18 =	vmul.f32 v18, v16;
	v29 =	vld [tilespmem:s14+$0x11450];
	v11 =	vadd.f32 v23, v22  }
0x43a: {  	v15 =	vadd.f32 v61, v15;
	v26 =	vmul.f32 v52, v26;
	v61 =	vld [tilespmem:s20+$0x16C00];
	v52 =	vmul.f32 v58, v16  }
0x43b: {  	v22 =	vld [tilespmem:s14+$0x12460];
	v23 =	vadd.f32 v12, v11;
	v11 =	vmul.f32 v35, v8;
	v12 =	vmul.f32 v36, v9  }
0x43c: {  	v25 =	vmul.f32 v25, v28;
	v30 =	vld [tilespmem:s14+$0x13450];
	v9 =	vmul.f32 v42, v9;
	v35 =	vadd.f32 v63, v14  }
0x43d: {  	v31 =	vld [tilespmem:s14+$0x15450];
	v11 =	vadd.f32 v12, v11;
	v12 =	vmul.f32 v39, v8;
	v8 =	vmul.f32 v41, v8  }
0x43e: {  	v27 =	vmul.f32 v27, v28;
	v29 =	vmul.f32 v29, v17;
	v36 =	vld [tilespmem:s14+$0x11470]  }
0x43f: {  	v14 =	vld [tilespmem:s20+$0x10C00];
	v35 =	vadd.f32 v48, v35;
	v8 =	vadd.f32 v9, v8;
	v9 =	vmul.f32 v45, v24  }
0x440: {  	v63 =	vld [tilespmem:s20+$0x16C10];
	v22 =	vmul.f32 v22, v16;
	v12 =	vadd.f32 v62, v12;
	v24 =	vmul.f32 v47, v24  }
0x441: {  	v42 =	vld [tilespmem:s20+$0x15C10];
	v11 =	vadd.f32 v44, v11;
	v62 =	vmul.f32 v53, v28;
	v9 =	vadd.f32 v9, v15  }
0x442: {  	v48 =	vld [tilespmem:s20+$0x16C30];
	v44 =	vmul.f32 v54, v28;
	v12 =	vadd.f32 v46, v12;
	v8 =	vadd.f32 v24, v8  }
0x443: {  	(xrf2) =	vadd.scan.msk.f32 $0xffff, v23;
	v23 =	vld [tilespmem:s20+$0x16C70];
	v28 =	vmul.f32 v55, v28;
	v11 =	vadd.f32 v49, v11;
	v24 =	vadd.f32 v62, v35  }
0x444: {  	v45 =	vld [tilespmem:s20+$0x16C20];
	v47 =	vmul.f32 v56, v17;
	v9 =	vadd.f32 v59, v9;
	v39 =	vadd.f32 v60, v12  }
0x445: {  	v53 =	vld [tilespmem:s20+$0x16C50];
	v54 =	vmul.f32 v32, v16;
	v8 =	vadd.f32 v26, v8;
	v25 =	vadd.f32 v25, v11  }
0x446: {  	v55 =	vld [tilespmem:s20+$0x16C60];
	v49 =	vmul.f32 v30, v17;
	v24 =	vadd.f32 v29, v24;
	v9 =	vadd.f32 v44, v9  }
0x447: {  	v58 =	vmul.f32 v61, v14;
	v61 =	vld [tilespmem:s20+$0x14C00];
	v46 =	vadd.f32 v27, v39;
	v20 =	vadd.f32 v47, v25  }
0x448: {  	v16 =	vmul.f32 v34, v16;
	v15 =	vld [tilespmem:s20+$0x10C10];
	v8 =	vadd.f32 v28, v8;
	v21 =	vadd.f32 v49, v9  }
0x449: {  	v17 =	vmul.f32 v31, v17;
	v12 =	vld [tilespmem:s20+$0x10C20];
	v24 =	vadd.f32 v52, v24;
	v20 =	vadd.f32 v22, v20  }
0x44a: {  	v11 =	vld [tilespmem:s20+$0x10C30];
	v22 =	vmul.f32 v36, v13;
	v18 =	vadd.f32 v18, v21;
	v21 =	vmul.f32 v33, v13  }
0x44b: {  	v56 =	vmul.f32 v38, v13;
	v9 =	vld [tilespmem:s20+$0x10C50];
	v19 =	vadd.f32 v50, v46;
	v17 =	vadd.f32 v17, v8  }
0x44c: {  	v8 =	vld [tilespmem:s20+$0x10C60];
	v22 =	vadd.f32 v22, v24;
	v20 =	vadd.f32 v21, v20;
	v21 =	vmul.f32 v40, v13  }
0x44d: {  	v49 =	vld [tilespmem:s20+$0x14C20];
	v16 =	vadd.f32 v16, v17;
	v17 =	vadd.f32 v56, v18  }
0x44e: {  	v60 =	vld [tilespmem:s20+$0x13C10];
	v59 =	vmul.f32 v63, v15;
	v19 =	vadd.f32 v54, v19  }
0x44f: {  	v46 =	vmul.f32 v51, v10;
	v13 =	vmul.f32 v37, v13;
	(xrf2) =	vadd.scan.msk.f32 $0xffff, v22;
	v18 =	vld [tilespmem:s20+$0x11C00]  }
0x450: {  	v62 =	vmul.f32 v45, v12;
	v41 =	vmul.f32 v48, v11;
	v19 =	vadd.f32 v21, v19;
	(xrf2) =	vadd.scan.msk.f32 $0xffff, v20;
	v20 =	vld [tilespmem:s20+$0x11C10];
	v21, _, _ =	vpop (xrf2)  }
0x451: {  	v54 =	vmul.f32 v61, v14;
	v25 =	vmul.f32 v53, v9;
	v13 =	vadd.f32 v13, v16;
	v16 =	vld [tilespmem:s20+$0x12C00];
	(xrf2) =	vadd.scan.msk.f32 $0xffff, v17;
	v17, _, _ =	vpop (xrf2)  }
0x452: {  	s0 =	sadd.s32 $0x1, s0;
	v44 =	vld [tilespmem:s20+$0x11C20];
	v51 =	vmul.f32 v55, v8;
	v26 =	vmul.f32 v49, v12;
	v22, _, _ =	vpop (xrf2)  }
0x453: {  	v47 =	vld [tilespmem:s20+$0x12C20];
	v40 =	vmov s0;
	(xrf2) =	vadd.scan.msk.f32 $0xffff, v19;
	v21 =	vbroadcast v21, $0xF;
	v22 =	vbroadcast v22, $0xF  }
0x454: {  	v63 =	vld [tilespmem:s20+$0x14C10];
	vm1 =	veq.s32 v40, v0;
	v18 =	vmul.f32 v18, v14;
	v17 =	vbroadcast v17, $0xF  }
0x455: {  	(xrf2) =	vadd.scan.msk.f32 $0xffff, v13;
	v13 =	vld [tilespmem:s20+$0x13C00];
	v57, _, _ =	vpop (xrf2);
	v2 =	vsel vm0, v21, v2;
	v21 =	vadd.f32 v59, v58;
	v20 =	vmul.f32 v20, v15  }
0x456: {  	v52 =	vld [tilespmem:s20+$0x11C30];
	s0 =	simm.s32 $0x0;
	v16 =	vmul.f32 v16, v14;
	v24 =	vbroadcast v57, $0xF;
	v38, _, _ =	vpop (xrf2);
	v5 =	vsel vm0, v17, v5  }
0x457: {  	v59 =	vld [tilespmem:s20+$0x12C50];
	v57 =	vmov s0;
	v6 =	vsel vm0, v22, v6;
	v21 =	vadd.f32 v62, v21;
	v22, _, _ =	vpop (xrf2)  }
0x458: {  	v50 =	vld [tilespmem:s20+$0x15C20];
	v32 =	vbroadcast v38, $0xF;
	v18 =	vadd.f32 v20, v18;
	v22 =	vbroadcast v22, $0xF  }
0x459: {  	v17 =	vld [tilespmem:s20+$0x15C00];
	v20 =	vmul.f32 v63, v15;
	v7 =	vsel vm0, v24, v7;
	v21 =	vadd.f32 v41, v21;
	v43, _, _ =	vpop (xrf2)  }
0x45a: {  	v48 =	vld [tilespmem:s20+$0x13C20];
	v32 =	vsel vm0, v32, v3;
	v13 =	vmul.f32 v13, v14;
	v34 =	vbroadcast v43, $0xF;
	v45, _, _ =	vpop (xrf2)  }
0x45b: {  	v19 =	vld [tilespmem:s20+$0x12C10];
	v21 =	vadd.f32 v46, v21;
	v3 =	vsel vm1, v22, v1;
	v1 =	vbroadcast v45, $0xF  }
0x45c: {  	v56 =	vld [tilespmem:s20+$0x12C40];
	v20 =	vadd.f32 v20, v54;
	v61 =	vmul.f32 v59, v9;
	v34 =	vsel vm1, v34, v2;
	v22, _, _ =	vpop (xrf2)  }
0x45d: {  	v53 =	vld [tilespmem:s20+$0x13C30];
	v21 =	vadd.f32 v25, v21;
	v5 =	vsel vm1, v1, v5;
	v2, _, _ =	vpop (xrf2);
	v1 =	vbroadcast v22, $0xF  }
0x45e: {  	v63 =	vld [tilespmem:s20+$0x11C70];
	vm0 =	veq.s32 v57, v0;
	v14 =	vmul.f32 v17, v14;
	v2 =	vbroadcast v2, $0xF  }
0x45f: {  	v55 =	vld [tilespmem:s20+$0x15C30];
	v21 =	vadd.f32 v51, v21;
	v6 =	vsel vm1, v1, v6;
	v1 =	vmul.f32 v23, v4  }
0x460: {  	v58 =	vld [tilespmem:s20+$0x15C40];
	[tilespmem:s25+$0x16C0] =	vst v3;
	v3 =	vimm.f32 $0.0e+00;
	v22, _, _ =	vpop (xrf2);
	v7 =	vsel vm1, v2, v7;
	v2 =	vmul.f32 v19, v15  }
0x461: {  	v22 =	vbroadcast v22, $0xF;
	v23 =	vld [tilespmem:s20+$0x12C30];
	v1 =	vadd.f32 v1, v21;
	v21 =	vmul.f32 v60, v15  }
0x462: {  	v19 =	vld [tilespmem:s20+$0x14C30];
	[tilespmem:s25+$0x1540] =	vst v6;
	v15 =	vmul.f32 v42, v15;
	v2 =	vadd.f32 v2, v16;
	v16 =	vmul.f32 v44, v12  }
0x463: {  	v17 =	vld [tilespmem:s20+$0x11C40];
	v6 =	vmul.f32 v63, v4;
	v13 =	vadd.f32 v21, v13;
	(xrf2) =	vadd.scan.msk.f32 $0xffff, v1;
	v1 =	vmul.f32 v47, v12  }
0x464: {  	v60 =	vld [tilespmem:s20+$0x13C50];
	v14 =	vadd.f32 v15, v14;
	v15 =	vadd.f32 v16, v18;
	v18 =	vmul.f32 v48, v12  }
0x465: {  	v22 =	vsel vm1, v22, v32;
	v21 =	vld [tilespmem:s20+$0x13C40];
	v1 =	vadd.f32 v1, v2;
	v2 =	vmul.f32 v50, v12  }
0x466: {  	v16 =	vld [tilespmem:s20+$0x14C40];
	v13 =	vadd.f32 v18, v13;
	v18 =	vadd.f32 v26, v20;
	v20 =	vmul.f32 v52, v11  }
0x467: {  	v12 =	vld [tilespmem:s20+$0x11C50];
	v19 =	vmul.f32 v19, v11;
	v2 =	vadd.f32 v2, v14;
	v14 =	vmul.f32 v23, v11  }
0x468: {  	v23 =	vmul.f32 v53, v11;
	v11 =	vmul.f32 v55, v11;
	v15 =	vadd.f32 v20, v15;
	v20 =	vld [tilespmem:s20+$0x14C50]  }
0x469: {  	v18 =	vadd.f32 v19, v18;
	v1 =	vadd.f32 v14, v1;
	v14 =	vmul.f32 v17, v10;
	v17 =	vld [tilespmem:s20+$0x15C50]  }
0x46a: {  	v19 =	vmul.f32 v56, v10;
	v13 =	vadd.f32 v23, v13;
	v11 =	vadd.f32 v11, v2;
	v23 =	vld [tilespmem:s20+$0x11C60]  }
0x46b: {  	v16 =	vmul.f32 v16, v10;
	v14 =	vadd.f32 v14, v15;
	v15 =	vmul.f32 v21, v10;
	v21 =	vld [tilespmem:s20+$0x12C60]  }
0x46c: {  	v12 =	vmul.f32 v12, v9;
	v19 =	vadd.f32 v19, v1;
	v1 =	vmul.f32 v58, v10;
	v10 =	vld [tilespmem:s20+$0x13C60]  }
0x46d: {  	v2 =	vimm.f32 $0.0e+00;
	v16 =	vadd.f32 v16, v18;
	v18 =	vld [tilespmem:s20+$0x14C60];
	v13 =	vadd.f32 v15, v13  }
0x46e: {  	v62 =	vld [tilespmem:s20+$0x15C60];
	v11 =	vadd.f32 v1, v11;
	v12 =	vadd.f32 v12, v14;
	v14 =	vmul.f32 v60, v9  }
0x46f: {  	v20 =	vmul.f32 v20, v9;
	v19 =	vadd.f32 v61, v19;
	v9 =	vmul.f32 v17, v9;
	v15, _, _ =	vpop (xrf2)  }
0x470: {  	v17 =	vld [tilespmem:s20+$0x12C70];
	v14 =	vadd.f32 v14, v13;
	v13 =	vmul.f32 v23, v8;
	v15 =	vbroadcast v15, $0xF  }
0x471: {  	v20 =	vadd.f32 v20, v16;
	v23 =	vld [tilespmem:s20+$0x13C70];
	v16 =	vmul.f32 v21, v8;
	v9 =	vadd.f32 v9, v11  }
0x472: {  	v10 =	vmul.f32 v10, v8;
	v11 =	vmul.f32 v18, v8;
	v1 =	vsel vm0, v15, v2;
	v15 =	vld [tilespmem:s20+$0x14C70]  }
0x473: {  	s14 =	simm.s32 $0x80;
	[tilespmem:s25+$0x14C0] =	vst v5;
	v5 =	vadd.f32 v13, v12;
	v12 =	vmul.f32 v62, v8;
	v13 =	vadd.f32 v16, v19;
	v16 =	vld [tilespmem:s20+$0x15C70]  }
0x474: {  	[tilespmem:s25+$0x15C0] =	vst v7;
	v7 =	vimm.f32 $0.0e+00;
	v21 =	vld [tilespmem:s14+$0x16C00];
	v14 =	vadd.f32 v10, v14;
	v18 =	vadd.f32 v11, v20  }
0x475: {  	[tilespmem:s25+$0x1440] =	vst v34;
	v8 =	vld [tilespmem:s14+$0x10C00];
	v19 =	vmul.f32 v17, v4;
	v17 =	vadd.f32 v12, v9;
	v10 =	vadd.f32 v6, v5  }
0x476: {  	[tilespmem:s25+$0x1640] =	vst v22;
	s20 =	simm.s32 $0x400;
	v9 =	vld [tilespmem:s14+$0x10C10];
	v6 =	vimm.f32 $0.0e+00;
	v5 =	vimm.f32 $0.0e+00;
	v20 =	vmul.f32 v23, v4  }
.LBB2_13:
0x477: {  	p1 =	sne.s32 s20, $0x1E00;
	v11 =	vld [tilespmem:s14+$0x16C10];
	v12 =	vadd.f32 v19, v13;
	v13 =	vmul.f32 v15, v4  }
0x478: {  	v15 =	vld [tilespmem:s14+$0x10C20];
	v14 =	vadd.f32 v20, v14;
	v4 =	vmul.f32 v16, v4;
	(xrf2) =	vadd.scan.msk.f32 $0xffff, v10  }
0x479: {  	v10 =	vld [tilespmem:s14+$0x16C20];
	v16 =	vadd.f32 v13, v18  }
0x47a: {  	v13 =	vld [tilespmem:s14+$0x10C30];
	v17 =	vadd.f32 v4, v17  }
0x47b: {  	v4 =	vld [tilespmem:s14+$0x16C30];
	(xrf2) =	vadd.scan.msk.f32 $0xffff, v12  }
0x47c: {  	v18 =	vmul.f32 v21, v8;
	v12 =	vld [tilespmem:s14+$0x10C40];
	v19 =	vmul.f32 v11, v9  }
0x47d: {  	v20 =	vld [tilespmem:s14+$0x16C40]  }
0x47e: {  	v11 =	vld [tilespmem:s14+$0x10C50];
	v18 =	vadd.f32 v19, v18;
	v19 =	vmul.f32 v10, v15;
	(xrf2) =	vadd.scan.msk.f32 $0xffff, v14  }
0x47f: {  	v14 =	vld [tilespmem:s14+$0x16C50]  }
0x480: {  	v10 =	vld [tilespmem:s14+$0x10C60];
	v18 =	vadd.f32 v19, v18;
	v22 =	vmul.f32 v4, v13  }
0x481: {  	v21 =	vld [tilespmem:s14+$0x16C60];
	(xrf2) =	vadd.scan.msk.f32 $0xffff, v16  }
0x482: {  	v4 =	vld [tilespmem:s14+$0x10C70];
	v16 =	vadd.f32 v22, v18;
	v23 =	vmul.f32 v20, v12;
	v19, _, _ =	vpop (xrf2)  }
0x483: {  	v20 =	vld [tilespmem:s14+$0x16C70];
	v19 =	vbroadcast v19, $0xF  }
0x484: {  	v22 =	vld [tilespmem:s14+$0x11C00];
	v16 =	vadd.f32 v23, v16;
	v14 =	vmul.f32 v14, v11;
	(xrf2) =	vadd.scan.msk.f32 $0xffff, v17  }
0x485: {  	v17 =	vld [tilespmem:s14+$0x11C10];
	v2 =	vsel vm0, v19, v2;
	v18, _, _ =	vpop (xrf2)  }
0x486: {  	v19 =	vld [tilespmem:s14+$0x12C00];
	v14 =	vadd.f32 v14, v16;
	v16 =	vmul.f32 v21, v10;
	v24 =	vbroadcast v18, $0xF  }
0x487: {  	v21 =	vld [tilespmem:s14+$0x12C10]  }
0x488: {  	v23 =	vld [tilespmem:s14+$0x13C00];
	v14 =	vadd.f32 v16, v14;
	v16 =	vmul.f32 v20, v4;
	v6 =	vsel vm0, v24, v6;
	v18, _, _ =	vpop (xrf2)  }
0x489: {  	v20 =	vmul.f32 v22, v8;
	v22 =	vld [tilespmem:s14+$0x13C10];
	v25 =	vbroadcast v18, $0xF  }
0x48a: {  	v17 =	vmul.f32 v17, v9;
	v24 =	vld [tilespmem:s14+$0x14C00];
	v14 =	vadd.f32 v16, v14  }
0x48b: {  	v16 =	vmul.f32 v19, v8;
	v19 =	vld [tilespmem:s14+$0x14C10];
	v7 =	vsel vm0, v25, v7;
	v18, _, _ =	vpop (xrf2)  }
0x48c: {  	v17 =	vadd.f32 v17, v20;
	v20 =	vmul.f32 v21, v9;
	v21 =	vld [tilespmem:s14+$0x15C00];
	(xrf2) =	vadd.scan.msk.f32 $0xffff, v14;
	v26 =	vbroadcast v18, $0xF  }
0x48d: {  	v18 =	vmul.f32 v23, v8;
	v23 =	vld [tilespmem:s14+$0x15C10]  }
0x48e: {  	v25 =	vld [tilespmem:s14+$0x11C20];
	v16 =	vadd.f32 v20, v16;
	v20 =	vmul.f32 v22, v9;
	v5 =	vsel vm0, v26, v5;
	v14, _, _ =	vpop (xrf2)  }
0x48f: {  	v22 =	vld [tilespmem:s14+$0x12C20];
	v24 =	vmul.f32 v24, v8;
	v14 =	vbroadcast v14, $0xF  }
0x490: {  	v18 =	vadd.f32 v20, v18;
	v20 =	vld [tilespmem:s14+$0x13C20];
	v19 =	vmul.f32 v19, v9  }
0x491: {  	v26 =	vld [tilespmem:s14+$0x14C20];
	v8 =	vmul.f32 v21, v8;
	v3 =	vsel vm0, v14, v3  }
0x492: {  	v14 =	vadd.f32 v19, v24;
	v9 =	vmul.f32 v23, v9;
	v19 =	vld [tilespmem:s14+$0x15C20]  }
0x493: {  	v21 =	vmul.f32 v25, v15;
	v23 =	vld [tilespmem:s14+$0x11C30]  }
0x494: {  	v22 =	vmul.f32 v22, v15;
	v24 =	vld [tilespmem:s14+$0x12C30];
	v8 =	vadd.f32 v9, v8  }
0x495: {  	v9 =	vadd.f32 v21, v17;
	v17 =	vmul.f32 v20, v15;
	v20 =	vld [tilespmem:s14+$0x13C30]  }
0x496: {  	s0 =	sadd.s32 $0x1, s0;
	v16 =	vadd.f32 v22, v16;
	v21 =	vmul.f32 v26, v15;
	v22 =	vld [tilespmem:s14+$0x14C30];
	v25, _, _ =	vpop (xrf2)  }
0x497: {  	v26 =	vmov s0;
	v15 =	vmul.f32 v19, v15;
	v19 =	vld [tilespmem:s14+$0x15C30];
	v25 =	vbroadcast v25, $0xF  }
0x498: {  	vm0 =	veq.s32 v26, v0;
	v17 =	vadd.f32 v17, v18;
	v26 =	vld [tilespmem:s14+$0x11C40];
	v14 =	vadd.f32 v21, v14  }
0x499: {  	v18 =	vmul.f32 v23, v13;
	v21 =	vld [tilespmem:s14+$0x12C40];
	v8 =	vadd.f32 v15, v8;
	v1 =	vsel vm0, v25, v1  }
0x49a: {  	v15 =	vmul.f32 v24, v13;
	v20 =	vmul.f32 v20, v13;
	v23 =	vld [tilespmem:s14+$0x13C40]  }
0x49b: {  	v9 =	vadd.f32 v18, v9;
	v18 =	vmul.f32 v22, v13;
	v22 =	vld [tilespmem:s14+$0x14C40]  }
0x49c: {  	v15 =	vadd.f32 v15, v16;
	v16 =	vadd.f32 v20, v17;
	v13 =	vmul.f32 v19, v13;
	v17 =	vld [tilespmem:s14+$0x15C40]  }
0x49d: {  	v19 =	vmul.f32 v26, v12;
	v20 =	vld [tilespmem:s14+$0x11C50];
	v14 =	vadd.f32 v18, v14  }
0x49e: {  	v18 =	vmul.f32 v21, v12;
	v21 =	vld [tilespmem:s14+$0x12C50];
	v8 =	vadd.f32 v13, v8  }
0x49f: {  	v9 =	vadd.f32 v19, v9;
	v13 =	vmul.f32 v23, v12;
	v19 =	vld [tilespmem:s14+$0x13C50]  }
0x4a0: {  	v15 =	vadd.f32 v18, v15;
	v18 =	vmul.f32 v22, v12;
	v22 =	vld [tilespmem:s14+$0x14C50]  }
0x4a1: {  	v13 =	vadd.f32 v13, v16;
	v12 =	vmul.f32 v17, v12;
	v16 =	vld [tilespmem:s14+$0x15C50]  }
0x4a2: {  	v17 =	vmul.f32 v20, v11;
	v20 =	vld [tilespmem:s14+$0x11C60];
	v14 =	vadd.f32 v18, v14  }
0x4a3: {  	v18 =	vmul.f32 v21, v11;
	v21 =	vld [tilespmem:s14+$0x12C60];
	v8 =	vadd.f32 v12, v8  }
0x4a4: {  	v9 =	vadd.f32 v17, v9;
	v12 =	vmul.f32 v19, v11;
	v17 =	vld [tilespmem:s14+$0x13C60]  }
0x4a5: {  	v15 =	vadd.f32 v18, v15;
	v18 =	vmul.f32 v22, v11;
	v19 =	vld [tilespmem:s14+$0x14C60]  }
0x4a6: {  	v12 =	vadd.f32 v12, v13;
	v11 =	vmul.f32 v16, v11;
	v16 =	vld [tilespmem:s14+$0x15C60]  }
0x4a7: {  	v13 =	vmul.f32 v20, v10;
	v20 =	vld [tilespmem:s14+$0x11C70];
	v18 =	vadd.f32 v18, v14  }
0x4a8: {  	v14 =	vmul.f32 v21, v10;
	v21 =	vld [tilespmem:s14+$0x12C70];
	v11 =	vadd.f32 v11, v8  }
0x4a9: {  	v22 =	vadd.f32 v13, v9;
	v8 =	vmul.f32 v17, v10;
	v23 =	vld [tilespmem:s14+$0x13C70]  }
.Ltmp7:
0x4aa: {  	v13 =	vadd.f32 v14, v15;
	v9 =	vmul.f32 v19, v10;
	v15 =	vld [tilespmem:s14+$0x14C70];
	(pc) =	sbr.rel @p1 .LBB2_13-.Ltmp7, $4  }
0x4ab: {  	v14 =	vadd.f32 v8, v12;
	v10 =	vmul.f32 v16, v10;
	v16 =	vld [tilespmem:s14+$0x15C70];
	s14 =	sshra.s32 s20, $0x2  }
0x4ac: {  	v8 =	vld [tilespmem:s14+$0x10C00];
	v12 =	vmul.f32 v20, v4;
	v18 =	vadd.f32 v9, v18  }
0x4ad: {  	v9 =	vld [tilespmem:s14+$0x10C10];
	v19 =	vmul.f32 v21, v4;
	v17 =	vadd.f32 v10, v11  }
0x4ae: {  	s20 =	sadd.s32 $0x200, s20;
	v21 =	vld [tilespmem:s14+$0x16C00];
	v10 =	vadd.f32 v12, v22;
	v20 =	vmul.f32 v23, v4  }
0x4af: {  	v22 =	vld [tilespmem:s14+$0x16C10]  }
0x4b0: {  	v23 =	vld [tilespmem:s14+$0x10C20]  }
0x4b1: {  	v24 =	vld [tilespmem:s14+$0x16C20]  }
0x4b2: {  	v25 =	vld [tilespmem:s14+$0x10C30]  }
0x4b3: {  	v26 =	vld [tilespmem:s14+$0x16C30]  }
0x4b4: {  	v27 =	vld [tilespmem:s14+$0x10C40]  }
0x4b5: {  	v28 =	vld [tilespmem:s14+$0x16C40]  }
0x4b6: {  	v29 =	vld [tilespmem:s14+$0x10C50]  }
0x4b7: {  	v30 =	vld [tilespmem:s14+$0x16C50]  }
0x4b8: {  	v12 =	vld [tilespmem:s14+$0x10C60]  }
0x4b9: {  	v31 =	vld [tilespmem:s14+$0x16C60]  }
0x4ba: {  	v11 =	vld [tilespmem:s14+$0x10C70]  }
0x4bb: {  	v32 =	vld [tilespmem:s14+$0x16C70]  }
0x4bc: {  	v33 =	vld [tilespmem:s14+$0x11C00]  }
0x4bd: {  	v34 =	vld [tilespmem:s14+$0x11C10]  }
0x4be: {  	v35 =	vld [tilespmem:s14+$0x12C00]  }
0x4bf: {  	v36 =	vld [tilespmem:s14+$0x12C10]  }
0x4c0: {  	v37 =	vld [tilespmem:s14+$0x13C00]  }
0x4c1: {  	v38 =	vld [tilespmem:s14+$0x13C10]  }
0x4c2: {  	v39 =	vld [tilespmem:s14+$0x14C00]  }
0x4c3: {  	v40 =	vld [tilespmem:s14+$0x14C10]  }
0x4c4: {  	v41 =	vld [tilespmem:s14+$0x15C00]  }
0x4c5: {  	v52 =	vld [tilespmem:s14+$0x15C10]  }
0x4c6: {  	v42 =	vld [tilespmem:s14+$0x11C20];
	v21 =	vmul.f32 v21, v8;
	v22 =	vmul.f32 v22, v9  }
0x4c7: {  	v53 =	vld [tilespmem:s14+$0x12C20]  }
0x4c8: {  	v43 =	vld [tilespmem:s14+$0x13C20];
	v21 =	vadd.f32 v22, v21;
	v22 =	vmul.f32 v24, v23  }
0x4c9: {  	v54 =	vld [tilespmem:s14+$0x14C20]  }
0x4ca: {  	v44 =	vld [tilespmem:s14+$0x15C20];
	v21 =	vadd.f32 v22, v21;
	v22 =	vmul.f32 v26, v25  }
0x4cb: {  	v55 =	vld [tilespmem:s14+$0x11C30];
	v15 =	vmul.f32 v15, v4;
	v4 =	vmul.f32 v16, v4  }
0x4cc: {  	v63 =	vld [tilespmem:s14+$0x14C40];
	v21 =	vadd.f32 v22, v21;
	v22 =	vmul.f32 v28, v27  }
0x4cd: {  	v13 =	vadd.f32 v19, v13;
	v49 =	vld [tilespmem:s14+$0x11C60];
	v4 =	vadd.f32 v4, v17;
	v19 =	vmul.f32 v32, v11  }
0x4ce: {  	v45 =	vld [tilespmem:s14+$0x12C30];
	v17 =	vmul.f32 v33, v8;
	v21 =	vadd.f32 v22, v21;
	v22 =	vmul.f32 v30, v29  }
0x4cf: {  	v56 =	vld [tilespmem:s14+$0x13C30];
	v14 =	vadd.f32 v20, v14;
	v57 =	vmul.f32 v36, v9;
	v59 =	vmul.f32 v38, v9  }
0x4d0: {  	v58 =	vld [tilespmem:s14+$0x12C40];
	v61 =	vmul.f32 v39, v8;
	v21 =	vadd.f32 v22, v21;
	v22 =	vmul.f32 v31, v12  }
0x4d1: {  	v60 =	vld [tilespmem:s14+$0x13C40];
	v15 =	vadd.f32 v15, v18;
	v62 =	vmul.f32 v40, v9;
	v46 =	vmul.f32 v55, v25  }
0x4d2: {  	v47 =	vld [tilespmem:s14+$0x14C50];
	(xrf2) =	vadd.scan.msk.f32 $0xffff, v10;
	v50 =	vmul.f32 v63, v27;
	v10 =	vmul.f32 v49, v12;
	v18 =	vadd.f32 v22, v21  }
0x4d3: {  	v16 =	vld [tilespmem:s14+$0x14C30];
	v32 =	vadd.f32 v62, v61;
	v26 =	vmul.f32 v53, v23;
	v21 =	vmul.f32 v34, v9  }
0x4d4: {  	v48 =	vld [tilespmem:s14+$0x15C50];
	v9 =	vmul.f32 v52, v9;
	v18 =	vadd.f32 v19, v18;
	v19 =	vmul.f32 v35, v8  }
0x4d5: {  	v51 =	vld [tilespmem:s14+$0x14C60];
	v17 =	vadd.f32 v21, v17;
	v21 =	vmul.f32 v37, v8;
	v8 =	vmul.f32 v41, v8  }
0x4d6: {  	v28 =	vmul.f32 v54, v23;
	v22 =	vld [tilespmem:s14+$0x11C40];
	v41 =	vmul.f32 v42, v23;
	v19 =	vadd.f32 v57, v19  }
0x4d7: {  	v20 =	vld [tilespmem:s14+$0x15C30];
	v8 =	vadd.f32 v9, v8;
	v9 =	vmul.f32 v43, v23;
	v23 =	vmul.f32 v44, v23  }
0x4d8: {  	v40 =	vld [tilespmem:s14+$0x15C40];
	v16 =	vmul.f32 v16, v25;
	v21 =	vadd.f32 v59, v21;
	v17 =	vadd.f32 v41, v17  }
0x4d9: {  	v53 =	vld [tilespmem:s14+$0x15C60];
	v19 =	vadd.f32 v26, v19;
	v8 =	vadd.f32 v23, v8;
	v23 =	vmul.f32 v45, v25  }
0x4da: {  	v31 =	vmul.f32 v56, v25;
	v43 =	vld [tilespmem:s14+$0x12C50];
	v9 =	vadd.f32 v9, v21;
	v21 =	vadd.f32 v28, v32  }
0x4db: {  	(xrf2) =	vadd.scan.msk.f32 $0xffff, v13;
	v42 =	vld [tilespmem:s14+$0x11C50];
	v22 =	vmul.f32 v22, v27;
	v17 =	vadd.f32 v46, v17;
	v19 =	vadd.f32 v23, v19  }
0x4dc: {  	(xrf2) =	vadd.scan.msk.f32 $0xffff, v14;
	v20 =	vmul.f32 v20, v25;
	v54 =	vld [tilespmem:s14+$0x11C70];
	v9 =	vadd.f32 v31, v9;
	v16 =	vadd.f32 v16, v21  }
0x4dd: {  	(xrf2) =	vadd.scan.msk.f32 $0xffff, v15;
	v44 =	vld [tilespmem:s14+$0x13C50];
	v21 =	vmul.f32 v58, v27;
	v17 =	vadd.f32 v22, v17;
	v22 =	vmul.f32 v60, v27  }
0x4de: {  	v15 =	vmul.f32 v51, v12;
	(xrf2) =	vadd.scan.msk.f32 $0xffff, v4;
	v4 =	vmul.f32 v53, v12;
	v8 =	vadd.f32 v20, v8;
	v20 =	vld [tilespmem:s14+$0x13C60]  }
0x4df: {  	v23 =	vld [tilespmem:s14+$0x12C60];
	v19 =	vadd.f32 v21, v19;
	v9 =	vadd.f32 v22, v9;
	v22 =	vmul.f32 v43, v29  }
0x4e0: {  	v57 =	vld [tilespmem:s14+$0x13C70];
	v52 =	vmul.f32 v42, v29;
	v21 =	vmul.f32 v40, v27  }
0x4e1: {  	v55 =	vld [tilespmem:s14+$0x12C70];
	v16 =	vadd.f32 v50, v16;
	v19 =	vadd.f32 v22, v19;
	v22 =	vmul.f32 v47, v29  }
0x4e2: {  	v17 =	vadd.f32 v52, v17;
	v8 =	vadd.f32 v21, v8;
	v21 =	vmul.f32 v44, v29  }
0x4e3: {  	v56 =	vmul.f32 v48, v29;
	v13 =	vadd.f32 v22, v16;
	v16 =	vmul.f32 v20, v12;
	v20 =	vld [tilespmem:s14+$0x15C70]  }
0x4e4: {  	v10 =	vadd.f32 v10, v17;
	v9 =	vadd.f32 v21, v9;
	v21 =	vmul.f32 v23, v12;
	v23 =	vld [tilespmem:s14+$0x14C70]  }
0x4e5: {  	v17 =	vmul.f32 v54, v11;
	v8 =	vadd.f32 v56, v8;
	v12 =	vmul.f32 v57, v11  }
0x4e6: {  	v14 =	vadd.f32 v21, v19;
	v9 =	vadd.f32 v16, v9;
	v16 =	vmul.f32 v55, v11  }
0x4e7: {  	v10 =	vadd.f32 v17, v10;
	v4 =	vadd.f32 v4, v8  }
0x4e8: {  	(xrf2) =	vadd.scan.msk.f32 $0xffff, v18;
	v14 =	vadd.f32 v16, v14;
	v8 =	vadd.f32 v12, v9;
	v9 =	vmul.f32 v20, v11  }
0x4e9: {  	v13 =	vadd.f32 v15, v13;
	(xrf2) =	vadd.scan.msk.f32 $0xffff, v10;
	v15 =	vmul.f32 v23, v11  }
0x4ea: {  	(xrf2) =	vadd.scan.msk.f32 $0xffff, v14;
	v4 =	vadd.f32 v9, v4  }
0x4eb: {  	v10 =	vadd.f32 v15, v13  }
0x4ec: {  	(xrf2) =	vadd.scan.msk.f32 $0xffff, v8  }
0x4ed: {  	v8, _, _ =	vpop (xrf2);
	(xrf2) =	vadd.scan.msk.f32 $0xffff, v10  }
0x4ee: {  	(xrf2) =	vadd.scan.msk.f32 $0xffff, v4;
	v4, _, _ =	vpop (xrf2)  }
0x4ef: {  	v9, _, _ =	vpop (xrf2)  }
0x4f0: {  	v8 =	vbroadcast v8, $0xF;
	v10, _, _ =	vpop (xrf2)  }
0x4f1: {  	v11, _, _ =	vpop (xrf2)  }
0x4f2: {  	v2 =	vsel vm0, v8, v2;
	v4 =	vbroadcast v4, $0xF;
	v8 =	vbroadcast v9, $0xF;
	v12, _, _ =	vpop (xrf2)  }
0x4f3: {  	s0 =	sadd.s32 $0x1, s0;
	v13, _, _ =	vpop (xrf2)  }
0x4f4: {  	v4 =	vsel vm0, v4, v6;
	v6 =	vmov s0;
	v9 =	vbroadcast v13, $0xF;
	v13, _, _ =	vpop (xrf2)  }
0x4f5: {  	vm1 =	veq.s32 v6, v0;
	v6 =	vbroadcast v13, $0xF  }
0x4f6: {  	v7 =	vsel vm0, v8, v7;
	v8, _, _ =	vpop (xrf2)  }
0x4f7: {  	v10 =	vbroadcast v10, $0xF;
	v8 =	vbroadcast v8, $0xF;
	v4 =	vsel vm1, v6, v4  }
0x4f8: {  	v11 =	vbroadcast v11, $0xF;
	v2 =	vsel vm1, v9, v2;
	v9, _, _ =	vpop (xrf2);
	[tilespmem:s25+$0x14D0] =	vst v4;
	v4 =	vbroadcast v12, $0xF  }
0x4f9: {  	[tilespmem:s25+$0x1450] =	vst v2;
	v2 =	vsel vm0, v10, v5;
	v5 =	vsel vm1, v8, v7;
	v6 =	vbroadcast v9, $0xF;
	v9, _, _ =	vpop (xrf2)  }
0x4fa: {  	[tilespmem:s25+$0x1550] =	vst v5;
	v7 =	vbroadcast v9, $0xF;
	v1 =	vsel vm1, v4, v1  }
0x4fb: {  	v3 =	vsel vm0, v11, v3;
	v2 =	vsel vm1, v6, v2;
	[tilespmem:s25+$0x16D0] =	vst v1  }
0x4fc: {  	s0 =	sadd.s32 @!p0 $0x6, s30;
	v3 =	vsel vm1, v7, v3;
	[tilespmem:s25+$0x15D0] =	vst v2  }
0x4fd: {  	s12 =	simm.s32 @!p0 $0x20;
	s14 =	simm.s32 @!p0 $0x10400;
	s10 =	sshll.u32 @!p0 s0, $0x5;
	[tilespmem:s25+$0x1650] =	vst v3  }
0x4fe: {  	[tilespmem:s14], [sflag:$0x3] =	stream.indirect.gather @!p0 [hbm4b:s1+s12], $0x80, s10, s12, $0xb8;
	[tilespmem:$0x1E400] =	vst v63  }
0x4ff: {  	s0 =	sshll.u32 @!p0 s0, $0x8;
	s10 =	sadd.s32 @!p0 $0x200, s10;
	s14 =	simm.s32 @!p0 $0x11400  }
0x500: {  	[tilespmem:s14], [sflag:$0x3] =	stream.indirect.gather @!p0 [hbm4b:s2+s12], $0x80, s10, s12, $0xb8;
	[tilespmem:$0x1E400] =	vst v63  }
0x501: {  	s10 =	sand.u32 @!p0 $0x1C00, s0  }
0x502: {  	s20 =	simm.s32 @!p0 $0x12400;
	s14 =	sadd.s32 @!p0 $0x440, s10  }
0x503: {  	[tilespmem:s20], [sflag:$0x3] =	stream.indirect.gather @!p0 [hbm4b:s2+s12], $0x80, s14, s12, $0xb8;
	[tilespmem:$0x1E400] =	vst v63  }
0x504: {  	s14 =	sadd.s32 @!p0 $0x4C0, s10;
	s20 =	simm.s32 @!p0 $0x13400  }
0x505: {  	[tilespmem:s20], [sflag:$0x3] =	stream.indirect.gather @!p0 [hbm4b:s2+s12], $0x80, s14, s12, $0xb8;
	[tilespmem:$0x1E400] =	vst v63  }
0x506: {  	s14 =	sadd.s32 @!p0 $0x540, s10;
	s20 =	simm.s32 @!p0 $0x14400  }
0x507: {  	[tilespmem:s20], [sflag:$0x3] =	stream.indirect.gather @!p0 [hbm4b:s2+s12], $0x80, s14, s12, $0xb8;
	[tilespmem:$0x1E400] =	vst v63  }
0x508: {  	s10 =	sadd.s32 @!p0 $0x5C0, s10;
	s14 =	simm.s32 @!p0 $0x15400  }
0x509: {  	[tilespmem:s14], [sflag:$0x3] =	stream.indirect.gather @!p0 [hbm4b:s2+s12], $0x80, s10, s12, $0xb8;
	[tilespmem:$0x1E400] =	vst v63  }
0x50a: {  	s0 =	sadd.s32 @!p0 $0x440, s0;
	s10 =	simm.s32 @!p0 $0x16400  }
0x50b: {  	[tilespmem:s10], [sflag:$0x3] =	stream.indirect.gather @!p0 [hbm4b:s2+s12], $0x80, s0, s12, $0xb8;
	[tilespmem:$0x1E400] =	vst v63  }
0x50c: {  	_ =	swait.ge [sflag:s19], $0x1000  }
0x50d: {  	[sflag:s19] =	ssyncset.done $0x0  }
0x50e: {  	[sflag:s19] =	ssyncadd.s32 $0xFFFFF000  }
0x50f: {  	_ =	swait.ge [sflag:s19], $0x1000  }
0x510: {  	[sflag:s19] =	ssyncset.done $0x0  }
0x511: {  	[sflag:s19] =	ssyncadd.s32 $0xFFFFF000  }
0x512: {  	_ =	swait.ge [sflag:s19], $0x1000  }
0x513: {  	[sflag:s19] =	ssyncset.done $0x0  }
0x514: {  	[sflag:s19] =	ssyncadd.s32 $0xFFFFF000  }
0x515: {  	_ =	swait.ge [sflag:s19], $0x1000  }
0x516: {  	[sflag:s19] =	ssyncset.done $0x0  }
0x517: {  	[sflag:s19] =	ssyncadd.s32 $0xFFFFF000  }
0x518: {  	_ =	swait.ge [sflag:s19], $0x1000  }
0x519: {  	[sflag:s19] =	ssyncset.done $0x0  }
0x51a: {  	[sflag:s19] =	ssyncadd.s32 $0xFFFFF000  }
0x51b: {  	_ =	swait.ge [sflag:s19], $0x1000  }
0x51c: {  	[sflag:s19] =	ssyncset.done $0x0  }
0x51d: {  	[sflag:s19] =	ssyncadd.s32 $0xFFFFF000  }
0x51e: {  	_ =	swait.ge [sflag:s19], $0x1000  }
0x51f: {  	[sflag:s19] =	ssyncset.done $0x0  }
0x520: {  	s12 =	simm.s32 $0x0;
	[sflag:s19] =	ssyncadd.s32 $0xFFFFF000  }
0x521: {  	v1 =	vld [tilespmem:s12+$0x17400]  }
0x522: {  	v2 =	vld [tilespmem:s12+$0x17410]  }
0x523: {  	v3 =	vld [tilespmem:s12+$0x1D400]  }
0x524: {  	v5 =	vld [tilespmem:s12+$0x1D410]  }
0x525: {  	v6 =	vld [tilespmem:s12+$0x17420]  }
0x526: {  	v7 =	vld [tilespmem:s12+$0x1D420]  }
0x527: {  	v8 =	vld [tilespmem:s12+$0x17430]  }
0x528: {  	v9 =	vld [tilespmem:s12+$0x1D430]  }
0x529: {  	v10 =	vld [tilespmem:s12+$0x17440]  }
0x52a: {  	v11 =	vld [tilespmem:s12+$0x1D440]  }
0x52b: {  	v12 =	vld [tilespmem:s12+$0x17450]  }
0x52c: {  	v13 =	vld [tilespmem:s12+$0x1D450]  }
0x52d: {  	v14 =	vld [tilespmem:s12+$0x17460]  }
0x52e: {  	v15 =	vld [tilespmem:s12+$0x1D460]  }
0x52f: {  	v4 =	vld [tilespmem:s12+$0x17470]  }
0x530: {  	v16 =	vld [tilespmem:s12+$0x1D470]  }
0x531: {  	v17 =	vld [tilespmem:s12+$0x18400]  }
0x532: {  	v18 =	vld [tilespmem:s12+$0x19400];
	v3 =	vmul.f32 v3, v1;
	v5 =	vmul.f32 v5, v2  }
0x533: {  	v19 =	vld [tilespmem:s12+$0x1A400]  }
0x534: {  	v20 =	vld [tilespmem:s12+$0x1B400];
	v3 =	vadd.f32 v5, v3;
	v5 =	vmul.f32 v7, v6  }
0x535: {  	v21 =	vld [tilespmem:s12+$0x1C400]  }
0x536: {  	v22 =	vld [tilespmem:s12+$0x18420];
	v3 =	vadd.f32 v5, v3;
	v5 =	vmul.f32 v9, v8  }
0x537: {  	v23 =	vld [tilespmem:s12+$0x1A420]  }
0x538: {  	v58 =	vld [tilespmem:s12+$0x1C420];
	v3 =	vadd.f32 v5, v3;
	v5 =	vmul.f32 v11, v10  }
0x539: {  	v59 =	vld [tilespmem:s12+$0x19430]  }
0x53a: {  	v60 =	vld [tilespmem:s12+$0x1A430];
	v3 =	vadd.f32 v5, v3;
	v5 =	vmul.f32 v13, v12  }
0x53b: {  	v7 =	vld [tilespmem:s12+$0x18410]  }
0x53c: {  	v61 =	vld [tilespmem:s12+$0x1B430];
	v3 =	vadd.f32 v5, v3;
	v5 =	vmul.f32 v15, v14  }
0x53d: {  	v62 =	vld [tilespmem:s12+$0x1C430]  }
0x53e: {  	v9 =	vld [tilespmem:s12+$0x19410];
	v3 =	vadd.f32 v5, v3;
	v5 =	vmul.f32 v16, v4  }
0x53f: {  	v11 =	vld [tilespmem:s12+$0x1A410]  }
0x540: {  	v17 =	vmul.f32 v17, v1;
	v7 =	vmul.f32 v7, v2;
	v13 =	vld [tilespmem:s12+$0x1B410];
	v3 =	vadd.f32 v5, v3  }
0x541: {  	v15 =	vld [tilespmem:s12+$0x1C410]  }
0x542: {  	v18 =	vmul.f32 v18, v1;
	v7 =	vadd.f32 v7, v17;
	v17 =	vld [tilespmem:s12+$0x18440];
	(xrf2) =	vadd.scan.msk.f32 $0xffff, v3  }
0x543: {  	v19 =	vmul.f32 v19, v1;
	v20 =	vmul.f32 v20, v1;
	v16 =	vld [tilespmem:s12+$0x19420]  }
0x544: {  	v9 =	vmul.f32 v9, v2;
	v11 =	vmul.f32 v11, v2;
	v5 =	vld [tilespmem:s12+$0x1B420]  }
0x545: {  	v1 =	vmul.f32 v21, v1;
	v13 =	vmul.f32 v13, v2;
	v3 =	vld [tilespmem:s12+$0x18430]  }
0x546: {  	v63 =	vld [tilespmem:s12+$0x1B450];
	v9 =	vadd.f32 v9, v18;
	v11 =	vadd.f32 v11, v19;
	v2 =	vmul.f32 v15, v2  }
0x547: {  	v18 =	vld [tilespmem:s12+$0x19440];
	v17 =	vmul.f32 v17, v10;
	v15 =	vmul.f32 v22, v6;
	v13 =	vadd.f32 v13, v20  }
0x548: {  	s0 =	simm.s32 $0x0;
	v19 =	vld [tilespmem:s12+$0x1A440];
	v20 =	vmul.f32 v23, v6;
	v16 =	vmul.f32 v16, v6;
	v1 =	vadd.f32 v2, v1  }
0x549: {  	v22 =	vld [tilespmem:s12+$0x18450];
	v7 =	vadd.f32 v15, v7;
	v2 =	vmov s0;
	v5 =	vmul.f32 v5, v6  }
0x54a: {  	v23 =	vld [tilespmem:s12+$0x1A450];
	v11 =	vadd.f32 v20, v11;
	vm0 =	veq.s32 v2, v0;
	v3 =	vmul.f32 v3, v8  }
0x54b: {  	v15 =	vld [tilespmem:s12+$0x1B440];
	v9 =	vadd.f32 v16, v9;
	v6 =	vmul.f32 v58, v6;
	v5 =	vadd.f32 v5, v13  }
0x54c: {  	v20 =	vld [tilespmem:s12+$0x19450];
	v13 =	vmul.f32 v59, v8;
	v3 =	vadd.f32 v3, v7;
	v7 =	vmul.f32 v61, v8;
	v21, _, _ =	vpop (xrf2)  }
0x54d: {  	v2 =	vimm.f32 $0.0e+00;
	v16 =	vld [tilespmem:s12+$0x1C440];
	v6 =	vadd.f32 v6, v1;
	v21 =	vbroadcast v21, $0xF  }
0x54e: {  	v9 =	vadd.f32 v13, v9;
	v13 =	vld [tilespmem:s12+$0x1C450];
	v5 =	vadd.f32 v7, v5;
	v7 =	vmul.f32 v18, v10  }
0x54f: {  	v18 =	vmul.f32 v19, v10;
	v19 =	vld [tilespmem:s12+$0x19460];
	v1 =	vsel vm0, v21, v2;
	v21 =	vmul.f32 v60, v8  }
0x550: {  	v3 =	vadd.f32 v17, v3;
	v17 =	vld [tilespmem:s12+$0x1C460];
	v8 =	vmul.f32 v62, v8  }
0x551: {  	v11 =	vadd.f32 v21, v11;
	v21 =	vld [tilespmem:s12+$0x18460]  }
0x552: {  	v7 =	vadd.f32 v7, v9;
	v6 =	vadd.f32 v8, v6;
	v8 =	vmul.f32 v15, v10;
	v15 =	vld [tilespmem:s12+$0x1A460]  }
0x553: {  	v10 =	vmul.f32 v16, v10;
	v16 =	vmul.f32 v22, v12;
	v9 =	vadd.f32 v18, v11;
	v11 =	vld [tilespmem:s12+$0x1B460]  }
0x554: {  	v5 =	vadd.f32 v8, v5;
	v8 =	vmul.f32 v20, v12;
	v20 =	vld [tilespmem:s12+$0x18470]  }
0x555: {  	v6 =	vadd.f32 v10, v6;
	v10 =	vmul.f32 v23, v12;
	v3 =	vadd.f32 v16, v3;
	v16 =	vld [tilespmem:s12+$0x1A470]  }
0x556: {  	v18 =	vmul.f32 v63, v12;
	v7 =	vadd.f32 v8, v7;
	v8 =	vmul.f32 v13, v12  }
0x557: {  	v17 =	vmul.f32 v17, v14;
	v13 =	vld [tilespmem:s12+$0x19470];
	v9 =	vadd.f32 v10, v9;
	v10 =	vmul.f32 v21, v14  }
0x558: {  	v5 =	vadd.f32 v18, v5;
	v12 =	vmul.f32 v19, v14;
	v6 =	vadd.f32 v8, v6  }
0x559: {  	v8 =	vmul.f32 v15, v14;
	v15 =	vld [tilespmem:s12+$0x1B470];
	v3 =	vadd.f32 v10, v3;
	v10 =	vmul.f32 v11, v14  }
0x55a: {  	s14 =	simm.s32 $0x80;
	v11 =	vadd.f32 v12, v7;
	v14 =	vld [tilespmem:s12+$0x1C470];
	v7 =	vmul.f32 v20, v4;
	v21 =	vmul.f32 v16, v4  }
0x55b: {  	v22 =	vld [tilespmem:s14+$0x1D400];
	v12 =	vadd.f32 v8, v9;
	v18 =	vadd.f32 v17, v6;
	v6 =	vimm.f32 $0.0e+00  }
0x55c: {  	v8 =	vld [tilespmem:s14+$0x17400];
	v19 =	vadd.f32 v10, v5;
	v20 =	vmul.f32 v13, v4;
	v10 =	vadd.f32 v7, v3  }
0x55d: {  	s20 =	simm.s32 $0x400;
	v9 =	vld [tilespmem:s14+$0x17410];
	v5 =	vimm.f32 $0.0e+00;
	v7 =	vimm.f32 $0.0e+00;
	v3 =	vimm.f32 $0.0e+00  }
.LBB2_15:
0x55e: {  	p1 =	sne.s32 s20, $0x1E00;
	v16 =	vld [tilespmem:s14+$0x1D410];
	v11 =	vadd.f32 v20, v11;
	v13 =	vmul.f32 v15, v4  }
0x55f: {  	v15 =	vld [tilespmem:s14+$0x17420];
	v17 =	vadd.f32 v21, v12;
	v4 =	vmul.f32 v14, v4;
	(xrf2) =	vadd.scan.msk.f32 $0xffff, v10  }
0x560: {  	v10 =	vld [tilespmem:s14+$0x1D420];
	v14 =	vadd.f32 v13, v19  }
0x561: {  	v13 =	vld [tilespmem:s14+$0x17430];
	v18 =	vadd.f32 v4, v18  }
0x562: {  	v4 =	vld [tilespmem:s14+$0x1D430];
	(xrf2) =	vadd.scan.msk.f32 $0xffff, v11  }
0x563: {  	v19 =	vmul.f32 v22, v8;
	v12 =	vld [tilespmem:s14+$0x17440];
	v16 =	vmul.f32 v16, v9  }
0x564: {  	v20 =	vld [tilespmem:s14+$0x1D440]  }
0x565: {  	v11 =	vld [tilespmem:s14+$0x17450];
	v16 =	vadd.f32 v16, v19;
	v19 =	vmul.f32 v10, v15;
	(xrf2) =	vadd.scan.msk.f32 $0xffff, v17  }
0x566: {  	v17 =	vld [tilespmem:s14+$0x1D450]  }
0x567: {  	v10 =	vld [tilespmem:s14+$0x17460];
	v16 =	vadd.f32 v19, v16;
	v22 =	vmul.f32 v4, v13  }
0x568: {  	v21 =	vld [tilespmem:s14+$0x1D460];
	(xrf2) =	vadd.scan.msk.f32 $0xffff, v14  }
0x569: {  	v4 =	vld [tilespmem:s14+$0x17470];
	v14 =	vadd.f32 v22, v16;
	v16 =	vmul.f32 v20, v12;
	v19, _, _ =	vpop (xrf2)  }
0x56a: {  	v20 =	vld [tilespmem:s14+$0x1D470];
	v19 =	vbroadcast v19, $0xF  }
0x56b: {  	v22 =	vld [tilespmem:s14+$0x18400];
	v14 =	vadd.f32 v16, v14;
	v16 =	vmul.f32 v17, v11;
	(xrf2) =	vadd.scan.msk.f32 $0xffff, v18  }
0x56c: {  	v17 =	vld [tilespmem:s14+$0x18410];
	v2 =	vsel vm0, v19, v2;
	v18, _, _ =	vpop (xrf2)  }
0x56d: {  	v19 =	vld [tilespmem:s14+$0x19400];
	v14 =	vadd.f32 v16, v14;
	v16 =	vmul.f32 v21, v10;
	v24 =	vbroadcast v18, $0xF  }
0x56e: {  	v21 =	vld [tilespmem:s14+$0x19410]  }
0x56f: {  	v23 =	vld [tilespmem:s14+$0x1A400];
	v14 =	vadd.f32 v16, v14;
	v16 =	vmul.f32 v20, v4;
	v5 =	vsel vm0, v24, v5;
	v18, _, _ =	vpop (xrf2)  }
0x570: {  	v20 =	vmul.f32 v22, v8;
	v22 =	vld [tilespmem:s14+$0x1A410];
	v25 =	vbroadcast v18, $0xF  }
0x571: {  	v17 =	vmul.f32 v17, v9;
	v24 =	vld [tilespmem:s14+$0x1B400];
	v14 =	vadd.f32 v16, v14  }
0x572: {  	v16 =	vmul.f32 v19, v8;
	v19 =	vld [tilespmem:s14+$0x1B410];
	v6 =	vsel vm0, v25, v6;
	v18, _, _ =	vpop (xrf2)  }
0x573: {  	v17 =	vadd.f32 v17, v20;
	v20 =	vmul.f32 v21, v9;
	v21 =	vld [tilespmem:s14+$0x1C400];
	(xrf2) =	vadd.scan.msk.f32 $0xffff, v14;
	v26 =	vbroadcast v18, $0xF  }
0x574: {  	v18 =	vmul.f32 v23, v8;
	v23 =	vld [tilespmem:s14+$0x1C410]  }
0x575: {  	v25 =	vld [tilespmem:s14+$0x18420];
	v16 =	vadd.f32 v20, v16;
	v20 =	vmul.f32 v22, v9;
	v7 =	vsel vm0, v26, v7;
	v14, _, _ =	vpop (xrf2)  }
0x576: {  	v22 =	vld [tilespmem:s14+$0x19420];
	v24 =	vmul.f32 v24, v8;
	v14 =	vbroadcast v14, $0xF  }
0x577: {  	v18 =	vadd.f32 v20, v18;
	v20 =	vld [tilespmem:s14+$0x1A420];
	v19 =	vmul.f32 v19, v9  }
0x578: {  	v26 =	vld [tilespmem:s14+$0x1B420];
	v8 =	vmul.f32 v21, v8;
	v3 =	vsel vm0, v14, v3  }
0x579: {  	v14 =	vadd.f32 v19, v24;
	v9 =	vmul.f32 v23, v9;
	v19 =	vld [tilespmem:s14+$0x1C420]  }
0x57a: {  	v21 =	vmul.f32 v25, v15;
	v23 =	vld [tilespmem:s14+$0x18430]  }
0x57b: {  	v22 =	vmul.f32 v22, v15;
	v24 =	vld [tilespmem:s14+$0x19430];
	v8 =	vadd.f32 v9, v8  }
0x57c: {  	v9 =	vadd.f32 v21, v17;
	v17 =	vmul.f32 v20, v15;
	v20 =	vld [tilespmem:s14+$0x1A430]  }
0x57d: {  	s0 =	sadd.s32 $0x1, s0;
	v16 =	vadd.f32 v22, v16;
	v21 =	vmul.f32 v26, v15;
	v22 =	vld [tilespmem:s14+$0x1B430];
	v25, _, _ =	vpop (xrf2)  }
0x57e: {  	v26 =	vmov s0;
	v15 =	vmul.f32 v19, v15;
	v19 =	vld [tilespmem:s14+$0x1C430];
	v25 =	vbroadcast v25, $0xF  }
0x57f: {  	vm0 =	veq.s32 v26, v0;
	v17 =	vadd.f32 v17, v18;
	v26 =	vld [tilespmem:s14+$0x18440];
	v14 =	vadd.f32 v21, v14  }
0x580: {  	v18 =	vmul.f32 v23, v13;
	v21 =	vld [tilespmem:s14+$0x19440];
	v8 =	vadd.f32 v15, v8;
	v1 =	vsel vm0, v25, v1  }
0x581: {  	v15 =	vmul.f32 v24, v13;
	v20 =	vmul.f32 v20, v13;
	v23 =	vld [tilespmem:s14+$0x1A440]  }
0x582: {  	v9 =	vadd.f32 v18, v9;
	v18 =	vmul.f32 v22, v13;
	v22 =	vld [tilespmem:s14+$0x1B440]  }
0x583: {  	v15 =	vadd.f32 v15, v16;
	v16 =	vadd.f32 v20, v17;
	v13 =	vmul.f32 v19, v13;
	v17 =	vld [tilespmem:s14+$0x1C440]  }
0x584: {  	v19 =	vmul.f32 v26, v12;
	v20 =	vld [tilespmem:s14+$0x18450];
	v14 =	vadd.f32 v18, v14  }
0x585: {  	v18 =	vmul.f32 v21, v12;
	v21 =	vld [tilespmem:s14+$0x19450];
	v8 =	vadd.f32 v13, v8  }
0x586: {  	v9 =	vadd.f32 v19, v9;
	v13 =	vmul.f32 v23, v12;
	v19 =	vld [tilespmem:s14+$0x1A450]  }
0x587: {  	v15 =	vadd.f32 v18, v15;
	v18 =	vmul.f32 v22, v12;
	v22 =	vld [tilespmem:s14+$0x1B450]  }
0x588: {  	v13 =	vadd.f32 v13, v16;
	v12 =	vmul.f32 v17, v12;
	v16 =	vld [tilespmem:s14+$0x1C450]  }
0x589: {  	v17 =	vmul.f32 v20, v11;
	v20 =	vld [tilespmem:s14+$0x18460];
	v14 =	vadd.f32 v18, v14  }
0x58a: {  	v18 =	vmul.f32 v21, v11;
	v21 =	vld [tilespmem:s14+$0x19460];
	v8 =	vadd.f32 v12, v8  }
0x58b: {  	v9 =	vadd.f32 v17, v9;
	v12 =	vmul.f32 v19, v11;
	v17 =	vld [tilespmem:s14+$0x1A460]  }
0x58c: {  	v15 =	vadd.f32 v18, v15;
	v18 =	vmul.f32 v22, v11;
	v19 =	vld [tilespmem:s14+$0x1B460]  }
0x58d: {  	v12 =	vadd.f32 v12, v13;
	v11 =	vmul.f32 v16, v11;
	v13 =	vld [tilespmem:s14+$0x1C460]  }
0x58e: {  	v16 =	vmul.f32 v20, v10;
	v20 =	vld [tilespmem:s14+$0x18470];
	v18 =	vadd.f32 v18, v14  }
0x58f: {  	v14 =	vmul.f32 v21, v10;
	v21 =	vld [tilespmem:s14+$0x19470];
	v22 =	vadd.f32 v11, v8  }
0x590: {  	v16 =	vadd.f32 v16, v9;
	v8 =	vmul.f32 v17, v10;
	v17 =	vld [tilespmem:s14+$0x1A470]  }
.Ltmp8:
0x591: {  	v11 =	vadd.f32 v14, v15;
	v9 =	vmul.f32 v19, v10;
	v15 =	vld [tilespmem:s14+$0x1B470];
	(pc) =	sbr.rel @p1 .LBB2_15-.Ltmp8, $4  }
0x592: {  	v12 =	vadd.f32 v8, v12;
	v10 =	vmul.f32 v13, v10;
	v14 =	vld [tilespmem:s14+$0x1C470];
	s14 =	sshra.s32 s20, $0x2  }
0x593: {  	v8 =	vld [tilespmem:s14+$0x17400];
	v13 =	vmul.f32 v20, v4;
	v19 =	vadd.f32 v9, v18  }
0x594: {  	v9 =	vld [tilespmem:s14+$0x17410];
	v20 =	vmul.f32 v21, v4;
	v18 =	vadd.f32 v10, v22  }
0x595: {  	s20 =	sadd.s32 $0x200, s20;
	v22 =	vld [tilespmem:s14+$0x1D400];
	v10 =	vadd.f32 v13, v16;
	v21 =	vmul.f32 v17, v4  }
0x596: {  	v23 =	vld [tilespmem:s14+$0x1D410]  }
0x597: {  	v24 =	vld [tilespmem:s14+$0x17420]  }
0x598: {  	v25 =	vld [tilespmem:s14+$0x1D420]  }
0x599: {  	v26 =	vld [tilespmem:s14+$0x17430]  }
0x59a: {  	v27 =	vld [tilespmem:s14+$0x1D430]  }
0x59b: {  	v28 =	vld [tilespmem:s14+$0x17440]  }
0x59c: {  	v29 =	vld [tilespmem:s14+$0x1D440]  }
0x59d: {  	v17 =	vld [tilespmem:s14+$0x17450]  }
0x59e: {  	v30 =	vld [tilespmem:s14+$0x1D450]  }
0x59f: {  	v16 =	vld [tilespmem:s14+$0x17460]  }
0x5a0: {  	v31 =	vld [tilespmem:s14+$0x1D460]  }
0x5a1: {  	v13 =	vld [tilespmem:s14+$0x17470]  }
0x5a2: {  	v32 =	vld [tilespmem:s14+$0x1D470]  }
0x5a3: {  	v33 =	vld [tilespmem:s14+$0x18400]  }
0x5a4: {  	v34 =	vld [tilespmem:s14+$0x18410]  }
0x5a5: {  	v35 =	vld [tilespmem:s14+$0x19400]  }
0x5a6: {  	v36 =	vld [tilespmem:s14+$0x19410]  }
0x5a7: {  	v37 =	vld [tilespmem:s14+$0x1A400]  }
0x5a8: {  	v38 =	vld [tilespmem:s14+$0x1A410]  }
0x5a9: {  	v39 =	vld [tilespmem:s14+$0x1B400]  }
0x5aa: {  	v40 =	vld [tilespmem:s14+$0x1B410]  }
0x5ab: {  	v41 =	vld [tilespmem:s14+$0x1C400]  }
0x5ac: {  	v42 =	vld [tilespmem:s14+$0x1C410]  }
0x5ad: {  	v43 =	vld [tilespmem:s14+$0x18420]  }
0x5ae: {  	v44 =	vld [tilespmem:s14+$0x19420]  }
0x5af: {  	v45 =	vld [tilespmem:s14+$0x1A420]  }
0x5b0: {  	v46 =	vld [tilespmem:s14+$0x1B420]  }
0x5b1: {  	v47 =	vld [tilespmem:s14+$0x1C420]  }
0x5b2: {  	v48 =	vld [tilespmem:s14+$0x18430]  }
0x5b3: {  	v49 =	vld [tilespmem:s14+$0x19430]  }
0x5b4: {  	v50 =	vld [tilespmem:s14+$0x1A430]  }
0x5b5: {  	v51 =	vld [tilespmem:s14+$0x1B430]  }
0x5b6: {  	v52 =	vld [tilespmem:s14+$0x1C430]  }
0x5b7: {  	v53 =	vld [tilespmem:s14+$0x18440]  }
0x5b8: {  	v54 =	vld [tilespmem:s14+$0x1A440]  }
0x5b9: {  	v55 =	vld [tilespmem:s14+$0x1C440]  }
0x5ba: {  	v56 =	vld [tilespmem:s14+$0x19450]  }
0x5bb: {  	v57 =	vld [tilespmem:s14+$0x1B450]  }
0x5bc: {  	v15 =	vmul.f32 v15, v4;
	v58 =	vld [tilespmem:s14+$0x18460];
	s20 =	simm.s32 $0x0;
	v4 =	vmul.f32 v14, v4  }
0x5bd: {  	(xrf2) =	vadd.scan.msk.f32 $0xffff, v10;
	v10 =	vld [tilespmem:s20+$0x17C40];
	v22 =	vmul.f32 v22, v8;
	v23 =	vmul.f32 v23, v9  }
0x5be: {  	v21 =	vadd.f32 v21, v12;
	v4 =	vadd.f32 v4, v18;
	v18 =	vld [tilespmem:s14+$0x1A460]  }
0x5bf: {  	v12 =	vmul.f32 v32, v13;
	v32 =	vld [tilespmem:s14+$0x1B460];
	v22 =	vadd.f32 v23, v22;
	v23 =	vmul.f32 v25, v24  }
0x5c0: {  	v20 =	vadd.f32 v20, v11;
	v19 =	vadd.f32 v15, v19;
	v15 =	vmul.f32 v34, v9;
	v34 =	vld [tilespmem:s14+$0x1C460]  }
0x5c1: {  	v14 =	vmul.f32 v33, v8;
	v33 =	vld [tilespmem:s14+$0x19470];
	v22 =	vadd.f32 v23, v22;
	v23 =	vmul.f32 v27, v26  }
0x5c2: {  	(xrf2) =	vadd.scan.msk.f32 $0xffff, v20;
	v61 =	vmul.f32 v38, v9;
	v38 =	vld [tilespmem:s14+$0x1A470]  }
0x5c3: {  	(xrf2) =	vadd.scan.msk.f32 $0xffff, v21;
	v62 =	vmul.f32 v40, v9;
	v40 =	vld [tilespmem:s14+$0x1B470];
	v22 =	vadd.f32 v23, v22;
	v23 =	vmul.f32 v29, v28  }
0x5c4: {  	(xrf2) =	vadd.scan.msk.f32 $0xffff, v19;
	v63 =	vmul.f32 v43, v24;
	v60 =	vmul.f32 v51, v26;
	v51 =	vld [tilespmem:s20+$0x1DC40]  }
0x5c5: {  	v44 =	vmul.f32 v44, v24;
	(xrf2) =	vadd.scan.msk.f32 $0xffff, v4;
	v4 =	vld [tilespmem:s20+$0x17C70];
	v22 =	vadd.f32 v23, v22;
	v23 =	vmul.f32 v30, v17  }
0x5c6: {  	v46 =	vmul.f32 v46, v24;
	v48 =	vmul.f32 v48, v26;
	v25 =	vld [tilespmem:s14+$0x19440];
	v14 =	vadd.f32 v15, v14  }
0x5c7: {  	v15 =	vmul.f32 v37, v8;
	v37 =	vld [tilespmem:s14+$0x1C470];
	v22 =	vadd.f32 v23, v22;
	v23 =	vmul.f32 v31, v16  }
0x5c8: {  	v49 =	vmul.f32 v49, v26;
	v59 =	vmul.f32 v50, v26;
	v27 =	vld [tilespmem:s14+$0x1B440]  }
0x5c9: {  	v50 =	vmul.f32 v57, v17;
	v18 =	vmul.f32 v18, v16;
	v29 =	vld [tilespmem:s14+$0x18450];
	v11 =	vadd.f32 v23, v22  }
0x5ca: {  	v15 =	vadd.f32 v61, v15;
	v26 =	vmul.f32 v52, v26;
	v61 =	vld [tilespmem:s20+$0x1DC00];
	v52 =	vmul.f32 v58, v16  }
0x5cb: {  	v22 =	vld [tilespmem:s14+$0x19460];
	v23 =	vadd.f32 v12, v11;
	v11 =	vmul.f32 v35, v8;
	v12 =	vmul.f32 v36, v9  }
0x5cc: {  	v25 =	vmul.f32 v25, v28;
	v30 =	vld [tilespmem:s14+$0x1A450];
	v9 =	vmul.f32 v42, v9;
	v35 =	vadd.f32 v63, v14  }
0x5cd: {  	v31 =	vld [tilespmem:s14+$0x1C450];
	v11 =	vadd.f32 v12, v11;
	v12 =	vmul.f32 v39, v8;
	v8 =	vmul.f32 v41, v8  }
0x5ce: {  	v27 =	vmul.f32 v27, v28;
	v29 =	vmul.f32 v29, v17;
	v36 =	vld [tilespmem:s14+$0x18470]  }
0x5cf: {  	v14 =	vld [tilespmem:s20+$0x17C00];
	v35 =	vadd.f32 v48, v35;
	v8 =	vadd.f32 v9, v8;
	v9 =	vmul.f32 v45, v24  }
0x5d0: {  	v63 =	vld [tilespmem:s20+$0x1DC10];
	v22 =	vmul.f32 v22, v16;
	v12 =	vadd.f32 v62, v12;
	v24 =	vmul.f32 v47, v24  }
0x5d1: {  	v42 =	vld [tilespmem:s20+$0x1CC10];
	v11 =	vadd.f32 v44, v11;
	v62 =	vmul.f32 v53, v28;
	v9 =	vadd.f32 v9, v15  }
0x5d2: {  	v48 =	vld [tilespmem:s20+$0x1DC30];
	v44 =	vmul.f32 v54, v28;
	v12 =	vadd.f32 v46, v12;
	v8 =	vadd.f32 v24, v8  }
0x5d3: {  	(xrf2) =	vadd.scan.msk.f32 $0xffff, v23;
	v23 =	vld [tilespmem:s20+$0x1DC70];
	v28 =	vmul.f32 v55, v28;
	v11 =	vadd.f32 v49, v11;
	v24 =	vadd.f32 v62, v35  }
0x5d4: {  	v45 =	vld [tilespmem:s20+$0x1DC20];
	v47 =	vmul.f32 v56, v17;
	v9 =	vadd.f32 v59, v9;
	v39 =	vadd.f32 v60, v12  }
0x5d5: {  	v53 =	vld [tilespmem:s20+$0x1DC50];
	v54 =	vmul.f32 v32, v16;
	v8 =	vadd.f32 v26, v8;
	v25 =	vadd.f32 v25, v11  }
0x5d6: {  	v55 =	vld [tilespmem:s20+$0x1DC60];
	v49 =	vmul.f32 v30, v17;
	v24 =	vadd.f32 v29, v24;
	v9 =	vadd.f32 v44, v9  }
0x5d7: {  	v58 =	vmul.f32 v61, v14;
	v61 =	vld [tilespmem:s20+$0x1BC00];
	v46 =	vadd.f32 v27, v39;
	v20 =	vadd.f32 v47, v25  }
0x5d8: {  	v16 =	vmul.f32 v34, v16;
	v15 =	vld [tilespmem:s20+$0x17C10];
	v8 =	vadd.f32 v28, v8;
	v21 =	vadd.f32 v49, v9  }
0x5d9: {  	v17 =	vmul.f32 v31, v17;
	v12 =	vld [tilespmem:s20+$0x17C20];
	v24 =	vadd.f32 v52, v24;
	v20 =	vadd.f32 v22, v20  }
0x5da: {  	v11 =	vld [tilespmem:s20+$0x17C30];
	v22 =	vmul.f32 v36, v13;
	v18 =	vadd.f32 v18, v21;
	v21 =	vmul.f32 v33, v13  }
0x5db: {  	v56 =	vmul.f32 v38, v13;
	v9 =	vld [tilespmem:s20+$0x17C50];
	v19 =	vadd.f32 v50, v46;
	v17 =	vadd.f32 v17, v8  }
0x5dc: {  	v8 =	vld [tilespmem:s20+$0x17C60];
	v22 =	vadd.f32 v22, v24;
	v20 =	vadd.f32 v21, v20;
	v21 =	vmul.f32 v40, v13  }
0x5dd: {  	v49 =	vld [tilespmem:s20+$0x1BC20];
	v16 =	vadd.f32 v16, v17;
	v17 =	vadd.f32 v56, v18  }
0x5de: {  	v60 =	vld [tilespmem:s20+$0x1AC10];
	v59 =	vmul.f32 v63, v15;
	v19 =	vadd.f32 v54, v19  }
0x5df: {  	v46 =	vmul.f32 v51, v10;
	v13 =	vmul.f32 v37, v13;
	(xrf2) =	vadd.scan.msk.f32 $0xffff, v22;
	v18 =	vld [tilespmem:s20+$0x18C00]  }
0x5e0: {  	v62 =	vmul.f32 v45, v12;
	v41 =	vmul.f32 v48, v11;
	v19 =	vadd.f32 v21, v19;
	(xrf2) =	vadd.scan.msk.f32 $0xffff, v20;
	v20 =	vld [tilespmem:s20+$0x18C10];
	v21, _, _ =	vpop (xrf2)  }
0x5e1: {  	v54 =	vmul.f32 v61, v14;
	v25 =	vmul.f32 v53, v9;
	v13 =	vadd.f32 v13, v16;
	v16 =	vld [tilespmem:s20+$0x19C00];
	(xrf2) =	vadd.scan.msk.f32 $0xffff, v17;
	v17, _, _ =	vpop (xrf2)  }
0x5e2: {  	s0 =	sadd.s32 $0x1, s0;
	v44 =	vld [tilespmem:s20+$0x18C20];
	v51 =	vmul.f32 v55, v8;
	v26 =	vmul.f32 v49, v12;
	v22, _, _ =	vpop (xrf2)  }
0x5e3: {  	v47 =	vld [tilespmem:s20+$0x19C20];
	v40 =	vmov s0;
	(xrf2) =	vadd.scan.msk.f32 $0xffff, v19;
	v21 =	vbroadcast v21, $0xF;
	v22 =	vbroadcast v22, $0xF  }
0x5e4: {  	v63 =	vld [tilespmem:s20+$0x1BC10];
	vm1 =	veq.s32 v40, v0;
	v18 =	vmul.f32 v18, v14;
	v17 =	vbroadcast v17, $0xF  }
0x5e5: {  	(xrf2) =	vadd.scan.msk.f32 $0xffff, v13;
	v13 =	vld [tilespmem:s20+$0x1AC00];
	v57, _, _ =	vpop (xrf2);
	v2 =	vsel vm0, v21, v2;
	v21 =	vadd.f32 v59, v58;
	v20 =	vmul.f32 v20, v15  }
0x5e6: {  	v52 =	vld [tilespmem:s20+$0x18C30];
	s0 =	simm.s32 $0x0;
	v16 =	vmul.f32 v16, v14;
	v24 =	vbroadcast v57, $0xF;
	v38, _, _ =	vpop (xrf2);
	v5 =	vsel vm0, v17, v5  }
0x5e7: {  	v59 =	vld [tilespmem:s20+$0x19C50];
	v57 =	vmov s0;
	v6 =	vsel vm0, v22, v6;
	v21 =	vadd.f32 v62, v21;
	v22, _, _ =	vpop (xrf2)  }
0x5e8: {  	v50 =	vld [tilespmem:s20+$0x1CC20];
	v32 =	vbroadcast v38, $0xF;
	v18 =	vadd.f32 v20, v18;
	v22 =	vbroadcast v22, $0xF  }
0x5e9: {  	v17 =	vld [tilespmem:s20+$0x1CC00];
	v20 =	vmul.f32 v63, v15;
	v7 =	vsel vm0, v24, v7;
	v21 =	vadd.f32 v41, v21;
	v43, _, _ =	vpop (xrf2)  }
0x5ea: {  	v48 =	vld [tilespmem:s20+$0x1AC20];
	v32 =	vsel vm0, v32, v3;
	v13 =	vmul.f32 v13, v14;
	v34 =	vbroadcast v43, $0xF;
	v45, _, _ =	vpop (xrf2)  }
0x5eb: {  	v19 =	vld [tilespmem:s20+$0x19C10];
	v21 =	vadd.f32 v46, v21;
	v3 =	vsel vm1, v22, v1;
	v1 =	vbroadcast v45, $0xF  }
0x5ec: {  	v56 =	vld [tilespmem:s20+$0x19C40];
	v20 =	vadd.f32 v20, v54;
	v61 =	vmul.f32 v59, v9;
	v34 =	vsel vm1, v34, v2;
	v22, _, _ =	vpop (xrf2)  }
0x5ed: {  	v53 =	vld [tilespmem:s20+$0x1AC30];
	v21 =	vadd.f32 v25, v21;
	v5 =	vsel vm1, v1, v5;
	v2, _, _ =	vpop (xrf2);
	v1 =	vbroadcast v22, $0xF  }
0x5ee: {  	v63 =	vld [tilespmem:s20+$0x18C70];
	vm0 =	veq.s32 v57, v0;
	v14 =	vmul.f32 v17, v14;
	v2 =	vbroadcast v2, $0xF  }
0x5ef: {  	v55 =	vld [tilespmem:s20+$0x1CC30];
	v21 =	vadd.f32 v51, v21;
	v6 =	vsel vm1, v1, v6;
	v1 =	vmul.f32 v23, v4  }
0x5f0: {  	v58 =	vld [tilespmem:s20+$0x1CC40];
	[tilespmem:s25+$0x16E0] =	vst v3;
	v3 =	vimm.f32 $0.0e+00;
	v22, _, _ =	vpop (xrf2);
	v7 =	vsel vm1, v2, v7;
	v2 =	vmul.f32 v19, v15  }
0x5f1: {  	v22 =	vbroadcast v22, $0xF;
	v23 =	vld [tilespmem:s20+$0x19C30];
	v1 =	vadd.f32 v1, v21;
	v21 =	vmul.f32 v60, v15  }
0x5f2: {  	v19 =	vld [tilespmem:s20+$0x1BC30];
	[tilespmem:s25+$0x1560] =	vst v6;
	v15 =	vmul.f32 v42, v15;
	v2 =	vadd.f32 v2, v16;
	v16 =	vmul.f32 v44, v12  }
0x5f3: {  	v17 =	vld [tilespmem:s20+$0x18C40];
	v6 =	vmul.f32 v63, v4;
	v13 =	vadd.f32 v21, v13;
	(xrf2) =	vadd.scan.msk.f32 $0xffff, v1;
	v1 =	vmul.f32 v47, v12  }
0x5f4: {  	v60 =	vld [tilespmem:s20+$0x1AC50];
	v14 =	vadd.f32 v15, v14;
	v15 =	vadd.f32 v16, v18;
	v18 =	vmul.f32 v48, v12  }
0x5f5: {  	v22 =	vsel vm1, v22, v32;
	v21 =	vld [tilespmem:s20+$0x1AC40];
	v1 =	vadd.f32 v1, v2;
	v2 =	vmul.f32 v50, v12  }
0x5f6: {  	v16 =	vld [tilespmem:s20+$0x1BC40];
	v13 =	vadd.f32 v18, v13;
	v18 =	vadd.f32 v26, v20;
	v20 =	vmul.f32 v52, v11  }
0x5f7: {  	v12 =	vld [tilespmem:s20+$0x18C50];
	v19 =	vmul.f32 v19, v11;
	v2 =	vadd.f32 v2, v14;
	v14 =	vmul.f32 v23, v11  }
0x5f8: {  	v23 =	vmul.f32 v53, v11;
	v11 =	vmul.f32 v55, v11;
	v15 =	vadd.f32 v20, v15;
	v20 =	vld [tilespmem:s20+$0x1BC50]  }
0x5f9: {  	v18 =	vadd.f32 v19, v18;
	v1 =	vadd.f32 v14, v1;
	v14 =	vmul.f32 v17, v10;
	v17 =	vld [tilespmem:s20+$0x1CC50]  }
0x5fa: {  	v19 =	vmul.f32 v56, v10;
	v13 =	vadd.f32 v23, v13;
	v11 =	vadd.f32 v11, v2;
	v23 =	vld [tilespmem:s20+$0x18C60]  }
0x5fb: {  	v16 =	vmul.f32 v16, v10;
	v14 =	vadd.f32 v14, v15;
	v15 =	vmul.f32 v21, v10;
	v21 =	vld [tilespmem:s20+$0x19C60]  }
0x5fc: {  	v12 =	vmul.f32 v12, v9;
	v19 =	vadd.f32 v19, v1;
	v1 =	vmul.f32 v58, v10;
	v10 =	vld [tilespmem:s20+$0x1AC60]  }
0x5fd: {  	v2 =	vimm.f32 $0.0e+00;
	v16 =	vadd.f32 v16, v18;
	v18 =	vld [tilespmem:s20+$0x1BC60];
	v13 =	vadd.f32 v15, v13  }
0x5fe: {  	v62 =	vld [tilespmem:s20+$0x1CC60];
	v11 =	vadd.f32 v1, v11;
	v12 =	vadd.f32 v12, v14;
	v14 =	vmul.f32 v60, v9  }
0x5ff: {  	v20 =	vmul.f32 v20, v9;
	v19 =	vadd.f32 v61, v19;
	v9 =	vmul.f32 v17, v9;
	v15, _, _ =	vpop (xrf2)  }
0x600: {  	v17 =	vld [tilespmem:s20+$0x19C70];
	v14 =	vadd.f32 v14, v13;
	v13 =	vmul.f32 v23, v8;
	v15 =	vbroadcast v15, $0xF  }
0x601: {  	v20 =	vadd.f32 v20, v16;
	v23 =	vld [tilespmem:s20+$0x1AC70];
	v16 =	vmul.f32 v21, v8;
	v9 =	vadd.f32 v9, v11  }
0x602: {  	v10 =	vmul.f32 v10, v8;
	v11 =	vmul.f32 v18, v8;
	v1 =	vsel vm0, v15, v2;
	v15 =	vld [tilespmem:s20+$0x1BC70]  }
0x603: {  	s14 =	simm.s32 $0x80;
	[tilespmem:s25+$0x14E0] =	vst v5;
	v5 =	vadd.f32 v13, v12;
	v12 =	vmul.f32 v62, v8;
	v13 =	vadd.f32 v16, v19;
	v16 =	vld [tilespmem:s20+$0x1CC70]  }
0x604: {  	[tilespmem:s25+$0x15E0] =	vst v7;
	v7 =	vimm.f32 $0.0e+00;
	v21 =	vld [tilespmem:s14+$0x1DC00];
	v14 =	vadd.f32 v10, v14;
	v18 =	vadd.f32 v11, v20  }
0x605: {  	[tilespmem:s25+$0x1460] =	vst v34;
	v8 =	vld [tilespmem:s14+$0x17C00];
	v19 =	vmul.f32 v17, v4;
	v17 =	vadd.f32 v12, v9;
	v10 =	vadd.f32 v6, v5  }
0x606: {  	[tilespmem:s25+$0x1660] =	vst v22;
	s20 =	simm.s32 $0x400;
	v9 =	vld [tilespmem:s14+$0x17C10];
	v6 =	vimm.f32 $0.0e+00;
	v5 =	vimm.f32 $0.0e+00;
	v20 =	vmul.f32 v23, v4  }
.LBB2_17:
0x607: {  	p1 =	sne.s32 s20, $0x1E00;
	v11 =	vld [tilespmem:s14+$0x1DC10];
	v12 =	vadd.f32 v19, v13;
	v13 =	vmul.f32 v15, v4  }
0x608: {  	v15 =	vld [tilespmem:s14+$0x17C20];
	v14 =	vadd.f32 v20, v14;
	v4 =	vmul.f32 v16, v4;
	(xrf2) =	vadd.scan.msk.f32 $0xffff, v10  }
0x609: {  	v10 =	vld [tilespmem:s14+$0x1DC20];
	v16 =	vadd.f32 v13, v18  }
0x60a: {  	v13 =	vld [tilespmem:s14+$0x17C30];
	v17 =	vadd.f32 v4, v17  }
0x60b: {  	v4 =	vld [tilespmem:s14+$0x1DC30];
	(xrf2) =	vadd.scan.msk.f32 $0xffff, v12  }
0x60c: {  	v18 =	vmul.f32 v21, v8;
	v12 =	vld [tilespmem:s14+$0x17C40];
	v19 =	vmul.f32 v11, v9  }
0x60d: {  	v20 =	vld [tilespmem:s14+$0x1DC40]  }
0x60e: {  	v11 =	vld [tilespmem:s14+$0x17C50];
	v18 =	vadd.f32 v19, v18;
	v19 =	vmul.f32 v10, v15;
	(xrf2) =	vadd.scan.msk.f32 $0xffff, v14  }
0x60f: {  	v14 =	vld [tilespmem:s14+$0x1DC50]  }
0x610: {  	v10 =	vld [tilespmem:s14+$0x17C60];
	v18 =	vadd.f32 v19, v18;
	v22 =	vmul.f32 v4, v13  }
0x611: {  	v21 =	vld [tilespmem:s14+$0x1DC60];
	(xrf2) =	vadd.scan.msk.f32 $0xffff, v16  }
0x612: {  	v4 =	vld [tilespmem:s14+$0x17C70];
	v16 =	vadd.f32 v22, v18;
	v23 =	vmul.f32 v20, v12;
	v19, _, _ =	vpop (xrf2)  }
0x613: {  	v20 =	vld [tilespmem:s14+$0x1DC70];
	v19 =	vbroadcast v19, $0xF  }
0x614: {  	v22 =	vld [tilespmem:s14+$0x18C00];
	v16 =	vadd.f32 v23, v16;
	v14 =	vmul.f32 v14, v11;
	(xrf2) =	vadd.scan.msk.f32 $0xffff, v17  }
0x615: {  	v17 =	vld [tilespmem:s14+$0x18C10];
	v2 =	vsel vm0, v19, v2;
	v18, _, _ =	vpop (xrf2)  }
0x616: {  	v19 =	vld [tilespmem:s14+$0x19C00];
	v14 =	vadd.f32 v14, v16;
	v16 =	vmul.f32 v21, v10;
	v24 =	vbroadcast v18, $0xF  }
0x617: {  	v21 =	vld [tilespmem:s14+$0x19C10]  }
0x618: {  	v23 =	vld [tilespmem:s14+$0x1AC00];
	v14 =	vadd.f32 v16, v14;
	v16 =	vmul.f32 v20, v4;
	v6 =	vsel vm0, v24, v6;
	v18, _, _ =	vpop (xrf2)  }
0x619: {  	v20 =	vmul.f32 v22, v8;
	v22 =	vld [tilespmem:s14+$0x1AC10];
	v25 =	vbroadcast v18, $0xF  }
0x61a: {  	v17 =	vmul.f32 v17, v9;
	v24 =	vld [tilespmem:s14+$0x1BC00];
	v14 =	vadd.f32 v16, v14  }
0x61b: {  	v16 =	vmul.f32 v19, v8;
	v19 =	vld [tilespmem:s14+$0x1BC10];
	v7 =	vsel vm0, v25, v7;
	v18, _, _ =	vpop (xrf2)  }
0x61c: {  	v17 =	vadd.f32 v17, v20;
	v20 =	vmul.f32 v21, v9;
	v21 =	vld [tilespmem:s14+$0x1CC00];
	(xrf2) =	vadd.scan.msk.f32 $0xffff, v14;
	v26 =	vbroadcast v18, $0xF  }
0x61d: {  	v18 =	vmul.f32 v23, v8;
	v23 =	vld [tilespmem:s14+$0x1CC10]  }
0x61e: {  	v25 =	vld [tilespmem:s14+$0x18C20];
	v16 =	vadd.f32 v20, v16;
	v20 =	vmul.f32 v22, v9;
	v5 =	vsel vm0, v26, v5;
	v14, _, _ =	vpop (xrf2)  }
0x61f: {  	v22 =	vld [tilespmem:s14+$0x19C20];
	v24 =	vmul.f32 v24, v8;
	v14 =	vbroadcast v14, $0xF  }
0x620: {  	v18 =	vadd.f32 v20, v18;
	v20 =	vld [tilespmem:s14+$0x1AC20];
	v19 =	vmul.f32 v19, v9  }
0x621: {  	v26 =	vld [tilespmem:s14+$0x1BC20];
	v8 =	vmul.f32 v21, v8;
	v3 =	vsel vm0, v14, v3  }
0x622: {  	v14 =	vadd.f32 v19, v24;
	v9 =	vmul.f32 v23, v9;
	v19 =	vld [tilespmem:s14+$0x1CC20]  }
0x623: {  	v21 =	vmul.f32 v25, v15;
	v23 =	vld [tilespmem:s14+$0x18C30]  }
0x624: {  	v22 =	vmul.f32 v22, v15;
	v24 =	vld [tilespmem:s14+$0x19C30];
	v8 =	vadd.f32 v9, v8  }
0x625: {  	v9 =	vadd.f32 v21, v17;
	v17 =	vmul.f32 v20, v15;
	v20 =	vld [tilespmem:s14+$0x1AC30]  }
0x626: {  	s0 =	sadd.s32 $0x1, s0;
	v16 =	vadd.f32 v22, v16;
	v21 =	vmul.f32 v26, v15;
	v22 =	vld [tilespmem:s14+$0x1BC30];
	v25, _, _ =	vpop (xrf2)  }
0x627: {  	v26 =	vmov s0;
	v15 =	vmul.f32 v19, v15;
	v19 =	vld [tilespmem:s14+$0x1CC30];
	v25 =	vbroadcast v25, $0xF  }
0x628: {  	vm0 =	veq.s32 v26, v0;
	v17 =	vadd.f32 v17, v18;
	v26 =	vld [tilespmem:s14+$0x18C40];
	v14 =	vadd.f32 v21, v14  }
0x629: {  	v18 =	vmul.f32 v23, v13;
	v21 =	vld [tilespmem:s14+$0x19C40];
	v8 =	vadd.f32 v15, v8;
	v1 =	vsel vm0, v25, v1  }
0x62a: {  	v15 =	vmul.f32 v24, v13;
	v20 =	vmul.f32 v20, v13;
	v23 =	vld [tilespmem:s14+$0x1AC40]  }
0x62b: {  	v9 =	vadd.f32 v18, v9;
	v18 =	vmul.f32 v22, v13;
	v22 =	vld [tilespmem:s14+$0x1BC40]  }
0x62c: {  	v15 =	vadd.f32 v15, v16;
	v16 =	vadd.f32 v20, v17;
	v13 =	vmul.f32 v19, v13;
	v17 =	vld [tilespmem:s14+$0x1CC40]  }
0x62d: {  	v19 =	vmul.f32 v26, v12;
	v20 =	vld [tilespmem:s14+$0x18C50];
	v14 =	vadd.f32 v18, v14  }
0x62e: {  	v18 =	vmul.f32 v21, v12;
	v21 =	vld [tilespmem:s14+$0x19C50];
	v8 =	vadd.f32 v13, v8  }
0x62f: {  	v9 =	vadd.f32 v19, v9;
	v13 =	vmul.f32 v23, v12;
	v19 =	vld [tilespmem:s14+$0x1AC50]  }
0x630: {  	v15 =	vadd.f32 v18, v15;
	v18 =	vmul.f32 v22, v12;
	v22 =	vld [tilespmem:s14+$0x1BC50]  }
0x631: {  	v13 =	vadd.f32 v13, v16;
	v12 =	vmul.f32 v17, v12;
	v16 =	vld [tilespmem:s14+$0x1CC50]  }
0x632: {  	v17 =	vmul.f32 v20, v11;
	v20 =	vld [tilespmem:s14+$0x18C60];
	v14 =	vadd.f32 v18, v14  }
0x633: {  	v18 =	vmul.f32 v21, v11;
	v21 =	vld [tilespmem:s14+$0x19C60];
	v8 =	vadd.f32 v12, v8  }
0x634: {  	v9 =	vadd.f32 v17, v9;
	v12 =	vmul.f32 v19, v11;
	v17 =	vld [tilespmem:s14+$0x1AC60]  }
0x635: {  	v15 =	vadd.f32 v18, v15;
	v18 =	vmul.f32 v22, v11;
	v19 =	vld [tilespmem:s14+$0x1BC60]  }
0x636: {  	v12 =	vadd.f32 v12, v13;
	v11 =	vmul.f32 v16, v11;
	v16 =	vld [tilespmem:s14+$0x1CC60]  }
0x637: {  	v13 =	vmul.f32 v20, v10;
	v20 =	vld [tilespmem:s14+$0x18C70];
	v18 =	vadd.f32 v18, v14  }
0x638: {  	v14 =	vmul.f32 v21, v10;
	v21 =	vld [tilespmem:s14+$0x19C70];
	v11 =	vadd.f32 v11, v8  }
0x639: {  	v22 =	vadd.f32 v13, v9;
	v8 =	vmul.f32 v17, v10;
	v23 =	vld [tilespmem:s14+$0x1AC70]  }
.Ltmp9:
0x63a: {  	v13 =	vadd.f32 v14, v15;
	v9 =	vmul.f32 v19, v10;
	v15 =	vld [tilespmem:s14+$0x1BC70];
	(pc) =	sbr.rel @p1 .LBB2_17-.Ltmp9, $4  }
0x63b: {  	v14 =	vadd.f32 v8, v12;
	v10 =	vmul.f32 v16, v10;
	v16 =	vld [tilespmem:s14+$0x1CC70];
	s14 =	sshra.s32 s20, $0x2  }
0x63c: {  	v8 =	vld [tilespmem:s14+$0x17C00];
	v12 =	vmul.f32 v20, v4;
	v18 =	vadd.f32 v9, v18  }
0x63d: {  	v9 =	vld [tilespmem:s14+$0x17C10];
	v19 =	vmul.f32 v21, v4;
	v17 =	vadd.f32 v10, v11  }
0x63e: {  	s20 =	sadd.s32 $0x200, s20;
	v21 =	vld [tilespmem:s14+$0x1DC00];
	v10 =	vadd.f32 v12, v22;
	v20 =	vmul.f32 v23, v4  }
0x63f: {  	v22 =	vld [tilespmem:s14+$0x1DC10]  }
0x640: {  	v23 =	vld [tilespmem:s14+$0x17C20]  }
0x641: {  	v24 =	vld [tilespmem:s14+$0x1DC20]  }
0x642: {  	v25 =	vld [tilespmem:s14+$0x17C30]  }
0x643: {  	v26 =	vld [tilespmem:s14+$0x1DC30]  }
0x644: {  	v27 =	vld [tilespmem:s14+$0x17C40]  }
0x645: {  	v28 =	vld [tilespmem:s14+$0x1DC40]  }
0x646: {  	v29 =	vld [tilespmem:s14+$0x17C50]  }
0x647: {  	v30 =	vld [tilespmem:s14+$0x1DC50]  }
0x648: {  	v12 =	vld [tilespmem:s14+$0x17C60]  }
0x649: {  	v31 =	vld [tilespmem:s14+$0x1DC60]  }
0x64a: {  	v11 =	vld [tilespmem:s14+$0x17C70]  }
0x64b: {  	v32 =	vld [tilespmem:s14+$0x1DC70]  }
0x64c: {  	v33 =	vld [tilespmem:s14+$0x18C00]  }
0x64d: {  	v34 =	vld [tilespmem:s14+$0x18C10]  }
0x64e: {  	v35 =	vld [tilespmem:s14+$0x19C00]  }
0x64f: {  	v36 =	vld [tilespmem:s14+$0x19C10]  }
0x650: {  	v37 =	vld [tilespmem:s14+$0x1AC00]  }
0x651: {  	v38 =	vld [tilespmem:s14+$0x1AC10]  }
0x652: {  	v39 =	vld [tilespmem:s14+$0x1BC00]  }
0x653: {  	v40 =	vld [tilespmem:s14+$0x1BC10]  }
0x654: {  	v41 =	vld [tilespmem:s14+$0x1CC00]  }
0x655: {  	v42 =	vld [tilespmem:s14+$0x18C20]  }
0x656: {  	v43 =	vld [tilespmem:s14+$0x1AC20]  }
0x657: {  	v44 =	vld [tilespmem:s14+$0x1CC20]  }
0x658: {  	v45 =	vld [tilespmem:s14+$0x19C30];
	v15 =	vmul.f32 v15, v4  }
0x659: {  	v47 =	vld [tilespmem:s14+$0x18C40];
	v60 =	vmul.f32 v16, v4;
	v21 =	vmul.f32 v21, v8  }
0x65a: {  	v50 =	vld [tilespmem:s14+$0x19C40];
	v22 =	vmul.f32 v22, v9;
	v55 =	vmul.f32 v24, v23  }
0x65b: {  	v53 =	vld [tilespmem:s14+$0x1AC40];
	v56 =	vmul.f32 v26, v25;
	v57 =	vmul.f32 v28, v27  }
0x65c: {  	v13 =	vadd.f32 v19, v13;
	v16 =	vld [tilespmem:s14+$0x1BC30];
	v58 =	vmul.f32 v30, v29;
	v59 =	vmul.f32 v31, v12  }
0x65d: {  	v14 =	vadd.f32 v20, v14;
	v20 =	vld [tilespmem:s14+$0x1CC30];
	v62 =	vmul.f32 v32, v11;
	v63 =	vmul.f32 v33, v8  }
0x65e: {  	v15 =	vadd.f32 v15, v18;
	v24 =	vld [tilespmem:s14+$0x1CC10];
	v46 =	vmul.f32 v34, v9;
	v48 =	vmul.f32 v35, v8  }
0x65f: {  	v26 =	vld [tilespmem:s14+$0x19C20];
	v49 =	vmul.f32 v36, v9;
	v51 =	vmul.f32 v37, v8;
	v21 =	vadd.f32 v22, v21  }
0x660: {  	v4 =	vadd.f32 v60, v17;
	v30 =	vld [tilespmem:s14+$0x18C30];
	v52 =	vmul.f32 v38, v9;
	v54 =	vmul.f32 v39, v8  }
0x661: {  	v28 =	vld [tilespmem:s14+$0x1BC20];
	v60 =	vmul.f32 v42, v23;
	v16 =	vmul.f32 v16, v25;
	v21 =	vadd.f32 v55, v21  }
0x662: {  	v31 =	vld [tilespmem:s14+$0x1AC30];
	v20 =	vmul.f32 v20, v25;
	v17 =	vadd.f32 v46, v63;
	v19 =	vadd.f32 v49, v48  }
0x663: {  	v22 =	vmul.f32 v47, v27;
	v49 =	vld [tilespmem:s14+$0x1AC60];
	v55 =	vmul.f32 v40, v9;
	v21 =	vadd.f32 v56, v21  }
0x664: {  	v63 =	vld [tilespmem:s14+$0x19C50];
	v48 =	vmul.f32 v50, v27;
	v17 =	vadd.f32 v60, v17;
	v26 =	vmul.f32 v26, v23  }
0x665: {  	v42 =	vmul.f32 v30, v25;
	v32 =	vadd.f32 v55, v54;
	v55 =	vld [tilespmem:s14+$0x1CC60];
	v21 =	vadd.f32 v57, v21  }
0x666: {  	v50 =	vmul.f32 v53, v27;
	v28 =	vmul.f32 v28, v23;
	v56 =	vld [tilespmem:s14+$0x1BC40];
	v19 =	vadd.f32 v26, v19  }
0x667: {  	v46 =	vld [tilespmem:s14+$0x18C60];
	v31 =	vmul.f32 v31, v25;
	v17 =	vadd.f32 v42, v17;
	v21 =	vadd.f32 v58, v21  }
0x668: {  	v40 =	vld [tilespmem:s14+$0x1AC50];
	v33 =	vmul.f32 v49, v12;
	v57 =	vmul.f32 v41, v8;
	v41 =	vadd.f32 v28, v32  }
0x669: {  	v47 =	vld [tilespmem:s14+$0x19C60];
	v17 =	vadd.f32 v22, v17;
	v58 =	vmul.f32 v24, v9;
	v61 =	vadd.f32 v59, v21  }
0x66a: {  	v16 =	vadd.f32 v16, v41;
	v39 =	vmul.f32 v55, v12;
	v21 =	vadd.f32 v52, v51;
	v59 =	vld [tilespmem:s14+$0x1CC40]  }
0x66b: {  	v51 =	vmul.f32 v56, v27;
	v18 =	vadd.f32 v62, v61;
	v61 =	vld [tilespmem:s14+$0x18C50];
	v62 =	vmul.f32 v43, v23  }
0x66c: {  	v8 =	vadd.f32 v58, v57;
	v56 =	vmul.f32 v63, v29;
	v23 =	vmul.f32 v44, v23;
	v43 =	vld [tilespmem:s14+$0x1BC50]  }
0x66d: {  	v57 =	vld [tilespmem:s14+$0x18C70];
	v58 =	vmul.f32 v40, v29;
	v44 =	vmul.f32 v45, v25;
	v9 =	vadd.f32 v62, v21  }
0x66e: {  	v63 =	vmul.f32 v46, v12;
	v45 =	vld [tilespmem:s14+$0x1CC50];
	v16 =	vadd.f32 v51, v16;
	v8 =	vadd.f32 v23, v8  }
0x66f: {  	v52 =	vld [tilespmem:s14+$0x1BC60];
	v25 =	vmul.f32 v47, v12;
	v19 =	vadd.f32 v44, v19;
	v9 =	vadd.f32 v31, v9  }
0x670: {  	v53 =	vmul.f32 v59, v27;
	v59 =	vld [tilespmem:s14+$0x19C70];
	v8 =	vadd.f32 v20, v8;
	v54 =	vmul.f32 v61, v29  }
0x671: {  	v62 =	vld [tilespmem:s14+$0x1AC70];
	v19 =	vadd.f32 v48, v19;
	v60 =	vmul.f32 v43, v29;
	v9 =	vadd.f32 v50, v9  }
0x672: {  	(xrf2) =	vadd.scan.msk.f32 $0xffff, v10;
	v30 =	vld [tilespmem:s14+$0x1BC70];
	v36 =	vmul.f32 v57, v11;
	v8 =	vadd.f32 v53, v8;
	v17 =	vadd.f32 v54, v17  }
0x673: {  	(xrf2) =	vadd.scan.msk.f32 $0xffff, v13;
	v34 =	vld [tilespmem:s14+$0x1CC70];
	v61 =	vmul.f32 v45, v29;
	v19 =	vadd.f32 v56, v19;
	v32 =	vadd.f32 v60, v16  }
0x674: {  	(xrf2) =	vadd.scan.msk.f32 $0xffff, v14;
	v37 =	vmul.f32 v52, v12;
	v9 =	vadd.f32 v58, v9;
	v10 =	vadd.f32 v63, v17  }
0x675: {  	(xrf2) =	vadd.scan.msk.f32 $0xffff, v15;
	v8 =	vadd.f32 v61, v8;
	v35 =	vadd.f32 v25, v19;
	v38 =	vmul.f32 v59, v11  }
0x676: {  	(xrf2) =	vadd.scan.msk.f32 $0xffff, v4;
	v40 =	vmul.f32 v62, v11;
	v9 =	vadd.f32 v33, v9;
	v10 =	vadd.f32 v36, v10  }
0x677: {  	v41 =	vmul.f32 v30, v11;
	(xrf2) =	vadd.scan.msk.f32 $0xffff, v18;
	v13 =	vadd.f32 v37, v32;
	v14 =	vadd.f32 v38, v35  }
0x678: {  	v43 =	vmul.f32 v34, v11;
	v4 =	vadd.f32 v39, v8;
	v42 =	vadd.f32 v40, v9;
	(xrf2) =	vadd.scan.msk.f32 $0xffff, v10  }
0x679: {  	v44 =	vadd.f32 v41, v13;
	(xrf2) =	vadd.scan.msk.f32 $0xffff, v14  }
0x67a: {  	v4 =	vadd.f32 v43, v4;
	(xrf2) =	vadd.scan.msk.f32 $0xffff, v42  }
0x67b: {  	(xrf2) =	vadd.scan.msk.f32 $0xffff, v44  }
0x67c: {  	v45, _, _ =	vpop (xrf2);
	(xrf2) =	vadd.scan.msk.f32 $0xffff, v4  }
0x67d: {  	v46, _, _ =	vpop (xrf2)  }
0x67e: {  	v47, _, _ =	vpop (xrf2)  }
0x67f: {  	v48, _, _ =	vpop (xrf2)  }
0x680: {  	s0 =	sadd.s32 $0x1, s0;
	v52 =	vbroadcast v47, $0xF;
	v49, _, _ =	vpop (xrf2)  }
0x681: {  	v53 =	vmov s0;
	v8 =	vbroadcast v45, $0xF;
	v50, _, _ =	vpop (xrf2)  }
0x682: {  	vm1 =	veq.s32 v53, v0;
	v7 =	vsel vm0, v52, v7;
	v63 =	vbroadcast v50, $0xF;
	v51, _, _ =	vpop (xrf2)  }
0x683: {  	v2 =	vsel vm0, v8, v2;
	v4 =	vbroadcast v46, $0xF;
	v54 =	vbroadcast v51, $0xF;
	v55, _, _ =	vpop (xrf2)  }
0x684: {  	v10 =	vbroadcast v48, $0xF;
	v1 =	vsel vm1, v63, v1;
	v56 =	vbroadcast v55, $0xF;
	v57, _, _ =	vpop (xrf2)  }
0x685: {  	[tilespmem:s25+$0x16F0] =	vst v1;
	v4 =	vsel vm0, v4, v6;
	v2 =	vsel vm1, v54, v2;
	v8 =	vbroadcast v57, $0xF;
	v58, _, _ =	vpop (xrf2)  }
.Ltmp10:
0x686: {  	v11 =	vbroadcast v49, $0xF;
	v4 =	vsel vm1, v56, v4;
	v59 =	vbroadcast v58, $0xF;
	v60, _, _ =	vpop (xrf2);
	[tilespmem:s25+$0x1470] =	vst v2;
	(pc) =	sbr.rel @p0 .LBB2_20-.Ltmp10, $4  }
0x687: {  	v2 =	vsel vm0, v10, v5;
	v61 =	vsel vm1, v8, v7;
	v62 =	vbroadcast v60, $0xF;
	[tilespmem:s25+$0x14F0] =	vst v4  }
0x688: {  	v3 =	vsel vm0, v11, v3;
	v2 =	vsel vm1, v59, v2;
	[tilespmem:s25+$0x1570] =	vst v61  }
0x689: {  	v3 =	vsel vm1, v62, v3;
	[tilespmem:s25+$0x15F0] =	vst v2  }
0x68a: {  	[tilespmem:s25+$0x1670] =	vst v3  }
0x68b: {  	s0 =	sadd.s32 $0x7, s30  }
0x68c: {  	s10 =	sshll.u32 s0, $0x5;
	s0 =	sshll.u32 s0, $0x8  }
0x68d: {  	[tilespmem:s24], [sflag:$0x4] =	stream.indirect.gather [hbm4b:s1+s13], $0x80, s10, s13, $0xb8;
	[tilespmem:$0x1E400] =	vst v63  }
0x68e: {  	s10 =	sadd.s32 $0x200, s10;
	s0 =	sand.u32 $0x1C00, s0  }
0x68f: {  	[tilespmem:s26], [sflag:$0x4] =	stream.indirect.gather [hbm4b:s2+s13], $0x80, s10, s13, $0xb8;
	[tilespmem:$0x1E400] =	vst v63  }
0x690: {  	s14 =	sadd.s32 $0x460, s0  }
0x691: {  	[tilespmem:s23], [sflag:$0x4] =	stream.indirect.gather [hbm4b:s2+s13], $0x80, s14, s13, $0xb8;
	[tilespmem:$0x1E400] =	vst v63  }
0x692: {  	s20 =	sadd.s32 $0x4E0, s0  }
0x693: {  	[tilespmem:s29], [sflag:$0x4] =	stream.indirect.gather [hbm4b:s2+s13], $0x80, s20, s13, $0xb8;
	[tilespmem:$0x1E400] =	vst v63  }
0x694: {  	s25 =	sadd.s32 $0x560, s0  }
0x695: {  	[tilespmem:s31], [sflag:$0x4] =	stream.indirect.gather [hbm4b:s2+s13], $0x80, s25, s13, $0xb8;
	[tilespmem:$0x1E400] =	vst v63  }
.Ltmp11:
0x696: {  	_ = 	snop;
	(pc) =	sbr.rel .LBB2_2-.Ltmp11, $4  }
0x697: {  	s30 =	sadd.s32 $0x5E0, s0  }
0x698: {  	[tilespmem:s3], [sflag:$0x4] =	stream.indirect.gather [hbm4b:s2+s13], $0x80, s30, s13, $0xb8;
	[tilespmem:$0x1E400] =	vst v63  }
0x699: {  	s22 =	sadd.s32 $0x1, s22;
	s0 =	sadd.s32 $0x660, s0  }
0x69a: {  	[tilespmem:s15], [sflag:$0x4] =	stream.indirect.gather [hbm4b:s2+s13], $0x80, s0, s13, $0xb8;
	[tilespmem:$0x1E400] =	vst v63  }
.LBB2_21:
0x69b: {  	_ =	sfence.sel $0x180000  }
0x69c: {  	[bflag:$0x0] =	sbarrier.arrive $0xFFFF  }
0x69d: {  	_ =	strace $0x90000047  }
0x69e: {  	s0 =	stileid.u32;
	[bflag:$0x2] =	sbarrier.arrive $0xFFFF  }
0x69f: {  	p0 =	sne.s32 s0, $0x0;
	s0 =	rddreg [dreg:$0x6]  }
0x6a0: {  	s0 =	sadd.s32 @!p0 $0x100000, s0  }
0x6a1: {  	[sflag:s0] =	ssyncadd.tile.s32 @!p0 $0x1;
	_ =	shalt  }
.Lfunc_end2:
_tile_overlayer_lowered:
.L_overlay_start_2:
0x6a2: {  	(tag) =	ssettag $0x2  }
0x6a3: {  	s0 =	rddreg [dreg:$0x0];
	s2 =	stileid.u32  }
0x6a4: {  	s1 =	rddreg [dreg:$0x1];
	p0 =	sne.s32 s2, $0x0  }
0x6a5: {  	s3 =	rddreg [dreg:$0x2];
	[bflag:$0x3] =	sbarrier.arrive $0xFFFF;
	s2 =	simm.s32 @!p0 $0x1C06  }
0x6a6: {  	[timem:s3], [sflag:s2] =	dma.local @!p0 [hbm:s0], s1  }
0x6a7: {  	s0 =	simm.s32 @!p0 $0x6  }
0x6a8: {  	_ =	swait.ge @!p0 [sflag:s0], s1  }
0x6a9: {  	s1 =	ssub.s32 @!p0 $0x0, s1;
	[sflag:s0] =	ssyncset.done @!p0 $0x0  }
0x6aa: {  	[sflag:s0] =	ssyncadd.s32 @!p0 s1  }
0x6ab: {  	[bflag:$0x3] =	sbarrier.arrive $0xFFFF  }
0x6ac: {  	_ =	shalt  }

</sc_bundles>
